<compile_context>
chip_gen: v7x
topology: tpu7x:2x2x1
jax: 0.10.2.dev20260603
libtpu: 0.0.44.dev20260713+nightly
codegen_flags: <defaults>
</compile_context>

<pallas_src>
import functools

import jax
import jax.numpy as jnp
from jax import lax
from jax.experimental import pallas as pl
from jax.experimental.pallas import tpu as pltpu
from jax.experimental.pallas import tpu_sc as plsc

VOCAB = 1000000
D = 64
W = 128
TBLK = 8192
TGRID = 62
VROWS = TBLK * TGRID
SEQ = 200
PSEQ = 256
NFULL = SEQ // 16
TAIL = SEQ - 16 * NFULL
B = 4096
H = 100
C = 10

_info = plsc.get_sparse_core_info()
NC = _info.num_cores
NS = _info.num_subcores
NW = NC * NS
BPW = B // NW
NV = D // 16


def _pack_body(lo_ref, hi_ref, out_ref):
    out_ref[:, 0:D] = jnp.transpose(lo_ref[...])
    out_ref[:, D:W] = jnp.transpose(hi_ref[...])


def _pack_table(embT):
    return pl.pallas_call(
        _pack_body,
        grid=(TGRID,),
        in_specs=[
            pl.BlockSpec((D, TBLK), lambda j: (0, j)),
            pl.BlockSpec(
                (D, TBLK),
                lambda j: (0, jnp.minimum(j + TGRID, VOCAB // TBLK)),
            ),
        ],
        out_specs=pl.BlockSpec((TBLK, W), lambda j: (j, 0)),
        out_shape=jax.ShapeDtypeStruct((VROWS, W), jnp.float32),
    )(embT, embT)


def _bag_body(idx_hbm, par_hbm, table_hbm, out_hbm,
              idx_v, par_v, rows_v, out_v, sem0, sem1):
    wid = lax.axis_index("s") * NC + lax.axis_index("c")
    base = wid * BPW

    pltpu.sync_copy(idx_hbm.at[pl.ds(base * PSEQ, BPW * PSEQ)], idx_v)
    pltpu.sync_copy(par_hbm.at[pl.ds(base * PSEQ, BPW * PSEQ)], par_v)

    def issue(b, buf, sem):
        pltpu.async_copy(
            table_hbm.at[idx_v.at[pl.ds(b * PSEQ, 128)]],
            rows_v.at[buf, pl.ds(0, 128)], sem)
        pltpu.async_copy(
            table_hbm.at[idx_v.at[pl.ds(b * PSEQ + 128, 72)]],
            rows_v.at[buf, pl.ds(128, 72)], sem)

    def drain(buf, sem):
        pltpu.make_async_copy(
            table_hbm.at[pl.ds(0, 128)], rows_v.at[buf, pl.ds(0, 128)],
            sem).wait()
        pltpu.make_async_copy(
            table_hbm.at[pl.ds(0, 72)], rows_v.at[buf, pl.ds(128, 72)],
            sem).wait()

    def accumulate(b, buf):
        def rows16(g, accs, n=16):
            pv = par_v[pl.ds(b * PSEQ + g * 16, 16)]
            for j in range(n):
                r = g * 16 + j
                hi_half = pv[j] != 0
                new = []
                for c in range(NV):
                    lo = rows_v[buf, r, pl.ds(c * 16, 16)]
                    hi = rows_v[buf, r, pl.ds(D + c * 16, 16)]
                    new.append(accs[c] + jnp.where(hi_half, hi, lo))
                accs = tuple(new)
            return accs

        zero = jnp.zeros((16,), jnp.float32)
        accs = lax.fori_loop(0, NFULL, rows16, (zero,) * NV)
        accs = rows16(NFULL, accs, n=TAIL)
        inv = jnp.float32(1.0 / SEQ)
        for c in range(NV):
            out_v[pl.ds(b * D + c * 16, 16)] = accs[c] * inv

    issue(0, 0, sem0)

    def body(i, _):
        b0 = 2 * i
        b1 = 2 * i + 1
        issue(b1, 1, sem1)
        drain(0, sem0)
        accumulate(b0, 0)

        @pl.when(b1 + 1 < BPW)
        def _():
            issue(b1 + 1, 0, sem0)

        drain(1, sem1)
        accumulate(b1, 1)
        return 0

    lax.fori_loop(0, BPW // 2, body, 0)
    pltpu.sync_copy(out_v, out_hbm.at[pl.ds(base * D, BPW * D)])


def _bag_means(idxp, parp, table2):
    mesh = plsc.VectorSubcoreMesh(core_axis_name="c", subcore_axis_name="s")
    f = functools.partial(
        pl.kernel,
        mesh=mesh,
        out_type=jax.ShapeDtypeStruct((B * D,), jnp.float32),
        scratch_types=[
            pltpu.VMEM((BPW * PSEQ,), jnp.int32),
            pltpu.VMEM((BPW * PSEQ,), jnp.int32),
            pltpu.VMEM((2, SEQ, W), jnp.float32),
            pltpu.VMEM((BPW * D,), jnp.float32),
            pltpu.SemaphoreType.DMA,
            pltpu.SemaphoreType.DMA,
        ],
    )(_bag_body)
    return f(idxp, parp, table2)


def _mlp_body(bag_ref, w1_ref, b1_ref, w2_ref, b2_ref, out_ref):
    h = jnp.dot(bag_ref[...], w1_ref[...], preferred_element_type=jnp.float32)
    h = jnp.maximum(h + b1_ref[...], 0.0)
    out_ref[...] = (
        jnp.dot(h, w2_ref[...], preferred_element_type=jnp.float32)
        + b2_ref[...]
    )


def _mlp(bag, W1, b1, W2, b2):
    return pl.pallas_call(
        _mlp_body,
        out_shape=jax.ShapeDtypeStruct((B, C), jnp.float32),
    )(bag, W1, b1.reshape(1, H), W2, b2.reshape(1, C))


def kernel(inputX, emb, W1, b1, W2, b2):
    idx = inputX.astype(jnp.int32)
    idxp = jnp.pad(idx % VROWS, ((0, 0), (0, PSEQ - SEQ))).reshape(-1)
    parp = jnp.pad(
        (idx >= VROWS).astype(jnp.int32), ((0, 0), (0, PSEQ - SEQ))
    ).reshape(-1)
    table2 = _pack_table(emb.T)
    bag = _bag_means(idxp, parp, table2).reshape(B, D)
    return _mlp(bag, W1, b1, W2, b2)

# --- scband reference (transcript-rebuilt; emitter-appended) ---
"""Pipeline reference for scband-fasttext-35364760716022 (READ-ONLY COPY).

The authoritative reference and input builder live on the scoring server;
editing this copy changes nothing except your own understanding.
"""

import jax, jax.numpy as jnp
import numpy as np

VOCAB = 1000000
EMBED_DIM = 64
HIDDEN = 100
N_CLASS = 10
BATCH = 4096
SEQ_LEN = 200

def setup_inputs(seed: int = 0) -> dict:
    key = jax.random.key(seed)
    k_idx, k_emb, k_w1, k_b1, k_w2, k_b2 = jax.random.split(key, 6)
    inputX = jax.random.randint(k_idx, (BATCH, SEQ_LEN), 0, VOCAB, dtype=jnp.int64 if jax.config.read('jax_enable_x64') else jnp.int32)
    emb = jax.random.normal(k_emb, (VOCAB, EMBED_DIM), dtype=jnp.float32)
    # Linear layers: torch nn.Linear init (kaiming-uniform-ish); plain uniform is fine for a reference
    lim1 = 1.0 / np.sqrt(EMBED_DIM)
    W1 = jax.random.uniform(k_w1, (EMBED_DIM, HIDDEN), minval=-lim1, maxval=lim1, dtype=jnp.float32)
    b1 = jax.random.uniform(k_b1, (HIDDEN,), minval=-lim1, maxval=lim1, dtype=jnp.float32)
    lim2 = 1.0 / np.sqrt(HIDDEN)
    W2 = jax.random.uniform(k_w2, (HIDDEN, N_CLASS), minval=-lim2, maxval=lim2, dtype=jnp.float32)
    b2 = jax.random.uniform(k_b2, (N_CLASS,), minval=-lim2, maxval=lim2, dtype=jnp.float32)
    return {"inputX": inputX, "emb": emb, "W1": W1, "b1": b1, "W2": W2, "b2": b2}

def reference(inputX, emb, W1, b1, W2, b2):
    # nn.EmbeddingBag with 2D input, default mode='mean': gather then mean over bag dim
    gathered = jnp.take(emb, inputX, axis=0)          # [B, L, D]
    bag = jnp.mean(gathered, axis=1)                   # [B, D]
    h = jax.nn.relu(bag @ W1 + b1)                     # [B, H]
    out = h @ W2 + b2                                  # [B, C]
    return out

if __name__ == "__main__":
    import jax
    _d = setup_inputs()
    print(jax.jit(kernel)(*tuple(_d.values())))

</pallas_src>

<mosaic_0001>
#map = affine_map<(d0, d1) -> (0)>
#map1 = affine_map<(d0, d1) -> (0, 0)>
module attributes {stable_mosaic.version = 14 : i64} {
  func.func @_bag_body(%arg0: i32, %arg1: i32, %arg2: memref<1048576xi32, #tpu.memory_space<hbm>>, %arg3: memref<1048576xi32, #tpu.memory_space<hbm>>, %arg4: memref<507904x128xf32, #tpu.memory_space<hbm>>, %arg5: memref<262144xf32, #tpu.memory_space<hbm>>, %arg6: memref<32768xi32, #tpu.memory_space<vmem>>, %arg7: memref<32768xi32, #tpu.memory_space<vmem>>, %arg8: memref<2x200x128xf32, #tpu.memory_space<vmem>>, %arg9: memref<8192xf32, #tpu.memory_space<vmem>>, %arg10: memref<!tpu.dma_semaphore, #tpu.memory_space<semaphore_mem>>, %arg11: memref<!tpu.dma_semaphore, #tpu.memory_space<semaphore_mem>>) attributes {dimension_semantics = [#tpu.dimension_semantics<core_parallel>, #tpu.dimension_semantics<subcore_parallel>], iteration_bounds = array<i64: 2, 16>, scalar_prefetch = 0 : i64, scratch_operands = 6 : i64, tpu.core_type = #tpu.core_type<sc_vector_subcore>, window_params = [{transform_indices = #map}, {transform_indices = #map}, {transform_indices = #map1}, {transform_indices = #map}]} {
    %mul3A = arith.constant 2 : i32
    %mul3A_0 = arith.muli %arg1, %mul3A : i32
    %add3A = arith.addi %mul3A_0, %arg0 : i32
    %mul3A_1 = arith.constant 128 : i32
    %mul3A_2 = arith.muli %add3A, %mul3A_1 : i32
    %mul3A_3 = arith.constant 256 : i32
    %mul3A_4 = arith.muli %mul3A_2, %mul3A_3 : i32
    "tpu.region"() ({
      %run_scoped3A = tpu.sem_alloc : memref<!tpu.dma_semaphore, #tpu.memory_space<semaphore_mem>>
      %dma_start3A_34 = tpu.memref_slice %arg2[%mul3A_4] : memref<1048576xi32, #tpu.memory_space<hbm>> -> memref<32768xi32, #tpu.memory_space<hbm>>
      %dma_start3A_35 = tpu.memref_slice %arg2[%mul3A_4] : memref<1048576xi32, #tpu.memory_space<hbm>> -> memref<32768xi32, #tpu.memory_space<hbm>>
      tpu.enqueue_dma source(%dma_start3A_35 : memref<32768xi32, #tpu.memory_space<hbm>>) target(%arg6 : memref<32768xi32, #tpu.memory_space<vmem>>) target_semaphore(%run_scoped3A : memref<!tpu.dma_semaphore, #tpu.memory_space<semaphore_mem>>)
      %dma_wait3A = tpu.memref_slice %arg2[%mul3A_4] : memref<1048576xi32, #tpu.memory_space<hbm>> -> memref<32768xi32, #tpu.memory_space<hbm>>
      %dma_wait3A_36 = tpu.memref_slice %arg2[%mul3A_4] : memref<1048576xi32, #tpu.memory_space<hbm>> -> memref<32768xi32, #tpu.memory_space<hbm>>
      tpu.wait_dma2 semaphore(%run_scoped3A : memref<!tpu.dma_semaphore, #tpu.memory_space<semaphore_mem>>) src(%dma_wait3A_36 : memref<32768xi32, #tpu.memory_space<hbm>>) dst(%arg6 : memref<32768xi32, #tpu.memory_space<vmem>>)
      tpu.yield
    }) : () -> ()
    %mul3A_5 = arith.constant 256 : i32
    %mul3A_6 = arith.muli %mul3A_2, %mul3A_5 : i32
    "tpu.region"() ({
      %run_scoped3A = tpu.sem_alloc : memref<!tpu.dma_semaphore, #tpu.memory_space<semaphore_mem>>
      %dma_start3A_34 = tpu.memref_slice %arg3[%mul3A_6] : memref<1048576xi32, #tpu.memory_space<hbm>> -> memref<32768xi32, #tpu.memory_space<hbm>>
      %dma_start3A_35 = tpu.memref_slice %arg3[%mul3A_6] : memref<1048576xi32, #tpu.memory_space<hbm>> -> memref<32768xi32, #tpu.memory_space<hbm>>
      tpu.enqueue_dma source(%dma_start3A_35 : memref<32768xi32, #tpu.memory_space<hbm>>) target(%arg7 : memref<32768xi32, #tpu.memory_space<vmem>>) target_semaphore(%run_scoped3A : memref<!tpu.dma_semaphore, #tpu.memory_space<semaphore_mem>>)
      %dma_wait3A = tpu.memref_slice %arg3[%mul3A_6] : memref<1048576xi32, #tpu.memory_space<hbm>> -> memref<32768xi32, #tpu.memory_space<hbm>>
      %dma_wait3A_36 = tpu.memref_slice %arg3[%mul3A_6] : memref<1048576xi32, #tpu.memory_space<hbm>> -> memref<32768xi32, #tpu.memory_space<hbm>>
      tpu.wait_dma2 semaphore(%run_scoped3A : memref<!tpu.dma_semaphore, #tpu.memory_space<semaphore_mem>>) src(%dma_wait3A_36 : memref<32768xi32, #tpu.memory_space<hbm>>) dst(%arg7 : memref<32768xi32, #tpu.memory_space<vmem>>)
      tpu.yield
    }) : () -> ()
    %dma_start3A = arith.constant 0 : i32
    %dma_start3A_7 = arith.constant 0 : i32
    %dma_start3A_8 = arith.constant 0 : i32
    %dma_start3A_9 = tpu.memref_slice %arg8[%dma_start3A, %dma_start3A_7, %dma_start3A_8] : memref<2x200x128xf32, #tpu.memory_space<vmem>> -> memref<1x128x128xf32, #tpu.memory_space<vmem>>
    %dma_start3A_10 = tpu.memref_squeeze %dma_start3A_9 : memref<1x128x128xf32, #tpu.memory_space<vmem>> -> memref<128x128xf32, #tpu.memory_space<vmem>>
    %dma_start3A_11 = arith.constant 0 : i32
    %dma_start3A_12 = tpu.memref_slice %arg6[%dma_start3A_11] : memref<32768xi32, #tpu.memory_space<vmem>> -> memref<128xi32, #tpu.memory_space<vmem>>
    %dma_start3A_13 = arith.constant 0 : i32
    %dma_start3A_14 = arith.constant 0 : i32
    %dma_start3A_15 = tpu.memref_slice %arg4[%dma_start3A_13, %dma_start3A_14] : memref<507904x128xf32, #tpu.memory_space<hbm>> -> memref<507904x128xf32, #tpu.memory_space<hbm>>
    tpu.enqueue_indirect_dma source(%dma_start3A_15 : memref<507904x128xf32, #tpu.memory_space<hbm>>) target(%dma_start3A_10 : memref<128x128xf32, #tpu.memory_space<vmem>>) offsets(%dma_start3A_12 : memref<128xi32, #tpu.memory_space<vmem>>) semaphore(%arg10 : memref<!tpu.dma_semaphore, #tpu.memory_space<semaphore_mem>>)
    %dma_start3A_16 = arith.constant 0 : i32
    %dma_start3A_17 = arith.constant 128 : i32
    %dma_start3A_18 = arith.constant 0 : i32
    %dma_start3A_19 = tpu.memref_slice %arg8[%dma_start3A_16, %dma_start3A_17, %dma_start3A_18] : memref<2x200x128xf32, #tpu.memory_space<vmem>> -> memref<1x72x128xf32, #tpu.memory_space<vmem>>
    %dma_start3A_20 = tpu.memref_squeeze %dma_start3A_19 : memref<1x72x128xf32, #tpu.memory_space<vmem>> -> memref<72x128xf32, #tpu.memory_space<vmem>>
    %dma_start3A_21 = arith.constant 128 : i32
    %dma_start3A_22 = tpu.memref_slice %arg6[%dma_start3A_21] : memref<32768xi32, #tpu.memory_space<vmem>> -> memref<72xi32, #tpu.memory_space<vmem>>
    %dma_start3A_23 = arith.constant 0 : i32
    %dma_start3A_24 = arith.constant 0 : i32
    %dma_start3A_25 = tpu.memref_slice %arg4[%dma_start3A_23, %dma_start3A_24] : memref<507904x128xf32, #tpu.memory_space<hbm>> -> memref<507904x128xf32, #tpu.memory_space<hbm>>
    tpu.enqueue_indirect_dma source(%dma_start3A_25 : memref<507904x128xf32, #tpu.memory_space<hbm>>) target(%dma_start3A_20 : memref<72x128xf32, #tpu.memory_space<vmem>>) offsets(%dma_start3A_22 : memref<72xi32, #tpu.memory_space<vmem>>) semaphore(%arg10 : memref<!tpu.dma_semaphore, #tpu.memory_space<semaphore_mem>>)
    %scan3A = arith.constant 0 : i32
    %scan3A_26 = arith.constant 0 : i32
    %scan3A_27 = arith.constant 64 : i32
    %scan3A_28 = arith.addi %scan3A_26, %scan3A_27 : i32
    %scan3A_29 = arith.constant 1 : i32
    %scan3A_30 = scf.for %scan3A_34 = %scan3A_26 to %scan3A_28 step %scan3A_29 iter_args(%scan3A_35 = %scan3A) -> (i32)  : i32 {
      %mul3A_36 = arith.constant 2 : i32
      %mul3A_37 = arith.muli %mul3A_36, %scan3A_34 : i32
      %mul3A_38 = arith.constant 2 : i32
      %mul3A_39 = arith.muli %mul3A_38, %scan3A_34 : i32
      %add3A_40 = arith.constant 1 : i32
      %add3A_41 = arith.addi %mul3A_39, %add3A_40 : i32
      %mul3A_42 = arith.constant 256 : i32
      %mul3A_43 = arith.muli %add3A_41, %mul3A_42 : i32
      %dma_start3A_44 = arith.constant 1 : i32
      %dma_start3A_45 = arith.constant 0 : i32
      %dma_start3A_46 = arith.constant 0 : i32
      %dma_start3A_47 = tpu.memref_slice %arg8[%dma_start3A_44, %dma_start3A_45, %dma_start3A_46] : memref<2x200x128xf32, #tpu.memory_space<vmem>> -> memref<1x128x128xf32, #tpu.memory_space<vmem>>
      %dma_start3A_48 = tpu.memref_squeeze %dma_start3A_47 : memref<1x128x128xf32, #tpu.memory_space<vmem>> -> memref<128x128xf32, #tpu.memory_space<vmem>>
      %dma_start3A_49 = tpu.memref_slice %arg6[%mul3A_43] : memref<32768xi32, #tpu.memory_space<vmem>> -> memref<128xi32, #tpu.memory_space<vmem>>
      %dma_start3A_50 = arith.constant 0 : i32
      %dma_start3A_51 = arith.constant 0 : i32
      %dma_start3A_52 = tpu.memref_slice %arg4[%dma_start3A_50, %dma_start3A_51] : memref<507904x128xf32, #tpu.memory_space<hbm>> -> memref<507904x128xf32, #tpu.memory_space<hbm>>
      tpu.enqueue_indirect_dma source(%dma_start3A_52 : memref<507904x128xf32, #tpu.memory_space<hbm>>) target(%dma_start3A_48 : memref<128x128xf32, #tpu.memory_space<vmem>>) offsets(%dma_start3A_49 : memref<128xi32, #tpu.memory_space<vmem>>) semaphore(%arg11 : memref<!tpu.dma_semaphore, #tpu.memory_space<semaphore_mem>>)
      %mul3A_53 = arith.constant 256 : i32
      %mul3A_54 = arith.muli %add3A_41, %mul3A_53 : i32
      %add3A_55 = arith.constant 128 : i32
      %add3A_56 = arith.addi %mul3A_54, %add3A_55 : i32
      %dma_start3A_57 = arith.constant 1 : i32
      %dma_start3A_58 = arith.constant 128 : i32
      %dma_start3A_59 = arith.constant 0 : i32
      %dma_start3A_60 = tpu.memref_slice %arg8[%dma_start3A_57, %dma_start3A_58, %dma_start3A_59] : memref<2x200x128xf32, #tpu.memory_space<vmem>> -> memref<1x72x128xf32, #tpu.memory_space<vmem>>
      %dma_start3A_61 = tpu.memref_squeeze %dma_start3A_60 : memref<1x72x128xf32, #tpu.memory_space<vmem>> -> memref<72x128xf32, #tpu.memory_space<vmem>>
      %dma_start3A_62 = tpu.memref_slice %arg6[%add3A_56] : memref<32768xi32, #tpu.memory_space<vmem>> -> memref<72xi32, #tpu.memory_space<vmem>>
      %dma_start3A_63 = arith.constant 0 : i32
      %dma_start3A_64 = arith.constant 0 : i32
      %dma_start3A_65 = tpu.memref_slice %arg4[%dma_start3A_63, %dma_start3A_64] : memref<507904x128xf32, #tpu.memory_space<hbm>> -> memref<507904x128xf32, #tpu.memory_space<hbm>>
      tpu.enqueue_indirect_dma source(%dma_start3A_65 : memref<507904x128xf32, #tpu.memory_space<hbm>>) target(%dma_start3A_61 : memref<72x128xf32, #tpu.memory_space<vmem>>) offsets(%dma_start3A_62 : memref<72xi32, #tpu.memory_space<vmem>>) semaphore(%arg11 : memref<!tpu.dma_semaphore, #tpu.memory_space<semaphore_mem>>)
      %dma_wait3A = arith.constant 0 : i32
      %dma_wait3A_66 = arith.constant 0 : i32
      %dma_wait3A_67 = arith.constant 0 : i32
      %dma_wait3A_68 = tpu.memref_slice %arg8[%dma_wait3A, %dma_wait3A_66, %dma_wait3A_67] : memref<2x200x128xf32, #tpu.memory_space<vmem>> -> memref<1x128x128xf32, #tpu.memory_space<vmem>>
      %dma_wait3A_69 = tpu.memref_squeeze %dma_wait3A_68 : memref<1x128x128xf32, #tpu.memory_space<vmem>> -> memref<128x128xf32, #tpu.memory_space<vmem>>
      %dma_wait3A_70 = arith.constant 0 : i32
      %dma_wait3A_71 = arith.constant 0 : i32
      %dma_wait3A_72 = tpu.memref_slice %arg4[%dma_wait3A_70, %dma_wait3A_71] : memref<507904x128xf32, #tpu.memory_space<hbm>> -> memref<128x128xf32, #tpu.memory_space<hbm>>
      %dma_wait3A_73 = arith.constant 0 : i32
      %dma_wait3A_74 = arith.constant 0 : i32
      %dma_wait3A_75 = tpu.memref_slice %arg8[%dma_wait3A, %dma_wait3A_73, %dma_wait3A_74] : memref<2x200x128xf32, #tpu.memory_space<vmem>> -> memref<1x128x128xf32, #tpu.memory_space<vmem>>
      %dma_wait3A_76 = tpu.memref_squeeze %dma_wait3A_75 : memref<1x128x128xf32, #tpu.memory_space<vmem>> -> memref<128x128xf32, #tpu.memory_space<vmem>>
      %dma_wait3A_77 = arith.constant 0 : i32
      %dma_wait3A_78 = arith.constant 0 : i32
      %dma_wait3A_79 = tpu.memref_slice %arg4[%dma_wait3A_77, %dma_wait3A_78] : memref<507904x128xf32, #tpu.memory_space<hbm>> -> memref<128x128xf32, #tpu.memory_space<hbm>>
      tpu.wait_dma2 semaphore(%arg10 : memref<!tpu.dma_semaphore, #tpu.memory_space<semaphore_mem>>) src(%dma_wait3A_79 : memref<128x128xf32, #tpu.memory_space<hbm>>) dst(%dma_wait3A_76 : memref<128x128xf32, #tpu.memory_space<vmem>>)
      %dma_wait3A_80 = arith.constant 0 : i32
      %dma_wait3A_81 = arith.constant 128 : i32
      %dma_wait3A_82 = arith.constant 0 : i32
      %dma_wait3A_83 = tpu.memref_slice %arg8[%dma_wait3A_80, %dma_wait3A_81, %dma_wait3A_82] : memref<2x200x128xf32, #tpu.memory_space<vmem>> -> memref<1x72x128xf32, #tpu.memory_space<vmem>>
      %dma_wait3A_84 = tpu.memref_squeeze %dma_wait3A_83 : memref<1x72x128xf32, #tpu.memory_space<vmem>> -> memref<72x128xf32, #tpu.memory_space<vmem>>
      %dma_wait3A_85 = arith.constant 0 : i32
      %dma_wait3A_86 = arith.constant 0 : i32
      %dma_wait3A_87 = tpu.memref_slice %arg4[%dma_wait3A_85, %dma_wait3A_86] : memref<507904x128xf32, #tpu.memory_space<hbm>> -> memref<72x128xf32, #tpu.memory_space<hbm>>
      %dma_wait3A_88 = arith.constant 128 : i32
      %dma_wait3A_89 = arith.constant 0 : i32
      %dma_wait3A_90 = tpu.memref_slice %arg8[%dma_wait3A_80, %dma_wait3A_88, %dma_wait3A_89] : memref<2x200x128xf32, #tpu.memory_space<vmem>> -> memref<1x72x128xf32, #tpu.memory_space<vmem>>
      %dma_wait3A_91 = tpu.memref_squeeze %dma_wait3A_90 : memref<1x72x128xf32, #tpu.memory_space<vmem>> -> memref<72x128xf32, #tpu.memory_space<vmem>>
      %dma_wait3A_92 = arith.constant 0 : i32
      %dma_wait3A_93 = arith.constant 0 : i32
      %dma_wait3A_94 = tpu.memref_slice %arg4[%dma_wait3A_92, %dma_wait3A_93] : memref<507904x128xf32, #tpu.memory_space<hbm>> -> memref<72x128xf32, #tpu.memory_space<hbm>>
      tpu.wait_dma2 semaphore(%arg10 : memref<!tpu.dma_semaphore, #tpu.memory_space<semaphore_mem>>) src(%dma_wait3A_94 : memref<72x128xf32, #tpu.memory_space<hbm>>) dst(%dma_wait3A_91 : memref<72x128xf32, #tpu.memory_space<vmem>>)
      %broadcast_in_dim3A = arith.constant 0.000000e+00 : f32
      %broadcast_in_dim3A_95 = vector.broadcast %broadcast_in_dim3A : f32 to vector<16xf32>
      %scan3A_96 = arith.constant 0 : i32
      %scan3A_97 = arith.constant 12 : i32
      %scan3A_98 = arith.addi %scan3A_96, %scan3A_97 : i32
      %scan3A_99 = arith.constant 1 : i32
      %scan3A_100:4 = scf.for %scan3A_1329 = %scan3A_96 to %scan3A_98 step %scan3A_99 iter_args(%scan3A_1330 = %broadcast_in_dim3A_95, %scan3A_1331 = %broadcast_in_dim3A_95, %scan3A_1332 = %broadcast_in_dim3A_95, %scan3A_1333 = %broadcast_in_dim3A_95) -> (vector<16xf32>, vector<16xf32>, vector<16xf32>, vector<16xf32>)  : i32 {
        %mul3A_1334 = arith.constant 256 : i32
        %mul3A_1335 = arith.muli %mul3A_37, %mul3A_1334 : i32
        %mul3A_1336 = arith.constant 16 : i32
        %mul3A_1337 = arith.muli %scan3A_1329, %mul3A_1336 : i32
        %add3A_1338 = arith.addi %mul3A_1335, %mul3A_1337 : i32
        %get3A_1339 = arith.index_cast %add3A_1338 : i32 to index
        %get3A_1340 = tpu.vector_load %arg7[%get3A_1339] {strides = array<i32>} : memref<32768xi32, #tpu.memory_space<vmem>>, vector<16xi32>,
        %get3A_1341 = vector.shape_cast %get3A_1340 : vector<16xi32> to vector<16xi32>
        %mul3A_1342 = arith.constant 16 : i32
        %mul3A_1343 = arith.muli %scan3A_1329, %mul3A_1342 : i32
        %add3A_1344 = arith.constant 0 : i32
        %add3A_1345 = arith.addi %mul3A_1343, %add3A_1344 : i32
        %slice3A_1346 = vector.extract_strided_slice %get3A_1341 {offsets = [0], sizes = [1], strides = [1]} : vector<16xi32> to vector<1xi32>
        %squeeze3A_1347 = vector.extract %slice3A_1346[0] : i32 from vector<1xi32>
        %ne3A_1348 = arith.constant 0 : i32
        %ne3A_1349 = arith.cmpi ne, %squeeze3A_1347, %ne3A_1348 : i32
        %get3A_1350 = arith.constant 0 : i32
        %get3A_1351 = arith.index_cast %get3A_1350 : i32 to index
        %get3A_1352 = arith.index_cast %add3A_1345 : i32 to index
        %get3A_1353 = arith.constant 0 : index
        %get3A_1354 = tpu.vector_load %arg8[%get3A_1351, %get3A_1352, %get3A_1353] {strides = array<i32>} : memref<2x200x128xf32, #tpu.memory_space<vmem>>, vector<1x1x16xf32>,
        %get3A_1355 = vector.shape_cast %get3A_1354 : vector<1x1x16xf32> to vector<16xf32>
        %get3A_1356 = arith.constant 0 : i32
        %get3A_1357 = arith.index_cast %get3A_1356 : i32 to index
        %get3A_1358 = arith.index_cast %add3A_1345 : i32 to index
        %get3A_1359 = arith.constant 64 : index
        %get3A_1360 = tpu.vector_load %arg8[%get3A_1357, %get3A_1358, %get3A_1359] {strides = array<i32>} : memref<2x200x128xf32, #tpu.memory_space<vmem>>, vector<1x1x16xf32>,
        %get3A_1361 = vector.shape_cast %get3A_1360 : vector<1x1x16xf32> to vector<16xf32>
        %select_n3A_1362 = arith.select %ne3A_1349, %get3A_1361, %get3A_1355 : vector<16xf32>
        %add3A_1363 = arith.addf %scan3A_1330, %select_n3A_1362 : vector<16xf32>
        %get3A_1364 = arith.constant 0 : i32
        %get3A_1365 = arith.index_cast %get3A_1364 : i32 to index
        %get3A_1366 = arith.index_cast %add3A_1345 : i32 to index
        %get3A_1367 = arith.constant 16 : index
        %get3A_1368 = tpu.vector_load %arg8[%get3A_1365, %get3A_1366, %get3A_1367] {strides = array<i32>} : memref<2x200x128xf32, #tpu.memory_space<vmem>>, vector<1x1x16xf32>,
        %get3A_1369 = vector.shape_cast %get3A_1368 : vector<1x1x16xf32> to vector<16xf32>
        %get3A_1370 = arith.constant 0 : i32
        %get3A_1371 = arith.index_cast %get3A_1370 : i32 to index
        %get3A_1372 = arith.index_cast %add3A_1345 : i32 to index
        %get3A_1373 = arith.constant 80 : index
        %get3A_1374 = tpu.vector_load %arg8[%get3A_1371, %get3A_1372, %get3A_1373] {strides = array<i32>} : memref<2x200x128xf32, #tpu.memory_space<vmem>>, vector<1x1x16xf32>,
        %get3A_1375 = vector.shape_cast %get3A_1374 : vector<1x1x16xf32> to vector<16xf32>
        %select_n3A_1376 = arith.select %ne3A_1349, %get3A_1375, %get3A_1369 : vector<16xf32>
        %add3A_1377 = arith.addf %scan3A_1331, %select_n3A_1376 : vector<16xf32>
        %get3A_1378 = arith.constant 0 : i32
        %get3A_1379 = arith.index_cast %get3A_1378 : i32 to index
        %get3A_1380 = arith.index_cast %add3A_1345 : i32 to index
        %get3A_1381 = arith.constant 32 : index
        %get3A_1382 = tpu.vector_load %arg8[%get3A_1379, %get3A_1380, %get3A_1381] {strides = array<i32>} : memref<2x200x128xf32, #tpu.memory_space<vmem>>, vector<1x1x16xf32>,
        %get3A_1383 = vector.shape_cast %get3A_1382 : vector<1x1x16xf32> to vector<16xf32>
        %get3A_1384 = arith.constant 0 : i32
        %get3A_1385 = arith.index_cast %get3A_1384 : i32 to index
        %get3A_1386 = arith.index_cast %add3A_1345 : i32 to index
        %get3A_1387 = arith.constant 96 : index
        %get3A_1388 = tpu.vector_load %arg8[%get3A_1385, %get3A_1386, %get3A_1387] {strides = array<i32>} : memref<2x200x128xf32, #tpu.memory_space<vmem>>, vector<1x1x16xf32>,
        %get3A_1389 = vector.shape_cast %get3A_1388 : vector<1x1x16xf32> to vector<16xf32>
        %select_n3A_1390 = arith.select %ne3A_1349, %get3A_1389, %get3A_1383 : vector<16xf32>
        %add3A_1391 = arith.addf %scan3A_1332, %select_n3A_1390 : vector<16xf32>
        %get3A_1392 = arith.constant 0 : i32
        %get3A_1393 = arith.index_cast %get3A_1392 : i32 to index
        %get3A_1394 = arith.index_cast %add3A_1345 : i32 to index
        %get3A_1395 = arith.constant 48 : index
        %get3A_1396 = tpu.vector_load %arg8[%get3A_1393, %get3A_1394, %get3A_1395] {strides = array<i32>} : memref<2x200x128xf32, #tpu.memory_space<vmem>>, vector<1x1x16xf32>,
        %get3A_1397 = vector.shape_cast %get3A_1396 : vector<1x1x16xf32> to vector<16xf32>
        %get3A_1398 = arith.constant 0 : i32
        %get3A_1399 = arith.index_cast %get3A_1398 : i32 to index
        %get3A_1400 = arith.index_cast %add3A_1345 : i32 to index
        %get3A_1401 = arith.constant 112 : index
        %get3A_1402 = tpu.vector_load %arg8[%get3A_1399, %get3A_1400, %get3A_1401] {strides = array<i32>} : memref<2x200x128xf32, #tpu.memory_space<vmem>>, vector<1x1x16xf32>,
        %get3A_1403 = vector.shape_cast %get3A_1402 : vector<1x1x16xf32> to vector<16xf32>
        %select_n3A_1404 = arith.select %ne3A_1349, %get3A_1403, %get3A_1397 : vector<16xf32>
        %add3A_1405 = arith.addf %scan3A_1333, %select_n3A_1404 : vector<16xf32>
        %mul3A_1406 = arith.constant 16 : i32
        %mul3A_1407 = arith.muli %scan3A_1329, %mul3A_1406 : i32
        %add3A_1408 = arith.constant 1 : i32
        %add3A_1409 = arith.addi %mul3A_1407, %add3A_1408 : i32
        %slice3A_1410 = vector.extract_strided_slice %get3A_1341 {offsets = [1], sizes = [1], strides = [1]} : vector<16xi32> to vector<1xi32>
        %squeeze3A_1411 = vector.extract %slice3A_1410[0] : i32 from vector<1xi32>
        %ne3A_1412 = arith.constant 0 : i32
        %ne3A_1413 = arith.cmpi ne, %squeeze3A_1411, %ne3A_1412 : i32
        %get3A_1414 = arith.constant 0 : i32
        %get3A_1415 = arith.index_cast %get3A_1414 : i32 to index
        %get3A_1416 = arith.index_cast %add3A_1409 : i32 to index
        %get3A_1417 = arith.constant 0 : index
        %get3A_1418 = tpu.vector_load %arg8[%get3A_1415, %get3A_1416, %get3A_1417] {strides = array<i32>} : memref<2x200x128xf32, #tpu.memory_space<vmem>>, vector<1x1x16xf32>,
        %get3A_1419 = vector.shape_cast %get3A_1418 : vector<1x1x16xf32> to vector<16xf32>
        %get3A_1420 = arith.constant 0 : i32
        %get3A_1421 = arith.index_cast %get3A_1420 : i32 to index
        %get3A_1422 = arith.index_cast %add3A_1409 : i32 to index
        %get3A_1423 = arith.constant 64 : index
        %get3A_1424 = tpu.vector_load %arg8[%get3A_1421, %get3A_1422, %get3A_1423] {strides = array<i32>} : memref<2x200x128xf32, #tpu.memory_space<vmem>>, vector<1x1x16xf32>,
        %get3A_1425 = vector.shape_cast %get3A_1424 : vector<1x1x16xf32> to vector<16xf32>
        %select_n3A_1426 = arith.select %ne3A_1413, %get3A_1425, %get3A_1419 : vector<16xf32>
        %add3A_1427 = arith.addf %add3A_1363, %select_n3A_1426 : vector<16xf32>
        %get3A_1428 = arith.constant 0 : i32
        %get3A_1429 = arith.index_cast %get3A_1428 : i32 to index
        %get3A_1430 = arith.index_cast %add3A_1409 : i32 to index
        %get3A_1431 = arith.constant 16 : index
        %get3A_1432 = tpu.vector_load %arg8[%get3A_1429, %get3A_1430, %get3A_1431] {strides = array<i32>} : memref<2x200x128xf32, #tpu.memory_space<vmem>>, vector<1x1x16xf32>,
        %get3A_1433 = vector.shape_cast %get3A_1432 : vector<1x1x16xf32> to vector<16xf32>
        %get3A_1434 = arith.constant 0 : i32
        %get3A_1435 = arith.index_cast %get3A_1434 : i32 to index
        %get3A_1436 = arith.index_cast %add3A_1409 : i32 to index
        %get3A_1437 = arith.constant 80 : index
        %get3A_1438 = tpu.vector_load %arg8[%get3A_1435, %get3A_1436, %get3A_1437] {strides = array<i32>} : memref<2x200x128xf32, #tpu.memory_space<vmem>>, vector<1x1x16xf32>,
        %get3A_1439 = vector.shape_cast %get3A_1438 : vector<1x1x16xf32> to vector<16xf32>
        %select_n3A_1440 = arith.select %ne3A_1413, %get3A_1439, %get3A_1433 : vector<16xf32>
        %add3A_1441 = arith.addf %add3A_1377, %select_n3A_1440 : vector<16xf32>
        %get3A_1442 = arith.constant 0 : i32
        %get3A_1443 = arith.index_cast %get3A_1442 : i32 to index
        %get3A_1444 = arith.index_cast %add3A_1409 : i32 to index
        %get3A_1445 = arith.constant 32 : index
        %get3A_1446 = tpu.vector_load %arg8[%get3A_1443, %get3A_1444, %get3A_1445] {strides = array<i32>} : memref<2x200x128xf32, #tpu.memory_space<vmem>>, vector<1x1x16xf32>,
        %get3A_1447 = vector.shape_cast %get3A_1446 : vector<1x1x16xf32> to vector<16xf32>
        %get3A_1448 = arith.constant 0 : i32
        %get3A_1449 = arith.index_cast %get3A_1448 : i32 to index
        %get3A_1450 = arith.index_cast %add3A_1409 : i32 to index
        %get3A_1451 = arith.constant 96 : index
        %get3A_1452 = tpu.vector_load %arg8[%get3A_1449, %get3A_1450, %get3A_1451] {strides = array<i32>} : memref<2x200x128xf32, #tpu.memory_space<vmem>>, vector<1x1x16xf32>,
        %get3A_1453 = vector.shape_cast %get3A_1452 : vector<1x1x16xf32> to vector<16xf32>
        %select_n3A_1454 = arith.select %ne3A_1413, %get3A_1453, %get3A_1447 : vector<16xf32>
        %add3A_1455 = arith.addf %add3A_1391, %select_n3A_1454 : vector<16xf32>
        %get3A_1456 = arith.constant 0 : i32
        %get3A_1457 = arith.index_cast %get3A_1456 : i32 to index
        %get3A_1458 = arith.index_cast %add3A_1409 : i32 to index
        %get3A_1459 = arith.constant 48 : index
        %get3A_1460 = tpu.vector_load %arg8[%get3A_1457, %get3A_1458, %get3A_1459] {strides = array<i32>} : memref<2x200x128xf32, #tpu.memory_space<vmem>>, vector<1x1x16xf32>,
        %get3A_1461 = vector.shape_cast %get3A_1460 : vector<1x1x16xf32> to vector<16xf32>
        %get3A_1462 = arith.constant 0 : i32
        %get3A_1463 = arith.index_cast %get3A_1462 : i32 to index
        %get3A_1464 = arith.index_cast %add3A_1409 : i32 to index
        %get3A_1465 = arith.constant 112 : index
        %get3A_1466 = tpu.vector_load %arg8[%get3A_1463, %get3A_1464, %get3A_1465] {strides = array<i32>} : memref<2x200x128xf32, #tpu.memory_space<vmem>>, vector<1x1x16xf32>,
        %get3A_1467 = vector.shape_cast %get3A_1466 : vector<1x1x16xf32> to vector<16xf32>
        %select_n3A_1468 = arith.select %ne3A_1413, %get3A_1467, %get3A_1461 : vector<16xf32>
        %add3A_1469 = arith.addf %add3A_1405, %select_n3A_1468 : vector<16xf32>
        %mul3A_1470 = arith.constant 16 : i32
        %mul3A_1471 = arith.muli %scan3A_1329, %mul3A_1470 : i32
        %add3A_1472 = arith.constant 2 : i32
        %add3A_1473 = arith.addi %mul3A_1471, %add3A_1472 : i32
        %slice3A_1474 = vector.extract_strided_slice %get3A_1341 {offsets = [2], sizes = [1], strides = [1]} : vector<16xi32> to vector<1xi32>
        %squeeze3A_1475 = vector.extract %slice3A_1474[0] : i32 from vector<1xi32>
        %ne3A_1476 = arith.constant 0 : i32
        %ne3A_1477 = arith.cmpi ne, %squeeze3A_1475, %ne3A_1476 : i32
        %get3A_1478 = arith.constant 0 : i32
        %get3A_1479 = arith.index_cast %get3A_1478 : i32 to index
        %get3A_1480 = arith.index_cast %add3A_1473 : i32 to index
        %get3A_1481 = arith.constant 0 : index
        %get3A_1482 = tpu.vector_load %arg8[%get3A_1479, %get3A_1480, %get3A_1481] {strides = array<i32>} : memref<2x200x128xf32, #tpu.memory_space<vmem>>, vector<1x1x16xf32>,
        %get3A_1483 = vector.shape_cast %get3A_1482 : vector<1x1x16xf32> to vector<16xf32>
        %get3A_1484 = arith.constant 0 : i32
        %get3A_1485 = arith.index_cast %get3A_1484 : i32 to index
        %get3A_1486 = arith.index_cast %add3A_1473 : i32 to index
        %get3A_1487 = arith.constant 64 : index
        %get3A_1488 = tpu.vector_load %arg8[%get3A_1485, %get3A_1486, %get3A_1487] {strides = array<i32>} : memref<2x200x128xf32, #tpu.memory_space<vmem>>, vector<1x1x16xf32>,
        %get3A_1489 = vector.shape_cast %get3A_1488 : vector<1x1x16xf32> to vector<16xf32>
        %select_n3A_1490 = arith.select %ne3A_1477, %get3A_1489, %get3A_1483 : vector<16xf32>
        %add3A_1491 = arith.addf %add3A_1427, %select_n3A_1490 : vector<16xf32>
        %get3A_1492 = arith.constant 0 : i32
        %get3A_1493 = arith.index_cast %get3A_1492 : i32 to index
        %get3A_1494 = arith.index_cast %add3A_1473 : i32 to index
        %get3A_1495 = arith.constant 16 : index
        %get3A_1496 = tpu.vector_load %arg8[%get3A_1493, %get3A_1494, %get3A_1495] {strides = array<i32>} : memref<2x200x128xf32, #tpu.memory_space<vmem>>, vector<1x1x16xf32>,
        %get3A_1497 = vector.shape_cast %get3A_1496 : vector<1x1x16xf32> to vector<16xf32>
        %get3A_1498 = arith.constant 0 : i32
        %get3A_1499 = arith.index_cast %get3A_1498 : i32 to index
        %get3A_1500 = arith.index_cast %add3A_1473 : i32 to index
        %get3A_1501 = arith.constant 80 : index
        %get3A_1502 = tpu.vector_load %arg8[%get3A_1499, %get3A_1500, %get3A_1501] {strides = array<i32>} : memref<2x200x128xf32, #tpu.memory_space<vmem>>, vector<1x1x16xf32>,
        %get3A_1503 = vector.shape_cast %get3A_1502 : vector<1x1x16xf32> to vector<16xf32>
        %select_n3A_1504 = arith.select %ne3A_1477, %get3A_1503, %get3A_1497 : vector<16xf32>
        %add3A_1505 = arith.addf %add3A_1441, %select_n3A_1504 : vector<16xf32>
        %get3A_1506 = arith.constant 0 : i32
        %get3A_1507 = arith.index_cast %get3A_1506 : i32 to index
        %get3A_1508 = arith.index_cast %add3A_1473 : i32 to index
        %get3A_1509 = arith.constant 32 : index
        %get3A_1510 = tpu.vector_load %arg8[%get3A_1507, %get3A_1508, %get3A_1509] {strides = array<i32>} : memref<2x200x128xf32, #tpu.memory_space<vmem>>, vector<1x1x16xf32>,
        %get3A_1511 = vector.shape_cast %get3A_1510 : vector<1x1x16xf32> to vector<16xf32>
        %get3A_1512 = arith.constant 0 : i32
        %get3A_1513 = arith.index_cast %get3A_1512 : i32 to index
        %get3A_1514 = arith.index_cast %add3A_1473 : i32 to index
        %get3A_1515 = arith.constant 96 : index
        %get3A_1516 = tpu.vector_load %arg8[%get3A_1513, %get3A_1514, %get3A_1515] {strides = array<i32>} : memref<2x200x128xf32, #tpu.memory_space<vmem>>, vector<1x1x16xf32>,
        %get3A_1517 = vector.shape_cast %get3A_1516 : vector<1x1x16xf32> to vector<16xf32>
        %select_n3A_1518 = arith.select %ne3A_1477, %get3A_1517, %get3A_1511 : vector<16xf32>
        %add3A_1519 = arith.addf %add3A_1455, %select_n3A_1518 : vector<16xf32>
        %get3A_1520 = arith.constant 0 : i32
        %get3A_1521 = arith.index_cast %get3A_1520 : i32 to index
        %get3A_1522 = arith.index_cast %add3A_1473 : i32 to index
        %get3A_1523 = arith.constant 48 : index
        %get3A_1524 = tpu.vector_load %arg8[%get3A_1521, %get3A_1522, %get3A_1523] {strides = array<i32>} : memref<2x200x128xf32, #tpu.memory_space<vmem>>, vector<1x1x16xf32>,
        %get3A_1525 = vector.shape_cast %get3A_1524 : vector<1x1x16xf32> to vector<16xf32>
        %get3A_1526 = arith.constant 0 : i32
        %get3A_1527 = arith.index_cast %get3A_1526 : i32 to index
        %get3A_1528 = arith.index_cast %add3A_1473 : i32 to index
        %get3A_1529 = arith.constant 112 : index
        %get3A_1530 = tpu.vector_load %arg8[%get3A_1527, %get3A_1528, %get3A_1529] {strides = array<i32>} : memref<2x200x128xf32, #tpu.memory_space<vmem>>, vector<1x1x16xf32>,
        %get3A_1531 = vector.shape_cast %get3A_1530 : vector<1x1x16xf32> to vector<16xf32>
        %select_n3A_1532 = arith.select %ne3A_1477, %get3A_1531, %get3A_1525 : vector<16xf32>
        %add3A_1533 = arith.addf %add3A_1469, %select_n3A_1532 : vector<16xf32>
        %mul3A_1534 = arith.constant 16 : i32
        %mul3A_1535 = arith.muli %scan3A_1329, %mul3A_1534 : i32
        %add3A_1536 = arith.constant 3 : i32
        %add3A_1537 = arith.addi %mul3A_1535, %add3A_1536 : i32
        %slice3A_1538 = vector.extract_strided_slice %get3A_1341 {offsets = [3], sizes = [1], strides = [1]} : vector<16xi32> to vector<1xi32>
        %squeeze3A_1539 = vector.extract %slice3A_1538[0] : i32 from vector<1xi32>
        %ne3A_1540 = arith.constant 0 : i32
        %ne3A_1541 = arith.cmpi ne, %squeeze3A_1539, %ne3A_1540 : i32
        %get3A_1542 = arith.constant 0 : i32
        %get3A_1543 = arith.index_cast %get3A_1542 : i32 to index
        %get3A_1544 = arith.index_cast %add3A_1537 : i32 to index
        %get3A_1545 = arith.constant 0 : index
        %get3A_1546 = tpu.vector_load %arg8[%get3A_1543, %get3A_1544, %get3A_1545] {strides = array<i32>} : memref<2x200x128xf32, #tpu.memory_space<vmem>>, vector<1x1x16xf32>,
        %get3A_1547 = vector.shape_cast %get3A_1546 : vector<1x1x16xf32> to vector<16xf32>
        %get3A_1548 = arith.constant 0 : i32
        %get3A_1549 = arith.index_cast %get3A_1548 : i32 to index
        %get3A_1550 = arith.index_cast %add3A_1537 : i32 to index
        %get3A_1551 = arith.constant 64 : index
        %get3A_1552 = tpu.vector_load %arg8[%get3A_1549, %get3A_1550, %get3A_1551] {strides = array<i32>} : memref<2x200x128xf32, #tpu.memory_space<vmem>>, vector<1x1x16xf32>,
        %get3A_1553 = vector.shape_cast %get3A_1552 : vector<1x1x16xf32> to vector<16xf32>
        %select_n3A_1554 = arith.select %ne3A_1541, %get3A_1553, %get3A_1547 : vector<16xf32>
        %add3A_1555 = arith.addf %add3A_1491, %select_n3A_1554 : vector<16xf32>
        %get3A_1556 = arith.constant 0 : i32
        %get3A_1557 = arith.index_cast %get3A_1556 : i32 to index
        %get3A_1558 = arith.index_cast %add3A_1537 : i32 to index
        %get3A_1559 = arith.constant 16 : index
        %get3A_1560 = tpu.vector_load %arg8[%get3A_1557, %get3A_1558, %get3A_1559] {strides = array<i32>} : memref<2x200x128xf32, #tpu.memory_space<vmem>>, vector<1x1x16xf32>,
        %get3A_1561 = vector.shape_cast %get3A_1560 : vector<1x1x16xf32> to vector<16xf32>
        %get3A_1562 = arith.constant 0 : i32
        %get3A_1563 = arith.index_cast %get3A_1562 : i32 to index
        %get3A_1564 = arith.index_cast %add3A_1537 : i32 to index
        %get3A_1565 = arith.constant 80 : index
        %get3A_1566 = tpu.vector_load %arg8[%get3A_1563, %get3A_1564, %get3A_1565] {strides = array<i32>} : memref<2x200x128xf32, #tpu.memory_space<vmem>>, vector<1x1x16xf32>,
        %get3A_1567 = vector.shape_cast %get3A_1566 : vector<1x1x16xf32> to vector<16xf32>
        %select_n3A_1568 = arith.select %ne3A_1541, %get3A_1567, %get3A_1561 : vector<16xf32>
        %add3A_1569 = arith.addf %add3A_1505, %select_n3A_1568 : vector<16xf32>
        %get3A_1570 = arith.constant 0 : i32
        %get3A_1571 = arith.index_cast %get3A_1570 : i32 to index
        %get3A_1572 = arith.index_cast %add3A_1537 : i32 to index
        %get3A_1573 = arith.constant 32 : index
        %get3A_1574 = tpu.vector_load %arg8[%get3A_1571, %get3A_1572, %get3A_1573] {strides = array<i32>} : memref<2x200x128xf32, #tpu.memory_space<vmem>>, vector<1x1x16xf32>,
        %get3A_1575 = vector.shape_cast %get3A_1574 : vector<1x1x16xf32> to vector<16xf32>
        %get3A_1576 = arith.constant 0 : i32
        %get3A_1577 = arith.index_cast %get3A_1576 : i32 to index
        %get3A_1578 = arith.index_cast %add3A_1537 : i32 to index
        %get3A_1579 = arith.constant 96 : index
        %get3A_1580 = tpu.vector_load %arg8[%get3A_1577, %get3A_1578, %get3A_1579] {strides = array<i32>} : memref<2x200x128xf32, #tpu.memory_space<vmem>>, vector<1x1x16xf32>,
        %get3A_1581 = vector.shape_cast %get3A_1580 : vector<1x1x16xf32> to vector<16xf32>
        %select_n3A_1582 = arith.select %ne3A_1541, %get3A_1581, %get3A_1575 : vector<16xf32>
        %add3A_1583 = arith.addf %add3A_1519, %select_n3A_1582 : vector<16xf32>
        %get3A_1584 = arith.constant 0 : i32
        %get3A_1585 = arith.index_cast %get3A_1584 : i32 to index
        %get3A_1586 = arith.index_cast %add3A_1537 : i32 to index
        %get3A_1587 = arith.constant 48 : index
        %get3A_1588 = tpu.vector_load %arg8[%get3A_1585, %get3A_1586, %get3A_1587] {strides = array<i32>} : memref<2x200x128xf32, #tpu.memory_space<vmem>>, vector<1x1x16xf32>,
        %get3A_1589 = vector.shape_cast %get3A_1588 : vector<1x1x16xf32> to vector<16xf32>
        %get3A_1590 = arith.constant 0 : i32
        %get3A_1591 = arith.index_cast %get3A_1590 : i32 to index
        %get3A_1592 = arith.index_cast %add3A_1537 : i32 to index
        %get3A_1593 = arith.constant 112 : index
        %get3A_1594 = tpu.vector_load %arg8[%get3A_1591, %get3A_1592, %get3A_1593] {strides = array<i32>} : memref<2x200x128xf32, #tpu.memory_space<vmem>>, vector<1x1x16xf32>,
        %get3A_1595 = vector.shape_cast %get3A_1594 : vector<1x1x16xf32> to vector<16xf32>
        %select_n3A_1596 = arith.select %ne3A_1541, %get3A_1595, %get3A_1589 : vector<16xf32>
        %add3A_1597 = arith.addf %add3A_1533, %select_n3A_1596 : vector<16xf32>
        %mul3A_1598 = arith.constant 16 : i32
        %mul3A_1599 = arith.muli %scan3A_1329, %mul3A_1598 : i32
        %add3A_1600 = arith.constant 4 : i32
        %add3A_1601 = arith.addi %mul3A_1599, %add3A_1600 : i32
        %slice3A_1602 = vector.extract_strided_slice %get3A_1341 {offsets = [4], sizes = [1], strides = [1]} : vector<16xi32> to vector<1xi32>
        %squeeze3A_1603 = vector.extract %slice3A_1602[0] : i32 from vector<1xi32>
        %ne3A_1604 = arith.constant 0 : i32
        %ne3A_1605 = arith.cmpi ne, %squeeze3A_1603, %ne3A_1604 : i32
        %get3A_1606 = arith.constant 0 : i32
        %get3A_1607 = arith.index_cast %get3A_1606 : i32 to index
        %get3A_1608 = arith.index_cast %add3A_1601 : i32 to index
        %get3A_1609 = arith.constant 0 : index
        %get3A_1610 = tpu.vector_load %arg8[%get3A_1607, %get3A_1608, %get3A_1609] {strides = array<i32>} : memref<2x200x128xf32, #tpu.memory_space<vmem>>, vector<1x1x16xf32>,
        %get3A_1611 = vector.shape_cast %get3A_1610 : vector<1x1x16xf32> to vector<16xf32>
        %get3A_1612 = arith.constant 0 : i32
        %get3A_1613 = arith.index_cast %get3A_1612 : i32 to index
        %get3A_1614 = arith.index_cast %add3A_1601 : i32 to index
        %get3A_1615 = arith.constant 64 : index
        %get3A_1616 = tpu.vector_load %arg8[%get3A_1613, %get3A_1614, %get3A_1615] {strides = array<i32>} : memref<2x200x128xf32, #tpu.memory_space<vmem>>, vector<1x1x16xf32>,
        %get3A_1617 = vector.shape_cast %get3A_1616 : vector<1x1x16xf32> to vector<16xf32>
        %select_n3A_1618 = arith.select %ne3A_1605, %get3A_1617, %get3A_1611 : vector<16xf32>
        %add3A_1619 = arith.addf %add3A_1555, %select_n3A_1618 : vector<16xf32>
        %get3A_1620 = arith.constant 0 : i32
        %get3A_1621 = arith.index_cast %get3A_1620 : i32 to index
        %get3A_1622 = arith.index_cast %add3A_1601 : i32 to index
        %get3A_1623 = arith.constant 16 : index
        %get3A_1624 = tpu.vector_load %arg8[%get3A_1621, %get3A_1622, %get3A_1623] {strides = array<i32>} : memref<2x200x128xf32, #tpu.memory_space<vmem>>, vector<1x1x16xf32>,
        %get3A_1625 = vector.shape_cast %get3A_1624 : vector<1x1x16xf32> to vector<16xf32>
        %get3A_1626 = arith.constant 0 : i32
        %get3A_1627 = arith.index_cast %get3A_1626 : i32 to index
        %get3A_1628 = arith.index_cast %add3A_1601 : i32 to index
        %get3A_1629 = arith.constant 80 : index
        %get3A_1630 = tpu.vector_load %arg8[%get3A_1627, %get3A_1628, %get3A_1629] {strides = array<i32>} : memref<2x200x128xf32, #tpu.memory_space<vmem>>, vector<1x1x16xf32>,
        %get3A_1631 = vector.shape_cast %get3A_1630 : vector<1x1x16xf32> to vector<16xf32>
        %select_n3A_1632 = arith.select %ne3A_1605, %get3A_1631, %get3A_1625 : vector<16xf32>
        %add3A_1633 = arith.addf %add3A_1569, %select_n3A_1632 : vector<16xf32>
        %get3A_1634 = arith.constant 0 : i32
        %get3A_1635 = arith.index_cast %get3A_1634 : i32 to index
        %get3A_1636 = arith.index_cast %add3A_1601 : i32 to index
        %get3A_1637 = arith.constant 32 : index
        %get3A_1638 = tpu.vector_load %arg8[%get3A_1635, %get3A_1636, %get3A_1637] {strides = array<i32>} : memref<2x200x128xf32, #tpu.memory_space<vmem>>, vector<1x1x16xf32>,
        %get3A_1639 = vector.shape_cast %get3A_1638 : vector<1x1x16xf32> to vector<16xf32>
        %get3A_1640 = arith.constant 0 : i32
        %get3A_1641 = arith.index_cast %get3A_1640 : i32 to index
        %get3A_1642 = arith.index_cast %add3A_1601 : i32 to index
        %get3A_1643 = arith.constant 96 : index
        %get3A_1644 = tpu.vector_load %arg8[%get3A_1641, %get3A_1642, %get3A_1643] {strides = array<i32>} : memref<2x200x128xf32, #tpu.memory_space<vmem>>, vector<1x1x16xf32>,
        %get3A_1645 = vector.shape_cast %get3A_1644 : vector<1x1x16xf32> to vector<16xf32>
        %select_n3A_1646 = arith.select %ne3A_1605, %get3A_1645, %get3A_1639 : vector<16xf32>
        %add3A_1647 = arith.addf %add3A_1583, %select_n3A_1646 : vector<16xf32>
        %get3A_1648 = arith.constant 0 : i32
        %get3A_1649 = arith.index_cast %get3A_1648 : i32 to index
        %get3A_1650 = arith.index_cast %add3A_1601 : i32 to index
        %get3A_1651 = arith.constant 48 : index
        %get3A_1652 = tpu.vector_load %arg8[%get3A_1649, %get3A_1650, %get3A_1651] {strides = array<i32>} : memref<2x200x128xf32, #tpu.memory_space<vmem>>, vector<1x1x16xf32>,
        %get3A_1653 = vector.shape_cast %get3A_1652 : vector<1x1x16xf32> to vector<16xf32>
        %get3A_1654 = arith.constant 0 : i32
        %get3A_1655 = arith.index_cast %get3A_1654 : i32 to index
        %get3A_1656 = arith.index_cast %add3A_1601 : i32 to index
        %get3A_1657 = arith.constant 112 : index
        %get3A_1658 = tpu.vector_load %arg8[%get3A_1655, %get3A_1656, %get3A_1657] {strides = array<i32>} : memref<2x200x128xf32, #tpu.memory_space<vmem>>, vector<1x1x16xf32>,
        %get3A_1659 = vector.shape_cast %get3A_1658 : vector<1x1x16xf32> to vector<16xf32>
        %select_n3A_1660 = arith.select %ne3A_1605, %get3A_1659, %get3A_1653 : vector<16xf32>
        %add3A_1661 = arith.addf %add3A_1597, %select_n3A_1660 : vector<16xf32>
        %mul3A_1662 = arith.constant 16 : i32
        %mul3A_1663 = arith.muli %scan3A_1329, %mul3A_1662 : i32
        %add3A_1664 = arith.constant 5 : i32
        %add3A_1665 = arith.addi %mul3A_1663, %add3A_1664 : i32
        %slice3A_1666 = vector.extract_strided_slice %get3A_1341 {offsets = [5], sizes = [1], strides = [1]} : vector<16xi32> to vector<1xi32>
        %squeeze3A_1667 = vector.extract %slice3A_1666[0] : i32 from vector<1xi32>
        %ne3A_1668 = arith.constant 0 : i32
        %ne3A_1669 = arith.cmpi ne, %squeeze3A_1667, %ne3A_1668 : i32
        %get3A_1670 = arith.constant 0 : i32
        %get3A_1671 = arith.index_cast %get3A_1670 : i32 to index
        %get3A_1672 = arith.index_cast %add3A_1665 : i32 to index
        %get3A_1673 = arith.constant 0 : index
        %get3A_1674 = tpu.vector_load %arg8[%get3A_1671, %get3A_1672, %get3A_1673] {strides = array<i32>} : memref<2x200x128xf32, #tpu.memory_space<vmem>>, vector<1x1x16xf32>,
        %get3A_1675 = vector.shape_cast %get3A_1674 : vector<1x1x16xf32> to vector<16xf32>
        %get3A_1676 = arith.constant 0 : i32
        %get3A_1677 = arith.index_cast %get3A_1676 : i32 to index
        %get3A_1678 = arith.index_cast %add3A_1665 : i32 to index
        %get3A_1679 = arith.constant 64 : index
        %get3A_1680 = tpu.vector_load %arg8[%get3A_1677, %get3A_1678, %get3A_1679] {strides = array<i32>} : memref<2x200x128xf32, #tpu.memory_space<vmem>>, vector<1x1x16xf32>,
        %get3A_1681 = vector.shape_cast %get3A_1680 : vector<1x1x16xf32> to vector<16xf32>
        %select_n3A_1682 = arith.select %ne3A_1669, %get3A_1681, %get3A_1675 : vector<16xf32>
        %add3A_1683 = arith.addf %add3A_1619, %select_n3A_1682 : vector<16xf32>
        %get3A_1684 = arith.constant 0 : i32
        %get3A_1685 = arith.index_cast %get3A_1684 : i32 to index
        %get3A_1686 = arith.index_cast %add3A_1665 : i32 to index
        %get3A_1687 = arith.constant 16 : index
        %get3A_1688 = tpu.vector_load %arg8[%get3A_1685, %get3A_1686, %get3A_1687] {strides = array<i32>} : memref<2x200x128xf32, #tpu.memory_space<vmem>>, vector<1x1x16xf32>,
        %get3A_1689 = vector.shape_cast %get3A_1688 : vector<1x1x16xf32> to vector<16xf32>
        %get3A_1690 = arith.constant 0 : i32
        %get3A_1691 = arith.index_cast %get3A_1690 : i32 to index
        %get3A_1692 = arith.index_cast %add3A_1665 : i32 to index
        %get3A_1693 = arith.constant 80 : index
        %get3A_1694 = tpu.vector_load %arg8[%get3A_1691, %get3A_1692, %get3A_1693] {strides = array<i32>} : memref<2x200x128xf32, #tpu.memory_space<vmem>>, vector<1x1x16xf32>,
        %get3A_1695 = vector.shape_cast %get3A_1694 : vector<1x1x16xf32> to vector<16xf32>
        %select_n3A_1696 = arith.select %ne3A_1669, %get3A_1695, %get3A_1689 : vector<16xf32>
        %add3A_1697 = arith.addf %add3A_1633, %select_n3A_1696 : vector<16xf32>
        %get3A_1698 = arith.constant 0 : i32
        %get3A_1699 = arith.index_cast %get3A_1698 : i32 to index
        %get3A_1700 = arith.index_cast %add3A_1665 : i32 to index
        %get3A_1701 = arith.constant 32 : index
        %get3A_1702 = tpu.vector_load %arg8[%get3A_1699, %get3A_1700, %get3A_1701] {strides = array<i32>} : memref<2x200x128xf32, #tpu.memory_space<vmem>>, vector<1x1x16xf32>,
        %get3A_1703 = vector.shape_cast %get3A_1702 : vector<1x1x16xf32> to vector<16xf32>
        %get3A_1704 = arith.constant 0 : i32
        %get3A_1705 = arith.index_cast %get3A_1704 : i32 to index
        %get3A_1706 = arith.index_cast %add3A_1665 : i32 to index
        %get3A_1707 = arith.constant 96 : index
        %get3A_1708 = tpu.vector_load %arg8[%get3A_1705, %get3A_1706, %get3A_1707] {strides = array<i32>} : memref<2x200x128xf32, #tpu.memory_space<vmem>>, vector<1x1x16xf32>,
        %get3A_1709 = vector.shape_cast %get3A_1708 : vector<1x1x16xf32> to vector<16xf32>
        %select_n3A_1710 = arith.select %ne3A_1669, %get3A_1709, %get3A_1703 : vector<16xf32>
        %add3A_1711 = arith.addf %add3A_1647, %select_n3A_1710 : vector<16xf32>
        %get3A_1712 = arith.constant 0 : i32
        %get3A_1713 = arith.index_cast %get3A_1712 : i32 to index
        %get3A_1714 = arith.index_cast %add3A_1665 : i32 to index
        %get3A_1715 = arith.constant 48 : index
        %get3A_1716 = tpu.vector_load %arg8[%get3A_1713, %get3A_1714, %get3A_1715] {strides = array<i32>} : memref<2x200x128xf32, #tpu.memory_space<vmem>>, vector<1x1x16xf32>,
        %get3A_1717 = vector.shape_cast %get3A_1716 : vector<1x1x16xf32> to vector<16xf32>
        %get3A_1718 = arith.constant 0 : i32
        %get3A_1719 = arith.index_cast %get3A_1718 : i32 to index
        %get3A_1720 = arith.index_cast %add3A_1665 : i32 to index
        %get3A_1721 = arith.constant 112 : index
        %get3A_1722 = tpu.vector_load %arg8[%get3A_1719, %get3A_1720, %get3A_1721] {strides = array<i32>} : memref<2x200x128xf32, #tpu.memory_space<vmem>>, vector<1x1x16xf32>,
        %get3A_1723 = vector.shape_cast %get3A_1722 : vector<1x1x16xf32> to vector<16xf32>
        %select_n3A_1724 = arith.select %ne3A_1669, %get3A_1723, %get3A_1717 : vector<16xf32>
        %add3A_1725 = arith.addf %add3A_1661, %select_n3A_1724 : vector<16xf32>
        %mul3A_1726 = arith.constant 16 : i32
        %mul3A_1727 = arith.muli %scan3A_1329, %mul3A_1726 : i32
        %add3A_1728 = arith.constant 6 : i32
        %add3A_1729 = arith.addi %mul3A_1727, %add3A_1728 : i32
        %slice3A_1730 = vector.extract_strided_slice %get3A_1341 {offsets = [6], sizes = [1], strides = [1]} : vector<16xi32> to vector<1xi32>
        %squeeze3A_1731 = vector.extract %slice3A_1730[0] : i32 from vector<1xi32>
        %ne3A_1732 = arith.constant 0 : i32
        %ne3A_1733 = arith.cmpi ne, %squeeze3A_1731, %ne3A_1732 : i32
        %get3A_1734 = arith.constant 0 : i32
        %get3A_1735 = arith.index_cast %get3A_1734 : i32 to index
        %get3A_1736 = arith.index_cast %add3A_1729 : i32 to index
        %get3A_1737 = arith.constant 0 : index
        %get3A_1738 = tpu.vector_load %arg8[%get3A_1735, %get3A_1736, %get3A_1737] {strides = array<i32>} : memref<2x200x128xf32, #tpu.memory_space<vmem>>, vector<1x1x16xf32>,
        %get3A_1739 = vector.shape_cast %get3A_1738 : vector<1x1x16xf32> to vector<16xf32>
        %get3A_1740 = arith.constant 0 : i32
        %get3A_1741 = arith.index_cast %get3A_1740 : i32 to index
        %get3A_1742 = arith.index_cast %add3A_1729 : i32 to index
        %get3A_1743 = arith.constant 64 : index
        %get3A_1744 = tpu.vector_load %arg8[%get3A_1741, %get3A_1742, %get3A_1743] {strides = array<i32>} : memref<2x200x128xf32, #tpu.memory_space<vmem>>, vector<1x1x16xf32>,
        %get3A_1745 = vector.shape_cast %get3A_1744 : vector<1x1x16xf32> to vector<16xf32>
        %select_n3A_1746 = arith.select %ne3A_1733, %get3A_1745, %get3A_1739 : vector<16xf32>
        %add3A_1747 = arith.addf %add3A_1683, %select_n3A_1746 : vector<16xf32>
        %get3A_1748 = arith.constant 0 : i32
        %get3A_1749 = arith.index_cast %get3A_1748 : i32 to index
        %get3A_1750 = arith.index_cast %add3A_1729 : i32 to index
        %get3A_1751 = arith.constant 16 : index
        %get3A_1752 = tpu.vector_load %arg8[%get3A_1749, %get3A_1750, %get3A_1751] {strides = array<i32>} : memref<2x200x128xf32, #tpu.memory_space<vmem>>, vector<1x1x16xf32>,
        %get3A_1753 = vector.shape_cast %get3A_1752 : vector<1x1x16xf32> to vector<16xf32>
        %get3A_1754 = arith.constant 0 : i32
        %get3A_1755 = arith.index_cast %get3A_1754 : i32 to index
        %get3A_1756 = arith.index_cast %add3A_1729 : i32 to index
        %get3A_1757 = arith.constant 80 : index
        %get3A_1758 = tpu.vector_load %arg8[%get3A_1755, %get3A_1756, %get3A_1757] {strides = array<i32>} : memref<2x200x128xf32, #tpu.memory_space<vmem>>, vector<1x1x16xf32>,
        %get3A_1759 = vector.shape_cast %get3A_1758 : vector<1x1x16xf32> to vector<16xf32>
        %select_n3A_1760 = arith.select %ne3A_1733, %get3A_1759, %get3A_1753 : vector<16xf32>
        %add3A_1761 = arith.addf %add3A_1697, %select_n3A_1760 : vector<16xf32>
        %get3A_1762 = arith.constant 0 : i32
        %get3A_1763 = arith.index_cast %get3A_1762 : i32 to index
        %get3A_1764 = arith.index_cast %add3A_1729 : i32 to index
        %get3A_1765 = arith.constant 32 : index
        %get3A_1766 = tpu.vector_load %arg8[%get3A_1763, %get3A_1764, %get3A_1765] {strides = array<i32>} : memref<2x200x128xf32, #tpu.memory_space<vmem>>, vector<1x1x16xf32>,
        %get3A_1767 = vector.shape_cast %get3A_1766 : vector<1x1x16xf32> to vector<16xf32>
        %get3A_1768 = arith.constant 0 : i32
        %get3A_1769 = arith.index_cast %get3A_1768 : i32 to index
        %get3A_1770 = arith.index_cast %add3A_1729 : i32 to index
        %get3A_1771 = arith.constant 96 : index
        %get3A_1772 = tpu.vector_load %arg8[%get3A_1769, %get3A_1770, %get3A_1771] {strides = array<i32>} : memref<2x200x128xf32, #tpu.memory_space<vmem>>, vector<1x1x16xf32>,
        %get3A_1773 = vector.shape_cast %get3A_1772 : vector<1x1x16xf32> to vector<16xf32>
        %select_n3A_1774 = arith.select %ne3A_1733, %get3A_1773, %get3A_1767 : vector<16xf32>
        %add3A_1775 = arith.addf %add3A_1711, %select_n3A_1774 : vector<16xf32>
        %get3A_1776 = arith.constant 0 : i32
        %get3A_1777 = arith.index_cast %get3A_1776 : i32 to index
        %get3A_1778 = arith.index_cast %add3A_1729 : i32 to index
        %get3A_1779 = arith.constant 48 : index
        %get3A_1780 = tpu.vector_load %arg8[%get3A_1777, %get3A_1778, %get3A_1779] {strides = array<i32>} : memref<2x200x128xf32, #tpu.memory_space<vmem>>, vector<1x1x16xf32>,
        %get3A_1781 = vector.shape_cast %get3A_1780 : vector<1x1x16xf32> to vector<16xf32>
        %get3A_1782 = arith.constant 0 : i32
        %get3A_1783 = arith.index_cast %get3A_1782 : i32 to index
        %get3A_1784 = arith.index_cast %add3A_1729 : i32 to index
        %get3A_1785 = arith.constant 112 : index
        %get3A_1786 = tpu.vector_load %arg8[%get3A_1783, %get3A_1784, %get3A_1785] {strides = array<i32>} : memref<2x200x128xf32, #tpu.memory_space<vmem>>, vector<1x1x16xf32>,
        %get3A_1787 = vector.shape_cast %get3A_1786 : vector<1x1x16xf32> to vector<16xf32>
        %select_n3A_1788 = arith.select %ne3A_1733, %get3A_1787, %get3A_1781 : vector<16xf32>
        %add3A_1789 = arith.addf %add3A_1725, %select_n3A_1788 : vector<16xf32>
        %mul3A_1790 = arith.constant 16 : i32
        %mul3A_1791 = arith.muli %scan3A_1329, %mul3A_1790 : i32
        %add3A_1792 = arith.constant 7 : i32
        %add3A_1793 = arith.addi %mul3A_1791, %add3A_1792 : i32
        %slice3A_1794 = vector.extract_strided_slice %get3A_1341 {offsets = [7], sizes = [1], strides = [1]} : vector<16xi32> to vector<1xi32>
        %squeeze3A_1795 = vector.extract %slice3A_1794[0] : i32 from vector<1xi32>
        %ne3A_1796 = arith.constant 0 : i32
        %ne3A_1797 = arith.cmpi ne, %squeeze3A_1795, %ne3A_1796 : i32
        %get3A_1798 = arith.constant 0 : i32
        %get3A_1799 = arith.index_cast %get3A_1798 : i32 to index
        %get3A_1800 = arith.index_cast %add3A_1793 : i32 to index
        %get3A_1801 = arith.constant 0 : index
        %get3A_1802 = tpu.vector_load %arg8[%get3A_1799, %get3A_1800, %get3A_1801] {strides = array<i32>} : memref<2x200x128xf32, #tpu.memory_space<vmem>>, vector<1x1x16xf32>,
        %get3A_1803 = vector.shape_cast %get3A_1802 : vector<1x1x16xf32> to vector<16xf32>
        %get3A_1804 = arith.constant 0 : i32
        %get3A_1805 = arith.index_cast %get3A_1804 : i32 to index
        %get3A_1806 = arith.index_cast %add3A_1793 : i32 to index
        %get3A_1807 = arith.constant 64 : index
        %get3A_1808 = tpu.vector_load %arg8[%get3A_1805, %get3A_1806, %get3A_1807] {strides = array<i32>} : memref<2x200x128xf32, #tpu.memory_space<vmem>>, vector<1x1x16xf32>,
        %get3A_1809 = vector.shape_cast %get3A_1808 : vector<1x1x16xf32> to vector<16xf32>
        %select_n3A_1810 = arith.select %ne3A_1797, %get3A_1809, %get3A_1803 : vector<16xf32>
        %add3A_1811 = arith.addf %add3A_1747, %select_n3A_1810 : vector<16xf32>
        %get3A_1812 = arith.constant 0 : i32
        %get3A_1813 = arith.index_cast %get3A_1812 : i32 to index
        %get3A_1814 = arith.index_cast %add3A_1793 : i32 to index
        %get3A_1815 = arith.constant 16 : index
        %get3A_1816 = tpu.vector_load %arg8[%get3A_1813, %get3A_1814, %get3A_1815] {strides = array<i32>} : memref<2x200x128xf32, #tpu.memory_space<vmem>>, vector<1x1x16xf32>,
        %get3A_1817 = vector.shape_cast %get3A_1816 : vector<1x1x16xf32> to vector<16xf32>
        %get3A_1818 = arith.constant 0 : i32
        %get3A_1819 = arith.index_cast %get3A_1818 : i32 to index
        %get3A_1820 = arith.index_cast %add3A_1793 : i32 to index
        %get3A_1821 = arith.constant 80 : index
        %get3A_1822 = tpu.vector_load %arg8[%get3A_1819, %get3A_1820, %get3A_1821] {strides = array<i32>} : memref<2x200x128xf32, #tpu.memory_space<vmem>>, vector<1x1x16xf32>,
        %get3A_1823 = vector.shape_cast %get3A_1822 : vector<1x1x16xf32> to vector<16xf32>
        %select_n3A_1824 = arith.select %ne3A_1797, %get3A_1823, %get3A_1817 : vector<16xf32>
        %add3A_1825 = arith.addf %add3A_1761, %select_n3A_1824 : vector<16xf32>
        %get3A_1826 = arith.constant 0 : i32
        %get3A_1827 = arith.index_cast %get3A_1826 : i32 to index
        %get3A_1828 = arith.index_cast %add3A_1793 : i32 to index
        %get3A_1829 = arith.constant 32 : index
        %get3A_1830 = tpu.vector_load %arg8[%get3A_1827, %get3A_1828, %get3A_1829] {strides = array<i32>} : memref<2x200x128xf32, #tpu.memory_space<vmem>>, vector<1x1x16xf32>,
        %get3A_1831 = vector.shape_cast %get3A_1830 : vector<1x1x16xf32> to vector<16xf32>
        %get3A_1832 = arith.constant 0 : i32
        %get3A_1833 = arith.index_cast %get3A_1832 : i32 to index
        %get3A_1834 = arith.index_cast %add3A_1793 : i32 to index
        %get3A_1835 = arith.constant 96 : index
        %get3A_1836 = tpu.vector_load %arg8[%get3A_1833, %get3A_1834, %get3A_1835] {strides = array<i32>} : memref<2x200x128xf32, #tpu.memory_space<vmem>>, vector<1x1x16xf32>,
        %get3A_1837 = vector.shape_cast %get3A_1836 : vector<1x1x16xf32> to vector<16xf32>
        %select_n3A_1838 = arith.select %ne3A_1797, %get3A_1837, %get3A_1831 : vector<16xf32>
        %add3A_1839 = arith.addf %add3A_1775, %select_n3A_1838 : vector<16xf32>
        %get3A_1840 = arith.constant 0 : i32
        %get3A_1841 = arith.index_cast %get3A_1840 : i32 to index
        %get3A_1842 = arith.index_cast %add3A_1793 : i32 to index
        %get3A_1843 = arith.constant 48 : index
        %get3A_1844 = tpu.vector_load %arg8[%get3A_1841, %get3A_1842, %get3A_1843] {strides = array<i32>} : memref<2x200x128xf32, #tpu.memory_space<vmem>>, vector<1x1x16xf32>,
        %get3A_1845 = vector.shape_cast %get3A_1844 : vector<1x1x16xf32> to vector<16xf32>
        %get3A_1846 = arith.constant 0 : i32
        %get3A_1847 = arith.index_cast %get3A_1846 : i32 to index
        %get3A_1848 = arith.index_cast %add3A_1793 : i32 to index
        %get3A_1849 = arith.constant 112 : index
        %get3A_1850 = tpu.vector_load %arg8[%get3A_1847, %get3A_1848, %get3A_1849] {strides = array<i32>} : memref<2x200x128xf32, #tpu.memory_space<vmem>>, vector<1x1x16xf32>,
        %get3A_1851 = vector.shape_cast %get3A_1850 : vector<1x1x16xf32> to vector<16xf32>
        %select_n3A_1852 = arith.select %ne3A_1797, %get3A_1851, %get3A_1845 : vector<16xf32>
        %add3A_1853 = arith.addf %add3A_1789, %select_n3A_1852 : vector<16xf32>
        %mul3A_1854 = arith.constant 16 : i32
        %mul3A_1855 = arith.muli %scan3A_1329, %mul3A_1854 : i32
        %add3A_1856 = arith.constant 8 : i32
        %add3A_1857 = arith.addi %mul3A_1855, %add3A_1856 : i32
        %slice3A_1858 = vector.extract_strided_slice %get3A_1341 {offsets = [8], sizes = [1], strides = [1]} : vector<16xi32> to vector<1xi32>
        %squeeze3A_1859 = vector.extract %slice3A_1858[0] : i32 from vector<1xi32>
        %ne3A_1860 = arith.constant 0 : i32
        %ne3A_1861 = arith.cmpi ne, %squeeze3A_1859, %ne3A_1860 : i32
        %get3A_1862 = arith.constant 0 : i32
        %get3A_1863 = arith.index_cast %get3A_1862 : i32 to index
        %get3A_1864 = arith.index_cast %add3A_1857 : i32 to index
        %get3A_1865 = arith.constant 0 : index
        %get3A_1866 = tpu.vector_load %arg8[%get3A_1863, %get3A_1864, %get3A_1865] {strides = array<i32>} : memref<2x200x128xf32, #tpu.memory_space<vmem>>, vector<1x1x16xf32>,
        %get3A_1867 = vector.shape_cast %get3A_1866 : vector<1x1x16xf32> to vector<16xf32>
        %get3A_1868 = arith.constant 0 : i32
        %get3A_1869 = arith.index_cast %get3A_1868 : i32 to index
        %get3A_1870 = arith.index_cast %add3A_1857 : i32 to index
        %get3A_1871 = arith.constant 64 : index
        %get3A_1872 = tpu.vector_load %arg8[%get3A_1869, %get3A_1870, %get3A_1871] {strides = array<i32>} : memref<2x200x128xf32, #tpu.memory_space<vmem>>, vector<1x1x16xf32>,
        %get3A_1873 = vector.shape_cast %get3A_1872 : vector<1x1x16xf32> to vector<16xf32>
        %select_n3A_1874 = arith.select %ne3A_1861, %get3A_1873, %get3A_1867 : vector<16xf32>
        %add3A_1875 = arith.addf %add3A_1811, %select_n3A_1874 : vector<16xf32>
        %get3A_1876 = arith.constant 0 : i32
        %get3A_1877 = arith.index_cast %get3A_1876 : i32 to index
        %get3A_1878 = arith.index_cast %add3A_1857 : i32 to index
        %get3A_1879 = arith.constant 16 : index
        %get3A_1880 = tpu.vector_load %arg8[%get3A_1877, %get3A_1878, %get3A_1879] {strides = array<i32>} : memref<2x200x128xf32, #tpu.memory_space<vmem>>, vector<1x1x16xf32>,
        %get3A_1881 = vector.shape_cast %get3A_1880 : vector<1x1x16xf32> to vector<16xf32>
        %get3A_1882 = arith.constant 0 : i32
        %get3A_1883 = arith.index_cast %get3A_1882 : i32 to index
        %get3A_1884 = arith.index_cast %add3A_1857 : i32 to index
        %get3A_1885 = arith.constant 80 : index
        %get3A_1886 = tpu.vector_load %arg8[%get3A_1883, %get3A_1884, %get3A_1885] {strides = array<i32>} : memref<2x200x128xf32, #tpu.memory_space<vmem>>, vector<1x1x16xf32>,
        %get3A_1887 = vector.shape_cast %get3A_1886 : vector<1x1x16xf32> to vector<16xf32>
        %select_n3A_1888 = arith.select %ne3A_1861, %get3A_1887, %get3A_1881 : vector<16xf32>
        %add3A_1889 = arith.addf %add3A_1825, %select_n3A_1888 : vector<16xf32>
        %get3A_1890 = arith.constant 0 : i32
        %get3A_1891 = arith.index_cast %get3A_1890 : i32 to index
        %get3A_1892 = arith.index_cast %add3A_1857 : i32 to index
        %get3A_1893 = arith.constant 32 : index
        %get3A_1894 = tpu.vector_load %arg8[%get3A_1891, %get3A_1892, %get3A_1893] {strides = array<i32>} : memref<2x200x128xf32, #tpu.memory_space<vmem>>, vector<1x1x16xf32>,
        %get3A_1895 = vector.shape_cast %get3A_1894 : vector<1x1x16xf32> to vector<16xf32>
        %get3A_1896 = arith.constant 0 : i32
        %get3A_1897 = arith.index_cast %get3A_1896 : i32 to index
        %get3A_1898 = arith.index_cast %add3A_1857 : i32 to index
        %get3A_1899 = arith.constant 96 : index
        %get3A_1900 = tpu.vector_load %arg8[%get3A_1897, %get3A_1898, %get3A_1899] {strides = array<i32>} : memref<2x200x128xf32, #tpu.memory_space<vmem>>, vector<1x1x16xf32>,
        %get3A_1901 = vector.shape_cast %get3A_1900 : vector<1x1x16xf32> to vector<16xf32>
        %select_n3A_1902 = arith.select %ne3A_1861, %get3A_1901, %get3A_1895 : vector<16xf32>
        %add3A_1903 = arith.addf %add3A_1839, %select_n3A_1902 : vector<16xf32>
        %get3A_1904 = arith.constant 0 : i32
        %get3A_1905 = arith.index_cast %get3A_1904 : i32 to index
        %get3A_1906 = arith.index_cast %add3A_1857 : i32 to index
        %get3A_1907 = arith.constant 48 : index
        %get3A_1908 = tpu.vector_load %arg8[%get3A_1905, %get3A_1906, %get3A_1907] {strides = array<i32>} : memref<2x200x128xf32, #tpu.memory_space<vmem>>, vector<1x1x16xf32>,
        %get3A_1909 = vector.shape_cast %get3A_1908 : vector<1x1x16xf32> to vector<16xf32>
        %get3A_1910 = arith.constant 0 : i32
        %get3A_1911 = arith.index_cast %get3A_1910 : i32 to index
        %get3A_1912 = arith.index_cast %add3A_1857 : i32 to index
        %get3A_1913 = arith.constant 112 : index
        %get3A_1914 = tpu.vector_load %arg8[%get3A_1911, %get3A_1912, %get3A_1913] {strides = array<i32>} : memref<2x200x128xf32, #tpu.memory_space<vmem>>, vector<1x1x16xf32>,
        %get3A_1915 = vector.shape_cast %get3A_1914 : vector<1x1x16xf32> to vector<16xf32>
        %select_n3A_1916 = arith.select %ne3A_1861, %get3A_1915, %get3A_1909 : vector<16xf32>
        %add3A_1917 = arith.addf %add3A_1853, %select_n3A_1916 : vector<16xf32>
        %mul3A_1918 = arith.constant 16 : i32
        %mul3A_1919 = arith.muli %scan3A_1329, %mul3A_1918 : i32
        %add3A_1920 = arith.constant 9 : i32
        %add3A_1921 = arith.addi %mul3A_1919, %add3A_1920 : i32
        %slice3A_1922 = vector.extract_strided_slice %get3A_1341 {offsets = [9], sizes = [1], strides = [1]} : vector<16xi32> to vector<1xi32>
        %squeeze3A_1923 = vector.extract %slice3A_1922[0] : i32 from vector<1xi32>
        %ne3A_1924 = arith.constant 0 : i32
        %ne3A_1925 = arith.cmpi ne, %squeeze3A_1923, %ne3A_1924 : i32
        %get3A_1926 = arith.constant 0 : i32
        %get3A_1927 = arith.index_cast %get3A_1926 : i32 to index
        %get3A_1928 = arith.index_cast %add3A_1921 : i32 to index
        %get3A_1929 = arith.constant 0 : index
        %get3A_1930 = tpu.vector_load %arg8[%get3A_1927, %get3A_1928, %get3A_1929] {strides = array<i32>} : memref<2x200x128xf32, #tpu.memory_space<vmem>>, vector<1x1x16xf32>,
        %get3A_1931 = vector.shape_cast %get3A_1930 : vector<1x1x16xf32> to vector<16xf32>
        %get3A_1932 = arith.constant 0 : i32
        %get3A_1933 = arith.index_cast %get3A_1932 : i32 to index
        %get3A_1934 = arith.index_cast %add3A_1921 : i32 to index
        %get3A_1935 = arith.constant 64 : index
        %get3A_1936 = tpu.vector_load %arg8[%get3A_1933, %get3A_1934, %get3A_1935] {strides = array<i32>} : memref<2x200x128xf32, #tpu.memory_space<vmem>>, vector<1x1x16xf32>,
        %get3A_1937 = vector.shape_cast %get3A_1936 : vector<1x1x16xf32> to vector<16xf32>
        %select_n3A_1938 = arith.select %ne3A_1925, %get3A_1937, %get3A_1931 : vector<16xf32>
        %add3A_1939 = arith.addf %add3A_1875, %select_n3A_1938 : vector<16xf32>
        %get3A_1940 = arith.constant 0 : i32
        %get3A_1941 = arith.index_cast %get3A_1940 : i32 to index
        %get3A_1942 = arith.index_cast %add3A_1921 : i32 to index
        %get3A_1943 = arith.constant 16 : index
        %get3A_1944 = tpu.vector_load %arg8[%get3A_1941, %get3A_1942, %get3A_1943] {strides = array<i32>} : memref<2x200x128xf32, #tpu.memory_space<vmem>>, vector<1x1x16xf32>,
        %get3A_1945 = vector.shape_cast %get3A_1944 : vector<1x1x16xf32> to vector<16xf32>
        %get3A_1946 = arith.constant 0 : i32
        %get3A_1947 = arith.index_cast %get3A_1946 : i32 to index
        %get3A_1948 = arith.index_cast %add3A_1921 : i32 to index
        %get3A_1949 = arith.constant 80 : index
        %get3A_1950 = tpu.vector_load %arg8[%get3A_1947, %get3A_1948, %get3A_1949] {strides = array<i32>} : memref<2x200x128xf32, #tpu.memory_space<vmem>>, vector<1x1x16xf32>,
        %get3A_1951 = vector.shape_cast %get3A_1950 : vector<1x1x16xf32> to vector<16xf32>
        %select_n3A_1952 = arith.select %ne3A_1925, %get3A_1951, %get3A_1945 : vector<16xf32>
        %add3A_1953 = arith.addf %add3A_1889, %select_n3A_1952 : vector<16xf32>
        %get3A_1954 = arith.constant 0 : i32
        %get3A_1955 = arith.index_cast %get3A_1954 : i32 to index
        %get3A_1956 = arith.index_cast %add3A_1921 : i32 to index
        %get3A_1957 = arith.constant 32 : index
        %get3A_1958 = tpu.vector_load %arg8[%get3A_1955, %get3A_1956, %get3A_1957] {strides = array<i32>} : memref<2x200x128xf32, #tpu.memory_space<vmem>>, vector<1x1x16xf32>,
        %get3A_1959 = vector.shape_cast %get3A_1958 : vector<1x1x16xf32> to vector<16xf32>
        %get3A_1960 = arith.constant 0 : i32
        %get3A_1961 = arith.index_cast %get3A_1960 : i32 to index
        %get3A_1962 = arith.index_cast %add3A_1921 : i32 to index
        %get3A_1963 = arith.constant 96 : index
        %get3A_1964 = tpu.vector_load %arg8[%get3A_1961, %get3A_1962, %get3A_1963] {strides = array<i32>} : memref<2x200x128xf32, #tpu.memory_space<vmem>>, vector<1x1x16xf32>,
        %get3A_1965 = vector.shape_cast %get3A_1964 : vector<1x1x16xf32> to vector<16xf32>
        %select_n3A_1966 = arith.select %ne3A_1925, %get3A_1965, %get3A_1959 : vector<16xf32>
        %add3A_1967 = arith.addf %add3A_1903, %select_n3A_1966 : vector<16xf32>
        %get3A_1968 = arith.constant 0 : i32
        %get3A_1969 = arith.index_cast %get3A_1968 : i32 to index
        %get3A_1970 = arith.index_cast %add3A_1921 : i32 to index
        %get3A_1971 = arith.constant 48 : index
        %get3A_1972 = tpu.vector_load %arg8[%get3A_1969, %get3A_1970, %get3A_1971] {strides = array<i32>} : memref<2x200x128xf32, #tpu.memory_space<vmem>>, vector<1x1x16xf32>,
        %get3A_1973 = vector.shape_cast %get3A_1972 : vector<1x1x16xf32> to vector<16xf32>
        %get3A_1974 = arith.constant 0 : i32
        %get3A_1975 = arith.index_cast %get3A_1974 : i32 to index
        %get3A_1976 = arith.index_cast %add3A_1921 : i32 to index
        %get3A_1977 = arith.constant 112 : index
        %get3A_1978 = tpu.vector_load %arg8[%get3A_1975, %get3A_1976, %get3A_1977] {strides = array<i32>} : memref<2x200x128xf32, #tpu.memory_space<vmem>>, vector<1x1x16xf32>,
        %get3A_1979 = vector.shape_cast %get3A_1978 : vector<1x1x16xf32> to vector<16xf32>
        %select_n3A_1980 = arith.select %ne3A_1925, %get3A_1979, %get3A_1973 : vector<16xf32>
        %add3A_1981 = arith.addf %add3A_1917, %select_n3A_1980 : vector<16xf32>
        %mul3A_1982 = arith.constant 16 : i32
        %mul3A_1983 = arith.muli %scan3A_1329, %mul3A_1982 : i32
        %add3A_1984 = arith.constant 10 : i32
        %add3A_1985 = arith.addi %mul3A_1983, %add3A_1984 : i32
        %slice3A_1986 = vector.extract_strided_slice %get3A_1341 {offsets = [10], sizes = [1], strides = [1]} : vector<16xi32> to vector<1xi32>
        %squeeze3A_1987 = vector.extract %slice3A_1986[0] : i32 from vector<1xi32>
        %ne3A_1988 = arith.constant 0 : i32
        %ne3A_1989 = arith.cmpi ne, %squeeze3A_1987, %ne3A_1988 : i32
        %get3A_1990 = arith.constant 0 : i32
        %get3A_1991 = arith.index_cast %get3A_1990 : i32 to index
        %get3A_1992 = arith.index_cast %add3A_1985 : i32 to index
        %get3A_1993 = arith.constant 0 : index
        %get3A_1994 = tpu.vector_load %arg8[%get3A_1991, %get3A_1992, %get3A_1993] {strides = array<i32>} : memref<2x200x128xf32, #tpu.memory_space<vmem>>, vector<1x1x16xf32>,
        %get3A_1995 = vector.shape_cast %get3A_1994 : vector<1x1x16xf32> to vector<16xf32>
        %get3A_1996 = arith.constant 0 : i32
        %get3A_1997 = arith.index_cast %get3A_1996 : i32 to index
        %get3A_1998 = arith.index_cast %add3A_1985 : i32 to index
        %get3A_1999 = arith.constant 64 : index
        %get3A_2000 = tpu.vector_load %arg8[%get3A_1997, %get3A_1998, %get3A_1999] {strides = array<i32>} : memref<2x200x128xf32, #tpu.memory_space<vmem>>, vector<1x1x16xf32>,
        %get3A_2001 = vector.shape_cast %get3A_2000 : vector<1x1x16xf32> to vector<16xf32>
        %select_n3A_2002 = arith.select %ne3A_1989, %get3A_2001, %get3A_1995 : vector<16xf32>
        %add3A_2003 = arith.addf %add3A_1939, %select_n3A_2002 : vector<16xf32>
        %get3A_2004 = arith.constant 0 : i32
        %get3A_2005 = arith.index_cast %get3A_2004 : i32 to index
        %get3A_2006 = arith.index_cast %add3A_1985 : i32 to index
        %get3A_2007 = arith.constant 16 : index
        %get3A_2008 = tpu.vector_load %arg8[%get3A_2005, %get3A_2006, %get3A_2007] {strides = array<i32>} : memref<2x200x128xf32, #tpu.memory_space<vmem>>, vector<1x1x16xf32>,
        %get3A_2009 = vector.shape_cast %get3A_2008 : vector<1x1x16xf32> to vector<16xf32>
        %get3A_2010 = arith.constant 0 : i32
        %get3A_2011 = arith.index_cast %get3A_2010 : i32 to index
        %get3A_2012 = arith.index_cast %add3A_1985 : i32 to index
        %get3A_2013 = arith.constant 80 : index
        %get3A_2014 = tpu.vector_load %arg8[%get3A_2011, %get3A_2012, %get3A_2013] {strides = array<i32>} : memref<2x200x128xf32, #tpu.memory_space<vmem>>, vector<1x1x16xf32>,
        %get3A_2015 = vector.shape_cast %get3A_2014 : vector<1x1x16xf32> to vector<16xf32>
        %select_n3A_2016 = arith.select %ne3A_1989, %get3A_2015, %get3A_2009 : vector<16xf32>
        %add3A_2017 = arith.addf %add3A_1953, %select_n3A_2016 : vector<16xf32>
        %get3A_2018 = arith.constant 0 : i32
        %get3A_2019 = arith.index_cast %get3A_2018 : i32 to index
        %get3A_2020 = arith.index_cast %add3A_1985 : i32 to index
        %get3A_2021 = arith.constant 32 : index
        %get3A_2022 = tpu.vector_load %arg8[%get3A_2019, %get3A_2020, %get3A_2021] {strides = array<i32>} : memref<2x200x128xf32, #tpu.memory_space<vmem>>, vector<1x1x16xf32>,
        %get3A_2023 = vector.shape_cast %get3A_2022 : vector<1x1x16xf32> to vector<16xf32>
        %get3A_2024 = arith.constant 0 : i32
        %get3A_2025 = arith.index_cast %get3A_2024 : i32 to index
        %get3A_2026 = arith.index_cast %add3A_1985 : i32 to index
        %get3A_2027 = arith.constant 96 : index
        %get3A_2028 = tpu.vector_load %arg8[%get3A_2025, %get3A_2026, %get3A_2027] {strides = array<i32>} : memref<2x200x128xf32, #tpu.memory_space<vmem>>, vector<1x1x16xf32>,
        %get3A_2029 = vector.shape_cast %get3A_2028 : vector<1x1x16xf32> to vector<16xf32>
        %select_n3A_2030 = arith.select %ne3A_1989, %get3A_2029, %get3A_2023 : vector<16xf32>
        %add3A_2031 = arith.addf %add3A_1967, %select_n3A_2030 : vector<16xf32>
        %get3A_2032 = arith.constant 0 : i32
        %get3A_2033 = arith.index_cast %get3A_2032 : i32 to index
        %get3A_2034 = arith.index_cast %add3A_1985 : i32 to index
        %get3A_2035 = arith.constant 48 : index
        %get3A_2036 = tpu.vector_load %arg8[%get3A_2033, %get3A_2034, %get3A_2035] {strides = array<i32>} : memref<2x200x128xf32, #tpu.memory_space<vmem>>, vector<1x1x16xf32>,
        %get3A_2037 = vector.shape_cast %get3A_2036 : vector<1x1x16xf32> to vector<16xf32>
        %get3A_2038 = arith.constant 0 : i32
        %get3A_2039 = arith.index_cast %get3A_2038 : i32 to index
        %get3A_2040 = arith.index_cast %add3A_1985 : i32 to index
        %get3A_2041 = arith.constant 112 : index
        %get3A_2042 = tpu.vector_load %arg8[%get3A_2039, %get3A_2040, %get3A_2041] {strides = array<i32>} : memref<2x200x128xf32, #tpu.memory_space<vmem>>, vector<1x1x16xf32>,
        %get3A_2043 = vector.shape_cast %get3A_2042 : vector<1x1x16xf32> to vector<16xf32>
        %select_n3A_2044 = arith.select %ne3A_1989, %get3A_2043, %get3A_2037 : vector<16xf32>
        %add3A_2045 = arith.addf %add3A_1981, %select_n3A_2044 : vector<16xf32>
        %mul3A_2046 = arith.constant 16 : i32
        %mul3A_2047 = arith.muli %scan3A_1329, %mul3A_2046 : i32
        %add3A_2048 = arith.constant 11 : i32
        %add3A_2049 = arith.addi %mul3A_2047, %add3A_2048 : i32
        %slice3A_2050 = vector.extract_strided_slice %get3A_1341 {offsets = [11], sizes = [1], strides = [1]} : vector<16xi32> to vector<1xi32>
        %squeeze3A_2051 = vector.extract %slice3A_2050[0] : i32 from vector<1xi32>
        %ne3A_2052 = arith.constant 0 : i32
        %ne3A_2053 = arith.cmpi ne, %squeeze3A_2051, %ne3A_2052 : i32
        %get3A_2054 = arith.constant 0 : i32
        %get3A_2055 = arith.index_cast %get3A_2054 : i32 to index
        %get3A_2056 = arith.index_cast %add3A_2049 : i32 to index
        %get3A_2057 = arith.constant 0 : index
        %get3A_2058 = tpu.vector_load %arg8[%get3A_2055, %get3A_2056, %get3A_2057] {strides = array<i32>} : memref<2x200x128xf32, #tpu.memory_space<vmem>>, vector<1x1x16xf32>,
        %get3A_2059 = vector.shape_cast %get3A_2058 : vector<1x1x16xf32> to vector<16xf32>
        %get3A_2060 = arith.constant 0 : i32
        %get3A_2061 = arith.index_cast %get3A_2060 : i32 to index
        %get3A_2062 = arith.index_cast %add3A_2049 : i32 to index
        %get3A_2063 = arith.constant 64 : index
        %get3A_2064 = tpu.vector_load %arg8[%get3A_2061, %get3A_2062, %get3A_2063] {strides = array<i32>} : memref<2x200x128xf32, #tpu.memory_space<vmem>>, vector<1x1x16xf32>,
        %get3A_2065 = vector.shape_cast %get3A_2064 : vector<1x1x16xf32> to vector<16xf32>
        %select_n3A_2066 = arith.select %ne3A_2053, %get3A_2065, %get3A_2059 : vector<16xf32>
        %add3A_2067 = arith.addf %add3A_2003, %select_n3A_2066 : vector<16xf32>
        %get3A_2068 = arith.constant 0 : i32
        %get3A_2069 = arith.index_cast %get3A_2068 : i32 to index
        %get3A_2070 = arith.index_cast %add3A_2049 : i32 to index
        %get3A_2071 = arith.constant 16 : index
        %get3A_2072 = tpu.vector_load %arg8[%get3A_2069, %get3A_2070, %get3A_2071] {strides = array<i32>} : memref<2x200x128xf32, #tpu.memory_space<vmem>>, vector<1x1x16xf32>,
        %get3A_2073 = vector.shape_cast %get3A_2072 : vector<1x1x16xf32> to vector<16xf32>
        %get3A_2074 = arith.constant 0 : i32
        %get3A_2075 = arith.index_cast %get3A_2074 : i32 to index
        %get3A_2076 = arith.index_cast %add3A_2049 : i32 to index
        %get3A_2077 = arith.constant 80 : index
        %get3A_2078 = tpu.vector_load %arg8[%get3A_2075, %get3A_2076, %get3A_2077] {strides = array<i32>} : memref<2x200x128xf32, #tpu.memory_space<vmem>>, vector<1x1x16xf32>,
        %get3A_2079 = vector.shape_cast %get3A_2078 : vector<1x1x16xf32> to vector<16xf32>
        %select_n3A_2080 = arith.select %ne3A_2053, %get3A_2079, %get3A_2073 : vector<16xf32>
        %add3A_2081 = arith.addf %add3A_2017, %select_n3A_2080 : vector<16xf32>
        %get3A_2082 = arith.constant 0 : i32
        %get3A_2083 = arith.index_cast %get3A_2082 : i32 to index
        %get3A_2084 = arith.index_cast %add3A_2049 : i32 to index
        %get3A_2085 = arith.constant 32 : index
        %get3A_2086 = tpu.vector_load %arg8[%get3A_2083, %get3A_2084, %get3A_2085] {strides = array<i32>} : memref<2x200x128xf32, #tpu.memory_space<vmem>>, vector<1x1x16xf32>,
        %get3A_2087 = vector.shape_cast %get3A_2086 : vector<1x1x16xf32> to vector<16xf32>
        %get3A_2088 = arith.constant 0 : i32
        %get3A_2089 = arith.index_cast %get3A_2088 : i32 to index
        %get3A_2090 = arith.index_cast %add3A_2049 : i32 to index
        %get3A_2091 = arith.constant 96 : index
        %get3A_2092 = tpu.vector_load %arg8[%get3A_2089, %get3A_2090, %get3A_2091] {strides = array<i32>} : memref<2x200x128xf32, #tpu.memory_space<vmem>>, vector<1x1x16xf32>,
        %get3A_2093 = vector.shape_cast %get3A_2092 : vector<1x1x16xf32> to vector<16xf32>
        %select_n3A_2094 = arith.select %ne3A_2053, %get3A_2093, %get3A_2087 : vector<16xf32>
        %add3A_2095 = arith.addf %add3A_2031, %select_n3A_2094 : vector<16xf32>
        %get3A_2096 = arith.constant 0 : i32
        %get3A_2097 = arith.index_cast %get3A_2096 : i32 to index
        %get3A_2098 = arith.index_cast %add3A_2049 : i32 to index
        %get3A_2099 = arith.constant 48 : index
        %get3A_2100 = tpu.vector_load %arg8[%get3A_2097, %get3A_2098, %get3A_2099] {strides = array<i32>} : memref<2x200x128xf32, #tpu.memory_space<vmem>>, vector<1x1x16xf32>,
        %get3A_2101 = vector.shape_cast %get3A_2100 : vector<1x1x16xf32> to vector<16xf32>
        %get3A_2102 = arith.constant 0 : i32
        %get3A_2103 = arith.index_cast %get3A_2102 : i32 to index
        %get3A_2104 = arith.index_cast %add3A_2049 : i32 to index
        %get3A_2105 = arith.constant 112 : index
        %get3A_2106 = tpu.vector_load %arg8[%get3A_2103, %get3A_2104, %get3A_2105] {strides = array<i32>} : memref<2x200x128xf32, #tpu.memory_space<vmem>>, vector<1x1x16xf32>,
        %get3A_2107 = vector.shape_cast %get3A_2106 : vector<1x1x16xf32> to vector<16xf32>
        %select_n3A_2108 = arith.select %ne3A_2053, %get3A_2107, %get3A_2101 : vector<16xf32>
        %add3A_2109 = arith.addf %add3A_2045, %select_n3A_2108 : vector<16xf32>
        %mul3A_2110 = arith.constant 16 : i32
        %mul3A_2111 = arith.muli %scan3A_1329, %mul3A_2110 : i32
        %add3A_2112 = arith.constant 12 : i32
        %add3A_2113 = arith.addi %mul3A_2111, %add3A_2112 : i32
        %slice3A_2114 = vector.extract_strided_slice %get3A_1341 {offsets = [12], sizes = [1], strides = [1]} : vector<16xi32> to vector<1xi32>
        %squeeze3A_2115 = vector.extract %slice3A_2114[0] : i32 from vector<1xi32>
        %ne3A_2116 = arith.constant 0 : i32
        %ne3A_2117 = arith.cmpi ne, %squeeze3A_2115, %ne3A_2116 : i32
        %get3A_2118 = arith.constant 0 : i32
        %get3A_2119 = arith.index_cast %get3A_2118 : i32 to index
        %get3A_2120 = arith.index_cast %add3A_2113 : i32 to index
        %get3A_2121 = arith.constant 0 : index
        %get3A_2122 = tpu.vector_load %arg8[%get3A_2119, %get3A_2120, %get3A_2121] {strides = array<i32>} : memref<2x200x128xf32, #tpu.memory_space<vmem>>, vector<1x1x16xf32>,
        %get3A_2123 = vector.shape_cast %get3A_2122 : vector<1x1x16xf32> to vector<16xf32>
        %get3A_2124 = arith.constant 0 : i32
        %get3A_2125 = arith.index_cast %get3A_2124 : i32 to index
        %get3A_2126 = arith.index_cast %add3A_2113 : i32 to index
        %get3A_2127 = arith.constant 64 : index
        %get3A_2128 = tpu.vector_load %arg8[%get3A_2125, %get3A_2126, %get3A_2127] {strides = array<i32>} : memref<2x200x128xf32, #tpu.memory_space<vmem>>, vector<1x1x16xf32>,
        %get3A_2129 = vector.shape_cast %get3A_2128 : vector<1x1x16xf32> to vector<16xf32>
        %select_n3A_2130 = arith.select %ne3A_2117, %get3A_2129, %get3A_2123 : vector<16xf32>
        %add3A_2131 = arith.addf %add3A_2067, %select_n3A_2130 : vector<16xf32>
        %get3A_2132 = arith.constant 0 : i32
        %get3A_2133 = arith.index_cast %get3A_2132 : i32 to index
        %get3A_2134 = arith.index_cast %add3A_2113 : i32 to index
        %get3A_2135 = arith.constant 16 : index
        %get3A_2136 = tpu.vector_load %arg8[%get3A_2133, %get3A_2134, %get3A_2135] {strides = array<i32>} : memref<2x200x128xf32, #tpu.memory_space<vmem>>, vector<1x1x16xf32>,
        %get3A_2137 = vector.shape_cast %get3A_2136 : vector<1x1x16xf32> to vector<16xf32>
        %get3A_2138 = arith.constant 0 : i32
        %get3A_2139 = arith.index_cast %get3A_2138 : i32 to index
        %get3A_2140 = arith.index_cast %add3A_2113 : i32 to index
        %get3A_2141 = arith.constant 80 : index
        %get3A_2142 = tpu.vector_load %arg8[%get3A_2139, %get3A_2140, %get3A_2141] {strides = array<i32>} : memref<2x200x128xf32, #tpu.memory_space<vmem>>, vector<1x1x16xf32>,
        %get3A_2143 = vector.shape_cast %get3A_2142 : vector<1x1x16xf32> to vector<16xf32>
        %select_n3A_2144 = arith.select %ne3A_2117, %get3A_2143, %get3A_2137 : vector<16xf32>
        %add3A_2145 = arith.addf %add3A_2081, %select_n3A_2144 : vector<16xf32>
        %get3A_2146 = arith.constant 0 : i32
        %get3A_2147 = arith.index_cast %get3A_2146 : i32 to index
        %get3A_2148 = arith.index_cast %add3A_2113 : i32 to index
        %get3A_2149 = arith.constant 32 : index
        %get3A_2150 = tpu.vector_load %arg8[%get3A_2147, %get3A_2148, %get3A_2149] {strides = array<i32>} : memref<2x200x128xf32, #tpu.memory_space<vmem>>, vector<1x1x16xf32>,
        %get3A_2151 = vector.shape_cast %get3A_2150 : vector<1x1x16xf32> to vector<16xf32>
        %get3A_2152 = arith.constant 0 : i32
        %get3A_2153 = arith.index_cast %get3A_2152 : i32 to index
        %get3A_2154 = arith.index_cast %add3A_2113 : i32 to index
        %get3A_2155 = arith.constant 96 : index
        %get3A_2156 = tpu.vector_load %arg8[%get3A_2153, %get3A_2154, %get3A_2155] {strides = array<i32>} : memref<2x200x128xf32, #tpu.memory_space<vmem>>, vector<1x1x16xf32>,
        %get3A_2157 = vector.shape_cast %get3A_2156 : vector<1x1x16xf32> to vector<16xf32>
        %select_n3A_2158 = arith.select %ne3A_2117, %get3A_2157, %get3A_2151 : vector<16xf32>
        %add3A_2159 = arith.addf %add3A_2095, %select_n3A_2158 : vector<16xf32>
        %get3A_2160 = arith.constant 0 : i32
        %get3A_2161 = arith.index_cast %get3A_2160 : i32 to index
        %get3A_2162 = arith.index_cast %add3A_2113 : i32 to index
        %get3A_2163 = arith.constant 48 : index
        %get3A_2164 = tpu.vector_load %arg8[%get3A_2161, %get3A_2162, %get3A_2163] {strides = array<i32>} : memref<2x200x128xf32, #tpu.memory_space<vmem>>, vector<1x1x16xf32>,
        %get3A_2165 = vector.shape_cast %get3A_2164 : vector<1x1x16xf32> to vector<16xf32>
        %get3A_2166 = arith.constant 0 : i32
        %get3A_2167 = arith.index_cast %get3A_2166 : i32 to index
        %get3A_2168 = arith.index_cast %add3A_2113 : i32 to index
        %get3A_2169 = arith.constant 112 : index
        %get3A_2170 = tpu.vector_load %arg8[%get3A_2167, %get3A_2168, %get3A_2169] {strides = array<i32>} : memref<2x200x128xf32, #tpu.memory_space<vmem>>, vector<1x1x16xf32>,
        %get3A_2171 = vector.shape_cast %get3A_2170 : vector<1x1x16xf32> to vector<16xf32>
        %select_n3A_2172 = arith.select %ne3A_2117, %get3A_2171, %get3A_2165 : vector<16xf32>
        %add3A_2173 = arith.addf %add3A_2109, %select_n3A_2172 : vector<16xf32>
        %mul3A_2174 = arith.constant 16 : i32
        %mul3A_2175 = arith.muli %scan3A_1329, %mul3A_2174 : i32
        %add3A_2176 = arith.constant 13 : i32
        %add3A_2177 = arith.addi %mul3A_2175, %add3A_2176 : i32
        %slice3A_2178 = vector.extract_strided_slice %get3A_1341 {offsets = [13], sizes = [1], strides = [1]} : vector<16xi32> to vector<1xi32>
        %squeeze3A_2179 = vector.extract %slice3A_2178[0] : i32 from vector<1xi32>
        %ne3A_2180 = arith.constant 0 : i32
        %ne3A_2181 = arith.cmpi ne, %squeeze3A_2179, %ne3A_2180 : i32
        %get3A_2182 = arith.constant 0 : i32
        %get3A_2183 = arith.index_cast %get3A_2182 : i32 to index
        %get3A_2184 = arith.index_cast %add3A_2177 : i32 to index
        %get3A_2185 = arith.constant 0 : index
        %get3A_2186 = tpu.vector_load %arg8[%get3A_2183, %get3A_2184, %get3A_2185] {strides = array<i32>} : memref<2x200x128xf32, #tpu.memory_space<vmem>>, vector<1x1x16xf32>,
        %get3A_2187 = vector.shape_cast %get3A_2186 : vector<1x1x16xf32> to vector<16xf32>
        %get3A_2188 = arith.constant 0 : i32
        %get3A_2189 = arith.index_cast %get3A_2188 : i32 to index
        %get3A_2190 = arith.index_cast %add3A_2177 : i32 to index
        %get3A_2191 = arith.constant 64 : index
        %get3A_2192 = tpu.vector_load %arg8[%get3A_2189, %get3A_2190, %get3A_2191] {strides = array<i32>} : memref<2x200x128xf32, #tpu.memory_space<vmem>>, vector<1x1x16xf32>,
        %get3A_2193 = vector.shape_cast %get3A_2192 : vector<1x1x16xf32> to vector<16xf32>
        %select_n3A_2194 = arith.select %ne3A_2181, %get3A_2193, %get3A_2187 : vector<16xf32>
        %add3A_2195 = arith.addf %add3A_2131, %select_n3A_2194 : vector<16xf32>
        %get3A_2196 = arith.constant 0 : i32
        %get3A_2197 = arith.index_cast %get3A_2196 : i32 to index
        %get3A_2198 = arith.index_cast %add3A_2177 : i32 to index
        %get3A_2199 = arith.constant 16 : index
        %get3A_2200 = tpu.vector_load %arg8[%get3A_2197, %get3A_2198, %get3A_2199] {strides = array<i32>} : memref<2x200x128xf32, #tpu.memory_space<vmem>>, vector<1x1x16xf32>,
        %get3A_2201 = vector.shape_cast %get3A_2200 : vector<1x1x16xf32> to vector<16xf32>
        %get3A_2202 = arith.constant 0 : i32
        %get3A_2203 = arith.index_cast %get3A_2202 : i32 to index
        %get3A_2204 = arith.index_cast %add3A_2177 : i32 to index
        %get3A_2205 = arith.constant 80 : index
        %get3A_2206 = tpu.vector_load %arg8[%get3A_2203, %get3A_2204, %get3A_2205] {strides = array<i32>} : memref<2x200x128xf32, #tpu.memory_space<vmem>>, vector<1x1x16xf32>,
        %get3A_2207 = vector.shape_cast %get3A_2206 : vector<1x1x16xf32> to vector<16xf32>
        %select_n3A_2208 = arith.select %ne3A_2181, %get3A_2207, %get3A_2201 : vector<16xf32>
        %add3A_2209 = arith.addf %add3A_2145, %select_n3A_2208 : vector<16xf32>
        %get3A_2210 = arith.constant 0 : i32
        %get3A_2211 = arith.index_cast %get3A_2210 : i32 to index
        %get3A_2212 = arith.index_cast %add3A_2177 : i32 to index
        %get3A_2213 = arith.constant 32 : index
        %get3A_2214 = tpu.vector_load %arg8[%get3A_2211, %get3A_2212, %get3A_2213] {strides = array<i32>} : memref<2x200x128xf32, #tpu.memory_space<vmem>>, vector<1x1x16xf32>,
        %get3A_2215 = vector.shape_cast %get3A_2214 : vector<1x1x16xf32> to vector<16xf32>
        %get3A_2216 = arith.constant 0 : i32
        %get3A_2217 = arith.index_cast %get3A_2216 : i32 to index
        %get3A_2218 = arith.index_cast %add3A_2177 : i32 to index
        %get3A_2219 = arith.constant 96 : index
        %get3A_2220 = tpu.vector_load %arg8[%get3A_2217, %get3A_2218, %get3A_2219] {strides = array<i32>} : memref<2x200x128xf32, #tpu.memory_space<vmem>>, vector<1x1x16xf32>,
        %get3A_2221 = vector.shape_cast %get3A_2220 : vector<1x1x16xf32> to vector<16xf32>
        %select_n3A_2222 = arith.select %ne3A_2181, %get3A_2221, %get3A_2215 : vector<16xf32>
        %add3A_2223 = arith.addf %add3A_2159, %select_n3A_2222 : vector<16xf32>
        %get3A_2224 = arith.constant 0 : i32
        %get3A_2225 = arith.index_cast %get3A_2224 : i32 to index
        %get3A_2226 = arith.index_cast %add3A_2177 : i32 to index
        %get3A_2227 = arith.constant 48 : index
        %get3A_2228 = tpu.vector_load %arg8[%get3A_2225, %get3A_2226, %get3A_2227] {strides = array<i32>} : memref<2x200x128xf32, #tpu.memory_space<vmem>>, vector<1x1x16xf32>,
        %get3A_2229 = vector.shape_cast %get3A_2228 : vector<1x1x16xf32> to vector<16xf32>
        %get3A_2230 = arith.constant 0 : i32
        %get3A_2231 = arith.index_cast %get3A_2230 : i32 to index
        %get3A_2232 = arith.index_cast %add3A_2177 : i32 to index
        %get3A_2233 = arith.constant 112 : index
        %get3A_2234 = tpu.vector_load %arg8[%get3A_2231, %get3A_2232, %get3A_2233] {strides = array<i32>} : memref<2x200x128xf32, #tpu.memory_space<vmem>>, vector<1x1x16xf32>,
        %get3A_2235 = vector.shape_cast %get3A_2234 : vector<1x1x16xf32> to vector<16xf32>
        %select_n3A_2236 = arith.select %ne3A_2181, %get3A_2235, %get3A_2229 : vector<16xf32>
        %add3A_2237 = arith.addf %add3A_2173, %select_n3A_2236 : vector<16xf32>
        %mul3A_2238 = arith.constant 16 : i32
        %mul3A_2239 = arith.muli %scan3A_1329, %mul3A_2238 : i32
        %add3A_2240 = arith.constant 14 : i32
        %add3A_2241 = arith.addi %mul3A_2239, %add3A_2240 : i32
        %slice3A_2242 = vector.extract_strided_slice %get3A_1341 {offsets = [14], sizes = [1], strides = [1]} : vector<16xi32> to vector<1xi32>
        %squeeze3A_2243 = vector.extract %slice3A_2242[0] : i32 from vector<1xi32>
        %ne3A_2244 = arith.constant 0 : i32
        %ne3A_2245 = arith.cmpi ne, %squeeze3A_2243, %ne3A_2244 : i32
        %get3A_2246 = arith.constant 0 : i32
        %get3A_2247 = arith.index_cast %get3A_2246 : i32 to index
        %get3A_2248 = arith.index_cast %add3A_2241 : i32 to index
        %get3A_2249 = arith.constant 0 : index
        %get3A_2250 = tpu.vector_load %arg8[%get3A_2247, %get3A_2248, %get3A_2249] {strides = array<i32>} : memref<2x200x128xf32, #tpu.memory_space<vmem>>, vector<1x1x16xf32>,
        %get3A_2251 = vector.shape_cast %get3A_2250 : vector<1x1x16xf32> to vector<16xf32>
        %get3A_2252 = arith.constant 0 : i32
        %get3A_2253 = arith.index_cast %get3A_2252 : i32 to index
        %get3A_2254 = arith.index_cast %add3A_2241 : i32 to index
        %get3A_2255 = arith.constant 64 : index
        %get3A_2256 = tpu.vector_load %arg8[%get3A_2253, %get3A_2254, %get3A_2255] {strides = array<i32>} : memref<2x200x128xf32, #tpu.memory_space<vmem>>, vector<1x1x16xf32>,
        %get3A_2257 = vector.shape_cast %get3A_2256 : vector<1x1x16xf32> to vector<16xf32>
        %select_n3A_2258 = arith.select %ne3A_2245, %get3A_2257, %get3A_2251 : vector<16xf32>
        %add3A_2259 = arith.addf %add3A_2195, %select_n3A_2258 : vector<16xf32>
        %get3A_2260 = arith.constant 0 : i32
        %get3A_2261 = arith.index_cast %get3A_2260 : i32 to index
        %get3A_2262 = arith.index_cast %add3A_2241 : i32 to index
        %get3A_2263 = arith.constant 16 : index
        %get3A_2264 = tpu.vector_load %arg8[%get3A_2261, %get3A_2262, %get3A_2263] {strides = array<i32>} : memref<2x200x128xf32, #tpu.memory_space<vmem>>, vector<1x1x16xf32>,
        %get3A_2265 = vector.shape_cast %get3A_2264 : vector<1x1x16xf32> to vector<16xf32>
        %get3A_2266 = arith.constant 0 : i32
        %get3A_2267 = arith.index_cast %get3A_2266 : i32 to index
        %get3A_2268 = arith.index_cast %add3A_2241 : i32 to index
        %get3A_2269 = arith.constant 80 : index
        %get3A_2270 = tpu.vector_load %arg8[%get3A_2267, %get3A_2268, %get3A_2269] {strides = array<i32>} : memref<2x200x128xf32, #tpu.memory_space<vmem>>, vector<1x1x16xf32>,
        %get3A_2271 = vector.shape_cast %get3A_2270 : vector<1x1x16xf32> to vector<16xf32>
        %select_n3A_2272 = arith.select %ne3A_2245, %get3A_2271, %get3A_2265 : vector<16xf32>
        %add3A_2273 = arith.addf %add3A_2209, %select_n3A_2272 : vector<16xf32>
        %get3A_2274 = arith.constant 0 : i32
        %get3A_2275 = arith.index_cast %get3A_2274 : i32 to index
        %get3A_2276 = arith.index_cast %add3A_2241 : i32 to index
        %get3A_2277 = arith.constant 32 : index
        %get3A_2278 = tpu.vector_load %arg8[%get3A_2275, %get3A_2276, %get3A_2277] {strides = array<i32>} : memref<2x200x128xf32, #tpu.memory_space<vmem>>, vector<1x1x16xf32>,
        %get3A_2279 = vector.shape_cast %get3A_2278 : vector<1x1x16xf32> to vector<16xf32>
        %get3A_2280 = arith.constant 0 : i32
        %get3A_2281 = arith.index_cast %get3A_2280 : i32 to index
        %get3A_2282 = arith.index_cast %add3A_2241 : i32 to index
        %get3A_2283 = arith.constant 96 : index
        %get3A_2284 = tpu.vector_load %arg8[%get3A_2281, %get3A_2282, %get3A_2283] {strides = array<i32>} : memref<2x200x128xf32, #tpu.memory_space<vmem>>, vector<1x1x16xf32>,
        %get3A_2285 = vector.shape_cast %get3A_2284 : vector<1x1x16xf32> to vector<16xf32>
        %select_n3A_2286 = arith.select %ne3A_2245, %get3A_2285, %get3A_2279 : vector<16xf32>
        %add3A_2287 = arith.addf %add3A_2223, %select_n3A_2286 : vector<16xf32>
        %get3A_2288 = arith.constant 0 : i32
        %get3A_2289 = arith.index_cast %get3A_2288 : i32 to index
        %get3A_2290 = arith.index_cast %add3A_2241 : i32 to index
        %get3A_2291 = arith.constant 48 : index
        %get3A_2292 = tpu.vector_load %arg8[%get3A_2289, %get3A_2290, %get3A_2291] {strides = array<i32>} : memref<2x200x128xf32, #tpu.memory_space<vmem>>, vector<1x1x16xf32>,
        %get3A_2293 = vector.shape_cast %get3A_2292 : vector<1x1x16xf32> to vector<16xf32>
        %get3A_2294 = arith.constant 0 : i32
        %get3A_2295 = arith.index_cast %get3A_2294 : i32 to index
        %get3A_2296 = arith.index_cast %add3A_2241 : i32 to index
        %get3A_2297 = arith.constant 112 : index
        %get3A_2298 = tpu.vector_load %arg8[%get3A_2295, %get3A_2296, %get3A_2297] {strides = array<i32>} : memref<2x200x128xf32, #tpu.memory_space<vmem>>, vector<1x1x16xf32>,
        %get3A_2299 = vector.shape_cast %get3A_2298 : vector<1x1x16xf32> to vector<16xf32>
        %select_n3A_2300 = arith.select %ne3A_2245, %get3A_2299, %get3A_2293 : vector<16xf32>
        %add3A_2301 = arith.addf %add3A_2237, %select_n3A_2300 : vector<16xf32>
        %mul3A_2302 = arith.constant 16 : i32
        %mul3A_2303 = arith.muli %scan3A_1329, %mul3A_2302 : i32
        %add3A_2304 = arith.constant 15 : i32
        %add3A_2305 = arith.addi %mul3A_2303, %add3A_2304 : i32
        %slice3A_2306 = vector.extract_strided_slice %get3A_1341 {offsets = [15], sizes = [1], strides = [1]} : vector<16xi32> to vector<1xi32>
        %squeeze3A_2307 = vector.extract %slice3A_2306[0] : i32 from vector<1xi32>
        %ne3A_2308 = arith.constant 0 : i32
        %ne3A_2309 = arith.cmpi ne, %squeeze3A_2307, %ne3A_2308 : i32
        %get3A_2310 = arith.constant 0 : i32
        %get3A_2311 = arith.index_cast %get3A_2310 : i32 to index
        %get3A_2312 = arith.index_cast %add3A_2305 : i32 to index
        %get3A_2313 = arith.constant 0 : index
        %get3A_2314 = tpu.vector_load %arg8[%get3A_2311, %get3A_2312, %get3A_2313] {strides = array<i32>} : memref<2x200x128xf32, #tpu.memory_space<vmem>>, vector<1x1x16xf32>,
        %get3A_2315 = vector.shape_cast %get3A_2314 : vector<1x1x16xf32> to vector<16xf32>
        %get3A_2316 = arith.constant 0 : i32
        %get3A_2317 = arith.index_cast %get3A_2316 : i32 to index
        %get3A_2318 = arith.index_cast %add3A_2305 : i32 to index
        %get3A_2319 = arith.constant 64 : index
        %get3A_2320 = tpu.vector_load %arg8[%get3A_2317, %get3A_2318, %get3A_2319] {strides = array<i32>} : memref<2x200x128xf32, #tpu.memory_space<vmem>>, vector<1x1x16xf32>,
        %get3A_2321 = vector.shape_cast %get3A_2320 : vector<1x1x16xf32> to vector<16xf32>
        %select_n3A_2322 = arith.select %ne3A_2309, %get3A_2321, %get3A_2315 : vector<16xf32>
        %add3A_2323 = arith.addf %add3A_2259, %select_n3A_2322 : vector<16xf32>
        %get3A_2324 = arith.constant 0 : i32
        %get3A_2325 = arith.index_cast %get3A_2324 : i32 to index
        %get3A_2326 = arith.index_cast %add3A_2305 : i32 to index
        %get3A_2327 = arith.constant 16 : index
        %get3A_2328 = tpu.vector_load %arg8[%get3A_2325, %get3A_2326, %get3A_2327] {strides = array<i32>} : memref<2x200x128xf32, #tpu.memory_space<vmem>>, vector<1x1x16xf32>,
        %get3A_2329 = vector.shape_cast %get3A_2328 : vector<1x1x16xf32> to vector<16xf32>
        %get3A_2330 = arith.constant 0 : i32
        %get3A_2331 = arith.index_cast %get3A_2330 : i32 to index
        %get3A_2332 = arith.index_cast %add3A_2305 : i32 to index
        %get3A_2333 = arith.constant 80 : index
        %get3A_2334 = tpu.vector_load %arg8[%get3A_2331, %get3A_2332, %get3A_2333] {strides = array<i32>} : memref<2x200x128xf32, #tpu.memory_space<vmem>>, vector<1x1x16xf32>,
        %get3A_2335 = vector.shape_cast %get3A_2334 : vector<1x1x16xf32> to vector<16xf32>
        %select_n3A_2336 = arith.select %ne3A_2309, %get3A_2335, %get3A_2329 : vector<16xf32>
        %add3A_2337 = arith.addf %add3A_2273, %select_n3A_2336 : vector<16xf32>
        %get3A_2338 = arith.constant 0 : i32
        %get3A_2339 = arith.index_cast %get3A_2338 : i32 to index
        %get3A_2340 = arith.index_cast %add3A_2305 : i32 to index
        %get3A_2341 = arith.constant 32 : index
        %get3A_2342 = tpu.vector_load %arg8[%get3A_2339, %get3A_2340, %get3A_2341] {strides = array<i32>} : memref<2x200x128xf32, #tpu.memory_space<vmem>>, vector<1x1x16xf32>,
        %get3A_2343 = vector.shape_cast %get3A_2342 : vector<1x1x16xf32> to vector<16xf32>
        %get3A_2344 = arith.constant 0 : i32
        %get3A_2345 = arith.index_cast %get3A_2344 : i32 to index
        %get3A_2346 = arith.index_cast %add3A_2305 : i32 to index
        %get3A_2347 = arith.constant 96 : index
        %get3A_2348 = tpu.vector_load %arg8[%get3A_2345, %get3A_2346, %get3A_2347] {strides = array<i32>} : memref<2x200x128xf32, #tpu.memory_space<vmem>>, vector<1x1x16xf32>,
        %get3A_2349 = vector.shape_cast %get3A_2348 : vector<1x1x16xf32> to vector<16xf32>
        %select_n3A_2350 = arith.select %ne3A_2309, %get3A_2349, %get3A_2343 : vector<16xf32>
        %add3A_2351 = arith.addf %add3A_2287, %select_n3A_2350 : vector<16xf32>
        %get3A_2352 = arith.constant 0 : i32
        %get3A_2353 = arith.index_cast %get3A_2352 : i32 to index
        %get3A_2354 = arith.index_cast %add3A_2305 : i32 to index
        %get3A_2355 = arith.constant 48 : index
        %get3A_2356 = tpu.vector_load %arg8[%get3A_2353, %get3A_2354, %get3A_2355] {strides = array<i32>} : memref<2x200x128xf32, #tpu.memory_space<vmem>>, vector<1x1x16xf32>,
        %get3A_2357 = vector.shape_cast %get3A_2356 : vector<1x1x16xf32> to vector<16xf32>
        %get3A_2358 = arith.constant 0 : i32
        %get3A_2359 = arith.index_cast %get3A_2358 : i32 to index
        %get3A_2360 = arith.index_cast %add3A_2305 : i32 to index
        %get3A_2361 = arith.constant 112 : index
        %get3A_2362 = tpu.vector_load %arg8[%get3A_2359, %get3A_2360, %get3A_2361] {strides = array<i32>} : memref<2x200x128xf32, #tpu.memory_space<vmem>>, vector<1x1x16xf32>,
        %get3A_2363 = vector.shape_cast %get3A_2362 : vector<1x1x16xf32> to vector<16xf32>
        %select_n3A_2364 = arith.select %ne3A_2309, %get3A_2363, %get3A_2357 : vector<16xf32>
        %add3A_2365 = arith.addf %add3A_2301, %select_n3A_2364 : vector<16xf32>
        scf.yield %add3A_2323, %add3A_2337, %add3A_2351, %add3A_2365 : vector<16xf32>, vector<16xf32>, vector<16xf32>, vector<16xf32>
      }
      %scan3A_101 = arith.constant 12 : i32
      %mul3A_102 = arith.constant 256 : i32
      %mul3A_103 = arith.muli %mul3A_37, %mul3A_102 : i32
      %add3A_104 = arith.constant 192 : i32
      %add3A_105 = arith.addi %mul3A_103, %add3A_104 : i32
      %get3A = arith.index_cast %add3A_105 : i32 to index
      %get3A_106 = tpu.vector_load %arg7[%get3A] {strides = array<i32>} : memref<32768xi32, #tpu.memory_space<vmem>>, vector<16xi32>,
      %get3A_107 = vector.shape_cast %get3A_106 : vector<16xi32> to vector<16xi32>
      %slice3A = vector.extract_strided_slice %get3A_107 {offsets = [0], sizes = [1], strides = [1]} : vector<16xi32> to vector<1xi32>
      %squeeze3A = vector.extract %slice3A[0] : i32 from vector<1xi32>
      %ne3A = arith.constant 0 : i32
      %ne3A_108 = arith.cmpi ne, %squeeze3A, %ne3A : i32
      %get3A_109 = arith.constant 0 : i32
      %get3A_110 = arith.constant 192 : i32
      %get3A_111 = arith.index_cast %get3A_109 : i32 to index
      %get3A_112 = arith.index_cast %get3A_110 : i32 to index
      %get3A_113 = arith.constant 0 : index
      %get3A_114 = tpu.vector_load %arg8[%get3A_111, %get3A_112, %get3A_113] {strides = array<i32>} : memref<2x200x128xf32, #tpu.memory_space<vmem>>, vector<1x1x16xf32>,
      %get3A_115 = vector.shape_cast %get3A_114 : vector<1x1x16xf32> to vector<16xf32>
      %get3A_116 = arith.constant 0 : i32
      %get3A_117 = arith.constant 192 : i32
      %get3A_118 = arith.index_cast %get3A_116 : i32 to index
      %get3A_119 = arith.index_cast %get3A_117 : i32 to index
      %get3A_120 = arith.constant 64 : index
      %get3A_121 = tpu.vector_load %arg8[%get3A_118, %get3A_119, %get3A_120] {strides = array<i32>} : memref<2x200x128xf32, #tpu.memory_space<vmem>>, vector<1x1x16xf32>,
      %get3A_122 = vector.shape_cast %get3A_121 : vector<1x1x16xf32> to vector<16xf32>
      %select_n3A = arith.select %ne3A_108, %get3A_122, %get3A_115 : vector<16xf32>
      %add3A_123 = arith.addf %scan3A_100#0, %select_n3A : vector<16xf32>
      %get3A_124 = arith.constant 0 : i32
      %get3A_125 = arith.constant 192 : i32
      %get3A_126 = arith.index_cast %get3A_124 : i32 to index
      %get3A_127 = arith.index_cast %get3A_125 : i32 to index
      %get3A_128 = arith.constant 16 : index
      %get3A_129 = tpu.vector_load %arg8[%get3A_126, %get3A_127, %get3A_128] {strides = array<i32>} : memref<2x200x128xf32, #tpu.memory_space<vmem>>, vector<1x1x16xf32>,
      %get3A_130 = vector.shape_cast %get3A_129 : vector<1x1x16xf32> to vector<16xf32>
      %get3A_131 = arith.constant 0 : i32
      %get3A_132 = arith.constant 192 : i32
      %get3A_133 = arith.index_cast %get3A_131 : i32 to index
      %get3A_134 = arith.index_cast %get3A_132 : i32 to index
      %get3A_135 = arith.constant 80 : index
      %get3A_136 = tpu.vector_load %arg8[%get3A_133, %get3A_134, %get3A_135] {strides = array<i32>} : memref<2x200x128xf32, #tpu.memory_space<vmem>>, vector<1x1x16xf32>,
      %get3A_137 = vector.shape_cast %get3A_136 : vector<1x1x16xf32> to vector<16xf32>
      %select_n3A_138 = arith.select %ne3A_108, %get3A_137, %get3A_130 : vector<16xf32>
      %add3A_139 = arith.addf %scan3A_100#1, %select_n3A_138 : vector<16xf32>
      %get3A_140 = arith.constant 0 : i32
      %get3A_141 = arith.constant 192 : i32
      %get3A_142 = arith.index_cast %get3A_140 : i32 to index
      %get3A_143 = arith.index_cast %get3A_141 : i32 to index
      %get3A_144 = arith.constant 32 : index
      %get3A_145 = tpu.vector_load %arg8[%get3A_142, %get3A_143, %get3A_144] {strides = array<i32>} : memref<2x200x128xf32, #tpu.memory_space<vmem>>, vector<1x1x16xf32>,
      %get3A_146 = vector.shape_cast %get3A_145 : vector<1x1x16xf32> to vector<16xf32>
      %get3A_147 = arith.constant 0 : i32
      %get3A_148 = arith.constant 192 : i32
      %get3A_149 = arith.index_cast %get3A_147 : i32 to index
      %get3A_150 = arith.index_cast %get3A_148 : i32 to index
      %get3A_151 = arith.constant 96 : index
      %get3A_152 = tpu.vector_load %arg8[%get3A_149, %get3A_150, %get3A_151] {strides = array<i32>} : memref<2x200x128xf32, #tpu.memory_space<vmem>>, vector<1x1x16xf32>,
      %get3A_153 = vector.shape_cast %get3A_152 : vector<1x1x16xf32> to vector<16xf32>
      %select_n3A_154 = arith.select %ne3A_108, %get3A_153, %get3A_146 : vector<16xf32>
      %add3A_155 = arith.addf %scan3A_100#2, %select_n3A_154 : vector<16xf32>
      %get3A_156 = arith.constant 0 : i32
      %get3A_157 = arith.constant 192 : i32
      %get3A_158 = arith.index_cast %get3A_156 : i32 to index
      %get3A_159 = arith.index_cast %get3A_157 : i32 to index
      %get3A_160 = arith.constant 48 : index
      %get3A_161 = tpu.vector_load %arg8[%get3A_158, %get3A_159, %get3A_160] {strides = array<i32>} : memref<2x200x128xf32, #tpu.memory_space<vmem>>, vector<1x1x16xf32>,
      %get3A_162 = vector.shape_cast %get3A_161 : vector<1x1x16xf32> to vector<16xf32>
      %get3A_163 = arith.constant 0 : i32
      %get3A_164 = arith.constant 192 : i32
      %get3A_165 = arith.index_cast %get3A_163 : i32 to index
      %get3A_166 = arith.index_cast %get3A_164 : i32 to index
      %get3A_167 = arith.constant 112 : index
      %get3A_168 = tpu.vector_load %arg8[%get3A_165, %get3A_166, %get3A_167] {strides = array<i32>} : memref<2x200x128xf32, #tpu.memory_space<vmem>>, vector<1x1x16xf32>,
      %get3A_169 = vector.shape_cast %get3A_168 : vector<1x1x16xf32> to vector<16xf32>
      %select_n3A_170 = arith.select %ne3A_108, %get3A_169, %get3A_162 : vector<16xf32>
      %add3A_171 = arith.addf %scan3A_100#3, %select_n3A_170 : vector<16xf32>
      %slice3A_172 = vector.extract_strided_slice %get3A_107 {offsets = [1], sizes = [1], strides = [1]} : vector<16xi32> to vector<1xi32>
      %squeeze3A_173 = vector.extract %slice3A_172[0] : i32 from vector<1xi32>
      %ne3A_174 = arith.constant 0 : i32
      %ne3A_175 = arith.cmpi ne, %squeeze3A_173, %ne3A_174 : i32
      %get3A_176 = arith.constant 0 : i32
      %get3A_177 = arith.constant 193 : i32
      %get3A_178 = arith.index_cast %get3A_176 : i32 to index
      %get3A_179 = arith.index_cast %get3A_177 : i32 to index
      %get3A_180 = arith.constant 0 : index
      %get3A_181 = tpu.vector_load %arg8[%get3A_178, %get3A_179, %get3A_180] {strides = array<i32>} : memref<2x200x128xf32, #tpu.memory_space<vmem>>, vector<1x1x16xf32>,
      %get3A_182 = vector.shape_cast %get3A_181 : vector<1x1x16xf32> to vector<16xf32>
      %get3A_183 = arith.constant 0 : i32
      %get3A_184 = arith.constant 193 : i32
      %get3A_185 = arith.index_cast %get3A_183 : i32 to index
      %get3A_186 = arith.index_cast %get3A_184 : i32 to index
      %get3A_187 = arith.constant 64 : index
      %get3A_188 = tpu.vector_load %arg8[%get3A_185, %get3A_186, %get3A_187] {strides = array<i32>} : memref<2x200x128xf32, #tpu.memory_space<vmem>>, vector<1x1x16xf32>,
      %get3A_189 = vector.shape_cast %get3A_188 : vector<1x1x16xf32> to vector<16xf32>
      %select_n3A_190 = arith.select %ne3A_175, %get3A_189, %get3A_182 : vector<16xf32>
      %add3A_191 = arith.addf %add3A_123, %select_n3A_190 : vector<16xf32>
      %get3A_192 = arith.constant 0 : i32
      %get3A_193 = arith.constant 193 : i32
      %get3A_194 = arith.index_cast %get3A_192 : i32 to index
      %get3A_195 = arith.index_cast %get3A_193 : i32 to index
      %get3A_196 = arith.constant 16 : index
      %get3A_197 = tpu.vector_load %arg8[%get3A_194, %get3A_195, %get3A_196] {strides = array<i32>} : memref<2x200x128xf32, #tpu.memory_space<vmem>>, vector<1x1x16xf32>,
      %get3A_198 = vector.shape_cast %get3A_197 : vector<1x1x16xf32> to vector<16xf32>
      %get3A_199 = arith.constant 0 : i32
      %get3A_200 = arith.constant 193 : i32
      %get3A_201 = arith.index_cast %get3A_199 : i32 to index
      %get3A_202 = arith.index_cast %get3A_200 : i32 to index
      %get3A_203 = arith.constant 80 : index
      %get3A_204 = tpu.vector_load %arg8[%get3A_201, %get3A_202, %get3A_203] {strides = array<i32>} : memref<2x200x128xf32, #tpu.memory_space<vmem>>, vector<1x1x16xf32>,
      %get3A_205 = vector.shape_cast %get3A_204 : vector<1x1x16xf32> to vector<16xf32>
      %select_n3A_206 = arith.select %ne3A_175, %get3A_205, %get3A_198 : vector<16xf32>
      %add3A_207 = arith.addf %add3A_139, %select_n3A_206 : vector<16xf32>
      %get3A_208 = arith.constant 0 : i32
      %get3A_209 = arith.constant 193 : i32
      %get3A_210 = arith.index_cast %get3A_208 : i32 to index
      %get3A_211 = arith.index_cast %get3A_209 : i32 to index
      %get3A_212 = arith.constant 32 : index
      %get3A_213 = tpu.vector_load %arg8[%get3A_210, %get3A_211, %get3A_212] {strides = array<i32>} : memref<2x200x128xf32, #tpu.memory_space<vmem>>, vector<1x1x16xf32>,
      %get3A_214 = vector.shape_cast %get3A_213 : vector<1x1x16xf32> to vector<16xf32>
      %get3A_215 = arith.constant 0 : i32
      %get3A_216 = arith.constant 193 : i32
      %get3A_217 = arith.index_cast %get3A_215 : i32 to index
      %get3A_218 = arith.index_cast %get3A_216 : i32 to index
      %get3A_219 = arith.constant 96 : index
      %get3A_220 = tpu.vector_load %arg8[%get3A_217, %get3A_218, %get3A_219] {strides = array<i32>} : memref<2x200x128xf32, #tpu.memory_space<vmem>>, vector<1x1x16xf32>,
      %get3A_221 = vector.shape_cast %get3A_220 : vector<1x1x16xf32> to vector<16xf32>
      %select_n3A_222 = arith.select %ne3A_175, %get3A_221, %get3A_214 : vector<16xf32>
      %add3A_223 = arith.addf %add3A_155, %select_n3A_222 : vector<16xf32>
      %get3A_224 = arith.constant 0 : i32
      %get3A_225 = arith.constant 193 : i32
      %get3A_226 = arith.index_cast %get3A_224 : i32 to index
      %get3A_227 = arith.index_cast %get3A_225 : i32 to index
      %get3A_228 = arith.constant 48 : index
      %get3A_229 = tpu.vector_load %arg8[%get3A_226, %get3A_227, %get3A_228] {strides = array<i32>} : memref<2x200x128xf32, #tpu.memory_space<vmem>>, vector<1x1x16xf32>,
      %get3A_230 = vector.shape_cast %get3A_229 : vector<1x1x16xf32> to vector<16xf32>
      %get3A_231 = arith.constant 0 : i32
      %get3A_232 = arith.constant 193 : i32
      %get3A_233 = arith.index_cast %get3A_231 : i32 to index
      %get3A_234 = arith.index_cast %get3A_232 : i32 to index
      %get3A_235 = arith.constant 112 : index
      %get3A_236 = tpu.vector_load %arg8[%get3A_233, %get3A_234, %get3A_235] {strides = array<i32>} : memref<2x200x128xf32, #tpu.memory_space<vmem>>, vector<1x1x16xf32>,
      %get3A_237 = vector.shape_cast %get3A_236 : vector<1x1x16xf32> to vector<16xf32>
      %select_n3A_238 = arith.select %ne3A_175, %get3A_237, %get3A_230 : vector<16xf32>
      %add3A_239 = arith.addf %add3A_171, %select_n3A_238 : vector<16xf32>
      %slice3A_240 = vector.extract_strided_slice %get3A_107 {offsets = [2], sizes = [1], strides = [1]} : vector<16xi32> to vector<1xi32>
      %squeeze3A_241 = vector.extract %slice3A_240[0] : i32 from vector<1xi32>
      %ne3A_242 = arith.constant 0 : i32
      %ne3A_243 = arith.cmpi ne, %squeeze3A_241, %ne3A_242 : i32
      %get3A_244 = arith.constant 0 : i32
      %get3A_245 = arith.constant 194 : i32
      %get3A_246 = arith.index_cast %get3A_244 : i32 to index
      %get3A_247 = arith.index_cast %get3A_245 : i32 to index
      %get3A_248 = arith.constant 0 : index
      %get3A_249 = tpu.vector_load %arg8[%get3A_246, %get3A_247, %get3A_248] {strides = array<i32>} : memref<2x200x128xf32, #tpu.memory_space<vmem>>, vector<1x1x16xf32>,
      %get3A_250 = vector.shape_cast %get3A_249 : vector<1x1x16xf32> to vector<16xf32>
      %get3A_251 = arith.constant 0 : i32
      %get3A_252 = arith.constant 194 : i32
      %get3A_253 = arith.index_cast %get3A_251 : i32 to index
      %get3A_254 = arith.index_cast %get3A_252 : i32 to index
      %get3A_255 = arith.constant 64 : index
      %get3A_256 = tpu.vector_load %arg8[%get3A_253, %get3A_254, %get3A_255] {strides = array<i32>} : memref<2x200x128xf32, #tpu.memory_space<vmem>>, vector<1x1x16xf32>,
      %get3A_257 = vector.shape_cast %get3A_256 : vector<1x1x16xf32> to vector<16xf32>
      %select_n3A_258 = arith.select %ne3A_243, %get3A_257, %get3A_250 : vector<16xf32>
      %add3A_259 = arith.addf %add3A_191, %select_n3A_258 : vector<16xf32>
      %get3A_260 = arith.constant 0 : i32
      %get3A_261 = arith.constant 194 : i32
      %get3A_262 = arith.index_cast %get3A_260 : i32 to index
      %get3A_263 = arith.index_cast %get3A_261 : i32 to index
      %get3A_264 = arith.constant 16 : index
      %get3A_265 = tpu.vector_load %arg8[%get3A_262, %get3A_263, %get3A_264] {strides = array<i32>} : memref<2x200x128xf32, #tpu.memory_space<vmem>>, vector<1x1x16xf32>,
      %get3A_266 = vector.shape_cast %get3A_265 : vector<1x1x16xf32> to vector<16xf32>
      %get3A_267 = arith.constant 0 : i32
      %get3A_268 = arith.constant 194 : i32
      %get3A_269 = arith.index_cast %get3A_267 : i32 to index
      %get3A_270 = arith.index_cast %get3A_268 : i32 to index
      %get3A_271 = arith.constant 80 : index
      %get3A_272 = tpu.vector_load %arg8[%get3A_269, %get3A_270, %get3A_271] {strides = array<i32>} : memref<2x200x128xf32, #tpu.memory_space<vmem>>, vector<1x1x16xf32>,
      %get3A_273 = vector.shape_cast %get3A_272 : vector<1x1x16xf32> to vector<16xf32>
      %select_n3A_274 = arith.select %ne3A_243, %get3A_273, %get3A_266 : vector<16xf32>
      %add3A_275 = arith.addf %add3A_207, %select_n3A_274 : vector<16xf32>
      %get3A_276 = arith.constant 0 : i32
      %get3A_277 = arith.constant 194 : i32
      %get3A_278 = arith.index_cast %get3A_276 : i32 to index
      %get3A_279 = arith.index_cast %get3A_277 : i32 to index
      %get3A_280 = arith.constant 32 : index
      %get3A_281 = tpu.vector_load %arg8[%get3A_278, %get3A_279, %get3A_280] {strides = array<i32>} : memref<2x200x128xf32, #tpu.memory_space<vmem>>, vector<1x1x16xf32>,
      %get3A_282 = vector.shape_cast %get3A_281 : vector<1x1x16xf32> to vector<16xf32>
      %get3A_283 = arith.constant 0 : i32
      %get3A_284 = arith.constant 194 : i32
      %get3A_285 = arith.index_cast %get3A_283 : i32 to index
      %get3A_286 = arith.index_cast %get3A_284 : i32 to index
      %get3A_287 = arith.constant 96 : index
      %get3A_288 = tpu.vector_load %arg8[%get3A_285, %get3A_286, %get3A_287] {strides = array<i32>} : memref<2x200x128xf32, #tpu.memory_space<vmem>>, vector<1x1x16xf32>,
      %get3A_289 = vector.shape_cast %get3A_288 : vector<1x1x16xf32> to vector<16xf32>
      %select_n3A_290 = arith.select %ne3A_243, %get3A_289, %get3A_282 : vector<16xf32>
      %add3A_291 = arith.addf %add3A_223, %select_n3A_290 : vector<16xf32>
      %get3A_292 = arith.constant 0 : i32
      %get3A_293 = arith.constant 194 : i32
      %get3A_294 = arith.index_cast %get3A_292 : i32 to index
      %get3A_295 = arith.index_cast %get3A_293 : i32 to index
      %get3A_296 = arith.constant 48 : index
      %get3A_297 = tpu.vector_load %arg8[%get3A_294, %get3A_295, %get3A_296] {strides = array<i32>} : memref<2x200x128xf32, #tpu.memory_space<vmem>>, vector<1x1x16xf32>,
      %get3A_298 = vector.shape_cast %get3A_297 : vector<1x1x16xf32> to vector<16xf32>
      %get3A_299 = arith.constant 0 : i32
      %get3A_300 = arith.constant 194 : i32
      %get3A_301 = arith.index_cast %get3A_299 : i32 to index
      %get3A_302 = arith.index_cast %get3A_300 : i32 to index
      %get3A_303 = arith.constant 112 : index
      %get3A_304 = tpu.vector_load %arg8[%get3A_301, %get3A_302, %get3A_303] {strides = array<i32>} : memref<2x200x128xf32, #tpu.memory_space<vmem>>, vector<1x1x16xf32>,
      %get3A_305 = vector.shape_cast %get3A_304 : vector<1x1x16xf32> to vector<16xf32>
      %select_n3A_306 = arith.select %ne3A_243, %get3A_305, %get3A_298 : vector<16xf32>
      %add3A_307 = arith.addf %add3A_239, %select_n3A_306 : vector<16xf32>
      %slice3A_308 = vector.extract_strided_slice %get3A_107 {offsets = [3], sizes = [1], strides = [1]} : vector<16xi32> to vector<1xi32>
      %squeeze3A_309 = vector.extract %slice3A_308[0] : i32 from vector<1xi32>
      %ne3A_310 = arith.constant 0 : i32
      %ne3A_311 = arith.cmpi ne, %squeeze3A_309, %ne3A_310 : i32
      %get3A_312 = arith.constant 0 : i32
      %get3A_313 = arith.constant 195 : i32
      %get3A_314 = arith.index_cast %get3A_312 : i32 to index
      %get3A_315 = arith.index_cast %get3A_313 : i32 to index
      %get3A_316 = arith.constant 0 : index
      %get3A_317 = tpu.vector_load %arg8[%get3A_314, %get3A_315, %get3A_316] {strides = array<i32>} : memref<2x200x128xf32, #tpu.memory_space<vmem>>, vector<1x1x16xf32>,
      %get3A_318 = vector.shape_cast %get3A_317 : vector<1x1x16xf32> to vector<16xf32>
      %get3A_319 = arith.constant 0 : i32
      %get3A_320 = arith.constant 195 : i32
      %get3A_321 = arith.index_cast %get3A_319 : i32 to index
      %get3A_322 = arith.index_cast %get3A_320 : i32 to index
      %get3A_323 = arith.constant 64 : index
      %get3A_324 = tpu.vector_load %arg8[%get3A_321, %get3A_322, %get3A_323] {strides = array<i32>} : memref<2x200x128xf32, #tpu.memory_space<vmem>>, vector<1x1x16xf32>,
      %get3A_325 = vector.shape_cast %get3A_324 : vector<1x1x16xf32> to vector<16xf32>
      %select_n3A_326 = arith.select %ne3A_311, %get3A_325, %get3A_318 : vector<16xf32>
      %add3A_327 = arith.addf %add3A_259, %select_n3A_326 : vector<16xf32>
      %get3A_328 = arith.constant 0 : i32
      %get3A_329 = arith.constant 195 : i32
      %get3A_330 = arith.index_cast %get3A_328 : i32 to index
      %get3A_331 = arith.index_cast %get3A_329 : i32 to index
      %get3A_332 = arith.constant 16 : index
      %get3A_333 = tpu.vector_load %arg8[%get3A_330, %get3A_331, %get3A_332] {strides = array<i32>} : memref<2x200x128xf32, #tpu.memory_space<vmem>>, vector<1x1x16xf32>,
      %get3A_334 = vector.shape_cast %get3A_333 : vector<1x1x16xf32> to vector<16xf32>
      %get3A_335 = arith.constant 0 : i32
      %get3A_336 = arith.constant 195 : i32
      %get3A_337 = arith.index_cast %get3A_335 : i32 to index
      %get3A_338 = arith.index_cast %get3A_336 : i32 to index
      %get3A_339 = arith.constant 80 : index
      %get3A_340 = tpu.vector_load %arg8[%get3A_337, %get3A_338, %get3A_339] {strides = array<i32>} : memref<2x200x128xf32, #tpu.memory_space<vmem>>, vector<1x1x16xf32>,
      %get3A_341 = vector.shape_cast %get3A_340 : vector<1x1x16xf32> to vector<16xf32>
      %select_n3A_342 = arith.select %ne3A_311, %get3A_341, %get3A_334 : vector<16xf32>
      %add3A_343 = arith.addf %add3A_275, %select_n3A_342 : vector<16xf32>
      %get3A_344 = arith.constant 0 : i32
      %get3A_345 = arith.constant 195 : i32
      %get3A_346 = arith.index_cast %get3A_344 : i32 to index
      %get3A_347 = arith.index_cast %get3A_345 : i32 to index
      %get3A_348 = arith.constant 32 : index
      %get3A_349 = tpu.vector_load %arg8[%get3A_346, %get3A_347, %get3A_348] {strides = array<i32>} : memref<2x200x128xf32, #tpu.memory_space<vmem>>, vector<1x1x16xf32>,
      %get3A_350 = vector.shape_cast %get3A_349 : vector<1x1x16xf32> to vector<16xf32>
      %get3A_351 = arith.constant 0 : i32
      %get3A_352 = arith.constant 195 : i32
      %get3A_353 = arith.index_cast %get3A_351 : i32 to index
      %get3A_354 = arith.index_cast %get3A_352 : i32 to index
      %get3A_355 = arith.constant 96 : index
      %get3A_356 = tpu.vector_load %arg8[%get3A_353, %get3A_354, %get3A_355] {strides = array<i32>} : memref<2x200x128xf32, #tpu.memory_space<vmem>>, vector<1x1x16xf32>,
      %get3A_357 = vector.shape_cast %get3A_356 : vector<1x1x16xf32> to vector<16xf32>
      %select_n3A_358 = arith.select %ne3A_311, %get3A_357, %get3A_350 : vector<16xf32>
      %add3A_359 = arith.addf %add3A_291, %select_n3A_358 : vector<16xf32>
      %get3A_360 = arith.constant 0 : i32
      %get3A_361 = arith.constant 195 : i32
      %get3A_362 = arith.index_cast %get3A_360 : i32 to index
      %get3A_363 = arith.index_cast %get3A_361 : i32 to index
      %get3A_364 = arith.constant 48 : index
      %get3A_365 = tpu.vector_load %arg8[%get3A_362, %get3A_363, %get3A_364] {strides = array<i32>} : memref<2x200x128xf32, #tpu.memory_space<vmem>>, vector<1x1x16xf32>,
      %get3A_366 = vector.shape_cast %get3A_365 : vector<1x1x16xf32> to vector<16xf32>
      %get3A_367 = arith.constant 0 : i32
      %get3A_368 = arith.constant 195 : i32
      %get3A_369 = arith.index_cast %get3A_367 : i32 to index
      %get3A_370 = arith.index_cast %get3A_368 : i32 to index
      %get3A_371 = arith.constant 112 : index
      %get3A_372 = tpu.vector_load %arg8[%get3A_369, %get3A_370, %get3A_371] {strides = array<i32>} : memref<2x200x128xf32, #tpu.memory_space<vmem>>, vector<1x1x16xf32>,
      %get3A_373 = vector.shape_cast %get3A_372 : vector<1x1x16xf32> to vector<16xf32>
      %select_n3A_374 = arith.select %ne3A_311, %get3A_373, %get3A_366 : vector<16xf32>
      %add3A_375 = arith.addf %add3A_307, %select_n3A_374 : vector<16xf32>
      %slice3A_376 = vector.extract_strided_slice %get3A_107 {offsets = [4], sizes = [1], strides = [1]} : vector<16xi32> to vector<1xi32>
      %squeeze3A_377 = vector.extract %slice3A_376[0] : i32 from vector<1xi32>
      %ne3A_378 = arith.constant 0 : i32
      %ne3A_379 = arith.cmpi ne, %squeeze3A_377, %ne3A_378 : i32
      %get3A_380 = arith.constant 0 : i32
      %get3A_381 = arith.constant 196 : i32
      %get3A_382 = arith.index_cast %get3A_380 : i32 to index
      %get3A_383 = arith.index_cast %get3A_381 : i32 to index
      %get3A_384 = arith.constant 0 : index
      %get3A_385 = tpu.vector_load %arg8[%get3A_382, %get3A_383, %get3A_384] {strides = array<i32>} : memref<2x200x128xf32, #tpu.memory_space<vmem>>, vector<1x1x16xf32>,
      %get3A_386 = vector.shape_cast %get3A_385 : vector<1x1x16xf32> to vector<16xf32>
      %get3A_387 = arith.constant 0 : i32
      %get3A_388 = arith.constant 196 : i32
      %get3A_389 = arith.index_cast %get3A_387 : i32 to index
      %get3A_390 = arith.index_cast %get3A_388 : i32 to index
      %get3A_391 = arith.constant 64 : index
      %get3A_392 = tpu.vector_load %arg8[%get3A_389, %get3A_390, %get3A_391] {strides = array<i32>} : memref<2x200x128xf32, #tpu.memory_space<vmem>>, vector<1x1x16xf32>,
      %get3A_393 = vector.shape_cast %get3A_392 : vector<1x1x16xf32> to vector<16xf32>
      %select_n3A_394 = arith.select %ne3A_379, %get3A_393, %get3A_386 : vector<16xf32>
      %add3A_395 = arith.addf %add3A_327, %select_n3A_394 : vector<16xf32>
      %get3A_396 = arith.constant 0 : i32
      %get3A_397 = arith.constant 196 : i32
      %get3A_398 = arith.index_cast %get3A_396 : i32 to index
      %get3A_399 = arith.index_cast %get3A_397 : i32 to index
      %get3A_400 = arith.constant 16 : index
      %get3A_401 = tpu.vector_load %arg8[%get3A_398, %get3A_399, %get3A_400] {strides = array<i32>} : memref<2x200x128xf32, #tpu.memory_space<vmem>>, vector<1x1x16xf32>,
      %get3A_402 = vector.shape_cast %get3A_401 : vector<1x1x16xf32> to vector<16xf32>
      %get3A_403 = arith.constant 0 : i32
      %get3A_404 = arith.constant 196 : i32
      %get3A_405 = arith.index_cast %get3A_403 : i32 to index
      %get3A_406 = arith.index_cast %get3A_404 : i32 to index
      %get3A_407 = arith.constant 80 : index
      %get3A_408 = tpu.vector_load %arg8[%get3A_405, %get3A_406, %get3A_407] {strides = array<i32>} : memref<2x200x128xf32, #tpu.memory_space<vmem>>, vector<1x1x16xf32>,
      %get3A_409 = vector.shape_cast %get3A_408 : vector<1x1x16xf32> to vector<16xf32>
      %select_n3A_410 = arith.select %ne3A_379, %get3A_409, %get3A_402 : vector<16xf32>
      %add3A_411 = arith.addf %add3A_343, %select_n3A_410 : vector<16xf32>
      %get3A_412 = arith.constant 0 : i32
      %get3A_413 = arith.constant 196 : i32
      %get3A_414 = arith.index_cast %get3A_412 : i32 to index
      %get3A_415 = arith.index_cast %get3A_413 : i32 to index
      %get3A_416 = arith.constant 32 : index
      %get3A_417 = tpu.vector_load %arg8[%get3A_414, %get3A_415, %get3A_416] {strides = array<i32>} : memref<2x200x128xf32, #tpu.memory_space<vmem>>, vector<1x1x16xf32>,
      %get3A_418 = vector.shape_cast %get3A_417 : vector<1x1x16xf32> to vector<16xf32>
      %get3A_419 = arith.constant 0 : i32
      %get3A_420 = arith.constant 196 : i32
      %get3A_421 = arith.index_cast %get3A_419 : i32 to index
      %get3A_422 = arith.index_cast %get3A_420 : i32 to index
      %get3A_423 = arith.constant 96 : index
      %get3A_424 = tpu.vector_load %arg8[%get3A_421, %get3A_422, %get3A_423] {strides = array<i32>} : memref<2x200x128xf32, #tpu.memory_space<vmem>>, vector<1x1x16xf32>,
      %get3A_425 = vector.shape_cast %get3A_424 : vector<1x1x16xf32> to vector<16xf32>
      %select_n3A_426 = arith.select %ne3A_379, %get3A_425, %get3A_418 : vector<16xf32>
      %add3A_427 = arith.addf %add3A_359, %select_n3A_426 : vector<16xf32>
      %get3A_428 = arith.constant 0 : i32
      %get3A_429 = arith.constant 196 : i32
      %get3A_430 = arith.index_cast %get3A_428 : i32 to index
      %get3A_431 = arith.index_cast %get3A_429 : i32 to index
      %get3A_432 = arith.constant 48 : index
      %get3A_433 = tpu.vector_load %arg8[%get3A_430, %get3A_431, %get3A_432] {strides = array<i32>} : memref<2x200x128xf32, #tpu.memory_space<vmem>>, vector<1x1x16xf32>,
      %get3A_434 = vector.shape_cast %get3A_433 : vector<1x1x16xf32> to vector<16xf32>
      %get3A_435 = arith.constant 0 : i32
      %get3A_436 = arith.constant 196 : i32
      %get3A_437 = arith.index_cast %get3A_435 : i32 to index
      %get3A_438 = arith.index_cast %get3A_436 : i32 to index
      %get3A_439 = arith.constant 112 : index
      %get3A_440 = tpu.vector_load %arg8[%get3A_437, %get3A_438, %get3A_439] {strides = array<i32>} : memref<2x200x128xf32, #tpu.memory_space<vmem>>, vector<1x1x16xf32>,
      %get3A_441 = vector.shape_cast %get3A_440 : vector<1x1x16xf32> to vector<16xf32>
      %select_n3A_442 = arith.select %ne3A_379, %get3A_441, %get3A_434 : vector<16xf32>
      %add3A_443 = arith.addf %add3A_375, %select_n3A_442 : vector<16xf32>
      %slice3A_444 = vector.extract_strided_slice %get3A_107 {offsets = [5], sizes = [1], strides = [1]} : vector<16xi32> to vector<1xi32>
      %squeeze3A_445 = vector.extract %slice3A_444[0] : i32 from vector<1xi32>
      %ne3A_446 = arith.constant 0 : i32
      %ne3A_447 = arith.cmpi ne, %squeeze3A_445, %ne3A_446 : i32
      %get3A_448 = arith.constant 0 : i32
      %get3A_449 = arith.constant 197 : i32
      %get3A_450 = arith.index_cast %get3A_448 : i32 to index
      %get3A_451 = arith.index_cast %get3A_449 : i32 to index
      %get3A_452 = arith.constant 0 : index
      %get3A_453 = tpu.vector_load %arg8[%get3A_450, %get3A_451, %get3A_452] {strides = array<i32>} : memref<2x200x128xf32, #tpu.memory_space<vmem>>, vector<1x1x16xf32>,
      %get3A_454 = vector.shape_cast %get3A_453 : vector<1x1x16xf32> to vector<16xf32>
      %get3A_455 = arith.constant 0 : i32
      %get3A_456 = arith.constant 197 : i32
      %get3A_457 = arith.index_cast %get3A_455 : i32 to index
      %get3A_458 = arith.index_cast %get3A_456 : i32 to index
      %get3A_459 = arith.constant 64 : index
      %get3A_460 = tpu.vector_load %arg8[%get3A_457, %get3A_458, %get3A_459] {strides = array<i32>} : memref<2x200x128xf32, #tpu.memory_space<vmem>>, vector<1x1x16xf32>,
      %get3A_461 = vector.shape_cast %get3A_460 : vector<1x1x16xf32> to vector<16xf32>
      %select_n3A_462 = arith.select %ne3A_447, %get3A_461, %get3A_454 : vector<16xf32>
      %add3A_463 = arith.addf %add3A_395, %select_n3A_462 : vector<16xf32>
      %get3A_464 = arith.constant 0 : i32
      %get3A_465 = arith.constant 197 : i32
      %get3A_466 = arith.index_cast %get3A_464 : i32 to index
      %get3A_467 = arith.index_cast %get3A_465 : i32 to index
      %get3A_468 = arith.constant 16 : index
      %get3A_469 = tpu.vector_load %arg8[%get3A_466, %get3A_467, %get3A_468] {strides = array<i32>} : memref<2x200x128xf32, #tpu.memory_space<vmem>>, vector<1x1x16xf32>,
      %get3A_470 = vector.shape_cast %get3A_469 : vector<1x1x16xf32> to vector<16xf32>
      %get3A_471 = arith.constant 0 : i32
      %get3A_472 = arith.constant 197 : i32
      %get3A_473 = arith.index_cast %get3A_471 : i32 to index
      %get3A_474 = arith.index_cast %get3A_472 : i32 to index
      %get3A_475 = arith.constant 80 : index
      %get3A_476 = tpu.vector_load %arg8[%get3A_473, %get3A_474, %get3A_475] {strides = array<i32>} : memref<2x200x128xf32, #tpu.memory_space<vmem>>, vector<1x1x16xf32>,
      %get3A_477 = vector.shape_cast %get3A_476 : vector<1x1x16xf32> to vector<16xf32>
      %select_n3A_478 = arith.select %ne3A_447, %get3A_477, %get3A_470 : vector<16xf32>
      %add3A_479 = arith.addf %add3A_411, %select_n3A_478 : vector<16xf32>
      %get3A_480 = arith.constant 0 : i32
      %get3A_481 = arith.constant 197 : i32
      %get3A_482 = arith.index_cast %get3A_480 : i32 to index
      %get3A_483 = arith.index_cast %get3A_481 : i32 to index
      %get3A_484 = arith.constant 32 : index
      %get3A_485 = tpu.vector_load %arg8[%get3A_482, %get3A_483, %get3A_484] {strides = array<i32>} : memref<2x200x128xf32, #tpu.memory_space<vmem>>, vector<1x1x16xf32>,
      %get3A_486 = vector.shape_cast %get3A_485 : vector<1x1x16xf32> to vector<16xf32>
      %get3A_487 = arith.constant 0 : i32
      %get3A_488 = arith.constant 197 : i32
      %get3A_489 = arith.index_cast %get3A_487 : i32 to index
      %get3A_490 = arith.index_cast %get3A_488 : i32 to index
      %get3A_491 = arith.constant 96 : index
      %get3A_492 = tpu.vector_load %arg8[%get3A_489, %get3A_490, %get3A_491] {strides = array<i32>} : memref<2x200x128xf32, #tpu.memory_space<vmem>>, vector<1x1x16xf32>,
      %get3A_493 = vector.shape_cast %get3A_492 : vector<1x1x16xf32> to vector<16xf32>
      %select_n3A_494 = arith.select %ne3A_447, %get3A_493, %get3A_486 : vector<16xf32>
      %add3A_495 = arith.addf %add3A_427, %select_n3A_494 : vector<16xf32>
      %get3A_496 = arith.constant 0 : i32
      %get3A_497 = arith.constant 197 : i32
      %get3A_498 = arith.index_cast %get3A_496 : i32 to index
      %get3A_499 = arith.index_cast %get3A_497 : i32 to index
      %get3A_500 = arith.constant 48 : index
      %get3A_501 = tpu.vector_load %arg8[%get3A_498, %get3A_499, %get3A_500] {strides = array<i32>} : memref<2x200x128xf32, #tpu.memory_space<vmem>>, vector<1x1x16xf32>,
      %get3A_502 = vector.shape_cast %get3A_501 : vector<1x1x16xf32> to vector<16xf32>
      %get3A_503 = arith.constant 0 : i32
      %get3A_504 = arith.constant 197 : i32
      %get3A_505 = arith.index_cast %get3A_503 : i32 to index
      %get3A_506 = arith.index_cast %get3A_504 : i32 to index
      %get3A_507 = arith.constant 112 : index
      %get3A_508 = tpu.vector_load %arg8[%get3A_505, %get3A_506, %get3A_507] {strides = array<i32>} : memref<2x200x128xf32, #tpu.memory_space<vmem>>, vector<1x1x16xf32>,
      %get3A_509 = vector.shape_cast %get3A_508 : vector<1x1x16xf32> to vector<16xf32>
      %select_n3A_510 = arith.select %ne3A_447, %get3A_509, %get3A_502 : vector<16xf32>
      %add3A_511 = arith.addf %add3A_443, %select_n3A_510 : vector<16xf32>
      %slice3A_512 = vector.extract_strided_slice %get3A_107 {offsets = [6], sizes = [1], strides = [1]} : vector<16xi32> to vector<1xi32>
      %squeeze3A_513 = vector.extract %slice3A_512[0] : i32 from vector<1xi32>
      %ne3A_514 = arith.constant 0 : i32
      %ne3A_515 = arith.cmpi ne, %squeeze3A_513, %ne3A_514 : i32
      %get3A_516 = arith.constant 0 : i32
      %get3A_517 = arith.constant 198 : i32
      %get3A_518 = arith.index_cast %get3A_516 : i32 to index
      %get3A_519 = arith.index_cast %get3A_517 : i32 to index
      %get3A_520 = arith.constant 0 : index
      %get3A_521 = tpu.vector_load %arg8[%get3A_518, %get3A_519, %get3A_520] {strides = array<i32>} : memref<2x200x128xf32, #tpu.memory_space<vmem>>, vector<1x1x16xf32>,
      %get3A_522 = vector.shape_cast %get3A_521 : vector<1x1x16xf32> to vector<16xf32>
      %get3A_523 = arith.constant 0 : i32
      %get3A_524 = arith.constant 198 : i32
      %get3A_525 = arith.index_cast %get3A_523 : i32 to index
      %get3A_526 = arith.index_cast %get3A_524 : i32 to index
      %get3A_527 = arith.constant 64 : index
      %get3A_528 = tpu.vector_load %arg8[%get3A_525, %get3A_526, %get3A_527] {strides = array<i32>} : memref<2x200x128xf32, #tpu.memory_space<vmem>>, vector<1x1x16xf32>,
      %get3A_529 = vector.shape_cast %get3A_528 : vector<1x1x16xf32> to vector<16xf32>
      %select_n3A_530 = arith.select %ne3A_515, %get3A_529, %get3A_522 : vector<16xf32>
      %add3A_531 = arith.addf %add3A_463, %select_n3A_530 : vector<16xf32>
      %get3A_532 = arith.constant 0 : i32
      %get3A_533 = arith.constant 198 : i32
      %get3A_534 = arith.index_cast %get3A_532 : i32 to index
      %get3A_535 = arith.index_cast %get3A_533 : i32 to index
      %get3A_536 = arith.constant 16 : index
      %get3A_537 = tpu.vector_load %arg8[%get3A_534, %get3A_535, %get3A_536] {strides = array<i32>} : memref<2x200x128xf32, #tpu.memory_space<vmem>>, vector<1x1x16xf32>,
      %get3A_538 = vector.shape_cast %get3A_537 : vector<1x1x16xf32> to vector<16xf32>
      %get3A_539 = arith.constant 0 : i32
      %get3A_540 = arith.constant 198 : i32
      %get3A_541 = arith.index_cast %get3A_539 : i32 to index
      %get3A_542 = arith.index_cast %get3A_540 : i32 to index
      %get3A_543 = arith.constant 80 : index
      %get3A_544 = tpu.vector_load %arg8[%get3A_541, %get3A_542, %get3A_543] {strides = array<i32>} : memref<2x200x128xf32, #tpu.memory_space<vmem>>, vector<1x1x16xf32>,
      %get3A_545 = vector.shape_cast %get3A_544 : vector<1x1x16xf32> to vector<16xf32>
      %select_n3A_546 = arith.select %ne3A_515, %get3A_545, %get3A_538 : vector<16xf32>
      %add3A_547 = arith.addf %add3A_479, %select_n3A_546 : vector<16xf32>
      %get3A_548 = arith.constant 0 : i32
      %get3A_549 = arith.constant 198 : i32
      %get3A_550 = arith.index_cast %get3A_548 : i32 to index
      %get3A_551 = arith.index_cast %get3A_549 : i32 to index
      %get3A_552 = arith.constant 32 : index
      %get3A_553 = tpu.vector_load %arg8[%get3A_550, %get3A_551, %get3A_552] {strides = array<i32>} : memref<2x200x128xf32, #tpu.memory_space<vmem>>, vector<1x1x16xf32>,
      %get3A_554 = vector.shape_cast %get3A_553 : vector<1x1x16xf32> to vector<16xf32>
      %get3A_555 = arith.constant 0 : i32
      %get3A_556 = arith.constant 198 : i32
      %get3A_557 = arith.index_cast %get3A_555 : i32 to index
      %get3A_558 = arith.index_cast %get3A_556 : i32 to index
      %get3A_559 = arith.constant 96 : index
      %get3A_560 = tpu.vector_load %arg8[%get3A_557, %get3A_558, %get3A_559] {strides = array<i32>} : memref<2x200x128xf32, #tpu.memory_space<vmem>>, vector<1x1x16xf32>,
      %get3A_561 = vector.shape_cast %get3A_560 : vector<1x1x16xf32> to vector<16xf32>
      %select_n3A_562 = arith.select %ne3A_515, %get3A_561, %get3A_554 : vector<16xf32>
      %add3A_563 = arith.addf %add3A_495, %select_n3A_562 : vector<16xf32>
      %get3A_564 = arith.constant 0 : i32
      %get3A_565 = arith.constant 198 : i32
      %get3A_566 = arith.index_cast %get3A_564 : i32 to index
      %get3A_567 = arith.index_cast %get3A_565 : i32 to index
      %get3A_568 = arith.constant 48 : index
      %get3A_569 = tpu.vector_load %arg8[%get3A_566, %get3A_567, %get3A_568] {strides = array<i32>} : memref<2x200x128xf32, #tpu.memory_space<vmem>>, vector<1x1x16xf32>,
      %get3A_570 = vector.shape_cast %get3A_569 : vector<1x1x16xf32> to vector<16xf32>
      %get3A_571 = arith.constant 0 : i32
      %get3A_572 = arith.constant 198 : i32
      %get3A_573 = arith.index_cast %get3A_571 : i32 to index
      %get3A_574 = arith.index_cast %get3A_572 : i32 to index
      %get3A_575 = arith.constant 112 : index
      %get3A_576 = tpu.vector_load %arg8[%get3A_573, %get3A_574, %get3A_575] {strides = array<i32>} : memref<2x200x128xf32, #tpu.memory_space<vmem>>, vector<1x1x16xf32>,
      %get3A_577 = vector.shape_cast %get3A_576 : vector<1x1x16xf32> to vector<16xf32>
      %select_n3A_578 = arith.select %ne3A_515, %get3A_577, %get3A_570 : vector<16xf32>
      %add3A_579 = arith.addf %add3A_511, %select_n3A_578 : vector<16xf32>
      %slice3A_580 = vector.extract_strided_slice %get3A_107 {offsets = [7], sizes = [1], strides = [1]} : vector<16xi32> to vector<1xi32>
      %squeeze3A_581 = vector.extract %slice3A_580[0] : i32 from vector<1xi32>
      %ne3A_582 = arith.constant 0 : i32
      %ne3A_583 = arith.cmpi ne, %squeeze3A_581, %ne3A_582 : i32
      %get3A_584 = arith.constant 0 : i32
      %get3A_585 = arith.constant 199 : i32
      %get3A_586 = arith.index_cast %get3A_584 : i32 to index
      %get3A_587 = arith.index_cast %get3A_585 : i32 to index
      %get3A_588 = arith.constant 0 : index
      %get3A_589 = tpu.vector_load %arg8[%get3A_586, %get3A_587, %get3A_588] {strides = array<i32>} : memref<2x200x128xf32, #tpu.memory_space<vmem>>, vector<1x1x16xf32>,
      %get3A_590 = vector.shape_cast %get3A_589 : vector<1x1x16xf32> to vector<16xf32>
      %get3A_591 = arith.constant 0 : i32
      %get3A_592 = arith.constant 199 : i32
      %get3A_593 = arith.index_cast %get3A_591 : i32 to index
      %get3A_594 = arith.index_cast %get3A_592 : i32 to index
      %get3A_595 = arith.constant 64 : index
      %get3A_596 = tpu.vector_load %arg8[%get3A_593, %get3A_594, %get3A_595] {strides = array<i32>} : memref<2x200x128xf32, #tpu.memory_space<vmem>>, vector<1x1x16xf32>,
      %get3A_597 = vector.shape_cast %get3A_596 : vector<1x1x16xf32> to vector<16xf32>
      %select_n3A_598 = arith.select %ne3A_583, %get3A_597, %get3A_590 : vector<16xf32>
      %add3A_599 = arith.addf %add3A_531, %select_n3A_598 : vector<16xf32>
      %get3A_600 = arith.constant 0 : i32
      %get3A_601 = arith.constant 199 : i32
      %get3A_602 = arith.index_cast %get3A_600 : i32 to index
      %get3A_603 = arith.index_cast %get3A_601 : i32 to index
      %get3A_604 = arith.constant 16 : index
      %get3A_605 = tpu.vector_load %arg8[%get3A_602, %get3A_603, %get3A_604] {strides = array<i32>} : memref<2x200x128xf32, #tpu.memory_space<vmem>>, vector<1x1x16xf32>,
      %get3A_606 = vector.shape_cast %get3A_605 : vector<1x1x16xf32> to vector<16xf32>
      %get3A_607 = arith.constant 0 : i32
      %get3A_608 = arith.constant 199 : i32
      %get3A_609 = arith.index_cast %get3A_607 : i32 to index
      %get3A_610 = arith.index_cast %get3A_608 : i32 to index
      %get3A_611 = arith.constant 80 : index
      %get3A_612 = tpu.vector_load %arg8[%get3A_609, %get3A_610, %get3A_611] {strides = array<i32>} : memref<2x200x128xf32, #tpu.memory_space<vmem>>, vector<1x1x16xf32>,
      %get3A_613 = vector.shape_cast %get3A_612 : vector<1x1x16xf32> to vector<16xf32>
      %select_n3A_614 = arith.select %ne3A_583, %get3A_613, %get3A_606 : vector<16xf32>
      %add3A_615 = arith.addf %add3A_547, %select_n3A_614 : vector<16xf32>
      %get3A_616 = arith.constant 0 : i32
      %get3A_617 = arith.constant 199 : i32
      %get3A_618 = arith.index_cast %get3A_616 : i32 to index
      %get3A_619 = arith.index_cast %get3A_617 : i32 to index
      %get3A_620 = arith.constant 32 : index
      %get3A_621 = tpu.vector_load %arg8[%get3A_618, %get3A_619, %get3A_620] {strides = array<i32>} : memref<2x200x128xf32, #tpu.memory_space<vmem>>, vector<1x1x16xf32>,
      %get3A_622 = vector.shape_cast %get3A_621 : vector<1x1x16xf32> to vector<16xf32>
      %get3A_623 = arith.constant 0 : i32
      %get3A_624 = arith.constant 199 : i32
      %get3A_625 = arith.index_cast %get3A_623 : i32 to index
      %get3A_626 = arith.index_cast %get3A_624 : i32 to index
      %get3A_627 = arith.constant 96 : index
      %get3A_628 = tpu.vector_load %arg8[%get3A_625, %get3A_626, %get3A_627] {strides = array<i32>} : memref<2x200x128xf32, #tpu.memory_space<vmem>>, vector<1x1x16xf32>,
      %get3A_629 = vector.shape_cast %get3A_628 : vector<1x1x16xf32> to vector<16xf32>
      %select_n3A_630 = arith.select %ne3A_583, %get3A_629, %get3A_622 : vector<16xf32>
      %add3A_631 = arith.addf %add3A_563, %select_n3A_630 : vector<16xf32>
      %get3A_632 = arith.constant 0 : i32
      %get3A_633 = arith.constant 199 : i32
      %get3A_634 = arith.index_cast %get3A_632 : i32 to index
      %get3A_635 = arith.index_cast %get3A_633 : i32 to index
      %get3A_636 = arith.constant 48 : index
      %get3A_637 = tpu.vector_load %arg8[%get3A_634, %get3A_635, %get3A_636] {strides = array<i32>} : memref<2x200x128xf32, #tpu.memory_space<vmem>>, vector<1x1x16xf32>,
      %get3A_638 = vector.shape_cast %get3A_637 : vector<1x1x16xf32> to vector<16xf32>
      %get3A_639 = arith.constant 0 : i32
      %get3A_640 = arith.constant 199 : i32
      %get3A_641 = arith.index_cast %get3A_639 : i32 to index
      %get3A_642 = arith.index_cast %get3A_640 : i32 to index
      %get3A_643 = arith.constant 112 : index
      %get3A_644 = tpu.vector_load %arg8[%get3A_641, %get3A_642, %get3A_643] {strides = array<i32>} : memref<2x200x128xf32, #tpu.memory_space<vmem>>, vector<1x1x16xf32>,
      %get3A_645 = vector.shape_cast %get3A_644 : vector<1x1x16xf32> to vector<16xf32>
      %select_n3A_646 = arith.select %ne3A_583, %get3A_645, %get3A_638 : vector<16xf32>
      %add3A_647 = arith.addf %add3A_579, %select_n3A_646 : vector<16xf32>
      %mul3A_648 = arith.constant 5.000000e-03 : f32
      %mul3A_649 = vector.broadcast %mul3A_648 : f32 to vector<16xf32>
      %mul3A_650 = arith.mulf %add3A_599, %mul3A_649 : vector<16xf32>
      %mul3A_651 = arith.constant 64 : i32
      %mul3A_652 = arith.muli %mul3A_37, %mul3A_651 : i32
      %add3A_653 = arith.constant 0 : i32
      %add3A_654 = arith.addi %mul3A_652, %add3A_653 : i32
      %swap3A = arith.index_cast %add3A_654 : i32 to index
      %swap3A_655 = tpu.vector_load %arg9[%swap3A] {strides = array<i32>} : memref<8192xf32, #tpu.memory_space<vmem>>, vector<16xf32>,
      %swap3A_656 = vector.shape_cast %swap3A_655 : vector<16xf32> to vector<16xf32>
      %swap3A_657 = vector.shape_cast %mul3A_650 : vector<16xf32> to vector<16xf32>
      tpu.vector_store %arg9[%swap3A], %swap3A_657 {strides = array<i32>} : memref<8192xf32, #tpu.memory_space<vmem>>, vector<16xf32>,
      %mul3A_658 = arith.constant 5.000000e-03 : f32
      %mul3A_659 = vector.broadcast %mul3A_658 : f32 to vector<16xf32>
      %mul3A_660 = arith.mulf %add3A_615, %mul3A_659 : vector<16xf32>
      %mul3A_661 = arith.constant 64 : i32
      %mul3A_662 = arith.muli %mul3A_37, %mul3A_661 : i32
      %add3A_663 = arith.constant 16 : i32
      %add3A_664 = arith.addi %mul3A_662, %add3A_663 : i32
      %swap3A_665 = arith.index_cast %add3A_664 : i32 to index
      %swap3A_666 = tpu.vector_load %arg9[%swap3A_665] {strides = array<i32>} : memref<8192xf32, #tpu.memory_space<vmem>>, vector<16xf32>,
      %swap3A_667 = vector.shape_cast %swap3A_666 : vector<16xf32> to vector<16xf32>
      %swap3A_668 = vector.shape_cast %mul3A_660 : vector<16xf32> to vector<16xf32>
      tpu.vector_store %arg9[%swap3A_665], %swap3A_668 {strides = array<i32>} : memref<8192xf32, #tpu.memory_space<vmem>>, vector<16xf32>,
      %mul3A_669 = arith.constant 5.000000e-03 : f32
      %mul3A_670 = vector.broadcast %mul3A_669 : f32 to vector<16xf32>
      %mul3A_671 = arith.mulf %add3A_631, %mul3A_670 : vector<16xf32>
      %mul3A_672 = arith.constant 64 : i32
      %mul3A_673 = arith.muli %mul3A_37, %mul3A_672 : i32
      %add3A_674 = arith.constant 32 : i32
      %add3A_675 = arith.addi %mul3A_673, %add3A_674 : i32
      %swap3A_676 = arith.index_cast %add3A_675 : i32 to index
      %swap3A_677 = tpu.vector_load %arg9[%swap3A_676] {strides = array<i32>} : memref<8192xf32, #tpu.memory_space<vmem>>, vector<16xf32>,
      %swap3A_678 = vector.shape_cast %swap3A_677 : vector<16xf32> to vector<16xf32>
      %swap3A_679 = vector.shape_cast %mul3A_671 : vector<16xf32> to vector<16xf32>
      tpu.vector_store %arg9[%swap3A_676], %swap3A_679 {strides = array<i32>} : memref<8192xf32, #tpu.memory_space<vmem>>, vector<16xf32>,
      %mul3A_680 = arith.constant 5.000000e-03 : f32
      %mul3A_681 = vector.broadcast %mul3A_680 : f32 to vector<16xf32>
      %mul3A_682 = arith.mulf %add3A_647, %mul3A_681 : vector<16xf32>
      %mul3A_683 = arith.constant 64 : i32
      %mul3A_684 = arith.muli %mul3A_37, %mul3A_683 : i32
      %add3A_685 = arith.constant 48 : i32
      %add3A_686 = arith.addi %mul3A_684, %add3A_685 : i32
      %swap3A_687 = arith.index_cast %add3A_686 : i32 to index
      %swap3A_688 = tpu.vector_load %arg9[%swap3A_687] {strides = array<i32>} : memref<8192xf32, #tpu.memory_space<vmem>>, vector<16xf32>,
      %swap3A_689 = vector.shape_cast %swap3A_688 : vector<16xf32> to vector<16xf32>
      %swap3A_690 = vector.shape_cast %mul3A_682 : vector<16xf32> to vector<16xf32>
      tpu.vector_store %arg9[%swap3A_687], %swap3A_690 {strides = array<i32>} : memref<8192xf32, #tpu.memory_space<vmem>>, vector<16xf32>,
      %add3A_691 = arith.constant 1 : i32
      %add3A_692 = arith.addi %add3A_41, %add3A_691 : i32
      %lt3A = arith.constant 128 : i32
      %lt3A_693 = arith.cmpi slt, %add3A_692, %lt3A : i32
      %convert_element_type3A = arith.extui %lt3A_693 : i1 to i32
      %cond3A = arith.constant 0 : i32
      %cond3A_694 = arith.cmpi ne, %convert_element_type3A, %cond3A : i32
      scf.if %cond3A_694 {
        %add3A_1329 = arith.constant 1 : i32
        %add3A_1330 = arith.addi %add3A_41, %add3A_1329 : i32
        %mul3A_1331 = arith.constant 256 : i32
        %mul3A_1332 = arith.muli %add3A_1330, %mul3A_1331 : i32
        %dma_start3A_1333 = arith.constant 0 : i32
        %dma_start3A_1334 = arith.constant 0 : i32
        %dma_start3A_1335 = arith.constant 0 : i32
        %dma_start3A_1336 = tpu.memref_slice %arg8[%dma_start3A_1333, %dma_start3A_1334, %dma_start3A_1335] : memref<2x200x128xf32, #tpu.memory_space<vmem>> -> memref<1x128x128xf32, #tpu.memory_space<vmem>>
        %dma_start3A_1337 = tpu.memref_squeeze %dma_start3A_1336 : memref<1x128x128xf32, #tpu.memory_space<vmem>> -> memref<128x128xf32, #tpu.memory_space<vmem>>
        %dma_start3A_1338 = tpu.memref_slice %arg6[%mul3A_1332] : memref<32768xi32, #tpu.memory_space<vmem>> -> memref<128xi32, #tpu.memory_space<vmem>>
        %dma_start3A_1339 = arith.constant 0 : i32
        %dma_start3A_1340 = arith.constant 0 : i32
        %dma_start3A_1341 = tpu.memref_slice %arg4[%dma_start3A_1339, %dma_start3A_1340] : memref<507904x128xf32, #tpu.memory_space<hbm>> -> memref<507904x128xf32, #tpu.memory_space<hbm>>
        tpu.enqueue_indirect_dma source(%dma_start3A_1341 : memref<507904x128xf32, #tpu.memory_space<hbm>>) target(%dma_start3A_1337 : memref<128x128xf32, #tpu.memory_space<vmem>>) offsets(%dma_start3A_1338 : memref<128xi32, #tpu.memory_space<vmem>>) semaphore(%arg10 : memref<!tpu.dma_semaphore, #tpu.memory_space<semaphore_mem>>)
        %mul3A_1342 = arith.constant 256 : i32
        %mul3A_1343 = arith.muli %add3A_1330, %mul3A_1342 : i32
        %add3A_1344 = arith.constant 128 : i32
        %add3A_1345 = arith.addi %mul3A_1343, %add3A_1344 : i32
        %dma_start3A_1346 = arith.constant 0 : i32
        %dma_start3A_1347 = arith.constant 128 : i32
        %dma_start3A_1348 = arith.constant 0 : i32
        %dma_start3A_1349 = tpu.memref_slice %arg8[%dma_start3A_1346, %dma_start3A_1347, %dma_start3A_1348] : memref<2x200x128xf32, #tpu.memory_space<vmem>> -> memref<1x72x128xf32, #tpu.memory_space<vmem>>
        %dma_start3A_1350 = tpu.memref_squeeze %dma_start3A_1349 : memref<1x72x128xf32, #tpu.memory_space<vmem>> -> memref<72x128xf32, #tpu.memory_space<vmem>>
        %dma_start3A_1351 = tpu.memref_slice %arg6[%add3A_1345] : memref<32768xi32, #tpu.memory_space<vmem>> -> memref<72xi32, #tpu.memory_space<vmem>>
        %dma_start3A_1352 = arith.constant 0 : i32
        %dma_start3A_1353 = arith.constant 0 : i32
        %dma_start3A_1354 = tpu.memref_slice %arg4[%dma_start3A_1352, %dma_start3A_1353] : memref<507904x128xf32, #tpu.memory_space<hbm>> -> memref<507904x128xf32, #tpu.memory_space<hbm>>
        tpu.enqueue_indirect_dma source(%dma_start3A_1354 : memref<507904x128xf32, #tpu.memory_space<hbm>>) target(%dma_start3A_1350 : memref<72x128xf32, #tpu.memory_space<vmem>>) offsets(%dma_start3A_1351 : memref<72xi32, #tpu.memory_space<vmem>>) semaphore(%arg10 : memref<!tpu.dma_semaphore, #tpu.memory_space<semaphore_mem>>)
      } else {
      }
      %dma_wait3A_695 = arith.constant 1 : i32
      %dma_wait3A_696 = arith.constant 0 : i32
      %dma_wait3A_697 = arith.constant 0 : i32
      %dma_wait3A_698 = tpu.memref_slice %arg8[%dma_wait3A_695, %dma_wait3A_696, %dma_wait3A_697] : memref<2x200x128xf32, #tpu.memory_space<vmem>> -> memref<1x128x128xf32, #tpu.memory_space<vmem>>
      %dma_wait3A_699 = tpu.memref_squeeze %dma_wait3A_698 : memref<1x128x128xf32, #tpu.memory_space<vmem>> -> memref<128x128xf32, #tpu.memory_space<vmem>>
      %dma_wait3A_700 = arith.constant 0 : i32
      %dma_wait3A_701 = arith.constant 0 : i32
      %dma_wait3A_702 = tpu.memref_slice %arg4[%dma_wait3A_700, %dma_wait3A_701] : memref<507904x128xf32, #tpu.memory_space<hbm>> -> memref<128x128xf32, #tpu.memory_space<hbm>>
      %dma_wait3A_703 = arith.constant 0 : i32
      %dma_wait3A_704 = arith.constant 0 : i32
      %dma_wait3A_705 = tpu.memref_slice %arg8[%dma_wait3A_695, %dma_wait3A_703, %dma_wait3A_704] : memref<2x200x128xf32, #tpu.memory_space<vmem>> -> memref<1x128x128xf32, #tpu.memory_space<vmem>>
      %dma_wait3A_706 = tpu.memref_squeeze %dma_wait3A_705 : memref<1x128x128xf32, #tpu.memory_space<vmem>> -> memref<128x128xf32, #tpu.memory_space<vmem>>
      %dma_wait3A_707 = arith.constant 0 : i32
      %dma_wait3A_708 = arith.constant 0 : i32
      %dma_wait3A_709 = tpu.memref_slice %arg4[%dma_wait3A_707, %dma_wait3A_708] : memref<507904x128xf32, #tpu.memory_space<hbm>> -> memref<128x128xf32, #tpu.memory_space<hbm>>
      tpu.wait_dma2 semaphore(%arg11 : memref<!tpu.dma_semaphore, #tpu.memory_space<semaphore_mem>>) src(%dma_wait3A_709 : memref<128x128xf32, #tpu.memory_space<hbm>>) dst(%dma_wait3A_706 : memref<128x128xf32, #tpu.memory_space<vmem>>)
      %dma_wait3A_710 = arith.constant 1 : i32
      %dma_wait3A_711 = arith.constant 128 : i32
      %dma_wait3A_712 = arith.constant 0 : i32
      %dma_wait3A_713 = tpu.memref_slice %arg8[%dma_wait3A_710, %dma_wait3A_711, %dma_wait3A_712] : memref<2x200x128xf32, #tpu.memory_space<vmem>> -> memref<1x72x128xf32, #tpu.memory_space<vmem>>
      %dma_wait3A_714 = tpu.memref_squeeze %dma_wait3A_713 : memref<1x72x128xf32, #tpu.memory_space<vmem>> -> memref<72x128xf32, #tpu.memory_space<vmem>>
      %dma_wait3A_715 = arith.constant 0 : i32
      %dma_wait3A_716 = arith.constant 0 : i32
      %dma_wait3A_717 = tpu.memref_slice %arg4[%dma_wait3A_715, %dma_wait3A_716] : memref<507904x128xf32, #tpu.memory_space<hbm>> -> memref<72x128xf32, #tpu.memory_space<hbm>>
      %dma_wait3A_718 = arith.constant 128 : i32
      %dma_wait3A_719 = arith.constant 0 : i32
      %dma_wait3A_720 = tpu.memref_slice %arg8[%dma_wait3A_710, %dma_wait3A_718, %dma_wait3A_719] : memref<2x200x128xf32, #tpu.memory_space<vmem>> -> memref<1x72x128xf32, #tpu.memory_space<vmem>>
      %dma_wait3A_721 = tpu.memref_squeeze %dma_wait3A_720 : memref<1x72x128xf32, #tpu.memory_space<vmem>> -> memref<72x128xf32, #tpu.memory_space<vmem>>
      %dma_wait3A_722 = arith.constant 0 : i32
      %dma_wait3A_723 = arith.constant 0 : i32
      %dma_wait3A_724 = tpu.memref_slice %arg4[%dma_wait3A_722, %dma_wait3A_723] : memref<507904x128xf32, #tpu.memory_space<hbm>> -> memref<72x128xf32, #tpu.memory_space<hbm>>
      tpu.wait_dma2 semaphore(%arg11 : memref<!tpu.dma_semaphore, #tpu.memory_space<semaphore_mem>>) src(%dma_wait3A_724 : memref<72x128xf32, #tpu.memory_space<hbm>>) dst(%dma_wait3A_721 : memref<72x128xf32, #tpu.memory_space<vmem>>)
      %broadcast_in_dim3A_725 = arith.constant 0.000000e+00 : f32
      %broadcast_in_dim3A_726 = vector.broadcast %broadcast_in_dim3A_725 : f32 to vector<16xf32>
      %scan3A_727 = arith.constant 0 : i32
      %scan3A_728 = arith.constant 12 : i32
      %scan3A_729 = arith.addi %scan3A_727, %scan3A_728 : i32
      %scan3A_730 = arith.constant 1 : i32
      %scan3A_731:4 = scf.for %scan3A_1329 = %scan3A_727 to %scan3A_729 step %scan3A_730 iter_args(%scan3A_1330 = %broadcast_in_dim3A_726, %scan3A_1331 = %broadcast_in_dim3A_726, %scan3A_1332 = %broadcast_in_dim3A_726, %scan3A_1333 = %broadcast_in_dim3A_726) -> (vector<16xf32>, vector<16xf32>, vector<16xf32>, vector<16xf32>)  : i32 {
        %mul3A_1334 = arith.constant 256 : i32
        %mul3A_1335 = arith.muli %add3A_41, %mul3A_1334 : i32
        %mul3A_1336 = arith.constant 16 : i32
        %mul3A_1337 = arith.muli %scan3A_1329, %mul3A_1336 : i32
        %add3A_1338 = arith.addi %mul3A_1335, %mul3A_1337 : i32
        %get3A_1339 = arith.index_cast %add3A_1338 : i32 to index
        %get3A_1340 = tpu.vector_load %arg7[%get3A_1339] {strides = array<i32>} : memref<32768xi32, #tpu.memory_space<vmem>>, vector<16xi32>,
        %get3A_1341 = vector.shape_cast %get3A_1340 : vector<16xi32> to vector<16xi32>
        %mul3A_1342 = arith.constant 16 : i32
        %mul3A_1343 = arith.muli %scan3A_1329, %mul3A_1342 : i32
        %add3A_1344 = arith.constant 0 : i32
        %add3A_1345 = arith.addi %mul3A_1343, %add3A_1344 : i32
        %slice3A_1346 = vector.extract_strided_slice %get3A_1341 {offsets = [0], sizes = [1], strides = [1]} : vector<16xi32> to vector<1xi32>
        %squeeze3A_1347 = vector.extract %slice3A_1346[0] : i32 from vector<1xi32>
        %ne3A_1348 = arith.constant 0 : i32
        %ne3A_1349 = arith.cmpi ne, %squeeze3A_1347, %ne3A_1348 : i32
        %get3A_1350 = arith.constant 1 : i32
        %get3A_1351 = arith.index_cast %get3A_1350 : i32 to index
        %get3A_1352 = arith.index_cast %add3A_1345 : i32 to index
        %get3A_1353 = arith.constant 0 : index
        %get3A_1354 = tpu.vector_load %arg8[%get3A_1351, %get3A_1352, %get3A_1353] {strides = array<i32>} : memref<2x200x128xf32, #tpu.memory_space<vmem>>, vector<1x1x16xf32>,
        %get3A_1355 = vector.shape_cast %get3A_1354 : vector<1x1x16xf32> to vector<16xf32>
        %get3A_1356 = arith.constant 1 : i32
        %get3A_1357 = arith.index_cast %get3A_1356 : i32 to index
        %get3A_1358 = arith.index_cast %add3A_1345 : i32 to index
        %get3A_1359 = arith.constant 64 : index
        %get3A_1360 = tpu.vector_load %arg8[%get3A_1357, %get3A_1358, %get3A_1359] {strides = array<i32>} : memref<2x200x128xf32, #tpu.memory_space<vmem>>, vector<1x1x16xf32>,
        %get3A_1361 = vector.shape_cast %get3A_1360 : vector<1x1x16xf32> to vector<16xf32>
        %select_n3A_1362 = arith.select %ne3A_1349, %get3A_1361, %get3A_1355 : vector<16xf32>
        %add3A_1363 = arith.addf %scan3A_1330, %select_n3A_1362 : vector<16xf32>
        %get3A_1364 = arith.constant 1 : i32
        %get3A_1365 = arith.index_cast %get3A_1364 : i32 to index
        %get3A_1366 = arith.index_cast %add3A_1345 : i32 to index
        %get3A_1367 = arith.constant 16 : index
        %get3A_1368 = tpu.vector_load %arg8[%get3A_1365, %get3A_1366, %get3A_1367] {strides = array<i32>} : memref<2x200x128xf32, #tpu.memory_space<vmem>>, vector<1x1x16xf32>,
        %get3A_1369 = vector.shape_cast %get3A_1368 : vector<1x1x16xf32> to vector<16xf32>
        %get3A_1370 = arith.constant 1 : i32
        %get3A_1371 = arith.index_cast %get3A_1370 : i32 to index
        %get3A_1372 = arith.index_cast %add3A_1345 : i32 to index
        %get3A_1373 = arith.constant 80 : index
        %get3A_1374 = tpu.vector_load %arg8[%get3A_1371, %get3A_1372, %get3A_1373] {strides = array<i32>} : memref<2x200x128xf32, #tpu.memory_space<vmem>>, vector<1x1x16xf32>,
        %get3A_1375 = vector.shape_cast %get3A_1374 : vector<1x1x16xf32> to vector<16xf32>
        %select_n3A_1376 = arith.select %ne3A_1349, %get3A_1375, %get3A_1369 : vector<16xf32>
        %add3A_1377 = arith.addf %scan3A_1331, %select_n3A_1376 : vector<16xf32>
        %get3A_1378 = arith.constant 1 : i32
        %get3A_1379 = arith.index_cast %get3A_1378 : i32 to index
        %get3A_1380 = arith.index_cast %add3A_1345 : i32 to index
        %get3A_1381 = arith.constant 32 : index
        %get3A_1382 = tpu.vector_load %arg8[%get3A_1379, %get3A_1380, %get3A_1381] {strides = array<i32>} : memref<2x200x128xf32, #tpu.memory_space<vmem>>, vector<1x1x16xf32>,
        %get3A_1383 = vector.shape_cast %get3A_1382 : vector<1x1x16xf32> to vector<16xf32>
        %get3A_1384 = arith.constant 1 : i32
        %get3A_1385 = arith.index_cast %get3A_1384 : i32 to index
        %get3A_1386 = arith.index_cast %add3A_1345 : i32 to index
        %get3A_1387 = arith.constant 96 : index
        %get3A_1388 = tpu.vector_load %arg8[%get3A_1385, %get3A_1386, %get3A_1387] {strides = array<i32>} : memref<2x200x128xf32, #tpu.memory_space<vmem>>, vector<1x1x16xf32>,
        %get3A_1389 = vector.shape_cast %get3A_1388 : vector<1x1x16xf32> to vector<16xf32>
        %select_n3A_1390 = arith.select %ne3A_1349, %get3A_1389, %get3A_1383 : vector<16xf32>
        %add3A_1391 = arith.addf %scan3A_1332, %select_n3A_1390 : vector<16xf32>
        %get3A_1392 = arith.constant 1 : i32
        %get3A_1393 = arith.index_cast %get3A_1392 : i32 to index
        %get3A_1394 = arith.index_cast %add3A_1345 : i32 to index
        %get3A_1395 = arith.constant 48 : index
        %get3A_1396 = tpu.vector_load %arg8[%get3A_1393, %get3A_1394, %get3A_1395] {strides = array<i32>} : memref<2x200x128xf32, #tpu.memory_space<vmem>>, vector<1x1x16xf32>,
        %get3A_1397 = vector.shape_cast %get3A_1396 : vector<1x1x16xf32> to vector<16xf32>
        %get3A_1398 = arith.constant 1 : i32
        %get3A_1399 = arith.index_cast %get3A_1398 : i32 to index
        %get3A_1400 = arith.index_cast %add3A_1345 : i32 to index
        %get3A_1401 = arith.constant 112 : index
        %get3A_1402 = tpu.vector_load %arg8[%get3A_1399, %get3A_1400, %get3A_1401] {strides = array<i32>} : memref<2x200x128xf32, #tpu.memory_space<vmem>>, vector<1x1x16xf32>,
        %get3A_1403 = vector.shape_cast %get3A_1402 : vector<1x1x16xf32> to vector<16xf32>
        %select_n3A_1404 = arith.select %ne3A_1349, %get3A_1403, %get3A_1397 : vector<16xf32>
        %add3A_1405 = arith.addf %scan3A_1333, %select_n3A_1404 : vector<16xf32>
        %mul3A_1406 = arith.constant 16 : i32
        %mul3A_1407 = arith.muli %scan3A_1329, %mul3A_1406 : i32
        %add3A_1408 = arith.constant 1 : i32
        %add3A_1409 = arith.addi %mul3A_1407, %add3A_1408 : i32
        %slice3A_1410 = vector.extract_strided_slice %get3A_1341 {offsets = [1], sizes = [1], strides = [1]} : vector<16xi32> to vector<1xi32>
        %squeeze3A_1411 = vector.extract %slice3A_1410[0] : i32 from vector<1xi32>
        %ne3A_1412 = arith.constant 0 : i32
        %ne3A_1413 = arith.cmpi ne, %squeeze3A_1411, %ne3A_1412 : i32
        %get3A_1414 = arith.constant 1 : i32
        %get3A_1415 = arith.index_cast %get3A_1414 : i32 to index
        %get3A_1416 = arith.index_cast %add3A_1409 : i32 to index
        %get3A_1417 = arith.constant 0 : index
        %get3A_1418 = tpu.vector_load %arg8[%get3A_1415, %get3A_1416, %get3A_1417] {strides = array<i32>} : memref<2x200x128xf32, #tpu.memory_space<vmem>>, vector<1x1x16xf32>,
        %get3A_1419 = vector.shape_cast %get3A_1418 : vector<1x1x16xf32> to vector<16xf32>
        %get3A_1420 = arith.constant 1 : i32
        %get3A_1421 = arith.index_cast %get3A_1420 : i32 to index
        %get3A_1422 = arith.index_cast %add3A_1409 : i32 to index
        %get3A_1423 = arith.constant 64 : index
        %get3A_1424 = tpu.vector_load %arg8[%get3A_1421, %get3A_1422, %get3A_1423] {strides = array<i32>} : memref<2x200x128xf32, #tpu.memory_space<vmem>>, vector<1x1x16xf32>,
        %get3A_1425 = vector.shape_cast %get3A_1424 : vector<1x1x16xf32> to vector<16xf32>
        %select_n3A_1426 = arith.select %ne3A_1413, %get3A_1425, %get3A_1419 : vector<16xf32>
        %add3A_1427 = arith.addf %add3A_1363, %select_n3A_1426 : vector<16xf32>
        %get3A_1428 = arith.constant 1 : i32
        %get3A_1429 = arith.index_cast %get3A_1428 : i32 to index
        %get3A_1430 = arith.index_cast %add3A_1409 : i32 to index
        %get3A_1431 = arith.constant 16 : index
        %get3A_1432 = tpu.vector_load %arg8[%get3A_1429, %get3A_1430, %get3A_1431] {strides = array<i32>} : memref<2x200x128xf32, #tpu.memory_space<vmem>>, vector<1x1x16xf32>,
        %get3A_1433 = vector.shape_cast %get3A_1432 : vector<1x1x16xf32> to vector<16xf32>
        %get3A_1434 = arith.constant 1 : i32
        %get3A_1435 = arith.index_cast %get3A_1434 : i32 to index
        %get3A_1436 = arith.index_cast %add3A_1409 : i32 to index
        %get3A_1437 = arith.constant 80 : index
        %get3A_1438 = tpu.vector_load %arg8[%get3A_1435, %get3A_1436, %get3A_1437] {strides = array<i32>} : memref<2x200x128xf32, #tpu.memory_space<vmem>>, vector<1x1x16xf32>,
        %get3A_1439 = vector.shape_cast %get3A_1438 : vector<1x1x16xf32> to vector<16xf32>
        %select_n3A_1440 = arith.select %ne3A_1413, %get3A_1439, %get3A_1433 : vector<16xf32>
        %add3A_1441 = arith.addf %add3A_1377, %select_n3A_1440 : vector<16xf32>
        %get3A_1442 = arith.constant 1 : i32
        %get3A_1443 = arith.index_cast %get3A_1442 : i32 to index
        %get3A_1444 = arith.index_cast %add3A_1409 : i32 to index
        %get3A_1445 = arith.constant 32 : index
        %get3A_1446 = tpu.vector_load %arg8[%get3A_1443, %get3A_1444, %get3A_1445] {strides = array<i32>} : memref<2x200x128xf32, #tpu.memory_space<vmem>>, vector<1x1x16xf32>,
        %get3A_1447 = vector.shape_cast %get3A_1446 : vector<1x1x16xf32> to vector<16xf32>
        %get3A_1448 = arith.constant 1 : i32
        %get3A_1449 = arith.index_cast %get3A_1448 : i32 to index
        %get3A_1450 = arith.index_cast %add3A_1409 : i32 to index
        %get3A_1451 = arith.constant 96 : index
        %get3A_1452 = tpu.vector_load %arg8[%get3A_1449, %get3A_1450, %get3A_1451] {strides = array<i32>} : memref<2x200x128xf32, #tpu.memory_space<vmem>>, vector<1x1x16xf32>,
        %get3A_1453 = vector.shape_cast %get3A_1452 : vector<1x1x16xf32> to vector<16xf32>
        %select_n3A_1454 = arith.select %ne3A_1413, %get3A_1453, %get3A_1447 : vector<16xf32>
        %add3A_1455 = arith.addf %add3A_1391, %select_n3A_1454 : vector<16xf32>
        %get3A_1456 = arith.constant 1 : i32
        %get3A_1457 = arith.index_cast %get3A_1456 : i32 to index
        %get3A_1458 = arith.index_cast %add3A_1409 : i32 to index
        %get3A_1459 = arith.constant 48 : index
        %get3A_1460 = tpu.vector_load %arg8[%get3A_1457, %get3A_1458, %get3A_1459] {strides = array<i32>} : memref<2x200x128xf32, #tpu.memory_space<vmem>>, vector<1x1x16xf32>,
        %get3A_1461 = vector.shape_cast %get3A_1460 : vector<1x1x16xf32> to vector<16xf32>
        %get3A_1462 = arith.constant 1 : i32
        %get3A_1463 = arith.index_cast %get3A_1462 : i32 to index
        %get3A_1464 = arith.index_cast %add3A_1409 : i32 to index
        %get3A_1465 = arith.constant 112 : index
        %get3A_1466 = tpu.vector_load %arg8[%get3A_1463, %get3A_1464, %get3A_1465] {strides = array<i32>} : memref<2x200x128xf32, #tpu.memory_space<vmem>>, vector<1x1x16xf32>,
        %get3A_1467 = vector.shape_cast %get3A_1466 : vector<1x1x16xf32> to vector<16xf32>
        %select_n3A_1468 = arith.select %ne3A_1413, %get3A_1467, %get3A_1461 : vector<16xf32>
        %add3A_1469 = arith.addf %add3A_1405, %select_n3A_1468 : vector<16xf32>
        %mul3A_1470 = arith.constant 16 : i32
        %mul3A_1471 = arith.muli %scan3A_1329, %mul3A_1470 : i32
        %add3A_1472 = arith.constant 2 : i32
        %add3A_1473 = arith.addi %mul3A_1471, %add3A_1472 : i32
        %slice3A_1474 = vector.extract_strided_slice %get3A_1341 {offsets = [2], sizes = [1], strides = [1]} : vector<16xi32> to vector<1xi32>
        %squeeze3A_1475 = vector.extract %slice3A_1474[0] : i32 from vector<1xi32>
        %ne3A_1476 = arith.constant 0 : i32
        %ne3A_1477 = arith.cmpi ne, %squeeze3A_1475, %ne3A_1476 : i32
        %get3A_1478 = arith.constant 1 : i32
        %get3A_1479 = arith.index_cast %get3A_1478 : i32 to index
        %get3A_1480 = arith.index_cast %add3A_1473 : i32 to index
        %get3A_1481 = arith.constant 0 : index
        %get3A_1482 = tpu.vector_load %arg8[%get3A_1479, %get3A_1480, %get3A_1481] {strides = array<i32>} : memref<2x200x128xf32, #tpu.memory_space<vmem>>, vector<1x1x16xf32>,
        %get3A_1483 = vector.shape_cast %get3A_1482 : vector<1x1x16xf32> to vector<16xf32>
        %get3A_1484 = arith.constant 1 : i32
        %get3A_1485 = arith.index_cast %get3A_1484 : i32 to index
        %get3A_1486 = arith.index_cast %add3A_1473 : i32 to index
        %get3A_1487 = arith.constant 64 : index
        %get3A_1488 = tpu.vector_load %arg8[%get3A_1485, %get3A_1486, %get3A_1487] {strides = array<i32>} : memref<2x200x128xf32, #tpu.memory_space<vmem>>, vector<1x1x16xf32>,
        %get3A_1489 = vector.shape_cast %get3A_1488 : vector<1x1x16xf32> to vector<16xf32>
        %select_n3A_1490 = arith.select %ne3A_1477, %get3A_1489, %get3A_1483 : vector<16xf32>
        %add3A_1491 = arith.addf %add3A_1427, %select_n3A_1490 : vector<16xf32>
        %get3A_1492 = arith.constant 1 : i32
        %get3A_1493 = arith.index_cast %get3A_1492 : i32 to index
        %get3A_1494 = arith.index_cast %add3A_1473 : i32 to index
        %get3A_1495 = arith.constant 16 : index
        %get3A_1496 = tpu.vector_load %arg8[%get3A_1493, %get3A_1494, %get3A_1495] {strides = array<i32>} : memref<2x200x128xf32, #tpu.memory_space<vmem>>, vector<1x1x16xf32>,
        %get3A_1497 = vector.shape_cast %get3A_1496 : vector<1x1x16xf32> to vector<16xf32>
        %get3A_1498 = arith.constant 1 : i32
        %get3A_1499 = arith.index_cast %get3A_1498 : i32 to index
        %get3A_1500 = arith.index_cast %add3A_1473 : i32 to index
        %get3A_1501 = arith.constant 80 : index
        %get3A_1502 = tpu.vector_load %arg8[%get3A_1499, %get3A_1500, %get3A_1501] {strides = array<i32>} : memref<2x200x128xf32, #tpu.memory_space<vmem>>, vector<1x1x16xf32>,
        %get3A_1503 = vector.shape_cast %get3A_1502 : vector<1x1x16xf32> to vector<16xf32>
        %select_n3A_1504 = arith.select %ne3A_1477, %get3A_1503, %get3A_1497 : vector<16xf32>
        %add3A_1505 = arith.addf %add3A_1441, %select_n3A_1504 : vector<16xf32>
        %get3A_1506 = arith.constant 1 : i32
        %get3A_1507 = arith.index_cast %get3A_1506 : i32 to index
        %get3A_1508 = arith.index_cast %add3A_1473 : i32 to index
        %get3A_1509 = arith.constant 32 : index
        %get3A_1510 = tpu.vector_load %arg8[%get3A_1507, %get3A_1508, %get3A_1509] {strides = array<i32>} : memref<2x200x128xf32, #tpu.memory_space<vmem>>, vector<1x1x16xf32>,
        %get3A_1511 = vector.shape_cast %get3A_1510 : vector<1x1x16xf32> to vector<16xf32>
        %get3A_1512 = arith.constant 1 : i32
        %get3A_1513 = arith.index_cast %get3A_1512 : i32 to index
        %get3A_1514 = arith.index_cast %add3A_1473 : i32 to index
        %get3A_1515 = arith.constant 96 : index
        %get3A_1516 = tpu.vector_load %arg8[%get3A_1513, %get3A_1514, %get3A_1515] {strides = array<i32>} : memref<2x200x128xf32, #tpu.memory_space<vmem>>, vector<1x1x16xf32>,
        %get3A_1517 = vector.shape_cast %get3A_1516 : vector<1x1x16xf32> to vector<16xf32>
        %select_n3A_1518 = arith.select %ne3A_1477, %get3A_1517, %get3A_1511 : vector<16xf32>
        %add3A_1519 = arith.addf %add3A_1455, %select_n3A_1518 : vector<16xf32>
        %get3A_1520 = arith.constant 1 : i32
        %get3A_1521 = arith.index_cast %get3A_1520 : i32 to index
        %get3A_1522 = arith.index_cast %add3A_1473 : i32 to index
        %get3A_1523 = arith.constant 48 : index
        %get3A_1524 = tpu.vector_load %arg8[%get3A_1521, %get3A_1522, %get3A_1523] {strides = array<i32>} : memref<2x200x128xf32, #tpu.memory_space<vmem>>, vector<1x1x16xf32>,
        %get3A_1525 = vector.shape_cast %get3A_1524 : vector<1x1x16xf32> to vector<16xf32>
        %get3A_1526 = arith.constant 1 : i32
        %get3A_1527 = arith.index_cast %get3A_1526 : i32 to index
        %get3A_1528 = arith.index_cast %add3A_1473 : i32 to index
        %get3A_1529 = arith.constant 112 : index
        %get3A_1530 = tpu.vector_load %arg8[%get3A_1527, %get3A_1528, %get3A_1529] {strides = array<i32>} : memref<2x200x128xf32, #tpu.memory_space<vmem>>, vector<1x1x16xf32>,
        %get3A_1531 = vector.shape_cast %get3A_1530 : vector<1x1x16xf32> to vector<16xf32>
        %select_n3A_1532 = arith.select %ne3A_1477, %get3A_1531, %get3A_1525 : vector<16xf32>
        %add3A_1533 = arith.addf %add3A_1469, %select_n3A_1532 : vector<16xf32>
        %mul3A_1534 = arith.constant 16 : i32
        %mul3A_1535 = arith.muli %scan3A_1329, %mul3A_1534 : i32
        %add3A_1536 = arith.constant 3 : i32
        %add3A_1537 = arith.addi %mul3A_1535, %add3A_1536 : i32
        %slice3A_1538 = vector.extract_strided_slice %get3A_1341 {offsets = [3], sizes = [1], strides = [1]} : vector<16xi32> to vector<1xi32>
        %squeeze3A_1539 = vector.extract %slice3A_1538[0] : i32 from vector<1xi32>
        %ne3A_1540 = arith.constant 0 : i32
        %ne3A_1541 = arith.cmpi ne, %squeeze3A_1539, %ne3A_1540 : i32
        %get3A_1542 = arith.constant 1 : i32
        %get3A_1543 = arith.index_cast %get3A_1542 : i32 to index
        %get3A_1544 = arith.index_cast %add3A_1537 : i32 to index
        %get3A_1545 = arith.constant 0 : index
        %get3A_1546 = tpu.vector_load %arg8[%get3A_1543, %get3A_1544, %get3A_1545] {strides = array<i32>} : memref<2x200x128xf32, #tpu.memory_space<vmem>>, vector<1x1x16xf32>,
        %get3A_1547 = vector.shape_cast %get3A_1546 : vector<1x1x16xf32> to vector<16xf32>
        %get3A_1548 = arith.constant 1 : i32
        %get3A_1549 = arith.index_cast %get3A_1548 : i32 to index
        %get3A_1550 = arith.index_cast %add3A_1537 : i32 to index
        %get3A_1551 = arith.constant 64 : index
        %get3A_1552 = tpu.vector_load %arg8[%get3A_1549, %get3A_1550, %get3A_1551] {strides = array<i32>} : memref<2x200x128xf32, #tpu.memory_space<vmem>>, vector<1x1x16xf32>,
        %get3A_1553 = vector.shape_cast %get3A_1552 : vector<1x1x16xf32> to vector<16xf32>
        %select_n3A_1554 = arith.select %ne3A_1541, %get3A_1553, %get3A_1547 : vector<16xf32>
        %add3A_1555 = arith.addf %add3A_1491, %select_n3A_1554 : vector<16xf32>
        %get3A_1556 = arith.constant 1 : i32
        %get3A_1557 = arith.index_cast %get3A_1556 : i32 to index
        %get3A_1558 = arith.index_cast %add3A_1537 : i32 to index
        %get3A_1559 = arith.constant 16 : index
        %get3A_1560 = tpu.vector_load %arg8[%get3A_1557, %get3A_1558, %get3A_1559] {strides = array<i32>} : memref<2x200x128xf32, #tpu.memory_space<vmem>>, vector<1x1x16xf32>,
        %get3A_1561 = vector.shape_cast %get3A_1560 : vector<1x1x16xf32> to vector<16xf32>
        %get3A_1562 = arith.constant 1 : i32
        %get3A_1563 = arith.index_cast %get3A_1562 : i32 to index
        %get3A_1564 = arith.index_cast %add3A_1537 : i32 to index
        %get3A_1565 = arith.constant 80 : index
        %get3A_1566 = tpu.vector_load %arg8[%get3A_1563, %get3A_1564, %get3A_1565] {strides = array<i32>} : memref<2x200x128xf32, #tpu.memory_space<vmem>>, vector<1x1x16xf32>,
        %get3A_1567 = vector.shape_cast %get3A_1566 : vector<1x1x16xf32> to vector<16xf32>
        %select_n3A_1568 = arith.select %ne3A_1541, %get3A_1567, %get3A_1561 : vector<16xf32>
        %add3A_1569 = arith.addf %add3A_1505, %select_n3A_1568 : vector<16xf32>
        %get3A_1570 = arith.constant 1 : i32
        %get3A_1571 = arith.index_cast %get3A_1570 : i32 to index
        %get3A_1572 = arith.index_cast %add3A_1537 : i32 to index
        %get3A_1573 = arith.constant 32 : index
        %get3A_1574 = tpu.vector_load %arg8[%get3A_1571, %get3A_1572, %get3A_1573] {strides = array<i32>} : memref<2x200x128xf32, #tpu.memory_space<vmem>>, vector<1x1x16xf32>,
        %get3A_1575 = vector.shape_cast %get3A_1574 : vector<1x1x16xf32> to vector<16xf32>
        %get3A_1576 = arith.constant 1 : i32
        %get3A_1577 = arith.index_cast %get3A_1576 : i32 to index
        %get3A_1578 = arith.index_cast %add3A_1537 : i32 to index
        %get3A_1579 = arith.constant 96 : index
        %get3A_1580 = tpu.vector_load %arg8[%get3A_1577, %get3A_1578, %get3A_1579] {strides = array<i32>} : memref<2x200x128xf32, #tpu.memory_space<vmem>>, vector<1x1x16xf32>,
        %get3A_1581 = vector.shape_cast %get3A_1580 : vector<1x1x16xf32> to vector<16xf32>
        %select_n3A_1582 = arith.select %ne3A_1541, %get3A_1581, %get3A_1575 : vector<16xf32>
        %add3A_1583 = arith.addf %add3A_1519, %select_n3A_1582 : vector<16xf32>
        %get3A_1584 = arith.constant 1 : i32
        %get3A_1585 = arith.index_cast %get3A_1584 : i32 to index
        %get3A_1586 = arith.index_cast %add3A_1537 : i32 to index
        %get3A_1587 = arith.constant 48 : index
        %get3A_1588 = tpu.vector_load %arg8[%get3A_1585, %get3A_1586, %get3A_1587] {strides = array<i32>} : memref<2x200x128xf32, #tpu.memory_space<vmem>>, vector<1x1x16xf32>,
        %get3A_1589 = vector.shape_cast %get3A_1588 : vector<1x1x16xf32> to vector<16xf32>
        %get3A_1590 = arith.constant 1 : i32
        %get3A_1591 = arith.index_cast %get3A_1590 : i32 to index
        %get3A_1592 = arith.index_cast %add3A_1537 : i32 to index
        %get3A_1593 = arith.constant 112 : index
        %get3A_1594 = tpu.vector_load %arg8[%get3A_1591, %get3A_1592, %get3A_1593] {strides = array<i32>} : memref<2x200x128xf32, #tpu.memory_space<vmem>>, vector<1x1x16xf32>,
        %get3A_1595 = vector.shape_cast %get3A_1594 : vector<1x1x16xf32> to vector<16xf32>
        %select_n3A_1596 = arith.select %ne3A_1541, %get3A_1595, %get3A_1589 : vector<16xf32>
        %add3A_1597 = arith.addf %add3A_1533, %select_n3A_1596 : vector<16xf32>
        %mul3A_1598 = arith.constant 16 : i32
        %mul3A_1599 = arith.muli %scan3A_1329, %mul3A_1598 : i32
        %add3A_1600 = arith.constant 4 : i32
        %add3A_1601 = arith.addi %mul3A_1599, %add3A_1600 : i32
        %slice3A_1602 = vector.extract_strided_slice %get3A_1341 {offsets = [4], sizes = [1], strides = [1]} : vector<16xi32> to vector<1xi32>
        %squeeze3A_1603 = vector.extract %slice3A_1602[0] : i32 from vector<1xi32>
        %ne3A_1604 = arith.constant 0 : i32
        %ne3A_1605 = arith.cmpi ne, %squeeze3A_1603, %ne3A_1604 : i32
        %get3A_1606 = arith.constant 1 : i32
        %get3A_1607 = arith.index_cast %get3A_1606 : i32 to index
        %get3A_1608 = arith.index_cast %add3A_1601 : i32 to index
        %get3A_1609 = arith.constant 0 : index
        %get3A_1610 = tpu.vector_load %arg8[%get3A_1607, %get3A_1608, %get3A_1609] {strides = array<i32>} : memref<2x200x128xf32, #tpu.memory_space<vmem>>, vector<1x1x16xf32>,
        %get3A_1611 = vector.shape_cast %get3A_1610 : vector<1x1x16xf32> to vector<16xf32>
        %get3A_1612 = arith.constant 1 : i32
        %get3A_1613 = arith.index_cast %get3A_1612 : i32 to index
        %get3A_1614 = arith.index_cast %add3A_1601 : i32 to index
        %get3A_1615 = arith.constant 64 : index
        %get3A_1616 = tpu.vector_load %arg8[%get3A_1613, %get3A_1614, %get3A_1615] {strides = array<i32>} : memref<2x200x128xf32, #tpu.memory_space<vmem>>, vector<1x1x16xf32>,
        %get3A_1617 = vector.shape_cast %get3A_1616 : vector<1x1x16xf32> to vector<16xf32>
        %select_n3A_1618 = arith.select %ne3A_1605, %get3A_1617, %get3A_1611 : vector<16xf32>
        %add3A_1619 = arith.addf %add3A_1555, %select_n3A_1618 : vector<16xf32>
        %get3A_1620 = arith.constant 1 : i32
        %get3A_1621 = arith.index_cast %get3A_1620 : i32 to index
        %get3A_1622 = arith.index_cast %add3A_1601 : i32 to index
        %get3A_1623 = arith.constant 16 : index
        %get3A_1624 = tpu.vector_load %arg8[%get3A_1621, %get3A_1622, %get3A_1623] {strides = array<i32>} : memref<2x200x128xf32, #tpu.memory_space<vmem>>, vector<1x1x16xf32>,
        %get3A_1625 = vector.shape_cast %get3A_1624 : vector<1x1x16xf32> to vector<16xf32>
        %get3A_1626 = arith.constant 1 : i32
        %get3A_1627 = arith.index_cast %get3A_1626 : i32 to index
        %get3A_1628 = arith.index_cast %add3A_1601 : i32 to index
        %get3A_1629 = arith.constant 80 : index
        %get3A_1630 = tpu.vector_load %arg8[%get3A_1627, %get3A_1628, %get3A_1629] {strides = array<i32>} : memref<2x200x128xf32, #tpu.memory_space<vmem>>, vector<1x1x16xf32>,
        %get3A_1631 = vector.shape_cast %get3A_1630 : vector<1x1x16xf32> to vector<16xf32>
        %select_n3A_1632 = arith.select %ne3A_1605, %get3A_1631, %get3A_1625 : vector<16xf32>
        %add3A_1633 = arith.addf %add3A_1569, %select_n3A_1632 : vector<16xf32>
        %get3A_1634 = arith.constant 1 : i32
        %get3A_1635 = arith.index_cast %get3A_1634 : i32 to index
        %get3A_1636 = arith.index_cast %add3A_1601 : i32 to index
        %get3A_1637 = arith.constant 32 : index
        %get3A_1638 = tpu.vector_load %arg8[%get3A_1635, %get3A_1636, %get3A_1637] {strides = array<i32>} : memref<2x200x128xf32, #tpu.memory_space<vmem>>, vector<1x1x16xf32>,
        %get3A_1639 = vector.shape_cast %get3A_1638 : vector<1x1x16xf32> to vector<16xf32>
        %get3A_1640 = arith.constant 1 : i32
        %get3A_1641 = arith.index_cast %get3A_1640 : i32 to index
        %get3A_1642 = arith.index_cast %add3A_1601 : i32 to index
        %get3A_1643 = arith.constant 96 : index
        %get3A_1644 = tpu.vector_load %arg8[%get3A_1641, %get3A_1642, %get3A_1643] {strides = array<i32>} : memref<2x200x128xf32, #tpu.memory_space<vmem>>, vector<1x1x16xf32>,
        %get3A_1645 = vector.shape_cast %get3A_1644 : vector<1x1x16xf32> to vector<16xf32>
        %select_n3A_1646 = arith.select %ne3A_1605, %get3A_1645, %get3A_1639 : vector<16xf32>
        %add3A_1647 = arith.addf %add3A_1583, %select_n3A_1646 : vector<16xf32>
        %get3A_1648 = arith.constant 1 : i32
        %get3A_1649 = arith.index_cast %get3A_1648 : i32 to index
        %get3A_1650 = arith.index_cast %add3A_1601 : i32 to index
        %get3A_1651 = arith.constant 48 : index
        %get3A_1652 = tpu.vector_load %arg8[%get3A_1649, %get3A_1650, %get3A_1651] {strides = array<i32>} : memref<2x200x128xf32, #tpu.memory_space<vmem>>, vector<1x1x16xf32>,
        %get3A_1653 = vector.shape_cast %get3A_1652 : vector<1x1x16xf32> to vector<16xf32>
        %get3A_1654 = arith.constant 1 : i32
        %get3A_1655 = arith.index_cast %get3A_1654 : i32 to index
        %get3A_1656 = arith.index_cast %add3A_1601 : i32 to index
        %get3A_1657 = arith.constant 112 : index
        %get3A_1658 = tpu.vector_load %arg8[%get3A_1655, %get3A_1656, %get3A_1657] {strides = array<i32>} : memref<2x200x128xf32, #tpu.memory_space<vmem>>, vector<1x1x16xf32>,
        %get3A_1659 = vector.shape_cast %get3A_1658 : vector<1x1x16xf32> to vector<16xf32>
        %select_n3A_1660 = arith.select %ne3A_1605, %get3A_1659, %get3A_1653 : vector<16xf32>
        %add3A_1661 = arith.addf %add3A_1597, %select_n3A_1660 : vector<16xf32>
        %mul3A_1662 = arith.constant 16 : i32
        %mul3A_1663 = arith.muli %scan3A_1329, %mul3A_1662 : i32
        %add3A_1664 = arith.constant 5 : i32
        %add3A_1665 = arith.addi %mul3A_1663, %add3A_1664 : i32
        %slice3A_1666 = vector.extract_strided_slice %get3A_1341 {offsets = [5], sizes = [1], strides = [1]} : vector<16xi32> to vector<1xi32>
        %squeeze3A_1667 = vector.extract %slice3A_1666[0] : i32 from vector<1xi32>
        %ne3A_1668 = arith.constant 0 : i32
        %ne3A_1669 = arith.cmpi ne, %squeeze3A_1667, %ne3A_1668 : i32
        %get3A_1670 = arith.constant 1 : i32
        %get3A_1671 = arith.index_cast %get3A_1670 : i32 to index
        %get3A_1672 = arith.index_cast %add3A_1665 : i32 to index
        %get3A_1673 = arith.constant 0 : index
        %get3A_1674 = tpu.vector_load %arg8[%get3A_1671, %get3A_1672, %get3A_1673] {strides = array<i32>} : memref<2x200x128xf32, #tpu.memory_space<vmem>>, vector<1x1x16xf32>,
        %get3A_1675 = vector.shape_cast %get3A_1674 : vector<1x1x16xf32> to vector<16xf32>
        %get3A_1676 = arith.constant 1 : i32
        %get3A_1677 = arith.index_cast %get3A_1676 : i32 to index
        %get3A_1678 = arith.index_cast %add3A_1665 : i32 to index
        %get3A_1679 = arith.constant 64 : index
        %get3A_1680 = tpu.vector_load %arg8[%get3A_1677, %get3A_1678, %get3A_1679] {strides = array<i32>} : memref<2x200x128xf32, #tpu.memory_space<vmem>>, vector<1x1x16xf32>,
        %get3A_1681 = vector.shape_cast %get3A_1680 : vector<1x1x16xf32> to vector<16xf32>
        %select_n3A_1682 = arith.select %ne3A_1669, %get3A_1681, %get3A_1675 : vector<16xf32>
        %add3A_1683 = arith.addf %add3A_1619, %select_n3A_1682 : vector<16xf32>
        %get3A_1684 = arith.constant 1 : i32
        %get3A_1685 = arith.index_cast %get3A_1684 : i32 to index
        %get3A_1686 = arith.index_cast %add3A_1665 : i32 to index
        %get3A_1687 = arith.constant 16 : index
        %get3A_1688 = tpu.vector_load %arg8[%get3A_1685, %get3A_1686, %get3A_1687] {strides = array<i32>} : memref<2x200x128xf32, #tpu.memory_space<vmem>>, vector<1x1x16xf32>,
        %get3A_1689 = vector.shape_cast %get3A_1688 : vector<1x1x16xf32> to vector<16xf32>
        %get3A_1690 = arith.constant 1 : i32
        %get3A_1691 = arith.index_cast %get3A_1690 : i32 to index
        %get3A_1692 = arith.index_cast %add3A_1665 : i32 to index
        %get3A_1693 = arith.constant 80 : index
        %get3A_1694 = tpu.vector_load %arg8[%get3A_1691, %get3A_1692, %get3A_1693] {strides = array<i32>} : memref<2x200x128xf32, #tpu.memory_space<vmem>>, vector<1x1x16xf32>,
        %get3A_1695 = vector.shape_cast %get3A_1694 : vector<1x1x16xf32> to vector<16xf32>
        %select_n3A_1696 = arith.select %ne3A_1669, %get3A_1695, %get3A_1689 : vector<16xf32>
        %add3A_1697 = arith.addf %add3A_1633, %select_n3A_1696 : vector<16xf32>
        %get3A_1698 = arith.constant 1 : i32
        %get3A_1699 = arith.index_cast %get3A_1698 : i32 to index
        %get3A_1700 = arith.index_cast %add3A_1665 : i32 to index
        %get3A_1701 = arith.constant 32 : index
        %get3A_1702 = tpu.vector_load %arg8[%get3A_1699, %get3A_1700, %get3A_1701] {strides = array<i32>} : memref<2x200x128xf32, #tpu.memory_space<vmem>>, vector<1x1x16xf32>,
        %get3A_1703 = vector.shape_cast %get3A_1702 : vector<1x1x16xf32> to vector<16xf32>
        %get3A_1704 = arith.constant 1 : i32
        %get3A_1705 = arith.index_cast %get3A_1704 : i32 to index
        %get3A_1706 = arith.index_cast %add3A_1665 : i32 to index
        %get3A_1707 = arith.constant 96 : index
        %get3A_1708 = tpu.vector_load %arg8[%get3A_1705, %get3A_1706, %get3A_1707] {strides = array<i32>} : memref<2x200x128xf32, #tpu.memory_space<vmem>>, vector<1x1x16xf32>,
        %get3A_1709 = vector.shape_cast %get3A_1708 : vector<1x1x16xf32> to vector<16xf32>
        %select_n3A_1710 = arith.select %ne3A_1669, %get3A_1709, %get3A_1703 : vector<16xf32>
        %add3A_1711 = arith.addf %add3A_1647, %select_n3A_1710 : vector<16xf32>
        %get3A_1712 = arith.constant 1 : i32
        %get3A_1713 = arith.index_cast %get3A_1712 : i32 to index
        %get3A_1714 = arith.index_cast %add3A_1665 : i32 to index
        %get3A_1715 = arith.constant 48 : index
        %get3A_1716 = tpu.vector_load %arg8[%get3A_1713, %get3A_1714, %get3A_1715] {strides = array<i32>} : memref<2x200x128xf32, #tpu.memory_space<vmem>>, vector<1x1x16xf32>,
        %get3A_1717 = vector.shape_cast %get3A_1716 : vector<1x1x16xf32> to vector<16xf32>
        %get3A_1718 = arith.constant 1 : i32
        %get3A_1719 = arith.index_cast %get3A_1718 : i32 to index
        %get3A_1720 = arith.index_cast %add3A_1665 : i32 to index
        %get3A_1721 = arith.constant 112 : index
        %get3A_1722 = tpu.vector_load %arg8[%get3A_1719, %get3A_1720, %get3A_1721] {strides = array<i32>} : memref<2x200x128xf32, #tpu.memory_space<vmem>>, vector<1x1x16xf32>,
        %get3A_1723 = vector.shape_cast %get3A_1722 : vector<1x1x16xf32> to vector<16xf32>
        %select_n3A_1724 = arith.select %ne3A_1669, %get3A_1723, %get3A_1717 : vector<16xf32>
        %add3A_1725 = arith.addf %add3A_1661, %select_n3A_1724 : vector<16xf32>
        %mul3A_1726 = arith.constant 16 : i32
        %mul3A_1727 = arith.muli %scan3A_1329, %mul3A_1726 : i32
        %add3A_1728 = arith.constant 6 : i32
        %add3A_1729 = arith.addi %mul3A_1727, %add3A_1728 : i32
        %slice3A_1730 = vector.extract_strided_slice %get3A_1341 {offsets = [6], sizes = [1], strides = [1]} : vector<16xi32> to vector<1xi32>
        %squeeze3A_1731 = vector.extract %slice3A_1730[0] : i32 from vector<1xi32>
        %ne3A_1732 = arith.constant 0 : i32
        %ne3A_1733 = arith.cmpi ne, %squeeze3A_1731, %ne3A_1732 : i32
        %get3A_1734 = arith.constant 1 : i32
        %get3A_1735 = arith.index_cast %get3A_1734 : i32 to index
        %get3A_1736 = arith.index_cast %add3A_1729 : i32 to index
        %get3A_1737 = arith.constant 0 : index
        %get3A_1738 = tpu.vector_load %arg8[%get3A_1735, %get3A_1736, %get3A_1737] {strides = array<i32>} : memref<2x200x128xf32, #tpu.memory_space<vmem>>, vector<1x1x16xf32>,
        %get3A_1739 = vector.shape_cast %get3A_1738 : vector<1x1x16xf32> to vector<16xf32>
        %get3A_1740 = arith.constant 1 : i32
        %get3A_1741 = arith.index_cast %get3A_1740 : i32 to index
        %get3A_1742 = arith.index_cast %add3A_1729 : i32 to index
        %get3A_1743 = arith.constant 64 : index
        %get3A_1744 = tpu.vector_load %arg8[%get3A_1741, %get3A_1742, %get3A_1743] {strides = array<i32>} : memref<2x200x128xf32, #tpu.memory_space<vmem>>, vector<1x1x16xf32>,
        %get3A_1745 = vector.shape_cast %get3A_1744 : vector<1x1x16xf32> to vector<16xf32>
        %select_n3A_1746 = arith.select %ne3A_1733, %get3A_1745, %get3A_1739 : vector<16xf32>
        %add3A_1747 = arith.addf %add3A_1683, %select_n3A_1746 : vector<16xf32>
        %get3A_1748 = arith.constant 1 : i32
        %get3A_1749 = arith.index_cast %get3A_1748 : i32 to index
        %get3A_1750 = arith.index_cast %add3A_1729 : i32 to index
        %get3A_1751 = arith.constant 16 : index
        %get3A_1752 = tpu.vector_load %arg8[%get3A_1749, %get3A_1750, %get3A_1751] {strides = array<i32>} : memref<2x200x128xf32, #tpu.memory_space<vmem>>, vector<1x1x16xf32>,
        %get3A_1753 = vector.shape_cast %get3A_1752 : vector<1x1x16xf32> to vector<16xf32>
        %get3A_1754 = arith.constant 1 : i32
        %get3A_1755 = arith.index_cast %get3A_1754 : i32 to index
        %get3A_1756 = arith.index_cast %add3A_1729 : i32 to index
        %get3A_1757 = arith.constant 80 : index
        %get3A_1758 = tpu.vector_load %arg8[%get3A_1755, %get3A_1756, %get3A_1757] {strides = array<i32>} : memref<2x200x128xf32, #tpu.memory_space<vmem>>, vector<1x1x16xf32>,
        %get3A_1759 = vector.shape_cast %get3A_1758 : vector<1x1x16xf32> to vector<16xf32>
        %select_n3A_1760 = arith.select %ne3A_1733, %get3A_1759, %get3A_1753 : vector<16xf32>
        %add3A_1761 = arith.addf %add3A_1697, %select_n3A_1760 : vector<16xf32>
        %get3A_1762 = arith.constant 1 : i32
        %get3A_1763 = arith.index_cast %get3A_1762 : i32 to index
        %get3A_1764 = arith.index_cast %add3A_1729 : i32 to index
        %get3A_1765 = arith.constant 32 : index
        %get3A_1766 = tpu.vector_load %arg8[%get3A_1763, %get3A_1764, %get3A_1765] {strides = array<i32>} : memref<2x200x128xf32, #tpu.memory_space<vmem>>, vector<1x1x16xf32>,
        %get3A_1767 = vector.shape_cast %get3A_1766 : vector<1x1x16xf32> to vector<16xf32>
        %get3A_1768 = arith.constant 1 : i32
        %get3A_1769 = arith.index_cast %get3A_1768 : i32 to index
        %get3A_1770 = arith.index_cast %add3A_1729 : i32 to index
        %get3A_1771 = arith.constant 96 : index
        %get3A_1772 = tpu.vector_load %arg8[%get3A_1769, %get3A_1770, %get3A_1771] {strides = array<i32>} : memref<2x200x128xf32, #tpu.memory_space<vmem>>, vector<1x1x16xf32>,
        %get3A_1773 = vector.shape_cast %get3A_1772 : vector<1x1x16xf32> to vector<16xf32>
        %select_n3A_1774 = arith.select %ne3A_1733, %get3A_1773, %get3A_1767 : vector<16xf32>
        %add3A_1775 = arith.addf %add3A_1711, %select_n3A_1774 : vector<16xf32>
        %get3A_1776 = arith.constant 1 : i32
        %get3A_1777 = arith.index_cast %get3A_1776 : i32 to index
        %get3A_1778 = arith.index_cast %add3A_1729 : i32 to index
        %get3A_1779 = arith.constant 48 : index
        %get3A_1780 = tpu.vector_load %arg8[%get3A_1777, %get3A_1778, %get3A_1779] {strides = array<i32>} : memref<2x200x128xf32, #tpu.memory_space<vmem>>, vector<1x1x16xf32>,
        %get3A_1781 = vector.shape_cast %get3A_1780 : vector<1x1x16xf32> to vector<16xf32>
        %get3A_1782 = arith.constant 1 : i32
        %get3A_1783 = arith.index_cast %get3A_1782 : i32 to index
        %get3A_1784 = arith.index_cast %add3A_1729 : i32 to index
        %get3A_1785 = arith.constant 112 : index
        %get3A_1786 = tpu.vector_load %arg8[%get3A_1783, %get3A_1784, %get3A_1785] {strides = array<i32>} : memref<2x200x128xf32, #tpu.memory_space<vmem>>, vector<1x1x16xf32>,
        %get3A_1787 = vector.shape_cast %get3A_1786 : vector<1x1x16xf32> to vector<16xf32>
        %select_n3A_1788 = arith.select %ne3A_1733, %get3A_1787, %get3A_1781 : vector<16xf32>
        %add3A_1789 = arith.addf %add3A_1725, %select_n3A_1788 : vector<16xf32>
        %mul3A_1790 = arith.constant 16 : i32
        %mul3A_1791 = arith.muli %scan3A_1329, %mul3A_1790 : i32
        %add3A_1792 = arith.constant 7 : i32
        %add3A_1793 = arith.addi %mul3A_1791, %add3A_1792 : i32
        %slice3A_1794 = vector.extract_strided_slice %get3A_1341 {offsets = [7], sizes = [1], strides = [1]} : vector<16xi32> to vector<1xi32>
        %squeeze3A_1795 = vector.extract %slice3A_1794[0] : i32 from vector<1xi32>
        %ne3A_1796 = arith.constant 0 : i32
        %ne3A_1797 = arith.cmpi ne, %squeeze3A_1795, %ne3A_1796 : i32
        %get3A_1798 = arith.constant 1 : i32
        %get3A_1799 = arith.index_cast %get3A_1798 : i32 to index
        %get3A_1800 = arith.index_cast %add3A_1793 : i32 to index
        %get3A_1801 = arith.constant 0 : index
        %get3A_1802 = tpu.vector_load %arg8[%get3A_1799, %get3A_1800, %get3A_1801] {strides = array<i32>} : memref<2x200x128xf32, #tpu.memory_space<vmem>>, vector<1x1x16xf32>,
        %get3A_1803 = vector.shape_cast %get3A_1802 : vector<1x1x16xf32> to vector<16xf32>
        %get3A_1804 = arith.constant 1 : i32
        %get3A_1805 = arith.index_cast %get3A_1804 : i32 to index
        %get3A_1806 = arith.index_cast %add3A_1793 : i32 to index
        %get3A_1807 = arith.constant 64 : index
        %get3A_1808 = tpu.vector_load %arg8[%get3A_1805, %get3A_1806, %get3A_1807] {strides = array<i32>} : memref<2x200x128xf32, #tpu.memory_space<vmem>>, vector<1x1x16xf32>,
        %get3A_1809 = vector.shape_cast %get3A_1808 : vector<1x1x16xf32> to vector<16xf32>
        %select_n3A_1810 = arith.select %ne3A_1797, %get3A_1809, %get3A_1803 : vector<16xf32>
        %add3A_1811 = arith.addf %add3A_1747, %select_n3A_1810 : vector<16xf32>
        %get3A_1812 = arith.constant 1 : i32
        %get3A_1813 = arith.index_cast %get3A_1812 : i32 to index
        %get3A_1814 = arith.index_cast %add3A_1793 : i32 to index
        %get3A_1815 = arith.constant 16 : index
        %get3A_1816 = tpu.vector_load %arg8[%get3A_1813, %get3A_1814, %get3A_1815] {strides = array<i32>} : memref<2x200x128xf32, #tpu.memory_space<vmem>>, vector<1x1x16xf32>,
        %get3A_1817 = vector.shape_cast %get3A_1816 : vector<1x1x16xf32> to vector<16xf32>
        %get3A_1818 = arith.constant 1 : i32
        %get3A_1819 = arith.index_cast %get3A_1818 : i32 to index
        %get3A_1820 = arith.index_cast %add3A_1793 : i32 to index
        %get3A_1821 = arith.constant 80 : index
        %get3A_1822 = tpu.vector_load %arg8[%get3A_1819, %get3A_1820, %get3A_1821] {strides = array<i32>} : memref<2x200x128xf32, #tpu.memory_space<vmem>>, vector<1x1x16xf32>,
        %get3A_1823 = vector.shape_cast %get3A_1822 : vector<1x1x16xf32> to vector<16xf32>
        %select_n3A_1824 = arith.select %ne3A_1797, %get3A_1823, %get3A_1817 : vector<16xf32>
        %add3A_1825 = arith.addf %add3A_1761, %select_n3A_1824 : vector<16xf32>
        %get3A_1826 = arith.constant 1 : i32
        %get3A_1827 = arith.index_cast %get3A_1826 : i32 to index
        %get3A_1828 = arith.index_cast %add3A_1793 : i32 to index
        %get3A_1829 = arith.constant 32 : index
        %get3A_1830 = tpu.vector_load %arg8[%get3A_1827, %get3A_1828, %get3A_1829] {strides = array<i32>} : memref<2x200x128xf32, #tpu.memory_space<vmem>>, vector<1x1x16xf32>,
        %get3A_1831 = vector.shape_cast %get3A_1830 : vector<1x1x16xf32> to vector<16xf32>
        %get3A_1832 = arith.constant 1 : i32
        %get3A_1833 = arith.index_cast %get3A_1832 : i32 to index
        %get3A_1834 = arith.index_cast %add3A_1793 : i32 to index
        %get3A_1835 = arith.constant 96 : index
        %get3A_1836 = tpu.vector_load %arg8[%get3A_1833, %get3A_1834, %get3A_1835] {strides = array<i32>} : memref<2x200x128xf32, #tpu.memory_space<vmem>>, vector<1x1x16xf32>,
        %get3A_1837 = vector.shape_cast %get3A_1836 : vector<1x1x16xf32> to vector<16xf32>
        %select_n3A_1838 = arith.select %ne3A_1797, %get3A_1837, %get3A_1831 : vector<16xf32>
        %add3A_1839 = arith.addf %add3A_1775, %select_n3A_1838 : vector<16xf32>
        %get3A_1840 = arith.constant 1 : i32
        %get3A_1841 = arith.index_cast %get3A_1840 : i32 to index
        %get3A_1842 = arith.index_cast %add3A_1793 : i32 to index
        %get3A_1843 = arith.constant 48 : index
        %get3A_1844 = tpu.vector_load %arg8[%get3A_1841, %get3A_1842, %get3A_1843] {strides = array<i32>} : memref<2x200x128xf32, #tpu.memory_space<vmem>>, vector<1x1x16xf32>,
        %get3A_1845 = vector.shape_cast %get3A_1844 : vector<1x1x16xf32> to vector<16xf32>
        %get3A_1846 = arith.constant 1 : i32
        %get3A_1847 = arith.index_cast %get3A_1846 : i32 to index
        %get3A_1848 = arith.index_cast %add3A_1793 : i32 to index
        %get3A_1849 = arith.constant 112 : index
        %get3A_1850 = tpu.vector_load %arg8[%get3A_1847, %get3A_1848, %get3A_1849] {strides = array<i32>} : memref<2x200x128xf32, #tpu.memory_space<vmem>>, vector<1x1x16xf32>,
        %get3A_1851 = vector.shape_cast %get3A_1850 : vector<1x1x16xf32> to vector<16xf32>
        %select_n3A_1852 = arith.select %ne3A_1797, %get3A_1851, %get3A_1845 : vector<16xf32>
        %add3A_1853 = arith.addf %add3A_1789, %select_n3A_1852 : vector<16xf32>
        %mul3A_1854 = arith.constant 16 : i32
        %mul3A_1855 = arith.muli %scan3A_1329, %mul3A_1854 : i32
        %add3A_1856 = arith.constant 8 : i32
        %add3A_1857 = arith.addi %mul3A_1855, %add3A_1856 : i32
        %slice3A_1858 = vector.extract_strided_slice %get3A_1341 {offsets = [8], sizes = [1], strides = [1]} : vector<16xi32> to vector<1xi32>
        %squeeze3A_1859 = vector.extract %slice3A_1858[0] : i32 from vector<1xi32>
        %ne3A_1860 = arith.constant 0 : i32
        %ne3A_1861 = arith.cmpi ne, %squeeze3A_1859, %ne3A_1860 : i32
        %get3A_1862 = arith.constant 1 : i32
        %get3A_1863 = arith.index_cast %get3A_1862 : i32 to index
        %get3A_1864 = arith.index_cast %add3A_1857 : i32 to index
        %get3A_1865 = arith.constant 0 : index
        %get3A_1866 = tpu.vector_load %arg8[%get3A_1863, %get3A_1864, %get3A_1865] {strides = array<i32>} : memref<2x200x128xf32, #tpu.memory_space<vmem>>, vector<1x1x16xf32>,
        %get3A_1867 = vector.shape_cast %get3A_1866 : vector<1x1x16xf32> to vector<16xf32>
        %get3A_1868 = arith.constant 1 : i32
        %get3A_1869 = arith.index_cast %get3A_1868 : i32 to index
        %get3A_1870 = arith.index_cast %add3A_1857 : i32 to index
        %get3A_1871 = arith.constant 64 : index
        %get3A_1872 = tpu.vector_load %arg8[%get3A_1869, %get3A_1870, %get3A_1871] {strides = array<i32>} : memref<2x200x128xf32, #tpu.memory_space<vmem>>, vector<1x1x16xf32>,
        %get3A_1873 = vector.shape_cast %get3A_1872 : vector<1x1x16xf32> to vector<16xf32>
        %select_n3A_1874 = arith.select %ne3A_1861, %get3A_1873, %get3A_1867 : vector<16xf32>
        %add3A_1875 = arith.addf %add3A_1811, %select_n3A_1874 : vector<16xf32>
        %get3A_1876 = arith.constant 1 : i32
        %get3A_1877 = arith.index_cast %get3A_1876 : i32 to index
        %get3A_1878 = arith.index_cast %add3A_1857 : i32 to index
        %get3A_1879 = arith.constant 16 : index
        %get3A_1880 = tpu.vector_load %arg8[%get3A_1877, %get3A_1878, %get3A_1879] {strides = array<i32>} : memref<2x200x128xf32, #tpu.memory_space<vmem>>, vector<1x1x16xf32>,
        %get3A_1881 = vector.shape_cast %get3A_1880 : vector<1x1x16xf32> to vector<16xf32>
        %get3A_1882 = arith.constant 1 : i32
        %get3A_1883 = arith.index_cast %get3A_1882 : i32 to index
        %get3A_1884 = arith.index_cast %add3A_1857 : i32 to index
        %get3A_1885 = arith.constant 80 : index
        %get3A_1886 = tpu.vector_load %arg8[%get3A_1883, %get3A_1884, %get3A_1885] {strides = array<i32>} : memref<2x200x128xf32, #tpu.memory_space<vmem>>, vector<1x1x16xf32>,
        %get3A_1887 = vector.shape_cast %get3A_1886 : vector<1x1x16xf32> to vector<16xf32>
        %select_n3A_1888 = arith.select %ne3A_1861, %get3A_1887, %get3A_1881 : vector<16xf32>
        %add3A_1889 = arith.addf %add3A_1825, %select_n3A_1888 : vector<16xf32>
        %get3A_1890 = arith.constant 1 : i32
        %get3A_1891 = arith.index_cast %get3A_1890 : i32 to index
        %get3A_1892 = arith.index_cast %add3A_1857 : i32 to index
        %get3A_1893 = arith.constant 32 : index
        %get3A_1894 = tpu.vector_load %arg8[%get3A_1891, %get3A_1892, %get3A_1893] {strides = array<i32>} : memref<2x200x128xf32, #tpu.memory_space<vmem>>, vector<1x1x16xf32>,
        %get3A_1895 = vector.shape_cast %get3A_1894 : vector<1x1x16xf32> to vector<16xf32>
        %get3A_1896 = arith.constant 1 : i32
        %get3A_1897 = arith.index_cast %get3A_1896 : i32 to index
        %get3A_1898 = arith.index_cast %add3A_1857 : i32 to index
        %get3A_1899 = arith.constant 96 : index
        %get3A_1900 = tpu.vector_load %arg8[%get3A_1897, %get3A_1898, %get3A_1899] {strides = array<i32>} : memref<2x200x128xf32, #tpu.memory_space<vmem>>, vector<1x1x16xf32>,
        %get3A_1901 = vector.shape_cast %get3A_1900 : vector<1x1x16xf32> to vector<16xf32>
        %select_n3A_1902 = arith.select %ne3A_1861, %get3A_1901, %get3A_1895 : vector<16xf32>
        %add3A_1903 = arith.addf %add3A_1839, %select_n3A_1902 : vector<16xf32>
        %get3A_1904 = arith.constant 1 : i32
        %get3A_1905 = arith.index_cast %get3A_1904 : i32 to index
        %get3A_1906 = arith.index_cast %add3A_1857 : i32 to index
        %get3A_1907 = arith.constant 48 : index
        %get3A_1908 = tpu.vector_load %arg8[%get3A_1905, %get3A_1906, %get3A_1907] {strides = array<i32>} : memref<2x200x128xf32, #tpu.memory_space<vmem>>, vector<1x1x16xf32>,
        %get3A_1909 = vector.shape_cast %get3A_1908 : vector<1x1x16xf32> to vector<16xf32>
        %get3A_1910 = arith.constant 1 : i32
        %get3A_1911 = arith.index_cast %get3A_1910 : i32 to index
        %get3A_1912 = arith.index_cast %add3A_1857 : i32 to index
        %get3A_1913 = arith.constant 112 : index
        %get3A_1914 = tpu.vector_load %arg8[%get3A_1911, %get3A_1912, %get3A_1913] {strides = array<i32>} : memref<2x200x128xf32, #tpu.memory_space<vmem>>, vector<1x1x16xf32>,
        %get3A_1915 = vector.shape_cast %get3A_1914 : vector<1x1x16xf32> to vector<16xf32>
        %select_n3A_1916 = arith.select %ne3A_1861, %get3A_1915, %get3A_1909 : vector<16xf32>
        %add3A_1917 = arith.addf %add3A_1853, %select_n3A_1916 : vector<16xf32>
        %mul3A_1918 = arith.constant 16 : i32
        %mul3A_1919 = arith.muli %scan3A_1329, %mul3A_1918 : i32
        %add3A_1920 = arith.constant 9 : i32
        %add3A_1921 = arith.addi %mul3A_1919, %add3A_1920 : i32
        %slice3A_1922 = vector.extract_strided_slice %get3A_1341 {offsets = [9], sizes = [1], strides = [1]} : vector<16xi32> to vector<1xi32>
        %squeeze3A_1923 = vector.extract %slice3A_1922[0] : i32 from vector<1xi32>
        %ne3A_1924 = arith.constant 0 : i32
        %ne3A_1925 = arith.cmpi ne, %squeeze3A_1923, %ne3A_1924 : i32
        %get3A_1926 = arith.constant 1 : i32
        %get3A_1927 = arith.index_cast %get3A_1926 : i32 to index
        %get3A_1928 = arith.index_cast %add3A_1921 : i32 to index
        %get3A_1929 = arith.constant 0 : index
        %get3A_1930 = tpu.vector_load %arg8[%get3A_1927, %get3A_1928, %get3A_1929] {strides = array<i32>} : memref<2x200x128xf32, #tpu.memory_space<vmem>>, vector<1x1x16xf32>,
        %get3A_1931 = vector.shape_cast %get3A_1930 : vector<1x1x16xf32> to vector<16xf32>
        %get3A_1932 = arith.constant 1 : i32
        %get3A_1933 = arith.index_cast %get3A_1932 : i32 to index
        %get3A_1934 = arith.index_cast %add3A_1921 : i32 to index
        %get3A_1935 = arith.constant 64 : index
        %get3A_1936 = tpu.vector_load %arg8[%get3A_1933, %get3A_1934, %get3A_1935] {strides = array<i32>} : memref<2x200x128xf32, #tpu.memory_space<vmem>>, vector<1x1x16xf32>,
        %get3A_1937 = vector.shape_cast %get3A_1936 : vector<1x1x16xf32> to vector<16xf32>
        %select_n3A_1938 = arith.select %ne3A_1925, %get3A_1937, %get3A_1931 : vector<16xf32>
        %add3A_1939 = arith.addf %add3A_1875, %select_n3A_1938 : vector<16xf32>
        %get3A_1940 = arith.constant 1 : i32
        %get3A_1941 = arith.index_cast %get3A_1940 : i32 to index
        %get3A_1942 = arith.index_cast %add3A_1921 : i32 to index
        %get3A_1943 = arith.constant 16 : index
        %get3A_1944 = tpu.vector_load %arg8[%get3A_1941, %get3A_1942, %get3A_1943] {strides = array<i32>} : memref<2x200x128xf32, #tpu.memory_space<vmem>>, vector<1x1x16xf32>,
        %get3A_1945 = vector.shape_cast %get3A_1944 : vector<1x1x16xf32> to vector<16xf32>
        %get3A_1946 = arith.constant 1 : i32
        %get3A_1947 = arith.index_cast %get3A_1946 : i32 to index
        %get3A_1948 = arith.index_cast %add3A_1921 : i32 to index
        %get3A_1949 = arith.constant 80 : index
        %get3A_1950 = tpu.vector_load %arg8[%get3A_1947, %get3A_1948, %get3A_1949] {strides = array<i32>} : memref<2x200x128xf32, #tpu.memory_space<vmem>>, vector<1x1x16xf32>,
        %get3A_1951 = vector.shape_cast %get3A_1950 : vector<1x1x16xf32> to vector<16xf32>
        %select_n3A_1952 = arith.select %ne3A_1925, %get3A_1951, %get3A_1945 : vector<16xf32>
        %add3A_1953 = arith.addf %add3A_1889, %select_n3A_1952 : vector<16xf32>
        %get3A_1954 = arith.constant 1 : i32
        %get3A_1955 = arith.index_cast %get3A_1954 : i32 to index
        %get3A_1956 = arith.index_cast %add3A_1921 : i32 to index
        %get3A_1957 = arith.constant 32 : index
        %get3A_1958 = tpu.vector_load %arg8[%get3A_1955, %get3A_1956, %get3A_1957] {strides = array<i32>} : memref<2x200x128xf32, #tpu.memory_space<vmem>>, vector<1x1x16xf32>,
        %get3A_1959 = vector.shape_cast %get3A_1958 : vector<1x1x16xf32> to vector<16xf32>
        %get3A_1960 = arith.constant 1 : i32
        %get3A_1961 = arith.index_cast %get3A_1960 : i32 to index
        %get3A_1962 = arith.index_cast %add3A_1921 : i32 to index
        %get3A_1963 = arith.constant 96 : index
        %get3A_1964 = tpu.vector_load %arg8[%get3A_1961, %get3A_1962, %get3A_1963] {strides = array<i32>} : memref<2x200x128xf32, #tpu.memory_space<vmem>>, vector<1x1x16xf32>,
        %get3A_1965 = vector.shape_cast %get3A_1964 : vector<1x1x16xf32> to vector<16xf32>
        %select_n3A_1966 = arith.select %ne3A_1925, %get3A_1965, %get3A_1959 : vector<16xf32>
        %add3A_1967 = arith.addf %add3A_1903, %select_n3A_1966 : vector<16xf32>
        %get3A_1968 = arith.constant 1 : i32
        %get3A_1969 = arith.index_cast %get3A_1968 : i32 to index
        %get3A_1970 = arith.index_cast %add3A_1921 : i32 to index
        %get3A_1971 = arith.constant 48 : index
        %get3A_1972 = tpu.vector_load %arg8[%get3A_1969, %get3A_1970, %get3A_1971] {strides = array<i32>} : memref<2x200x128xf32, #tpu.memory_space<vmem>>, vector<1x1x16xf32>,
        %get3A_1973 = vector.shape_cast %get3A_1972 : vector<1x1x16xf32> to vector<16xf32>
        %get3A_1974 = arith.constant 1 : i32
        %get3A_1975 = arith.index_cast %get3A_1974 : i32 to index
        %get3A_1976 = arith.index_cast %add3A_1921 : i32 to index
        %get3A_1977 = arith.constant 112 : index
        %get3A_1978 = tpu.vector_load %arg8[%get3A_1975, %get3A_1976, %get3A_1977] {strides = array<i32>} : memref<2x200x128xf32, #tpu.memory_space<vmem>>, vector<1x1x16xf32>,
        %get3A_1979 = vector.shape_cast %get3A_1978 : vector<1x1x16xf32> to vector<16xf32>
        %select_n3A_1980 = arith.select %ne3A_1925, %get3A_1979, %get3A_1973 : vector<16xf32>
        %add3A_1981 = arith.addf %add3A_1917, %select_n3A_1980 : vector<16xf32>
        %mul3A_1982 = arith.constant 16 : i32
        %mul3A_1983 = arith.muli %scan3A_1329, %mul3A_1982 : i32
        %add3A_1984 = arith.constant 10 : i32
        %add3A_1985 = arith.addi %mul3A_1983, %add3A_1984 : i32
        %slice3A_1986 = vector.extract_strided_slice %get3A_1341 {offsets = [10], sizes = [1], strides = [1]} : vector<16xi32> to vector<1xi32>
        %squeeze3A_1987 = vector.extract %slice3A_1986[0] : i32 from vector<1xi32>
        %ne3A_1988 = arith.constant 0 : i32
        %ne3A_1989 = arith.cmpi ne, %squeeze3A_1987, %ne3A_1988 : i32
        %get3A_1990 = arith.constant 1 : i32
        %get3A_1991 = arith.index_cast %get3A_1990 : i32 to index
        %get3A_1992 = arith.index_cast %add3A_1985 : i32 to index
        %get3A_1993 = arith.constant 0 : index
        %get3A_1994 = tpu.vector_load %arg8[%get3A_1991, %get3A_1992, %get3A_1993] {strides = array<i32>} : memref<2x200x128xf32, #tpu.memory_space<vmem>>, vector<1x1x16xf32>,
        %get3A_1995 = vector.shape_cast %get3A_1994 : vector<1x1x16xf32> to vector<16xf32>
        %get3A_1996 = arith.constant 1 : i32
        %get3A_1997 = arith.index_cast %get3A_1996 : i32 to index
        %get3A_1998 = arith.index_cast %add3A_1985 : i32 to index
        %get3A_1999 = arith.constant 64 : index
        %get3A_2000 = tpu.vector_load %arg8[%get3A_1997, %get3A_1998, %get3A_1999] {strides = array<i32>} : memref<2x200x128xf32, #tpu.memory_space<vmem>>, vector<1x1x16xf32>,
        %get3A_2001 = vector.shape_cast %get3A_2000 : vector<1x1x16xf32> to vector<16xf32>
        %select_n3A_2002 = arith.select %ne3A_1989, %get3A_2001, %get3A_1995 : vector<16xf32>
        %add3A_2003 = arith.addf %add3A_1939, %select_n3A_2002 : vector<16xf32>
        %get3A_2004 = arith.constant 1 : i32
        %get3A_2005 = arith.index_cast %get3A_2004 : i32 to index
        %get3A_2006 = arith.index_cast %add3A_1985 : i32 to index
        %get3A_2007 = arith.constant 16 : index
        %get3A_2008 = tpu.vector_load %arg8[%get3A_2005, %get3A_2006, %get3A_2007] {strides = array<i32>} : memref<2x200x128xf32, #tpu.memory_space<vmem>>, vector<1x1x16xf32>,
        %get3A_2009 = vector.shape_cast %get3A_2008 : vector<1x1x16xf32> to vector<16xf32>
        %get3A_2010 = arith.constant 1 : i32
        %get3A_2011 = arith.index_cast %get3A_2010 : i32 to index
        %get3A_2012 = arith.index_cast %add3A_1985 : i32 to index
        %get3A_2013 = arith.constant 80 : index
        %get3A_2014 = tpu.vector_load %arg8[%get3A_2011, %get3A_2012, %get3A_2013] {strides = array<i32>} : memref<2x200x128xf32, #tpu.memory_space<vmem>>, vector<1x1x16xf32>,
        %get3A_2015 = vector.shape_cast %get3A_2014 : vector<1x1x16xf32> to vector<16xf32>
        %select_n3A_2016 = arith.select %ne3A_1989, %get3A_2015, %get3A_2009 : vector<16xf32>
        %add3A_2017 = arith.addf %add3A_1953, %select_n3A_2016 : vector<16xf32>
        %get3A_2018 = arith.constant 1 : i32
        %get3A_2019 = arith.index_cast %get3A_2018 : i32 to index
        %get3A_2020 = arith.index_cast %add3A_1985 : i32 to index
        %get3A_2021 = arith.constant 32 : index
        %get3A_2022 = tpu.vector_load %arg8[%get3A_2019, %get3A_2020, %get3A_2021] {strides = array<i32>} : memref<2x200x128xf32, #tpu.memory_space<vmem>>, vector<1x1x16xf32>,
        %get3A_2023 = vector.shape_cast %get3A_2022 : vector<1x1x16xf32> to vector<16xf32>
        %get3A_2024 = arith.constant 1 : i32
        %get3A_2025 = arith.index_cast %get3A_2024 : i32 to index
        %get3A_2026 = arith.index_cast %add3A_1985 : i32 to index
        %get3A_2027 = arith.constant 96 : index
        %get3A_2028 = tpu.vector_load %arg8[%get3A_2025, %get3A_2026, %get3A_2027] {strides = array<i32>} : memref<2x200x128xf32, #tpu.memory_space<vmem>>, vector<1x1x16xf32>,
        %get3A_2029 = vector.shape_cast %get3A_2028 : vector<1x1x16xf32> to vector<16xf32>
        %select_n3A_2030 = arith.select %ne3A_1989, %get3A_2029, %get3A_2023 : vector<16xf32>
        %add3A_2031 = arith.addf %add3A_1967, %select_n3A_2030 : vector<16xf32>
        %get3A_2032 = arith.constant 1 : i32
        %get3A_2033 = arith.index_cast %get3A_2032 : i32 to index
        %get3A_2034 = arith.index_cast %add3A_1985 : i32 to index
        %get3A_2035 = arith.constant 48 : index
        %get3A_2036 = tpu.vector_load %arg8[%get3A_2033, %get3A_2034, %get3A_2035] {strides = array<i32>} : memref<2x200x128xf32, #tpu.memory_space<vmem>>, vector<1x1x16xf32>,
        %get3A_2037 = vector.shape_cast %get3A_2036 : vector<1x1x16xf32> to vector<16xf32>
        %get3A_2038 = arith.constant 1 : i32
        %get3A_2039 = arith.index_cast %get3A_2038 : i32 to index
        %get3A_2040 = arith.index_cast %add3A_1985 : i32 to index
        %get3A_2041 = arith.constant 112 : index
        %get3A_2042 = tpu.vector_load %arg8[%get3A_2039, %get3A_2040, %get3A_2041] {strides = array<i32>} : memref<2x200x128xf32, #tpu.memory_space<vmem>>, vector<1x1x16xf32>,
        %get3A_2043 = vector.shape_cast %get3A_2042 : vector<1x1x16xf32> to vector<16xf32>
        %select_n3A_2044 = arith.select %ne3A_1989, %get3A_2043, %get3A_2037 : vector<16xf32>
        %add3A_2045 = arith.addf %add3A_1981, %select_n3A_2044 : vector<16xf32>
        %mul3A_2046 = arith.constant 16 : i32
        %mul3A_2047 = arith.muli %scan3A_1329, %mul3A_2046 : i32
        %add3A_2048 = arith.constant 11 : i32
        %add3A_2049 = arith.addi %mul3A_2047, %add3A_2048 : i32
        %slice3A_2050 = vector.extract_strided_slice %get3A_1341 {offsets = [11], sizes = [1], strides = [1]} : vector<16xi32> to vector<1xi32>
        %squeeze3A_2051 = vector.extract %slice3A_2050[0] : i32 from vector<1xi32>
        %ne3A_2052 = arith.constant 0 : i32
        %ne3A_2053 = arith.cmpi ne, %squeeze3A_2051, %ne3A_2052 : i32
        %get3A_2054 = arith.constant 1 : i32
        %get3A_2055 = arith.index_cast %get3A_2054 : i32 to index
        %get3A_2056 = arith.index_cast %add3A_2049 : i32 to index
        %get3A_2057 = arith.constant 0 : index
        %get3A_2058 = tpu.vector_load %arg8[%get3A_2055, %get3A_2056, %get3A_2057] {strides = array<i32>} : memref<2x200x128xf32, #tpu.memory_space<vmem>>, vector<1x1x16xf32>,
        %get3A_2059 = vector.shape_cast %get3A_2058 : vector<1x1x16xf32> to vector<16xf32>
        %get3A_2060 = arith.constant 1 : i32
        %get3A_2061 = arith.index_cast %get3A_2060 : i32 to index
        %get3A_2062 = arith.index_cast %add3A_2049 : i32 to index
        %get3A_2063 = arith.constant 64 : index
        %get3A_2064 = tpu.vector_load %arg8[%get3A_2061, %get3A_2062, %get3A_2063] {strides = array<i32>} : memref<2x200x128xf32, #tpu.memory_space<vmem>>, vector<1x1x16xf32>,
        %get3A_2065 = vector.shape_cast %get3A_2064 : vector<1x1x16xf32> to vector<16xf32>
        %select_n3A_2066 = arith.select %ne3A_2053, %get3A_2065, %get3A_2059 : vector<16xf32>
        %add3A_2067 = arith.addf %add3A_2003, %select_n3A_2066 : vector<16xf32>
        %get3A_2068 = arith.constant 1 : i32
        %get3A_2069 = arith.index_cast %get3A_2068 : i32 to index
        %get3A_2070 = arith.index_cast %add3A_2049 : i32 to index
        %get3A_2071 = arith.constant 16 : index
        %get3A_2072 = tpu.vector_load %arg8[%get3A_2069, %get3A_2070, %get3A_2071] {strides = array<i32>} : memref<2x200x128xf32, #tpu.memory_space<vmem>>, vector<1x1x16xf32>,
        %get3A_2073 = vector.shape_cast %get3A_2072 : vector<1x1x16xf32> to vector<16xf32>
        %get3A_2074 = arith.constant 1 : i32
        %get3A_2075 = arith.index_cast %get3A_2074 : i32 to index
        %get3A_2076 = arith.index_cast %add3A_2049 : i32 to index
        %get3A_2077 = arith.constant 80 : index
        %get3A_2078 = tpu.vector_load %arg8[%get3A_2075, %get3A_2076, %get3A_2077] {strides = array<i32>} : memref<2x200x128xf32, #tpu.memory_space<vmem>>, vector<1x1x16xf32>,
        %get3A_2079 = vector.shape_cast %get3A_2078 : vector<1x1x16xf32> to vector<16xf32>
        %select_n3A_2080 = arith.select %ne3A_2053, %get3A_2079, %get3A_2073 : vector<16xf32>
        %add3A_2081 = arith.addf %add3A_2017, %select_n3A_2080 : vector<16xf32>
        %get3A_2082 = arith.constant 1 : i32
        %get3A_2083 = arith.index_cast %get3A_2082 : i32 to index
        %get3A_2084 = arith.index_cast %add3A_2049 : i32 to index
        %get3A_2085 = arith.constant 32 : index
        %get3A_2086 = tpu.vector_load %arg8[%get3A_2083, %get3A_2084, %get3A_2085] {strides = array<i32>} : memref<2x200x128xf32, #tpu.memory_space<vmem>>, vector<1x1x16xf32>,
        %get3A_2087 = vector.shape_cast %get3A_2086 : vector<1x1x16xf32> to vector<16xf32>
        %get3A_2088 = arith.constant 1 : i32
        %get3A_2089 = arith.index_cast %get3A_2088 : i32 to index
        %get3A_2090 = arith.index_cast %add3A_2049 : i32 to index
        %get3A_2091 = arith.constant 96 : index
        %get3A_2092 = tpu.vector_load %arg8[%get3A_2089, %get3A_2090, %get3A_2091] {strides = array<i32>} : memref<2x200x128xf32, #tpu.memory_space<vmem>>, vector<1x1x16xf32>,
        %get3A_2093 = vector.shape_cast %get3A_2092 : vector<1x1x16xf32> to vector<16xf32>
        %select_n3A_2094 = arith.select %ne3A_2053, %get3A_2093, %get3A_2087 : vector<16xf32>
        %add3A_2095 = arith.addf %add3A_2031, %select_n3A_2094 : vector<16xf32>
        %get3A_2096 = arith.constant 1 : i32
        %get3A_2097 = arith.index_cast %get3A_2096 : i32 to index
        %get3A_2098 = arith.index_cast %add3A_2049 : i32 to index
        %get3A_2099 = arith.constant 48 : index
        %get3A_2100 = tpu.vector_load %arg8[%get3A_2097, %get3A_2098, %get3A_2099] {strides = array<i32>} : memref<2x200x128xf32, #tpu.memory_space<vmem>>, vector<1x1x16xf32>,
        %get3A_2101 = vector.shape_cast %get3A_2100 : vector<1x1x16xf32> to vector<16xf32>
        %get3A_2102 = arith.constant 1 : i32
        %get3A_2103 = arith.index_cast %get3A_2102 : i32 to index
        %get3A_2104 = arith.index_cast %add3A_2049 : i32 to index
        %get3A_2105 = arith.constant 112 : index
        %get3A_2106 = tpu.vector_load %arg8[%get3A_2103, %get3A_2104, %get3A_2105] {strides = array<i32>} : memref<2x200x128xf32, #tpu.memory_space<vmem>>, vector<1x1x16xf32>,
        %get3A_2107 = vector.shape_cast %get3A_2106 : vector<1x1x16xf32> to vector<16xf32>
        %select_n3A_2108 = arith.select %ne3A_2053, %get3A_2107, %get3A_2101 : vector<16xf32>
        %add3A_2109 = arith.addf %add3A_2045, %select_n3A_2108 : vector<16xf32>
        %mul3A_2110 = arith.constant 16 : i32
        %mul3A_2111 = arith.muli %scan3A_1329, %mul3A_2110 : i32
        %add3A_2112 = arith.constant 12 : i32
        %add3A_2113 = arith.addi %mul3A_2111, %add3A_2112 : i32
        %slice3A_2114 = vector.extract_strided_slice %get3A_1341 {offsets = [12], sizes = [1], strides = [1]} : vector<16xi32> to vector<1xi32>
        %squeeze3A_2115 = vector.extract %slice3A_2114[0] : i32 from vector<1xi32>
        %ne3A_2116 = arith.constant 0 : i32
        %ne3A_2117 = arith.cmpi ne, %squeeze3A_2115, %ne3A_2116 : i32
        %get3A_2118 = arith.constant 1 : i32
        %get3A_2119 = arith.index_cast %get3A_2118 : i32 to index
        %get3A_2120 = arith.index_cast %add3A_2113 : i32 to index
        %get3A_2121 = arith.constant 0 : index
        %get3A_2122 = tpu.vector_load %arg8[%get3A_2119, %get3A_2120, %get3A_2121] {strides = array<i32>} : memref<2x200x128xf32, #tpu.memory_space<vmem>>, vector<1x1x16xf32>,
        %get3A_2123 = vector.shape_cast %get3A_2122 : vector<1x1x16xf32> to vector<16xf32>
        %get3A_2124 = arith.constant 1 : i32
        %get3A_2125 = arith.index_cast %get3A_2124 : i32 to index
        %get3A_2126 = arith.index_cast %add3A_2113 : i32 to index
        %get3A_2127 = arith.constant 64 : index
        %get3A_2128 = tpu.vector_load %arg8[%get3A_2125, %get3A_2126, %get3A_2127] {strides = array<i32>} : memref<2x200x128xf32, #tpu.memory_space<vmem>>, vector<1x1x16xf32>,
        %get3A_2129 = vector.shape_cast %get3A_2128 : vector<1x1x16xf32> to vector<16xf32>
        %select_n3A_2130 = arith.select %ne3A_2117, %get3A_2129, %get3A_2123 : vector<16xf32>
        %add3A_2131 = arith.addf %add3A_2067, %select_n3A_2130 : vector<16xf32>
        %get3A_2132 = arith.constant 1 : i32
        %get3A_2133 = arith.index_cast %get3A_2132 : i32 to index
        %get3A_2134 = arith.index_cast %add3A_2113 : i32 to index
        %get3A_2135 = arith.constant 16 : index
        %get3A_2136 = tpu.vector_load %arg8[%get3A_2133, %get3A_2134, %get3A_2135] {strides = array<i32>} : memref<2x200x128xf32, #tpu.memory_space<vmem>>, vector<1x1x16xf32>,
        %get3A_2137 = vector.shape_cast %get3A_2136 : vector<1x1x16xf32> to vector<16xf32>
        %get3A_2138 = arith.constant 1 : i32
        %get3A_2139 = arith.index_cast %get3A_2138 : i32 to index
        %get3A_2140 = arith.index_cast %add3A_2113 : i32 to index
        %get3A_2141 = arith.constant 80 : index
        %get3A_2142 = tpu.vector_load %arg8[%get3A_2139, %get3A_2140, %get3A_2141] {strides = array<i32>} : memref<2x200x128xf32, #tpu.memory_space<vmem>>, vector<1x1x16xf32>,
        %get3A_2143 = vector.shape_cast %get3A_2142 : vector<1x1x16xf32> to vector<16xf32>
        %select_n3A_2144 = arith.select %ne3A_2117, %get3A_2143, %get3A_2137 : vector<16xf32>
        %add3A_2145 = arith.addf %add3A_2081, %select_n3A_2144 : vector<16xf32>
        %get3A_2146 = arith.constant 1 : i32
        %get3A_2147 = arith.index_cast %get3A_2146 : i32 to index
        %get3A_2148 = arith.index_cast %add3A_2113 : i32 to index
        %get3A_2149 = arith.constant 32 : index
        %get3A_2150 = tpu.vector_load %arg8[%get3A_2147, %get3A_2148, %get3A_2149] {strides = array<i32>} : memref<2x200x128xf32, #tpu.memory_space<vmem>>, vector<1x1x16xf32>,
        %get3A_2151 = vector.shape_cast %get3A_2150 : vector<1x1x16xf32> to vector<16xf32>
        %get3A_2152 = arith.constant 1 : i32
        %get3A_2153 = arith.index_cast %get3A_2152 : i32 to index
        %get3A_2154 = arith.index_cast %add3A_2113 : i32 to index
        %get3A_2155 = arith.constant 96 : index
        %get3A_2156 = tpu.vector_load %arg8[%get3A_2153, %get3A_2154, %get3A_2155] {strides = array<i32>} : memref<2x200x128xf32, #tpu.memory_space<vmem>>, vector<1x1x16xf32>,
        %get3A_2157 = vector.shape_cast %get3A_2156 : vector<1x1x16xf32> to vector<16xf32>
        %select_n3A_2158 = arith.select %ne3A_2117, %get3A_2157, %get3A_2151 : vector<16xf32>
        %add3A_2159 = arith.addf %add3A_2095, %select_n3A_2158 : vector<16xf32>
        %get3A_2160 = arith.constant 1 : i32
        %get3A_2161 = arith.index_cast %get3A_2160 : i32 to index
        %get3A_2162 = arith.index_cast %add3A_2113 : i32 to index
        %get3A_2163 = arith.constant 48 : index
        %get3A_2164 = tpu.vector_load %arg8[%get3A_2161, %get3A_2162, %get3A_2163] {strides = array<i32>} : memref<2x200x128xf32, #tpu.memory_space<vmem>>, vector<1x1x16xf32>,
        %get3A_2165 = vector.shape_cast %get3A_2164 : vector<1x1x16xf32> to vector<16xf32>
        %get3A_2166 = arith.constant 1 : i32
        %get3A_2167 = arith.index_cast %get3A_2166 : i32 to index
        %get3A_2168 = arith.index_cast %add3A_2113 : i32 to index
        %get3A_2169 = arith.constant 112 : index
        %get3A_2170 = tpu.vector_load %arg8[%get3A_2167, %get3A_2168, %get3A_2169] {strides = array<i32>} : memref<2x200x128xf32, #tpu.memory_space<vmem>>, vector<1x1x16xf32>,
        %get3A_2171 = vector.shape_cast %get3A_2170 : vector<1x1x16xf32> to vector<16xf32>
        %select_n3A_2172 = arith.select %ne3A_2117, %get3A_2171, %get3A_2165 : vector<16xf32>
        %add3A_2173 = arith.addf %add3A_2109, %select_n3A_2172 : vector<16xf32>
        %mul3A_2174 = arith.constant 16 : i32
        %mul3A_2175 = arith.muli %scan3A_1329, %mul3A_2174 : i32
        %add3A_2176 = arith.constant 13 : i32
        %add3A_2177 = arith.addi %mul3A_2175, %add3A_2176 : i32
        %slice3A_2178 = vector.extract_strided_slice %get3A_1341 {offsets = [13], sizes = [1], strides = [1]} : vector<16xi32> to vector<1xi32>
        %squeeze3A_2179 = vector.extract %slice3A_2178[0] : i32 from vector<1xi32>
        %ne3A_2180 = arith.constant 0 : i32
        %ne3A_2181 = arith.cmpi ne, %squeeze3A_2179, %ne3A_2180 : i32
        %get3A_2182 = arith.constant 1 : i32
        %get3A_2183 = arith.index_cast %get3A_2182 : i32 to index
        %get3A_2184 = arith.index_cast %add3A_2177 : i32 to index
        %get3A_2185 = arith.constant 0 : index
        %get3A_2186 = tpu.vector_load %arg8[%get3A_2183, %get3A_2184, %get3A_2185] {strides = array<i32>} : memref<2x200x128xf32, #tpu.memory_space<vmem>>, vector<1x1x16xf32>,
        %get3A_2187 = vector.shape_cast %get3A_2186 : vector<1x1x16xf32> to vector<16xf32>
        %get3A_2188 = arith.constant 1 : i32
        %get3A_2189 = arith.index_cast %get3A_2188 : i32 to index
        %get3A_2190 = arith.index_cast %add3A_2177 : i32 to index
        %get3A_2191 = arith.constant 64 : index
        %get3A_2192 = tpu.vector_load %arg8[%get3A_2189, %get3A_2190, %get3A_2191] {strides = array<i32>} : memref<2x200x128xf32, #tpu.memory_space<vmem>>, vector<1x1x16xf32>,
        %get3A_2193 = vector.shape_cast %get3A_2192 : vector<1x1x16xf32> to vector<16xf32>
        %select_n3A_2194 = arith.select %ne3A_2181, %get3A_2193, %get3A_2187 : vector<16xf32>
        %add3A_2195 = arith.addf %add3A_2131, %select_n3A_2194 : vector<16xf32>
        %get3A_2196 = arith.constant 1 : i32
        %get3A_2197 = arith.index_cast %get3A_2196 : i32 to index
        %get3A_2198 = arith.index_cast %add3A_2177 : i32 to index
        %get3A_2199 = arith.constant 16 : index
        %get3A_2200 = tpu.vector_load %arg8[%get3A_2197, %get3A_2198, %get3A_2199] {strides = array<i32>} : memref<2x200x128xf32, #tpu.memory_space<vmem>>, vector<1x1x16xf32>,
        %get3A_2201 = vector.shape_cast %get3A_2200 : vector<1x1x16xf32> to vector<16xf32>
        %get3A_2202 = arith.constant 1 : i32
        %get3A_2203 = arith.index_cast %get3A_2202 : i32 to index
        %get3A_2204 = arith.index_cast %add3A_2177 : i32 to index
        %get3A_2205 = arith.constant 80 : index
        %get3A_2206 = tpu.vector_load %arg8[%get3A_2203, %get3A_2204, %get3A_2205] {strides = array<i32>} : memref<2x200x128xf32, #tpu.memory_space<vmem>>, vector<1x1x16xf32>,
        %get3A_2207 = vector.shape_cast %get3A_2206 : vector<1x1x16xf32> to vector<16xf32>
        %select_n3A_2208 = arith.select %ne3A_2181, %get3A_2207, %get3A_2201 : vector<16xf32>
        %add3A_2209 = arith.addf %add3A_2145, %select_n3A_2208 : vector<16xf32>
        %get3A_2210 = arith.constant 1 : i32
        %get3A_2211 = arith.index_cast %get3A_2210 : i32 to index
        %get3A_2212 = arith.index_cast %add3A_2177 : i32 to index
        %get3A_2213 = arith.constant 32 : index
        %get3A_2214 = tpu.vector_load %arg8[%get3A_2211, %get3A_2212, %get3A_2213] {strides = array<i32>} : memref<2x200x128xf32, #tpu.memory_space<vmem>>, vector<1x1x16xf32>,
        %get3A_2215 = vector.shape_cast %get3A_2214 : vector<1x1x16xf32> to vector<16xf32>
        %get3A_2216 = arith.constant 1 : i32
        %get3A_2217 = arith.index_cast %get3A_2216 : i32 to index
        %get3A_2218 = arith.index_cast %add3A_2177 : i32 to index
        %get3A_2219 = arith.constant 96 : index
        %get3A_2220 = tpu.vector_load %arg8[%get3A_2217, %get3A_2218, %get3A_2219] {strides = array<i32>} : memref<2x200x128xf32, #tpu.memory_space<vmem>>, vector<1x1x16xf32>,
        %get3A_2221 = vector.shape_cast %get3A_2220 : vector<1x1x16xf32> to vector<16xf32>
        %select_n3A_2222 = arith.select %ne3A_2181, %get3A_2221, %get3A_2215 : vector<16xf32>
        %add3A_2223 = arith.addf %add3A_2159, %select_n3A_2222 : vector<16xf32>
        %get3A_2224 = arith.constant 1 : i32
        %get3A_2225 = arith.index_cast %get3A_2224 : i32 to index
        %get3A_2226 = arith.index_cast %add3A_2177 : i32 to index
        %get3A_2227 = arith.constant 48 : index
        %get3A_2228 = tpu.vector_load %arg8[%get3A_2225, %get3A_2226, %get3A_2227] {strides = array<i32>} : memref<2x200x128xf32, #tpu.memory_space<vmem>>, vector<1x1x16xf32>,
        %get3A_2229 = vector.shape_cast %get3A_2228 : vector<1x1x16xf32> to vector<16xf32>
        %get3A_2230 = arith.constant 1 : i32
        %get3A_2231 = arith.index_cast %get3A_2230 : i32 to index
        %get3A_2232 = arith.index_cast %add3A_2177 : i32 to index
        %get3A_2233 = arith.constant 112 : index
        %get3A_2234 = tpu.vector_load %arg8[%get3A_2231, %get3A_2232, %get3A_2233] {strides = array<i32>} : memref<2x200x128xf32, #tpu.memory_space<vmem>>, vector<1x1x16xf32>,
        %get3A_2235 = vector.shape_cast %get3A_2234 : vector<1x1x16xf32> to vector<16xf32>
        %select_n3A_2236 = arith.select %ne3A_2181, %get3A_2235, %get3A_2229 : vector<16xf32>
        %add3A_2237 = arith.addf %add3A_2173, %select_n3A_2236 : vector<16xf32>
        %mul3A_2238 = arith.constant 16 : i32
        %mul3A_2239 = arith.muli %scan3A_1329, %mul3A_2238 : i32
        %add3A_2240 = arith.constant 14 : i32
        %add3A_2241 = arith.addi %mul3A_2239, %add3A_2240 : i32
        %slice3A_2242 = vector.extract_strided_slice %get3A_1341 {offsets = [14], sizes = [1], strides = [1]} : vector<16xi32> to vector<1xi32>
        %squeeze3A_2243 = vector.extract %slice3A_2242[0] : i32 from vector<1xi32>
        %ne3A_2244 = arith.constant 0 : i32
        %ne3A_2245 = arith.cmpi ne, %squeeze3A_2243, %ne3A_2244 : i32
        %get3A_2246 = arith.constant 1 : i32
        %get3A_2247 = arith.index_cast %get3A_2246 : i32 to index
        %get3A_2248 = arith.index_cast %add3A_2241 : i32 to index
        %get3A_2249 = arith.constant 0 : index
        %get3A_2250 = tpu.vector_load %arg8[%get3A_2247, %get3A_2248, %get3A_2249] {strides = array<i32>} : memref<2x200x128xf32, #tpu.memory_space<vmem>>, vector<1x1x16xf32>,
        %get3A_2251 = vector.shape_cast %get3A_2250 : vector<1x1x16xf32> to vector<16xf32>
        %get3A_2252 = arith.constant 1 : i32
        %get3A_2253 = arith.index_cast %get3A_2252 : i32 to index
        %get3A_2254 = arith.index_cast %add3A_2241 : i32 to index
        %get3A_2255 = arith.constant 64 : index
        %get3A_2256 = tpu.vector_load %arg8[%get3A_2253, %get3A_2254, %get3A_2255] {strides = array<i32>} : memref<2x200x128xf32, #tpu.memory_space<vmem>>, vector<1x1x16xf32>,
        %get3A_2257 = vector.shape_cast %get3A_2256 : vector<1x1x16xf32> to vector<16xf32>
        %select_n3A_2258 = arith.select %ne3A_2245, %get3A_2257, %get3A_2251 : vector<16xf32>
        %add3A_2259 = arith.addf %add3A_2195, %select_n3A_2258 : vector<16xf32>
        %get3A_2260 = arith.constant 1 : i32
        %get3A_2261 = arith.index_cast %get3A_2260 : i32 to index
        %get3A_2262 = arith.index_cast %add3A_2241 : i32 to index
        %get3A_2263 = arith.constant 16 : index
        %get3A_2264 = tpu.vector_load %arg8[%get3A_2261, %get3A_2262, %get3A_2263] {strides = array<i32>} : memref<2x200x128xf32, #tpu.memory_space<vmem>>, vector<1x1x16xf32>,
        %get3A_2265 = vector.shape_cast %get3A_2264 : vector<1x1x16xf32> to vector<16xf32>
        %get3A_2266 = arith.constant 1 : i32
        %get3A_2267 = arith.index_cast %get3A_2266 : i32 to index
        %get3A_2268 = arith.index_cast %add3A_2241 : i32 to index
        %get3A_2269 = arith.constant 80 : index
        %get3A_2270 = tpu.vector_load %arg8[%get3A_2267, %get3A_2268, %get3A_2269] {strides = array<i32>} : memref<2x200x128xf32, #tpu.memory_space<vmem>>, vector<1x1x16xf32>,
        %get3A_2271 = vector.shape_cast %get3A_2270 : vector<1x1x16xf32> to vector<16xf32>
        %select_n3A_2272 = arith.select %ne3A_2245, %get3A_2271, %get3A_2265 : vector<16xf32>
        %add3A_2273 = arith.addf %add3A_2209, %select_n3A_2272 : vector<16xf32>
        %get3A_2274 = arith.constant 1 : i32
        %get3A_2275 = arith.index_cast %get3A_2274 : i32 to index
        %get3A_2276 = arith.index_cast %add3A_2241 : i32 to index
        %get3A_2277 = arith.constant 32 : index
        %get3A_2278 = tpu.vector_load %arg8[%get3A_2275, %get3A_2276, %get3A_2277] {strides = array<i32>} : memref<2x200x128xf32, #tpu.memory_space<vmem>>, vector<1x1x16xf32>,
        %get3A_2279 = vector.shape_cast %get3A_2278 : vector<1x1x16xf32> to vector<16xf32>
        %get3A_2280 = arith.constant 1 : i32
        %get3A_2281 = arith.index_cast %get3A_2280 : i32 to index
        %get3A_2282 = arith.index_cast %add3A_2241 : i32 to index
        %get3A_2283 = arith.constant 96 : index
        %get3A_2284 = tpu.vector_load %arg8[%get3A_2281, %get3A_2282, %get3A_2283] {strides = array<i32>} : memref<2x200x128xf32, #tpu.memory_space<vmem>>, vector<1x1x16xf32>,
        %get3A_2285 = vector.shape_cast %get3A_2284 : vector<1x1x16xf32> to vector<16xf32>
        %select_n3A_2286 = arith.select %ne3A_2245, %get3A_2285, %get3A_2279 : vector<16xf32>
        %add3A_2287 = arith.addf %add3A_2223, %select_n3A_2286 : vector<16xf32>
        %get3A_2288 = arith.constant 1 : i32
        %get3A_2289 = arith.index_cast %get3A_2288 : i32 to index
        %get3A_2290 = arith.index_cast %add3A_2241 : i32 to index
        %get3A_2291 = arith.constant 48 : index
        %get3A_2292 = tpu.vector_load %arg8[%get3A_2289, %get3A_2290, %get3A_2291] {strides = array<i32>} : memref<2x200x128xf32, #tpu.memory_space<vmem>>, vector<1x1x16xf32>,
        %get3A_2293 = vector.shape_cast %get3A_2292 : vector<1x1x16xf32> to vector<16xf32>
        %get3A_2294 = arith.constant 1 : i32
        %get3A_2295 = arith.index_cast %get3A_2294 : i32 to index
        %get3A_2296 = arith.index_cast %add3A_2241 : i32 to index
        %get3A_2297 = arith.constant 112 : index
        %get3A_2298 = tpu.vector_load %arg8[%get3A_2295, %get3A_2296, %get3A_2297] {strides = array<i32>} : memref<2x200x128xf32, #tpu.memory_space<vmem>>, vector<1x1x16xf32>,
        %get3A_2299 = vector.shape_cast %get3A_2298 : vector<1x1x16xf32> to vector<16xf32>
        %select_n3A_2300 = arith.select %ne3A_2245, %get3A_2299, %get3A_2293 : vector<16xf32>
        %add3A_2301 = arith.addf %add3A_2237, %select_n3A_2300 : vector<16xf32>
        %mul3A_2302 = arith.constant 16 : i32
        %mul3A_2303 = arith.muli %scan3A_1329, %mul3A_2302 : i32
        %add3A_2304 = arith.constant 15 : i32
        %add3A_2305 = arith.addi %mul3A_2303, %add3A_2304 : i32
        %slice3A_2306 = vector.extract_strided_slice %get3A_1341 {offsets = [15], sizes = [1], strides = [1]} : vector<16xi32> to vector<1xi32>
        %squeeze3A_2307 = vector.extract %slice3A_2306[0] : i32 from vector<1xi32>
        %ne3A_2308 = arith.constant 0 : i32
        %ne3A_2309 = arith.cmpi ne, %squeeze3A_2307, %ne3A_2308 : i32
        %get3A_2310 = arith.constant 1 : i32
        %get3A_2311 = arith.index_cast %get3A_2310 : i32 to index
        %get3A_2312 = arith.index_cast %add3A_2305 : i32 to index
        %get3A_2313 = arith.constant 0 : index
        %get3A_2314 = tpu.vector_load %arg8[%get3A_2311, %get3A_2312, %get3A_2313] {strides = array<i32>} : memref<2x200x128xf32, #tpu.memory_space<vmem>>, vector<1x1x16xf32>,
        %get3A_2315 = vector.shape_cast %get3A_2314 : vector<1x1x16xf32> to vector<16xf32>
        %get3A_2316 = arith.constant 1 : i32
        %get3A_2317 = arith.index_cast %get3A_2316 : i32 to index
        %get3A_2318 = arith.index_cast %add3A_2305 : i32 to index
        %get3A_2319 = arith.constant 64 : index
        %get3A_2320 = tpu.vector_load %arg8[%get3A_2317, %get3A_2318, %get3A_2319] {strides = array<i32>} : memref<2x200x128xf32, #tpu.memory_space<vmem>>, vector<1x1x16xf32>,
        %get3A_2321 = vector.shape_cast %get3A_2320 : vector<1x1x16xf32> to vector<16xf32>
        %select_n3A_2322 = arith.select %ne3A_2309, %get3A_2321, %get3A_2315 : vector<16xf32>
        %add3A_2323 = arith.addf %add3A_2259, %select_n3A_2322 : vector<16xf32>
        %get3A_2324 = arith.constant 1 : i32
        %get3A_2325 = arith.index_cast %get3A_2324 : i32 to index
        %get3A_2326 = arith.index_cast %add3A_2305 : i32 to index
        %get3A_2327 = arith.constant 16 : index
        %get3A_2328 = tpu.vector_load %arg8[%get3A_2325, %get3A_2326, %get3A_2327] {strides = array<i32>} : memref<2x200x128xf32, #tpu.memory_space<vmem>>, vector<1x1x16xf32>,
        %get3A_2329 = vector.shape_cast %get3A_2328 : vector<1x1x16xf32> to vector<16xf32>
        %get3A_2330 = arith.constant 1 : i32
        %get3A_2331 = arith.index_cast %get3A_2330 : i32 to index
        %get3A_2332 = arith.index_cast %add3A_2305 : i32 to index
        %get3A_2333 = arith.constant 80 : index
        %get3A_2334 = tpu.vector_load %arg8[%get3A_2331, %get3A_2332, %get3A_2333] {strides = array<i32>} : memref<2x200x128xf32, #tpu.memory_space<vmem>>, vector<1x1x16xf32>,
        %get3A_2335 = vector.shape_cast %get3A_2334 : vector<1x1x16xf32> to vector<16xf32>
        %select_n3A_2336 = arith.select %ne3A_2309, %get3A_2335, %get3A_2329 : vector<16xf32>
        %add3A_2337 = arith.addf %add3A_2273, %select_n3A_2336 : vector<16xf32>
        %get3A_2338 = arith.constant 1 : i32
        %get3A_2339 = arith.index_cast %get3A_2338 : i32 to index
        %get3A_2340 = arith.index_cast %add3A_2305 : i32 to index
        %get3A_2341 = arith.constant 32 : index
        %get3A_2342 = tpu.vector_load %arg8[%get3A_2339, %get3A_2340, %get3A_2341] {strides = array<i32>} : memref<2x200x128xf32, #tpu.memory_space<vmem>>, vector<1x1x16xf32>,
        %get3A_2343 = vector.shape_cast %get3A_2342 : vector<1x1x16xf32> to vector<16xf32>
        %get3A_2344 = arith.constant 1 : i32
        %get3A_2345 = arith.index_cast %get3A_2344 : i32 to index
        %get3A_2346 = arith.index_cast %add3A_2305 : i32 to index
        %get3A_2347 = arith.constant 96 : index
        %get3A_2348 = tpu.vector_load %arg8[%get3A_2345, %get3A_2346, %get3A_2347] {strides = array<i32>} : memref<2x200x128xf32, #tpu.memory_space<vmem>>, vector<1x1x16xf32>,
        %get3A_2349 = vector.shape_cast %get3A_2348 : vector<1x1x16xf32> to vector<16xf32>
        %select_n3A_2350 = arith.select %ne3A_2309, %get3A_2349, %get3A_2343 : vector<16xf32>
        %add3A_2351 = arith.addf %add3A_2287, %select_n3A_2350 : vector<16xf32>
        %get3A_2352 = arith.constant 1 : i32
        %get3A_2353 = arith.index_cast %get3A_2352 : i32 to index
        %get3A_2354 = arith.index_cast %add3A_2305 : i32 to index
        %get3A_2355 = arith.constant 48 : index
        %get3A_2356 = tpu.vector_load %arg8[%get3A_2353, %get3A_2354, %get3A_2355] {strides = array<i32>} : memref<2x200x128xf32, #tpu.memory_space<vmem>>, vector<1x1x16xf32>,
        %get3A_2357 = vector.shape_cast %get3A_2356 : vector<1x1x16xf32> to vector<16xf32>
        %get3A_2358 = arith.constant 1 : i32
        %get3A_2359 = arith.index_cast %get3A_2358 : i32 to index
        %get3A_2360 = arith.index_cast %add3A_2305 : i32 to index
        %get3A_2361 = arith.constant 112 : index
        %get3A_2362 = tpu.vector_load %arg8[%get3A_2359, %get3A_2360, %get3A_2361] {strides = array<i32>} : memref<2x200x128xf32, #tpu.memory_space<vmem>>, vector<1x1x16xf32>,
        %get3A_2363 = vector.shape_cast %get3A_2362 : vector<1x1x16xf32> to vector<16xf32>
        %select_n3A_2364 = arith.select %ne3A_2309, %get3A_2363, %get3A_2357 : vector<16xf32>
        %add3A_2365 = arith.addf %add3A_2301, %select_n3A_2364 : vector<16xf32>
        scf.yield %add3A_2323, %add3A_2337, %add3A_2351, %add3A_2365 : vector<16xf32>, vector<16xf32>, vector<16xf32>, vector<16xf32>
      }
      %scan3A_732 = arith.constant 12 : i32
      %mul3A_733 = arith.constant 256 : i32
      %mul3A_734 = arith.muli %add3A_41, %mul3A_733 : i32
      %add3A_735 = arith.constant 192 : i32
      %add3A_736 = arith.addi %mul3A_734, %add3A_735 : i32
      %get3A_737 = arith.index_cast %add3A_736 : i32 to index
      %get3A_738 = tpu.vector_load %arg7[%get3A_737] {strides = array<i32>} : memref<32768xi32, #tpu.memory_space<vmem>>, vector<16xi32>,
      %get3A_739 = vector.shape_cast %get3A_738 : vector<16xi32> to vector<16xi32>
      %slice3A_740 = vector.extract_strided_slice %get3A_739 {offsets = [0], sizes = [1], strides = [1]} : vector<16xi32> to vector<1xi32>
      %squeeze3A_741 = vector.extract %slice3A_740[0] : i32 from vector<1xi32>
      %ne3A_742 = arith.constant 0 : i32
      %ne3A_743 = arith.cmpi ne, %squeeze3A_741, %ne3A_742 : i32
      %get3A_744 = arith.constant 1 : i32
      %get3A_745 = arith.constant 192 : i32
      %get3A_746 = arith.index_cast %get3A_744 : i32 to index
      %get3A_747 = arith.index_cast %get3A_745 : i32 to index
      %get3A_748 = arith.constant 0 : index
      %get3A_749 = tpu.vector_load %arg8[%get3A_746, %get3A_747, %get3A_748] {strides = array<i32>} : memref<2x200x128xf32, #tpu.memory_space<vmem>>, vector<1x1x16xf32>,
      %get3A_750 = vector.shape_cast %get3A_749 : vector<1x1x16xf32> to vector<16xf32>
      %get3A_751 = arith.constant 1 : i32
      %get3A_752 = arith.constant 192 : i32
      %get3A_753 = arith.index_cast %get3A_751 : i32 to index
      %get3A_754 = arith.index_cast %get3A_752 : i32 to index
      %get3A_755 = arith.constant 64 : index
      %get3A_756 = tpu.vector_load %arg8[%get3A_753, %get3A_754, %get3A_755] {strides = array<i32>} : memref<2x200x128xf32, #tpu.memory_space<vmem>>, vector<1x1x16xf32>,
      %get3A_757 = vector.shape_cast %get3A_756 : vector<1x1x16xf32> to vector<16xf32>
      %select_n3A_758 = arith.select %ne3A_743, %get3A_757, %get3A_750 : vector<16xf32>
      %add3A_759 = arith.addf %scan3A_731#0, %select_n3A_758 : vector<16xf32>
      %get3A_760 = arith.constant 1 : i32
      %get3A_761 = arith.constant 192 : i32
      %get3A_762 = arith.index_cast %get3A_760 : i32 to index
      %get3A_763 = arith.index_cast %get3A_761 : i32 to index
      %get3A_764 = arith.constant 16 : index
      %get3A_765 = tpu.vector_load %arg8[%get3A_762, %get3A_763, %get3A_764] {strides = array<i32>} : memref<2x200x128xf32, #tpu.memory_space<vmem>>, vector<1x1x16xf32>,
      %get3A_766 = vector.shape_cast %get3A_765 : vector<1x1x16xf32> to vector<16xf32>
      %get3A_767 = arith.constant 1 : i32
      %get3A_768 = arith.constant 192 : i32
      %get3A_769 = arith.index_cast %get3A_767 : i32 to index
      %get3A_770 = arith.index_cast %get3A_768 : i32 to index
      %get3A_771 = arith.constant 80 : index
      %get3A_772 = tpu.vector_load %arg8[%get3A_769, %get3A_770, %get3A_771] {strides = array<i32>} : memref<2x200x128xf32, #tpu.memory_space<vmem>>, vector<1x1x16xf32>,
      %get3A_773 = vector.shape_cast %get3A_772 : vector<1x1x16xf32> to vector<16xf32>
      %select_n3A_774 = arith.select %ne3A_743, %get3A_773, %get3A_766 : vector<16xf32>
      %add3A_775 = arith.addf %scan3A_731#1, %select_n3A_774 : vector<16xf32>
      %get3A_776 = arith.constant 1 : i32
      %get3A_777 = arith.constant 192 : i32
      %get3A_778 = arith.index_cast %get3A_776 : i32 to index
      %get3A_779 = arith.index_cast %get3A_777 : i32 to index
      %get3A_780 = arith.constant 32 : index
      %get3A_781 = tpu.vector_load %arg8[%get3A_778, %get3A_779, %get3A_780] {strides = array<i32>} : memref<2x200x128xf32, #tpu.memory_space<vmem>>, vector<1x1x16xf32>,
      %get3A_782 = vector.shape_cast %get3A_781 : vector<1x1x16xf32> to vector<16xf32>
      %get3A_783 = arith.constant 1 : i32
      %get3A_784 = arith.constant 192 : i32
      %get3A_785 = arith.index_cast %get3A_783 : i32 to index
      %get3A_786 = arith.index_cast %get3A_784 : i32 to index
      %get3A_787 = arith.constant 96 : index
      %get3A_788 = tpu.vector_load %arg8[%get3A_785, %get3A_786, %get3A_787] {strides = array<i32>} : memref<2x200x128xf32, #tpu.memory_space<vmem>>, vector<1x1x16xf32>,
      %get3A_789 = vector.shape_cast %get3A_788 : vector<1x1x16xf32> to vector<16xf32>
      %select_n3A_790 = arith.select %ne3A_743, %get3A_789, %get3A_782 : vector<16xf32>
      %add3A_791 = arith.addf %scan3A_731#2, %select_n3A_790 : vector<16xf32>
      %get3A_792 = arith.constant 1 : i32
      %get3A_793 = arith.constant 192 : i32
      %get3A_794 = arith.index_cast %get3A_792 : i32 to index
      %get3A_795 = arith.index_cast %get3A_793 : i32 to index
      %get3A_796 = arith.constant 48 : index
      %get3A_797 = tpu.vector_load %arg8[%get3A_794, %get3A_795, %get3A_796] {strides = array<i32>} : memref<2x200x128xf32, #tpu.memory_space<vmem>>, vector<1x1x16xf32>,
      %get3A_798 = vector.shape_cast %get3A_797 : vector<1x1x16xf32> to vector<16xf32>
      %get3A_799 = arith.constant 1 : i32
      %get3A_800 = arith.constant 192 : i32
      %get3A_801 = arith.index_cast %get3A_799 : i32 to index
      %get3A_802 = arith.index_cast %get3A_800 : i32 to index
      %get3A_803 = arith.constant 112 : index
      %get3A_804 = tpu.vector_load %arg8[%get3A_801, %get3A_802, %get3A_803] {strides = array<i32>} : memref<2x200x128xf32, #tpu.memory_space<vmem>>, vector<1x1x16xf32>,
      %get3A_805 = vector.shape_cast %get3A_804 : vector<1x1x16xf32> to vector<16xf32>
      %select_n3A_806 = arith.select %ne3A_743, %get3A_805, %get3A_798 : vector<16xf32>
      %add3A_807 = arith.addf %scan3A_731#3, %select_n3A_806 : vector<16xf32>
      %slice3A_808 = vector.extract_strided_slice %get3A_739 {offsets = [1], sizes = [1], strides = [1]} : vector<16xi32> to vector<1xi32>
      %squeeze3A_809 = vector.extract %slice3A_808[0] : i32 from vector<1xi32>
      %ne3A_810 = arith.constant 0 : i32
      %ne3A_811 = arith.cmpi ne, %squeeze3A_809, %ne3A_810 : i32
      %get3A_812 = arith.constant 1 : i32
      %get3A_813 = arith.constant 193 : i32
      %get3A_814 = arith.index_cast %get3A_812 : i32 to index
      %get3A_815 = arith.index_cast %get3A_813 : i32 to index
      %get3A_816 = arith.constant 0 : index
      %get3A_817 = tpu.vector_load %arg8[%get3A_814, %get3A_815, %get3A_816] {strides = array<i32>} : memref<2x200x128xf32, #tpu.memory_space<vmem>>, vector<1x1x16xf32>,
      %get3A_818 = vector.shape_cast %get3A_817 : vector<1x1x16xf32> to vector<16xf32>
      %get3A_819 = arith.constant 1 : i32
      %get3A_820 = arith.constant 193 : i32
      %get3A_821 = arith.index_cast %get3A_819 : i32 to index
      %get3A_822 = arith.index_cast %get3A_820 : i32 to index
      %get3A_823 = arith.constant 64 : index
      %get3A_824 = tpu.vector_load %arg8[%get3A_821, %get3A_822, %get3A_823] {strides = array<i32>} : memref<2x200x128xf32, #tpu.memory_space<vmem>>, vector<1x1x16xf32>,
      %get3A_825 = vector.shape_cast %get3A_824 : vector<1x1x16xf32> to vector<16xf32>
      %select_n3A_826 = arith.select %ne3A_811, %get3A_825, %get3A_818 : vector<16xf32>
      %add3A_827 = arith.addf %add3A_759, %select_n3A_826 : vector<16xf32>
      %get3A_828 = arith.constant 1 : i32
      %get3A_829 = arith.constant 193 : i32
      %get3A_830 = arith.index_cast %get3A_828 : i32 to index
      %get3A_831 = arith.index_cast %get3A_829 : i32 to index
      %get3A_832 = arith.constant 16 : index
      %get3A_833 = tpu.vector_load %arg8[%get3A_830, %get3A_831, %get3A_832] {strides = array<i32>} : memref<2x200x128xf32, #tpu.memory_space<vmem>>, vector<1x1x16xf32>,
      %get3A_834 = vector.shape_cast %get3A_833 : vector<1x1x16xf32> to vector<16xf32>
      %get3A_835 = arith.constant 1 : i32
      %get3A_836 = arith.constant 193 : i32
      %get3A_837 = arith.index_cast %get3A_835 : i32 to index
      %get3A_838 = arith.index_cast %get3A_836 : i32 to index
      %get3A_839 = arith.constant 80 : index
      %get3A_840 = tpu.vector_load %arg8[%get3A_837, %get3A_838, %get3A_839] {strides = array<i32>} : memref<2x200x128xf32, #tpu.memory_space<vmem>>, vector<1x1x16xf32>,
      %get3A_841 = vector.shape_cast %get3A_840 : vector<1x1x16xf32> to vector<16xf32>
      %select_n3A_842 = arith.select %ne3A_811, %get3A_841, %get3A_834 : vector<16xf32>
      %add3A_843 = arith.addf %add3A_775, %select_n3A_842 : vector<16xf32>
      %get3A_844 = arith.constant 1 : i32
      %get3A_845 = arith.constant 193 : i32
      %get3A_846 = arith.index_cast %get3A_844 : i32 to index
      %get3A_847 = arith.index_cast %get3A_845 : i32 to index
      %get3A_848 = arith.constant 32 : index
      %get3A_849 = tpu.vector_load %arg8[%get3A_846, %get3A_847, %get3A_848] {strides = array<i32>} : memref<2x200x128xf32, #tpu.memory_space<vmem>>, vector<1x1x16xf32>,
      %get3A_850 = vector.shape_cast %get3A_849 : vector<1x1x16xf32> to vector<16xf32>
      %get3A_851 = arith.constant 1 : i32
      %get3A_852 = arith.constant 193 : i32
      %get3A_853 = arith.index_cast %get3A_851 : i32 to index
      %get3A_854 = arith.index_cast %get3A_852 : i32 to index
      %get3A_855 = arith.constant 96 : index
      %get3A_856 = tpu.vector_load %arg8[%get3A_853, %get3A_854, %get3A_855] {strides = array<i32>} : memref<2x200x128xf32, #tpu.memory_space<vmem>>, vector<1x1x16xf32>,
      %get3A_857 = vector.shape_cast %get3A_856 : vector<1x1x16xf32> to vector<16xf32>
      %select_n3A_858 = arith.select %ne3A_811, %get3A_857, %get3A_850 : vector<16xf32>
      %add3A_859 = arith.addf %add3A_791, %select_n3A_858 : vector<16xf32>
      %get3A_860 = arith.constant 1 : i32
      %get3A_861 = arith.constant 193 : i32
      %get3A_862 = arith.index_cast %get3A_860 : i32 to index
      %get3A_863 = arith.index_cast %get3A_861 : i32 to index
      %get3A_864 = arith.constant 48 : index
      %get3A_865 = tpu.vector_load %arg8[%get3A_862, %get3A_863, %get3A_864] {strides = array<i32>} : memref<2x200x128xf32, #tpu.memory_space<vmem>>, vector<1x1x16xf32>,
      %get3A_866 = vector.shape_cast %get3A_865 : vector<1x1x16xf32> to vector<16xf32>
      %get3A_867 = arith.constant 1 : i32
      %get3A_868 = arith.constant 193 : i32
      %get3A_869 = arith.index_cast %get3A_867 : i32 to index
      %get3A_870 = arith.index_cast %get3A_868 : i32 to index
      %get3A_871 = arith.constant 112 : index
      %get3A_872 = tpu.vector_load %arg8[%get3A_869, %get3A_870, %get3A_871] {strides = array<i32>} : memref<2x200x128xf32, #tpu.memory_space<vmem>>, vector<1x1x16xf32>,
      %get3A_873 = vector.shape_cast %get3A_872 : vector<1x1x16xf32> to vector<16xf32>
      %select_n3A_874 = arith.select %ne3A_811, %get3A_873, %get3A_866 : vector<16xf32>
      %add3A_875 = arith.addf %add3A_807, %select_n3A_874 : vector<16xf32>
      %slice3A_876 = vector.extract_strided_slice %get3A_739 {offsets = [2], sizes = [1], strides = [1]} : vector<16xi32> to vector<1xi32>
      %squeeze3A_877 = vector.extract %slice3A_876[0] : i32 from vector<1xi32>
      %ne3A_878 = arith.constant 0 : i32
      %ne3A_879 = arith.cmpi ne, %squeeze3A_877, %ne3A_878 : i32
      %get3A_880 = arith.constant 1 : i32
      %get3A_881 = arith.constant 194 : i32
      %get3A_882 = arith.index_cast %get3A_880 : i32 to index
      %get3A_883 = arith.index_cast %get3A_881 : i32 to index
      %get3A_884 = arith.constant 0 : index
      %get3A_885 = tpu.vector_load %arg8[%get3A_882, %get3A_883, %get3A_884] {strides = array<i32>} : memref<2x200x128xf32, #tpu.memory_space<vmem>>, vector<1x1x16xf32>,
      %get3A_886 = vector.shape_cast %get3A_885 : vector<1x1x16xf32> to vector<16xf32>
      %get3A_887 = arith.constant 1 : i32
      %get3A_888 = arith.constant 194 : i32
      %get3A_889 = arith.index_cast %get3A_887 : i32 to index
      %get3A_890 = arith.index_cast %get3A_888 : i32 to index
      %get3A_891 = arith.constant 64 : index
      %get3A_892 = tpu.vector_load %arg8[%get3A_889, %get3A_890, %get3A_891] {strides = array<i32>} : memref<2x200x128xf32, #tpu.memory_space<vmem>>, vector<1x1x16xf32>,
      %get3A_893 = vector.shape_cast %get3A_892 : vector<1x1x16xf32> to vector<16xf32>
      %select_n3A_894 = arith.select %ne3A_879, %get3A_893, %get3A_886 : vector<16xf32>
      %add3A_895 = arith.addf %add3A_827, %select_n3A_894 : vector<16xf32>
      %get3A_896 = arith.constant 1 : i32
      %get3A_897 = arith.constant 194 : i32
      %get3A_898 = arith.index_cast %get3A_896 : i32 to index
      %get3A_899 = arith.index_cast %get3A_897 : i32 to index
      %get3A_900 = arith.constant 16 : index
      %get3A_901 = tpu.vector_load %arg8[%get3A_898, %get3A_899, %get3A_900] {strides = array<i32>} : memref<2x200x128xf32, #tpu.memory_space<vmem>>, vector<1x1x16xf32>,
      %get3A_902 = vector.shape_cast %get3A_901 : vector<1x1x16xf32> to vector<16xf32>
      %get3A_903 = arith.constant 1 : i32
      %get3A_904 = arith.constant 194 : i32
      %get3A_905 = arith.index_cast %get3A_903 : i32 to index
      %get3A_906 = arith.index_cast %get3A_904 : i32 to index
      %get3A_907 = arith.constant 80 : index
      %get3A_908 = tpu.vector_load %arg8[%get3A_905, %get3A_906, %get3A_907] {strides = array<i32>} : memref<2x200x128xf32, #tpu.memory_space<vmem>>, vector<1x1x16xf32>,
      %get3A_909 = vector.shape_cast %get3A_908 : vector<1x1x16xf32> to vector<16xf32>
      %select_n3A_910 = arith.select %ne3A_879, %get3A_909, %get3A_902 : vector<16xf32>
      %add3A_911 = arith.addf %add3A_843, %select_n3A_910 : vector<16xf32>
      %get3A_912 = arith.constant 1 : i32
      %get3A_913 = arith.constant 194 : i32
      %get3A_914 = arith.index_cast %get3A_912 : i32 to index
      %get3A_915 = arith.index_cast %get3A_913 : i32 to index
      %get3A_916 = arith.constant 32 : index
      %get3A_917 = tpu.vector_load %arg8[%get3A_914, %get3A_915, %get3A_916] {strides = array<i32>} : memref<2x200x128xf32, #tpu.memory_space<vmem>>, vector<1x1x16xf32>,
      %get3A_918 = vector.shape_cast %get3A_917 : vector<1x1x16xf32> to vector<16xf32>
      %get3A_919 = arith.constant 1 : i32
      %get3A_920 = arith.constant 194 : i32
      %get3A_921 = arith.index_cast %get3A_919 : i32 to index
      %get3A_922 = arith.index_cast %get3A_920 : i32 to index
      %get3A_923 = arith.constant 96 : index
      %get3A_924 = tpu.vector_load %arg8[%get3A_921, %get3A_922, %get3A_923] {strides = array<i32>} : memref<2x200x128xf32, #tpu.memory_space<vmem>>, vector<1x1x16xf32>,
      %get3A_925 = vector.shape_cast %get3A_924 : vector<1x1x16xf32> to vector<16xf32>
      %select_n3A_926 = arith.select %ne3A_879, %get3A_925, %get3A_918 : vector<16xf32>
      %add3A_927 = arith.addf %add3A_859, %select_n3A_926 : vector<16xf32>
      %get3A_928 = arith.constant 1 : i32
      %get3A_929 = arith.constant 194 : i32
      %get3A_930 = arith.index_cast %get3A_928 : i32 to index
      %get3A_931 = arith.index_cast %get3A_929 : i32 to index
      %get3A_932 = arith.constant 48 : index
      %get3A_933 = tpu.vector_load %arg8[%get3A_930, %get3A_931, %get3A_932] {strides = array<i32>} : memref<2x200x128xf32, #tpu.memory_space<vmem>>, vector<1x1x16xf32>,
      %get3A_934 = vector.shape_cast %get3A_933 : vector<1x1x16xf32> to vector<16xf32>
      %get3A_935 = arith.constant 1 : i32
      %get3A_936 = arith.constant 194 : i32
      %get3A_937 = arith.index_cast %get3A_935 : i32 to index
      %get3A_938 = arith.index_cast %get3A_936 : i32 to index
      %get3A_939 = arith.constant 112 : index
      %get3A_940 = tpu.vector_load %arg8[%get3A_937, %get3A_938, %get3A_939] {strides = array<i32>} : memref<2x200x128xf32, #tpu.memory_space<vmem>>, vector<1x1x16xf32>,
      %get3A_941 = vector.shape_cast %get3A_940 : vector<1x1x16xf32> to vector<16xf32>
      %select_n3A_942 = arith.select %ne3A_879, %get3A_941, %get3A_934 : vector<16xf32>
      %add3A_943 = arith.addf %add3A_875, %select_n3A_942 : vector<16xf32>
      %slice3A_944 = vector.extract_strided_slice %get3A_739 {offsets = [3], sizes = [1], strides = [1]} : vector<16xi32> to vector<1xi32>
      %squeeze3A_945 = vector.extract %slice3A_944[0] : i32 from vector<1xi32>
      %ne3A_946 = arith.constant 0 : i32
      %ne3A_947 = arith.cmpi ne, %squeeze3A_945, %ne3A_946 : i32
      %get3A_948 = arith.constant 1 : i32
      %get3A_949 = arith.constant 195 : i32
      %get3A_950 = arith.index_cast %get3A_948 : i32 to index
      %get3A_951 = arith.index_cast %get3A_949 : i32 to index
      %get3A_952 = arith.constant 0 : index
      %get3A_953 = tpu.vector_load %arg8[%get3A_950, %get3A_951, %get3A_952] {strides = array<i32>} : memref<2x200x128xf32, #tpu.memory_space<vmem>>, vector<1x1x16xf32>,
      %get3A_954 = vector.shape_cast %get3A_953 : vector<1x1x16xf32> to vector<16xf32>
      %get3A_955 = arith.constant 1 : i32
      %get3A_956 = arith.constant 195 : i32
      %get3A_957 = arith.index_cast %get3A_955 : i32 to index
      %get3A_958 = arith.index_cast %get3A_956 : i32 to index
      %get3A_959 = arith.constant 64 : index
      %get3A_960 = tpu.vector_load %arg8[%get3A_957, %get3A_958, %get3A_959] {strides = array<i32>} : memref<2x200x128xf32, #tpu.memory_space<vmem>>, vector<1x1x16xf32>,
      %get3A_961 = vector.shape_cast %get3A_960 : vector<1x1x16xf32> to vector<16xf32>
      %select_n3A_962 = arith.select %ne3A_947, %get3A_961, %get3A_954 : vector<16xf32>
      %add3A_963 = arith.addf %add3A_895, %select_n3A_962 : vector<16xf32>
      %get3A_964 = arith.constant 1 : i32
      %get3A_965 = arith.constant 195 : i32
      %get3A_966 = arith.index_cast %get3A_964 : i32 to index
      %get3A_967 = arith.index_cast %get3A_965 : i32 to index
      %get3A_968 = arith.constant 16 : index
      %get3A_969 = tpu.vector_load %arg8[%get3A_966, %get3A_967, %get3A_968] {strides = array<i32>} : memref<2x200x128xf32, #tpu.memory_space<vmem>>, vector<1x1x16xf32>,
      %get3A_970 = vector.shape_cast %get3A_969 : vector<1x1x16xf32> to vector<16xf32>
      %get3A_971 = arith.constant 1 : i32
      %get3A_972 = arith.constant 195 : i32
      %get3A_973 = arith.index_cast %get3A_971 : i32 to index
      %get3A_974 = arith.index_cast %get3A_972 : i32 to index
      %get3A_975 = arith.constant 80 : index
      %get3A_976 = tpu.vector_load %arg8[%get3A_973, %get3A_974, %get3A_975] {strides = array<i32>} : memref<2x200x128xf32, #tpu.memory_space<vmem>>, vector<1x1x16xf32>,
      %get3A_977 = vector.shape_cast %get3A_976 : vector<1x1x16xf32> to vector<16xf32>
      %select_n3A_978 = arith.select %ne3A_947, %get3A_977, %get3A_970 : vector<16xf32>
      %add3A_979 = arith.addf %add3A_911, %select_n3A_978 : vector<16xf32>
      %get3A_980 = arith.constant 1 : i32
      %get3A_981 = arith.constant 195 : i32
      %get3A_982 = arith.index_cast %get3A_980 : i32 to index
      %get3A_983 = arith.index_cast %get3A_981 : i32 to index
      %get3A_984 = arith.constant 32 : index
      %get3A_985 = tpu.vector_load %arg8[%get3A_982, %get3A_983, %get3A_984] {strides = array<i32>} : memref<2x200x128xf32, #tpu.memory_space<vmem>>, vector<1x1x16xf32>,
      %get3A_986 = vector.shape_cast %get3A_985 : vector<1x1x16xf32> to vector<16xf32>
      %get3A_987 = arith.constant 1 : i32
      %get3A_988 = arith.constant 195 : i32
      %get3A_989 = arith.index_cast %get3A_987 : i32 to index
      %get3A_990 = arith.index_cast %get3A_988 : i32 to index
      %get3A_991 = arith.constant 96 : index
      %get3A_992 = tpu.vector_load %arg8[%get3A_989, %get3A_990, %get3A_991] {strides = array<i32>} : memref<2x200x128xf32, #tpu.memory_space<vmem>>, vector<1x1x16xf32>,
      %get3A_993 = vector.shape_cast %get3A_992 : vector<1x1x16xf32> to vector<16xf32>
      %select_n3A_994 = arith.select %ne3A_947, %get3A_993, %get3A_986 : vector<16xf32>
      %add3A_995 = arith.addf %add3A_927, %select_n3A_994 : vector<16xf32>
      %get3A_996 = arith.constant 1 : i32
      %get3A_997 = arith.constant 195 : i32
      %get3A_998 = arith.index_cast %get3A_996 : i32 to index
      %get3A_999 = arith.index_cast %get3A_997 : i32 to index
      %get3A_1000 = arith.constant 48 : index
      %get3A_1001 = tpu.vector_load %arg8[%get3A_998, %get3A_999, %get3A_1000] {strides = array<i32>} : memref<2x200x128xf32, #tpu.memory_space<vmem>>, vector<1x1x16xf32>,
      %get3A_1002 = vector.shape_cast %get3A_1001 : vector<1x1x16xf32> to vector<16xf32>
      %get3A_1003 = arith.constant 1 : i32
      %get3A_1004 = arith.constant 195 : i32
      %get3A_1005 = arith.index_cast %get3A_1003 : i32 to index
      %get3A_1006 = arith.index_cast %get3A_1004 : i32 to index
      %get3A_1007 = arith.constant 112 : index
      %get3A_1008 = tpu.vector_load %arg8[%get3A_1005, %get3A_1006, %get3A_1007] {strides = array<i32>} : memref<2x200x128xf32, #tpu.memory_space<vmem>>, vector<1x1x16xf32>,
      %get3A_1009 = vector.shape_cast %get3A_1008 : vector<1x1x16xf32> to vector<16xf32>
      %select_n3A_1010 = arith.select %ne3A_947, %get3A_1009, %get3A_1002 : vector<16xf32>
      %add3A_1011 = arith.addf %add3A_943, %select_n3A_1010 : vector<16xf32>
      %slice3A_1012 = vector.extract_strided_slice %get3A_739 {offsets = [4], sizes = [1], strides = [1]} : vector<16xi32> to vector<1xi32>
      %squeeze3A_1013 = vector.extract %slice3A_1012[0] : i32 from vector<1xi32>
      %ne3A_1014 = arith.constant 0 : i32
      %ne3A_1015 = arith.cmpi ne, %squeeze3A_1013, %ne3A_1014 : i32
      %get3A_1016 = arith.constant 1 : i32
      %get3A_1017 = arith.constant 196 : i32
      %get3A_1018 = arith.index_cast %get3A_1016 : i32 to index
      %get3A_1019 = arith.index_cast %get3A_1017 : i32 to index
      %get3A_1020 = arith.constant 0 : index
      %get3A_1021 = tpu.vector_load %arg8[%get3A_1018, %get3A_1019, %get3A_1020] {strides = array<i32>} : memref<2x200x128xf32, #tpu.memory_space<vmem>>, vector<1x1x16xf32>,
      %get3A_1022 = vector.shape_cast %get3A_1021 : vector<1x1x16xf32> to vector<16xf32>
      %get3A_1023 = arith.constant 1 : i32
      %get3A_1024 = arith.constant 196 : i32
      %get3A_1025 = arith.index_cast %get3A_1023 : i32 to index
      %get3A_1026 = arith.index_cast %get3A_1024 : i32 to index
      %get3A_1027 = arith.constant 64 : index
      %get3A_1028 = tpu.vector_load %arg8[%get3A_1025, %get3A_1026, %get3A_1027] {strides = array<i32>} : memref<2x200x128xf32, #tpu.memory_space<vmem>>, vector<1x1x16xf32>,
      %get3A_1029 = vector.shape_cast %get3A_1028 : vector<1x1x16xf32> to vector<16xf32>
      %select_n3A_1030 = arith.select %ne3A_1015, %get3A_1029, %get3A_1022 : vector<16xf32>
      %add3A_1031 = arith.addf %add3A_963, %select_n3A_1030 : vector<16xf32>
      %get3A_1032 = arith.constant 1 : i32
      %get3A_1033 = arith.constant 196 : i32
      %get3A_1034 = arith.index_cast %get3A_1032 : i32 to index
      %get3A_1035 = arith.index_cast %get3A_1033 : i32 to index
      %get3A_1036 = arith.constant 16 : index
      %get3A_1037 = tpu.vector_load %arg8[%get3A_1034, %get3A_1035, %get3A_1036] {strides = array<i32>} : memref<2x200x128xf32, #tpu.memory_space<vmem>>, vector<1x1x16xf32>,
      %get3A_1038 = vector.shape_cast %get3A_1037 : vector<1x1x16xf32> to vector<16xf32>
      %get3A_1039 = arith.constant 1 : i32
      %get3A_1040 = arith.constant 196 : i32
      %get3A_1041 = arith.index_cast %get3A_1039 : i32 to index
      %get3A_1042 = arith.index_cast %get3A_1040 : i32 to index
      %get3A_1043 = arith.constant 80 : index
      %get3A_1044 = tpu.vector_load %arg8[%get3A_1041, %get3A_1042, %get3A_1043] {strides = array<i32>} : memref<2x200x128xf32, #tpu.memory_space<vmem>>, vector<1x1x16xf32>,
      %get3A_1045 = vector.shape_cast %get3A_1044 : vector<1x1x16xf32> to vector<16xf32>
      %select_n3A_1046 = arith.select %ne3A_1015, %get3A_1045, %get3A_1038 : vector<16xf32>
      %add3A_1047 = arith.addf %add3A_979, %select_n3A_1046 : vector<16xf32>
      %get3A_1048 = arith.constant 1 : i32
      %get3A_1049 = arith.constant 196 : i32
      %get3A_1050 = arith.index_cast %get3A_1048 : i32 to index
      %get3A_1051 = arith.index_cast %get3A_1049 : i32 to index
      %get3A_1052 = arith.constant 32 : index
      %get3A_1053 = tpu.vector_load %arg8[%get3A_1050, %get3A_1051, %get3A_1052] {strides = array<i32>} : memref<2x200x128xf32, #tpu.memory_space<vmem>>, vector<1x1x16xf32>,
      %get3A_1054 = vector.shape_cast %get3A_1053 : vector<1x1x16xf32> to vector<16xf32>
      %get3A_1055 = arith.constant 1 : i32
      %get3A_1056 = arith.constant 196 : i32
      %get3A_1057 = arith.index_cast %get3A_1055 : i32 to index
      %get3A_1058 = arith.index_cast %get3A_1056 : i32 to index
      %get3A_1059 = arith.constant 96 : index
      %get3A_1060 = tpu.vector_load %arg8[%get3A_1057, %get3A_1058, %get3A_1059] {strides = array<i32>} : memref<2x200x128xf32, #tpu.memory_space<vmem>>, vector<1x1x16xf32>,
      %get3A_1061 = vector.shape_cast %get3A_1060 : vector<1x1x16xf32> to vector<16xf32>
      %select_n3A_1062 = arith.select %ne3A_1015, %get3A_1061, %get3A_1054 : vector<16xf32>
      %add3A_1063 = arith.addf %add3A_995, %select_n3A_1062 : vector<16xf32>
      %get3A_1064 = arith.constant 1 : i32
      %get3A_1065 = arith.constant 196 : i32
      %get3A_1066 = arith.index_cast %get3A_1064 : i32 to index
      %get3A_1067 = arith.index_cast %get3A_1065 : i32 to index
      %get3A_1068 = arith.constant 48 : index
      %get3A_1069 = tpu.vector_load %arg8[%get3A_1066, %get3A_1067, %get3A_1068] {strides = array<i32>} : memref<2x200x128xf32, #tpu.memory_space<vmem>>, vector<1x1x16xf32>,
      %get3A_1070 = vector.shape_cast %get3A_1069 : vector<1x1x16xf32> to vector<16xf32>
      %get3A_1071 = arith.constant 1 : i32
      %get3A_1072 = arith.constant 196 : i32
      %get3A_1073 = arith.index_cast %get3A_1071 : i32 to index
      %get3A_1074 = arith.index_cast %get3A_1072 : i32 to index
      %get3A_1075 = arith.constant 112 : index
      %get3A_1076 = tpu.vector_load %arg8[%get3A_1073, %get3A_1074, %get3A_1075] {strides = array<i32>} : memref<2x200x128xf32, #tpu.memory_space<vmem>>, vector<1x1x16xf32>,
      %get3A_1077 = vector.shape_cast %get3A_1076 : vector<1x1x16xf32> to vector<16xf32>
      %select_n3A_1078 = arith.select %ne3A_1015, %get3A_1077, %get3A_1070 : vector<16xf32>
      %add3A_1079 = arith.addf %add3A_1011, %select_n3A_1078 : vector<16xf32>
      %slice3A_1080 = vector.extract_strided_slice %get3A_739 {offsets = [5], sizes = [1], strides = [1]} : vector<16xi32> to vector<1xi32>
      %squeeze3A_1081 = vector.extract %slice3A_1080[0] : i32 from vector<1xi32>
      %ne3A_1082 = arith.constant 0 : i32
      %ne3A_1083 = arith.cmpi ne, %squeeze3A_1081, %ne3A_1082 : i32
      %get3A_1084 = arith.constant 1 : i32
      %get3A_1085 = arith.constant 197 : i32
      %get3A_1086 = arith.index_cast %get3A_1084 : i32 to index
      %get3A_1087 = arith.index_cast %get3A_1085 : i32 to index
      %get3A_1088 = arith.constant 0 : index
      %get3A_1089 = tpu.vector_load %arg8[%get3A_1086, %get3A_1087, %get3A_1088] {strides = array<i32>} : memref<2x200x128xf32, #tpu.memory_space<vmem>>, vector<1x1x16xf32>,
      %get3A_1090 = vector.shape_cast %get3A_1089 : vector<1x1x16xf32> to vector<16xf32>
      %get3A_1091 = arith.constant 1 : i32
      %get3A_1092 = arith.constant 197 : i32
      %get3A_1093 = arith.index_cast %get3A_1091 : i32 to index
      %get3A_1094 = arith.index_cast %get3A_1092 : i32 to index
      %get3A_1095 = arith.constant 64 : index
      %get3A_1096 = tpu.vector_load %arg8[%get3A_1093, %get3A_1094, %get3A_1095] {strides = array<i32>} : memref<2x200x128xf32, #tpu.memory_space<vmem>>, vector<1x1x16xf32>,
      %get3A_1097 = vector.shape_cast %get3A_1096 : vector<1x1x16xf32> to vector<16xf32>
      %select_n3A_1098 = arith.select %ne3A_1083, %get3A_1097, %get3A_1090 : vector<16xf32>
      %add3A_1099 = arith.addf %add3A_1031, %select_n3A_1098 : vector<16xf32>
      %get3A_1100 = arith.constant 1 : i32
      %get3A_1101 = arith.constant 197 : i32
      %get3A_1102 = arith.index_cast %get3A_1100 : i32 to index
      %get3A_1103 = arith.index_cast %get3A_1101 : i32 to index
      %get3A_1104 = arith.constant 16 : index
      %get3A_1105 = tpu.vector_load %arg8[%get3A_1102, %get3A_1103, %get3A_1104] {strides = array<i32>} : memref<2x200x128xf32, #tpu.memory_space<vmem>>, vector<1x1x16xf32>,
      %get3A_1106 = vector.shape_cast %get3A_1105 : vector<1x1x16xf32> to vector<16xf32>
      %get3A_1107 = arith.constant 1 : i32
      %get3A_1108 = arith.constant 197 : i32
      %get3A_1109 = arith.index_cast %get3A_1107 : i32 to index
      %get3A_1110 = arith.index_cast %get3A_1108 : i32 to index
      %get3A_1111 = arith.constant 80 : index
      %get3A_1112 = tpu.vector_load %arg8[%get3A_1109, %get3A_1110, %get3A_1111] {strides = array<i32>} : memref<2x200x128xf32, #tpu.memory_space<vmem>>, vector<1x1x16xf32>,
      %get3A_1113 = vector.shape_cast %get3A_1112 : vector<1x1x16xf32> to vector<16xf32>
      %select_n3A_1114 = arith.select %ne3A_1083, %get3A_1113, %get3A_1106 : vector<16xf32>
      %add3A_1115 = arith.addf %add3A_1047, %select_n3A_1114 : vector<16xf32>
      %get3A_1116 = arith.constant 1 : i32
      %get3A_1117 = arith.constant 197 : i32
      %get3A_1118 = arith.index_cast %get3A_1116 : i32 to index
      %get3A_1119 = arith.index_cast %get3A_1117 : i32 to index
      %get3A_1120 = arith.constant 32 : index
      %get3A_1121 = tpu.vector_load %arg8[%get3A_1118, %get3A_1119, %get3A_1120] {strides = array<i32>} : memref<2x200x128xf32, #tpu.memory_space<vmem>>, vector<1x1x16xf32>,
      %get3A_1122 = vector.shape_cast %get3A_1121 : vector<1x1x16xf32> to vector<16xf32>
      %get3A_1123 = arith.constant 1 : i32
      %get3A_1124 = arith.constant 197 : i32
      %get3A_1125 = arith.index_cast %get3A_1123 : i32 to index
      %get3A_1126 = arith.index_cast %get3A_1124 : i32 to index
      %get3A_1127 = arith.constant 96 : index
      %get3A_1128 = tpu.vector_load %arg8[%get3A_1125, %get3A_1126, %get3A_1127] {strides = array<i32>} : memref<2x200x128xf32, #tpu.memory_space<vmem>>, vector<1x1x16xf32>,
      %get3A_1129 = vector.shape_cast %get3A_1128 : vector<1x1x16xf32> to vector<16xf32>
      %select_n3A_1130 = arith.select %ne3A_1083, %get3A_1129, %get3A_1122 : vector<16xf32>
      %add3A_1131 = arith.addf %add3A_1063, %select_n3A_1130 : vector<16xf32>
      %get3A_1132 = arith.constant 1 : i32
      %get3A_1133 = arith.constant 197 : i32
      %get3A_1134 = arith.index_cast %get3A_1132 : i32 to index
      %get3A_1135 = arith.index_cast %get3A_1133 : i32 to index
      %get3A_1136 = arith.constant 48 : index
      %get3A_1137 = tpu.vector_load %arg8[%get3A_1134, %get3A_1135, %get3A_1136] {strides = array<i32>} : memref<2x200x128xf32, #tpu.memory_space<vmem>>, vector<1x1x16xf32>,
      %get3A_1138 = vector.shape_cast %get3A_1137 : vector<1x1x16xf32> to vector<16xf32>
      %get3A_1139 = arith.constant 1 : i32
      %get3A_1140 = arith.constant 197 : i32
      %get3A_1141 = arith.index_cast %get3A_1139 : i32 to index
      %get3A_1142 = arith.index_cast %get3A_1140 : i32 to index
      %get3A_1143 = arith.constant 112 : index
      %get3A_1144 = tpu.vector_load %arg8[%get3A_1141, %get3A_1142, %get3A_1143] {strides = array<i32>} : memref<2x200x128xf32, #tpu.memory_space<vmem>>, vector<1x1x16xf32>,
      %get3A_1145 = vector.shape_cast %get3A_1144 : vector<1x1x16xf32> to vector<16xf32>
      %select_n3A_1146 = arith.select %ne3A_1083, %get3A_1145, %get3A_1138 : vector<16xf32>
      %add3A_1147 = arith.addf %add3A_1079, %select_n3A_1146 : vector<16xf32>
      %slice3A_1148 = vector.extract_strided_slice %get3A_739 {offsets = [6], sizes = [1], strides = [1]} : vector<16xi32> to vector<1xi32>
      %squeeze3A_1149 = vector.extract %slice3A_1148[0] : i32 from vector<1xi32>
      %ne3A_1150 = arith.constant 0 : i32
      %ne3A_1151 = arith.cmpi ne, %squeeze3A_1149, %ne3A_1150 : i32
      %get3A_1152 = arith.constant 1 : i32
      %get3A_1153 = arith.constant 198 : i32
      %get3A_1154 = arith.index_cast %get3A_1152 : i32 to index
      %get3A_1155 = arith.index_cast %get3A_1153 : i32 to index
      %get3A_1156 = arith.constant 0 : index
      %get3A_1157 = tpu.vector_load %arg8[%get3A_1154, %get3A_1155, %get3A_1156] {strides = array<i32>} : memref<2x200x128xf32, #tpu.memory_space<vmem>>, vector<1x1x16xf32>,
      %get3A_1158 = vector.shape_cast %get3A_1157 : vector<1x1x16xf32> to vector<16xf32>
      %get3A_1159 = arith.constant 1 : i32
      %get3A_1160 = arith.constant 198 : i32
      %get3A_1161 = arith.index_cast %get3A_1159 : i32 to index
      %get3A_1162 = arith.index_cast %get3A_1160 : i32 to index
      %get3A_1163 = arith.constant 64 : index
      %get3A_1164 = tpu.vector_load %arg8[%get3A_1161, %get3A_1162, %get3A_1163] {strides = array<i32>} : memref<2x200x128xf32, #tpu.memory_space<vmem>>, vector<1x1x16xf32>,
      %get3A_1165 = vector.shape_cast %get3A_1164 : vector<1x1x16xf32> to vector<16xf32>
      %select_n3A_1166 = arith.select %ne3A_1151, %get3A_1165, %get3A_1158 : vector<16xf32>
      %add3A_1167 = arith.addf %add3A_1099, %select_n3A_1166 : vector<16xf32>
      %get3A_1168 = arith.constant 1 : i32
      %get3A_1169 = arith.constant 198 : i32
      %get3A_1170 = arith.index_cast %get3A_1168 : i32 to index
      %get3A_1171 = arith.index_cast %get3A_1169 : i32 to index
      %get3A_1172 = arith.constant 16 : index
      %get3A_1173 = tpu.vector_load %arg8[%get3A_1170, %get3A_1171, %get3A_1172] {strides = array<i32>} : memref<2x200x128xf32, #tpu.memory_space<vmem>>, vector<1x1x16xf32>,
      %get3A_1174 = vector.shape_cast %get3A_1173 : vector<1x1x16xf32> to vector<16xf32>
      %get3A_1175 = arith.constant 1 : i32
      %get3A_1176 = arith.constant 198 : i32
      %get3A_1177 = arith.index_cast %get3A_1175 : i32 to index
      %get3A_1178 = arith.index_cast %get3A_1176 : i32 to index
      %get3A_1179 = arith.constant 80 : index
      %get3A_1180 = tpu.vector_load %arg8[%get3A_1177, %get3A_1178, %get3A_1179] {strides = array<i32>} : memref<2x200x128xf32, #tpu.memory_space<vmem>>, vector<1x1x16xf32>,
      %get3A_1181 = vector.shape_cast %get3A_1180 : vector<1x1x16xf32> to vector<16xf32>
      %select_n3A_1182 = arith.select %ne3A_1151, %get3A_1181, %get3A_1174 : vector<16xf32>
      %add3A_1183 = arith.addf %add3A_1115, %select_n3A_1182 : vector<16xf32>
      %get3A_1184 = arith.constant 1 : i32
      %get3A_1185 = arith.constant 198 : i32
      %get3A_1186 = arith.index_cast %get3A_1184 : i32 to index
      %get3A_1187 = arith.index_cast %get3A_1185 : i32 to index
      %get3A_1188 = arith.constant 32 : index
      %get3A_1189 = tpu.vector_load %arg8[%get3A_1186, %get3A_1187, %get3A_1188] {strides = array<i32>} : memref<2x200x128xf32, #tpu.memory_space<vmem>>, vector<1x1x16xf32>,
      %get3A_1190 = vector.shape_cast %get3A_1189 : vector<1x1x16xf32> to vector<16xf32>
      %get3A_1191 = arith.constant 1 : i32
      %get3A_1192 = arith.constant 198 : i32
      %get3A_1193 = arith.index_cast %get3A_1191 : i32 to index
      %get3A_1194 = arith.index_cast %get3A_1192 : i32 to index
      %get3A_1195 = arith.constant 96 : index
      %get3A_1196 = tpu.vector_load %arg8[%get3A_1193, %get3A_1194, %get3A_1195] {strides = array<i32>} : memref<2x200x128xf32, #tpu.memory_space<vmem>>, vector<1x1x16xf32>,
      %get3A_1197 = vector.shape_cast %get3A_1196 : vector<1x1x16xf32> to vector<16xf32>
      %select_n3A_1198 = arith.select %ne3A_1151, %get3A_1197, %get3A_1190 : vector<16xf32>
      %add3A_1199 = arith.addf %add3A_1131, %select_n3A_1198 : vector<16xf32>
      %get3A_1200 = arith.constant 1 : i32
      %get3A_1201 = arith.constant 198 : i32
      %get3A_1202 = arith.index_cast %get3A_1200 : i32 to index
      %get3A_1203 = arith.index_cast %get3A_1201 : i32 to index
      %get3A_1204 = arith.constant 48 : index
      %get3A_1205 = tpu.vector_load %arg8[%get3A_1202, %get3A_1203, %get3A_1204] {strides = array<i32>} : memref<2x200x128xf32, #tpu.memory_space<vmem>>, vector<1x1x16xf32>,
      %get3A_1206 = vector.shape_cast %get3A_1205 : vector<1x1x16xf32> to vector<16xf32>
      %get3A_1207 = arith.constant 1 : i32
      %get3A_1208 = arith.constant 198 : i32
      %get3A_1209 = arith.index_cast %get3A_1207 : i32 to index
      %get3A_1210 = arith.index_cast %get3A_1208 : i32 to index
      %get3A_1211 = arith.constant 112 : index
      %get3A_1212 = tpu.vector_load %arg8[%get3A_1209, %get3A_1210, %get3A_1211] {strides = array<i32>} : memref<2x200x128xf32, #tpu.memory_space<vmem>>, vector<1x1x16xf32>,
      %get3A_1213 = vector.shape_cast %get3A_1212 : vector<1x1x16xf32> to vector<16xf32>
      %select_n3A_1214 = arith.select %ne3A_1151, %get3A_1213, %get3A_1206 : vector<16xf32>
      %add3A_1215 = arith.addf %add3A_1147, %select_n3A_1214 : vector<16xf32>
      %slice3A_1216 = vector.extract_strided_slice %get3A_739 {offsets = [7], sizes = [1], strides = [1]} : vector<16xi32> to vector<1xi32>
      %squeeze3A_1217 = vector.extract %slice3A_1216[0] : i32 from vector<1xi32>
      %ne3A_1218 = arith.constant 0 : i32
      %ne3A_1219 = arith.cmpi ne, %squeeze3A_1217, %ne3A_1218 : i32
      %get3A_1220 = arith.constant 1 : i32
      %get3A_1221 = arith.constant 199 : i32
      %get3A_1222 = arith.index_cast %get3A_1220 : i32 to index
      %get3A_1223 = arith.index_cast %get3A_1221 : i32 to index
      %get3A_1224 = arith.constant 0 : index
      %get3A_1225 = tpu.vector_load %arg8[%get3A_1222, %get3A_1223, %get3A_1224] {strides = array<i32>} : memref<2x200x128xf32, #tpu.memory_space<vmem>>, vector<1x1x16xf32>,
      %get3A_1226 = vector.shape_cast %get3A_1225 : vector<1x1x16xf32> to vector<16xf32>
      %get3A_1227 = arith.constant 1 : i32
      %get3A_1228 = arith.constant 199 : i32
      %get3A_1229 = arith.index_cast %get3A_1227 : i32 to index
      %get3A_1230 = arith.index_cast %get3A_1228 : i32 to index
      %get3A_1231 = arith.constant 64 : index
      %get3A_1232 = tpu.vector_load %arg8[%get3A_1229, %get3A_1230, %get3A_1231] {strides = array<i32>} : memref<2x200x128xf32, #tpu.memory_space<vmem>>, vector<1x1x16xf32>,
      %get3A_1233 = vector.shape_cast %get3A_1232 : vector<1x1x16xf32> to vector<16xf32>
      %select_n3A_1234 = arith.select %ne3A_1219, %get3A_1233, %get3A_1226 : vector<16xf32>
      %add3A_1235 = arith.addf %add3A_1167, %select_n3A_1234 : vector<16xf32>
      %get3A_1236 = arith.constant 1 : i32
      %get3A_1237 = arith.constant 199 : i32
      %get3A_1238 = arith.index_cast %get3A_1236 : i32 to index
      %get3A_1239 = arith.index_cast %get3A_1237 : i32 to index
      %get3A_1240 = arith.constant 16 : index
      %get3A_1241 = tpu.vector_load %arg8[%get3A_1238, %get3A_1239, %get3A_1240] {strides = array<i32>} : memref<2x200x128xf32, #tpu.memory_space<vmem>>, vector<1x1x16xf32>,
      %get3A_1242 = vector.shape_cast %get3A_1241 : vector<1x1x16xf32> to vector<16xf32>
      %get3A_1243 = arith.constant 1 : i32
      %get3A_1244 = arith.constant 199 : i32
      %get3A_1245 = arith.index_cast %get3A_1243 : i32 to index
      %get3A_1246 = arith.index_cast %get3A_1244 : i32 to index
      %get3A_1247 = arith.constant 80 : index
      %get3A_1248 = tpu.vector_load %arg8[%get3A_1245, %get3A_1246, %get3A_1247] {strides = array<i32>} : memref<2x200x128xf32, #tpu.memory_space<vmem>>, vector<1x1x16xf32>,
      %get3A_1249 = vector.shape_cast %get3A_1248 : vector<1x1x16xf32> to vector<16xf32>
      %select_n3A_1250 = arith.select %ne3A_1219, %get3A_1249, %get3A_1242 : vector<16xf32>
      %add3A_1251 = arith.addf %add3A_1183, %select_n3A_1250 : vector<16xf32>
      %get3A_1252 = arith.constant 1 : i32
      %get3A_1253 = arith.constant 199 : i32
      %get3A_1254 = arith.index_cast %get3A_1252 : i32 to index
      %get3A_1255 = arith.index_cast %get3A_1253 : i32 to index
      %get3A_1256 = arith.constant 32 : index
      %get3A_1257 = tpu.vector_load %arg8[%get3A_1254, %get3A_1255, %get3A_1256] {strides = array<i32>} : memref<2x200x128xf32, #tpu.memory_space<vmem>>, vector<1x1x16xf32>,
      %get3A_1258 = vector.shape_cast %get3A_1257 : vector<1x1x16xf32> to vector<16xf32>
      %get3A_1259 = arith.constant 1 : i32
      %get3A_1260 = arith.constant 199 : i32
      %get3A_1261 = arith.index_cast %get3A_1259 : i32 to index
      %get3A_1262 = arith.index_cast %get3A_1260 : i32 to index
      %get3A_1263 = arith.constant 96 : index
      %get3A_1264 = tpu.vector_load %arg8[%get3A_1261, %get3A_1262, %get3A_1263] {strides = array<i32>} : memref<2x200x128xf32, #tpu.memory_space<vmem>>, vector<1x1x16xf32>,
      %get3A_1265 = vector.shape_cast %get3A_1264 : vector<1x1x16xf32> to vector<16xf32>
      %select_n3A_1266 = arith.select %ne3A_1219, %get3A_1265, %get3A_1258 : vector<16xf32>
      %add3A_1267 = arith.addf %add3A_1199, %select_n3A_1266 : vector<16xf32>
      %get3A_1268 = arith.constant 1 : i32
      %get3A_1269 = arith.constant 199 : i32
      %get3A_1270 = arith.index_cast %get3A_1268 : i32 to index
      %get3A_1271 = arith.index_cast %get3A_1269 : i32 to index
      %get3A_1272 = arith.constant 48 : index
      %get3A_1273 = tpu.vector_load %arg8[%get3A_1270, %get3A_1271, %get3A_1272] {strides = array<i32>} : memref<2x200x128xf32, #tpu.memory_space<vmem>>, vector<1x1x16xf32>,
      %get3A_1274 = vector.shape_cast %get3A_1273 : vector<1x1x16xf32> to vector<16xf32>
      %get3A_1275 = arith.constant 1 : i32
      %get3A_1276 = arith.constant 199 : i32
      %get3A_1277 = arith.index_cast %get3A_1275 : i32 to index
      %get3A_1278 = arith.index_cast %get3A_1276 : i32 to index
      %get3A_1279 = arith.constant 112 : index
      %get3A_1280 = tpu.vector_load %arg8[%get3A_1277, %get3A_1278, %get3A_1279] {strides = array<i32>} : memref<2x200x128xf32, #tpu.memory_space<vmem>>, vector<1x1x16xf32>,
      %get3A_1281 = vector.shape_cast %get3A_1280 : vector<1x1x16xf32> to vector<16xf32>
      %select_n3A_1282 = arith.select %ne3A_1219, %get3A_1281, %get3A_1274 : vector<16xf32>
      %add3A_1283 = arith.addf %add3A_1215, %select_n3A_1282 : vector<16xf32>
      %mul3A_1284 = arith.constant 5.000000e-03 : f32
      %mul3A_1285 = vector.broadcast %mul3A_1284 : f32 to vector<16xf32>
      %mul3A_1286 = arith.mulf %add3A_1235, %mul3A_1285 : vector<16xf32>
      %mul3A_1287 = arith.constant 64 : i32
      %mul3A_1288 = arith.muli %add3A_41, %mul3A_1287 : i32
      %add3A_1289 = arith.constant 0 : i32
      %add3A_1290 = arith.addi %mul3A_1288, %add3A_1289 : i32
      %swap3A_1291 = arith.index_cast %add3A_1290 : i32 to index
      %swap3A_1292 = tpu.vector_load %arg9[%swap3A_1291] {strides = array<i32>} : memref<8192xf32, #tpu.memory_space<vmem>>, vector<16xf32>,
      %swap3A_1293 = vector.shape_cast %swap3A_1292 : vector<16xf32> to vector<16xf32>
      %swap3A_1294 = vector.shape_cast %mul3A_1286 : vector<16xf32> to vector<16xf32>
      tpu.vector_store %arg9[%swap3A_1291], %swap3A_1294 {strides = array<i32>} : memref<8192xf32, #tpu.memory_space<vmem>>, vector<16xf32>,
      %mul3A_1295 = arith.constant 5.000000e-03 : f32
      %mul3A_1296 = vector.broadcast %mul3A_1295 : f32 to vector<16xf32>
      %mul3A_1297 = arith.mulf %add3A_1251, %mul3A_1296 : vector<16xf32>
      %mul3A_1298 = arith.constant 64 : i32
      %mul3A_1299 = arith.muli %add3A_41, %mul3A_1298 : i32
      %add3A_1300 = arith.constant 16 : i32
      %add3A_1301 = arith.addi %mul3A_1299, %add3A_1300 : i32
      %swap3A_1302 = arith.index_cast %add3A_1301 : i32 to index
      %swap3A_1303 = tpu.vector_load %arg9[%swap3A_1302] {strides = array<i32>} : memref<8192xf32, #tpu.memory_space<vmem>>, vector<16xf32>,
      %swap3A_1304 = vector.shape_cast %swap3A_1303 : vector<16xf32> to vector<16xf32>
      %swap3A_1305 = vector.shape_cast %mul3A_1297 : vector<16xf32> to vector<16xf32>
      tpu.vector_store %arg9[%swap3A_1302], %swap3A_1305 {strides = array<i32>} : memref<8192xf32, #tpu.memory_space<vmem>>, vector<16xf32>,
      %mul3A_1306 = arith.constant 5.000000e-03 : f32
      %mul3A_1307 = vector.broadcast %mul3A_1306 : f32 to vector<16xf32>
      %mul3A_1308 = arith.mulf %add3A_1267, %mul3A_1307 : vector<16xf32>
      %mul3A_1309 = arith.constant 64 : i32
      %mul3A_1310 = arith.muli %add3A_41, %mul3A_1309 : i32
      %add3A_1311 = arith.constant 32 : i32
      %add3A_1312 = arith.addi %mul3A_1310, %add3A_1311 : i32
      %swap3A_1313 = arith.index_cast %add3A_1312 : i32 to index
      %swap3A_1314 = tpu.vector_load %arg9[%swap3A_1313] {strides = array<i32>} : memref<8192xf32, #tpu.memory_space<vmem>>, vector<16xf32>,
      %swap3A_1315 = vector.shape_cast %swap3A_1314 : vector<16xf32> to vector<16xf32>
      %swap3A_1316 = vector.shape_cast %mul3A_1308 : vector<16xf32> to vector<16xf32>
      tpu.vector_store %arg9[%swap3A_1313], %swap3A_1316 {strides = array<i32>} : memref<8192xf32, #tpu.memory_space<vmem>>, vector<16xf32>,
      %mul3A_1317 = arith.constant 5.000000e-03 : f32
      %mul3A_1318 = vector.broadcast %mul3A_1317 : f32 to vector<16xf32>
      %mul3A_1319 = arith.mulf %add3A_1283, %mul3A_1318 : vector<16xf32>
      %mul3A_1320 = arith.constant 64 : i32
      %mul3A_1321 = arith.muli %add3A_41, %mul3A_1320 : i32
      %add3A_1322 = arith.constant 48 : i32
      %add3A_1323 = arith.addi %mul3A_1321, %add3A_1322 : i32
      %swap3A_1324 = arith.index_cast %add3A_1323 : i32 to index
      %swap3A_1325 = tpu.vector_load %arg9[%swap3A_1324] {strides = array<i32>} : memref<8192xf32, #tpu.memory_space<vmem>>, vector<16xf32>,
      %swap3A_1326 = vector.shape_cast %swap3A_1325 : vector<16xf32> to vector<16xf32>
      %swap3A_1327 = vector.shape_cast %mul3A_1319 : vector<16xf32> to vector<16xf32>
      tpu.vector_store %arg9[%swap3A_1324], %swap3A_1327 {strides = array<i32>} : memref<8192xf32, #tpu.memory_space<vmem>>, vector<16xf32>,
      %scan3A_1328 = arith.constant 0 : i32
      scf.yield %scan3A_1328 : i32
    }
    %scan3A_31 = arith.constant 64 : i32
    %mul3A_32 = arith.constant 64 : i32
    %mul3A_33 = arith.muli %mul3A_2, %mul3A_32 : i32
    "tpu.region"() ({
      %run_scoped3A = tpu.sem_alloc : memref<!tpu.dma_semaphore, #tpu.memory_space<semaphore_mem>>
      %dma_start3A_34 = tpu.memref_slice %arg5[%mul3A_33] : memref<262144xf32, #tpu.memory_space<hbm>> -> memref<8192xf32, #tpu.memory_space<hbm>>
      %dma_start3A_35 = tpu.memref_slice %arg5[%mul3A_33] : memref<262144xf32, #tpu.memory_space<hbm>> -> memref<8192xf32, #tpu.memory_space<hbm>>
      tpu.enqueue_dma source(%arg9 : memref<8192xf32, #tpu.memory_space<vmem>>) target(%dma_start3A_35 : memref<8192xf32, #tpu.memory_space<hbm>>) target_semaphore(%run_scoped3A : memref<!tpu.dma_semaphore, #tpu.memory_space<semaphore_mem>>)
      %dma_wait3A = tpu.memref_slice %arg5[%mul3A_33] : memref<262144xf32, #tpu.memory_space<hbm>> -> memref<8192xf32, #tpu.memory_space<hbm>>
      %dma_wait3A_36 = tpu.memref_slice %arg5[%mul3A_33] : memref<262144xf32, #tpu.memory_space<hbm>> -> memref<8192xf32, #tpu.memory_space<hbm>>
      tpu.wait_dma2 semaphore(%run_scoped3A : memref<!tpu.dma_semaphore, #tpu.memory_space<semaphore_mem>>) src(%arg9 : memref<8192xf32, #tpu.memory_space<vmem>>) dst(%dma_wait3A_36 : memref<8192xf32, #tpu.memory_space<hbm>>)
      tpu.yield
    }) : () -> ()
    return
  }
}

module attributes {stable_mosaic.version = 14 : i64} {
  func.func @_pack_body(%arg0: i32, %arg1: memref<64x8192xf32, #tpu.memory_space<vmem>>, %arg2: memref<64x8192xf32, #tpu.memory_space<vmem>>, %arg3: memref<8192x128xf32, #tpu.memory_space<vmem>>) attributes {dimension_semantics = [#tpu.dimension_semantics<arbitrary>], iteration_bounds = array<i64: 62>, scalar_prefetch = 0 : i64, scratch_operands = 0 : i64, tpu.core_type = #tpu.core_type<tc>, window_params = [{transform_indices = @transform_0, window_bounds = array<i64: 64, 8192>}, {transform_indices = @transform_1, window_bounds = array<i64: 64, 8192>}, {transform_indices = @transform_2, window_bounds = array<i64: 8192, 128>}]} {
    %get3A = arith.constant 0 : index
    %get3A_0 = arith.constant 0 : index
    %get3A_1 = vector.load %arg1[%get3A, %get3A_0] : memref<64x8192xf32, #tpu.memory_space<vmem>>, vector<64x8192xf32>
    %transpose3A = tpu.transpose %get3A_1, [1, 0] : vector<64x8192xf32> -> vector<8192x64xf32>
    %swap3A = arith.constant 0 : index
    %swap3A_2 = arith.constant 0 : index
    %swap3A_3 = vector.load %arg3[%swap3A, %swap3A_2] : memref<8192x128xf32, #tpu.memory_space<vmem>>, vector<8192x64xf32>
    tpu.vector_store %arg3[%swap3A, %swap3A_2], %transpose3A {strides = array<i32>} : memref<8192x128xf32, #tpu.memory_space<vmem>>, vector<8192x64xf32>,
    %get3A_4 = arith.constant 0 : index
    %get3A_5 = arith.constant 0 : index
    %get3A_6 = vector.load %arg2[%get3A_4, %get3A_5] : memref<64x8192xf32, #tpu.memory_space<vmem>>, vector<64x8192xf32>
    %transpose3A_7 = tpu.transpose %get3A_6, [1, 0] : vector<64x8192xf32> -> vector<8192x64xf32>
    %swap3A_8 = arith.constant 0 : index
    %swap3A_9 = arith.constant 64 : index
    %swap3A_10 = vector.load %arg3[%swap3A_8, %swap3A_9] : memref<8192x128xf32, #tpu.memory_space<vmem>>, vector<8192x64xf32>
    tpu.vector_store %arg3[%swap3A_8, %swap3A_9], %transpose3A_7 {strides = array<i32>} : memref<8192x128xf32, #tpu.memory_space<vmem>>, vector<8192x64xf32>,
    return
  }
  func.func @transform_0(%arg0: i32) -> (i32, i32) {
    %c0_i32 = arith.constant 0 : i32
    %c0_i32_0 = arith.constant 0 : i32
    return %c0_i32, %arg0 : i32, i32
  }
  func.func @transform_1(%arg0: i32) -> (i32, i32) {
    %add3A = arith.constant 62 : i32
    %add3A_0 = arith.addi %arg0, %add3A : i32
    %min3A = arith.constant 122 : i32
    %min3A_1 = arith.minsi %add3A_0, %min3A : i32
    %c0_i32 = arith.constant 0 : i32
    %c0_i32_2 = arith.constant 0 : i32
    return %c0_i32, %min3A_1 : i32, i32
  }
  func.func @transform_2(%arg0: i32) -> (i32, i32) {
    %c0_i32 = arith.constant 0 : i32
    %c0_i32_0 = arith.constant 0 : i32
    return %arg0, %c0_i32 : i32, i32
  }
}

module attributes {stable_mosaic.version = 14 : i64} {
  func.func @_mlp_body(%arg0: memref<4096x64xf32, #tpu.memory_space<vmem>>, %arg1: memref<64x100xf32, #tpu.memory_space<vmem>>, %arg2: memref<1x100xf32, #tpu.memory_space<vmem>>, %arg3: memref<100x10xf32, #tpu.memory_space<vmem>>, %arg4: memref<1x10xf32, #tpu.memory_space<vmem>>, %arg5: memref<4096x10xf32, #tpu.memory_space<vmem>>) attributes {dimension_semantics = [], scalar_prefetch = 0 : i64, scratch_operands = 0 : i64, tpu.core_type = #tpu.core_type<tc>} {
    %get3A = arith.constant 0 : index
    %get3A_0 = arith.constant 0 : index
    %get3A_1 = vector.load %arg0[%get3A, %get3A_0] : memref<4096x64xf32, #tpu.memory_space<vmem>>, vector<4096x64xf32>
    %get3A_2 = arith.constant 0 : index
    %get3A_3 = arith.constant 0 : index
    %get3A_4 = vector.load %arg1[%get3A_2, %get3A_3] : memref<64x100xf32, #tpu.memory_space<vmem>>, vector<64x100xf32>
    %dot_general3A = arith.constant dense<0.000000e+00> : vector<4096x100xf32>
    %dot_general3A_5 = tpu.matmul %get3A_1, %get3A_4, %dot_general3A {dimension_numbers = #tpu.dot_dimension_numbers<[1], [0], [0], [1], [0, 0, 1, 1], [], []>, transpose_lhs_hint = false} : vector<4096x64xf32>, vector<64x100xf32>, vector<4096x100xf32> -> vector<4096x100xf32>
    %get3A_6 = arith.constant 0 : index
    %get3A_7 = arith.constant 0 : index
    %get3A_8 = vector.load %arg2[%get3A_6, %get3A_7] : memref<1x100xf32, #tpu.memory_space<vmem>>, vector<1x100xf32>
    %add3A = vector.broadcast %get3A_8 : vector<1x100xf32> to vector<4096x100xf32>
    %add3A_9 = arith.addf %dot_general3A_5, %add3A : vector<4096x100xf32>
    %max3A = arith.constant 0.000000e+00 : f32
    %max3A_10 = vector.broadcast %max3A : f32 to vector<4096x100xf32>
    %max3A_11 = arith.maximumf %add3A_9, %max3A_10 : vector<4096x100xf32>
    %get3A_12 = arith.constant 0 : index
    %get3A_13 = arith.constant 0 : index
    %get3A_14 = vector.load %arg3[%get3A_12, %get3A_13] : memref<100x10xf32, #tpu.memory_space<vmem>>, vector<100x10xf32>
    %dot_general3A_15 = arith.constant dense<0.000000e+00> : vector<4096x10xf32>
    %dot_general3A_16 = tpu.matmul %max3A_11, %get3A_14, %dot_general3A_15 {dimension_numbers = #tpu.dot_dimension_numbers<[1], [0], [0], [1], [0, 0, 1, 1], [], []>, transpose_lhs_hint = false} : vector<4096x100xf32>, vector<100x10xf32>, vector<4096x10xf32> -> vector<4096x10xf32>
    %get3A_17 = arith.constant 0 : index
    %get3A_18 = arith.constant 0 : index
    %get3A_19 = vector.load %arg4[%get3A_17, %get3A_18] : memref<1x10xf32, #tpu.memory_space<vmem>>, vector<1x10xf32>
    %add3A_20 = vector.broadcast %get3A_19 : vector<1x10xf32> to vector<4096x10xf32>
    %add3A_21 = arith.addf %dot_general3A_16, %add3A_20 : vector<4096x10xf32>
    %swap3A = arith.constant 0 : index
    %swap3A_22 = arith.constant 0 : index
    %swap3A_23 = vector.load %arg5[%swap3A, %swap3A_22] : memref<4096x10xf32, #tpu.memory_space<vmem>>, vector<4096x10xf32>
    tpu.vector_store %arg5[%swap3A, %swap3A_22], %add3A_21 {strides = array<i32>} : memref<4096x10xf32, #tpu.memory_space<vmem>>, vector<4096x10xf32>,
    return
  }
}

</mosaic_0001>

<sc_bundles>
// kernel: kernel.5.cloned.1.call-start
scs
__scs_entry_jumppad:
0x0: {  	(pc) =	sbr.rel $0x88, $3  }
0x1: {  	(tag) =	ssettag $0x0;
	lr =	simm.s32 $0x1  }
0x2: {  	[smem:$0x3F9B] =	sst lr;
	_ =	strace $0xD0000000  }
0x3: {  	_ = 	snop  }
0x4: {  	_ = 	snop  }
0x5: {  	_ = 	snop  }
0x6: {  	_ = 	snop  }
0x7: {  	_ = 	snop  }
__scs_overlays_trampoline_lowered:
0x8: {  	[smem:$0x3FAA] =	sst s0  }
0x9: {  	[smem:$0x3FAB] =	sst s1  }
0xa: {  	[smem:$0x3FAC] =	sst s2  }
0xb: {  	[smem:$0x3FAD] =	sst s3  }
0xc: {  	[smem:$0x3FAE] =	sst s4  }
0xd: {  	[smem:$0x3FAF] =	sst s5  }
0xe: {  	[smem:$0x3FB0] =	sst s6  }
0xf: {  	[smem:$0x3FB1] =	sst s7  }
0x10: {  	[smem:$0x3FB2] =	sst s8  }
0x11: {  	[smem:$0x3FB3] =	sst s9;
	s0 =	simm.s32 @!p0 $0x0  }
0x12: {  	s1 =	sld [smem:$0x3F99];
	s0 =	simm.s32 @p0 $0x1  }
0x13: {  	[smem:$0x3FB4] =	sst s0;
	s0 =	simm.s32 @!p1 $0x0  }
0x14: {  	s2 =	sld [smem:$0x3F98];
	s0 =	simm.s32 @p1 $0x1  }
0x15: {  	[smem:$0x3FB5] =	sst s0;
	s0 =	simm.s32 @!p2 $0x0  }
0x16: {  	s3 =	sld [smem:$0x3FDB];
	s0 =	simm.s32 @p2 $0x1  }
0x17: {  	s4 =	simm.s32 $0x1BF5;
	[smem:$0x3FB7] =	sst s0  }
0x18: {  	s0 =	sld [smem:$0x3F9A];
	_ =	swait.ge [sflag:s4], $0x0  }
0x19: {  	s7 =	sld [smem:$0x3F9B]  }
0x1a: {  	s8 =	sadd.s32 $0xFFFFE003, lr  }
0x1b: {  	s9 =	sadd.s32 $0xFFFFFEF7, lr;
	s5 =	simm.s32 $0xFFFFFFFF;
	p2 =	slt.u32 s8, $0xFFFFF086  }
0x1c: {  	p1 =	slt.u32 s9, $0xF7A;
	s5 =	simm.s32 @!p2 $0x0  }
0x1d: {  	s5 =	simm.s32 @p1 $0x1;
	p0 =	seq.s32 s7, s2  }
0x1e: {  	s7 =	smul.u32 @!p0 $0xF7A, s2;
	p2 =	seq.s32 @!p0 s5, $0x0  }
0x1f: {  	s9 =	smul.u32 $0xF7A, s1;
	s8 =	simm.s32 @!p0 $0x1BF5;
	p2 =	por !p2, p0  }
0x20: {  	[sflag:s8] =	ssyncset.s32 @!p0 $0xFFFFF086;
	s6 =	sadd.s32 @!p0 s3, s7;
	s7 =	simm.s32 @!p0 $0x108  }
0x21: {  	s3 =	sadd.s32 s3, s9;
	s6 =	sadd.s32 @!p0 $0x88, s6;
	s7 =	simm.s32 @p2 $0x1082  }
0x22: {  	[simem:s7], [sflag:s8] =	dma.local @!p0 [hbm:s6], $0xF7A  }
0x23: {  	s9 =	sor.u32 $0xD0000000, s2;
	s6 =	simm.s32 $0x108;
	_ =	swait.ge @!p0 [sflag:s8], $0x0  }
0x24: {  	s3 =	sadd.s32 $0x88, s3;
	s6 =	simm.s32 @!p1 $0x1082;
	[sflag:s4] =	ssyncset.s32 $0xFFFFF086  }
0x25: {  	[simem:s6], [sflag:s4] =	dma.local [hbm:s3], $0xF7A  }
0x26: {  	[smem:$0x3F9B] =	sst s1;
	(tag) =	ssettag s2;
	_ =	strace s9  }
0x27: {  	s1 =	sld [smem:$0x3FAB]  }
0x28: {  	s2 =	sld [smem:$0x3FAC]  }
0x29: {  	s4 =	sld [smem:$0x3FAE]  }
0x2a: {  	p0 =	seq.s32 s5, $0x0;
	s5 =	sld [smem:$0x3FAF]  }
0x2b: {  	s6 =	sld [smem:$0x3FB0]  }
0x2c: {  	s7 =	sld [smem:$0x3FB1]  }
0x2d: {  	s3 =	simm.s32 $0x108;
	s8 =	sld [smem:$0x3FB2]  }
0x2e: {  	s3 =	simm.s32 @!p0 $0x1082;
	s9 =	sld [smem:$0x3FB3]  }
0x2f: {  	lr =	sadd.s32 s0, s3;
	s0 =	sld [smem:$0x3FAA]  }
0x30: {  	s3 =	sld [smem:$0x3FAD]  }
0x31: {  	[smem:$0x3FB6] =	sst s10  }
0x32: {  	s10 =	sld [smem:$0x3FB4];
	_ =	sdelay $0x3  }
0x33: {  	p0 =	seq.s32 s10, $0x1;
	s10 =	sld [smem:$0x3FB6];
	_ =	sdelay $0x3  }
0x34: {  	[smem:$0x3FB6] =	sst s10  }
0x35: {  	s10 =	sld [smem:$0x3FB5];
	_ =	sdelay $0x3  }
0x36: {  	p1 =	seq.s32 s10, $0x1;
	s10 =	sld [smem:$0x3FB6];
	_ =	sdelay $0x3  }
0x37: {  	[smem:$0x3FB6] =	sst s10  }
0x38: {  	s10 =	sld [smem:$0x3FB7]  }
0x39: {  	_ = 	snop;
	(pc) =	sbr.ind lr, $3  }
0x3a: {  	_ = 	snop  }
0x3b: {  	_ = 	snop  }
0x3c: {  	p2 =	seq.s32 s10, $0x1;
	s10 =	sld [smem:$0x3FB6]  }
0x3d: {  	_ =	shalt  }
0x3e: {  	_ =	shalt  }
0x3f: {  	_ =	shalt  }
0x40: {  	_ =	shalt  }
0x41: {  	_ =	shalt  }
0x42: {  	_ =	shalt  }
0x43: {  	_ =	shalt  }
0x44: {  	_ =	shalt  }
0x45: {  	_ =	shalt  }
0x46: {  	_ =	shalt  }
0x47: {  	_ =	shalt  }
0x48: {  	_ =	shalt  }
0x49: {  	_ =	shalt  }
0x4a: {  	_ =	shalt  }
0x4b: {  	_ =	shalt  }
0x4c: {  	_ =	shalt  }
0x4d: {  	_ =	shalt  }
0x4e: {  	_ =	shalt  }
0x4f: {  	_ =	shalt  }
0x50: {  	_ =	shalt  }
0x51: {  	_ =	shalt  }
0x52: {  	_ =	shalt  }
0x53: {  	_ =	shalt  }
0x54: {  	_ =	shalt  }
0x55: {  	_ =	shalt  }
0x56: {  	_ =	shalt  }
0x57: {  	_ =	shalt  }
0x58: {  	_ =	shalt  }
0x59: {  	_ =	shalt  }
0x5a: {  	_ =	shalt  }
0x5b: {  	_ =	shalt  }
0x5c: {  	_ =	shalt  }
0x5d: {  	_ =	shalt  }
0x5e: {  	_ =	shalt  }
0x5f: {  	_ =	shalt  }
0x60: {  	_ =	shalt  }
0x61: {  	_ =	shalt  }
0x62: {  	_ =	shalt  }
0x63: {  	_ =	shalt  }
0x64: {  	_ =	shalt  }
0x65: {  	_ =	shalt  }
0x66: {  	_ =	shalt  }
0x67: {  	_ =	shalt  }
0x68: {  	_ =	shalt  }
0x69: {  	_ =	shalt  }
0x6a: {  	_ =	shalt  }
0x6b: {  	_ =	shalt  }
0x6c: {  	_ =	shalt  }
0x6d: {  	_ =	shalt  }
0x6e: {  	_ =	shalt  }
0x6f: {  	_ =	shalt  }
0x70: {  	_ =	shalt  }
0x71: {  	_ =	shalt  }
0x72: {  	_ =	shalt  }
0x73: {  	_ =	shalt  }
0x74: {  	_ =	shalt  }
0x75: {  	_ =	shalt  }
0x76: {  	_ =	shalt  }
0x77: {  	_ =	shalt  }
0x78: {  	_ =	shalt  }
0x79: {  	_ =	shalt  }
0x7a: {  	_ =	shalt  }
0x7b: {  	_ =	shalt  }
0x7c: {  	_ =	shalt  }
0x7d: {  	_ =	shalt  }
0x7e: {  	_ =	shalt  }
0x7f: {  	_ =	shalt  }
0x80: {  	_ =	shalt  }
0x81: {  	_ =	shalt  }
0x82: {  	_ =	shalt  }
0x83: {  	_ =	shalt  }
0x84: {  	_ =	shalt  }
0x85: {  	_ =	shalt  }
0x86: {  	_ =	shalt  }
0x87: {  	_ =	shalt  }
.Lfunc_end0:
.L_simem_size_0:
called_computation_lowered:
.L_overlay_start_0:
0x88: {  	s2 =	sld [smem:$0x3FD9]  }
0x89: {  	s3 =	sld [smem:$0x3FFE];
	_ =	sdelay $0x1  }
0x8a: {  	s1 =	srdreg.scid  }
0x8b: {  	s0 =	sand.u32 $0x1, s1  }
0x8c: {  	s16 =	sshll.u32 s0, $0xA;
	s2 =	sadd.s32 s3, s2  }
0x8d: {  	s2 =	sadd.s32 s2, s16  }
0x8e: {  	[smem:$0x3FC2] =	sst s2  }
0x8f: {  	_ = 	snop  }
0x90: {  	(tm) =	ssettm $0x1  }
0x91: {  	s17 =	sld [smem:$0x3FFB];
	_ =	sdelay $0x3  }
0x92: {  	_ =	strace s17  }
0x93: {  	s2 =	sld [smem:$0x3FFC];
	_ =	sdelay $0x3  }
0x94: {  	_ =	strace s2  }
0x95: {  	s2 =	sld [smem:$0x3FFD];
	_ =	sdelay $0x3  }
0x96: {  	_ =	strace s2  }
0x97: {  	_ =	strace $0x8FFFFFFF  }
0x98: {  	s18 =	sld [smem:$0x3FDB];
	_ =	sdelay $0x1  }
0x99: {  	s19 =	simm.s32 $_scs_section_size  }
0x9a: {  	s4 =	simm.s32 $_size__tile_overlayer_lowered;
	s5 =	simm.s32 $_tile_overlayer_lowered  }
0x9b: {  	s22 =	simm.s32 $0x1BFF;
	s21 =	sshll.u32 s5, $0x1;
	s2 =	sadd.s32 s19, s18  }
0x9c: {  	s6 =	simm.s32 $0x0;
	s20 =	sshll.u32 s4, $0x1;
	s4 =	sadd.s32 s21, s2  }
0x9d: {  	[timem:s6], [sflag:s22] =	dma.local [hbm:s4], s20  }
0x9e: {  	_ =	swait.ge [sflag:s22], s20  }
0x9f: {  	s3 =	ssub.s32 $0x0, s20;
	[sflag:s22] =	ssyncset.done $0x0  }
0xa0: {  	[sflag:s22] =	ssyncadd.s32 s3;
	_ =	sdelay $0x1  }
0xa1: {  	s23 =	simm.s32 $0x1B8B  }
0xa2: {  	_ =	swait.ge [sflag:s23], $0x1  }
0xa3: {  	[sflag:s23] =	ssyncset.done $0x0  }
0xa4: {  	s25 =	simm.s32 $0x1B8E;
	s24 =	sld [smem:$0x3FFE];
	[sflag:s23] =	ssyncadd.s32 $0xFFFFFFFF  }
0xa5: {  	s26 =	simm.s32 $execute0_lowered;
	[smem:$0x3FD2] =	sst s25  }
0xa6: {  	s4 =	sshll.u32 s26, $0x1;
	_ =	strace $0x80000046;
	[dreg:$0x1] =	wrdreg $0xFFFFFFFF  }
0xa7: {  	s28 =	simm.s32 $_size_execute0_lowered;
	s2 =	sadd.s32 s2, s4;
	[dreg:$0x0] =	wrdreg $0x0  }
0xa8: {  	s4 =	sshll.u32 s28, $0x1;
	[dreg:$0x2] =	wrdreg s2  }
0xa9: {  	[dreg:$0x3] =	wrdreg s4  }
0xaa: {  	[dreg:$0x4] =	wrdreg $0xC0  }
0xab: {  	_ =	task [dreg:s6], $0x5FFFF  }
0xac: {  	[dreg:$0x1] =	wrdreg $0xFFFFFFFF  }
0xad: {  	[dreg:$0x0] =	wrdreg $0x60  }
0xae: {  	[dreg:$0x2] =	wrdreg s24  }
0xaf: {  	[dreg:$0x3] =	wrdreg $0x9  }
0xb0: {  	_ =	task.clear_ibuf [dreg:s6], $0x4FFFF;
	_ =	strace $0x90000046  }
0xb1: {  	s29 =	simm.s32 $0x9;
	_ =	strace $0x80000048  }
0xb2: {  	_ =	swait.ge [sflag:s29], $0x1  }
0xb3: {  	[sflag:s29] =	ssyncadd.s32 $0xFFFFFFFF  }
0xb4: {  	_ =	strace $0x90000048  }
0xb5: {  	_ =	sfence  }
0xb6: {  	s30 =	sld [smem:$0x0];
	_ =	sdelay $0x2  }
0xb7: {  	s31 =	sshll.u32 s1, $0xD;
	s1 =	sshrl.u32 s1, $0x2  }
0xb8: {  	s3 =	sand.u32 $0x4000, s31;
	s1 =	sadd.s32 s1, s30  }
0xb9: {  	s0 =	sor.u32 s3, s0;
	s1 =	sshll.u32 s1, $0x11  }
0xba: {  	s0 =	sor.u32 s1, s0  }
0xbb: {  	s0 =	sadd.s32 $0x8F2B, s0  }
0xbc: {  	[sflag:s0] =	ssyncadd.remote.s32 $0x1  }
0xbd: {  	_ =	sfence.sel $0xFFFF  }
0xbe: {  	[dreg:$0x0] =	wrdreg $0xFFFFFFFF;
	(pc) =	sbr.abs _section_cstart, $3  }
0xbf: {  	[dreg:$0x1] =	wrdreg $0xFFFFFFFF  }
0xc0: {  	_ =	task.clear_ibuf [dreg:s6], $0x2FFFF;
	_ =	strace $0x9FFFFFFF  }
0xc1: {  	(tm) =	ssettm $0x7FFFFFFF  }
tec
execute0_lowered:
.L_overlay_start_1:
0x0: {  	(tag) =	ssettag $0x1  }
0x1: {  	s0 =	srdreg.scid  }
0x2: {  	s2 =	stileid.u32;
	s1 =	rddreg [dreg:$0x0]  }
0x3: {  	s5 =	simm.s32 $0x0;
	s0 =	sand.u32 $0x1, s0;
	s2 =	sshll.u32 s2, $0x1  }
0x4: {  	[smem:$0x7FF] =	sst s5;
	s2 =	sor.u32 s0, s2  }
0x5: {  	s4 =	sadd.s32 $0x40E00, s1;
	_ =	strace $0x80000047;
	s3 =	sshll.u32 s2, $0xC  }
0x6: {  	s0 =	ssub.s32 $0x2, s0;
	[dreg:$0x13] =	wrdreg s4;
	s3 =	sadd.s32 s3, s1  }
0x7: {  	s2 =	sshll.u32 s2, $0xA;
	s29 =	sshrl.u32 s0, $0x1;
	s30 =	sadd.s32 $0xE00, s3  }
0x8: {  	s1 =	sadd.s32 s2, s1;
	s31 =	sadd.s32 $0x20E00, s3;
	[dreg:$0x14] =	wrdreg s30  }
0x9: {  	s0 =	ssub.s32 s0, s29;
	s1 =	sadd.s32 $0x800E00, s1;
	[dreg:$0x15] =	wrdreg s31  }
0xa: {  	s0 =	smax.u32 s0, $0x1;
	[dreg:$0x16] =	wrdreg s1  }
0xb: {  	s2 =	simm.s32 $0x0;
	[dreg:$0x17] =	wrdreg s0;
	s1 =	simm.s32 $0x3  }
.LBB2_1:
0xc: {  	[dreg:$0x18] =	wrdreg s2  }
0xd: {  	s0 =	rddreg [dreg:$0x14]  }
0xe: {  	[tilespmem:s5], [sflag:$0x3] =	stream.linear.gather [hbm4b:s0+s5], $0x8000, $0x38;
	[tilespmem:$0x1E800] =	vst v63  }
0xf: {  	_ =	swait.ge [sflag:s1], $0x8000  }
0x10: {  	[sflag:s1] =	ssyncset.done $0x0  }
0x11: {  	s26 =	simm.s32 $0x8000;
	s25 =	rddreg [dreg:$0x15];
	[sflag:s1] =	ssyncadd.s32 $0xFFFF8000  }
0x12: {  	[tilespmem:s26], [sflag:$0x3] =	stream.linear.gather [hbm4b:s25+s5], $0x8000, $0x38;
	[tilespmem:$0x1E800] =	vst v63  }
0x13: {  	_ =	swait.ge [sflag:s1], $0x8000  }
0x14: {  	s29 =	simm.s32 $0x80;
	[sflag:s1] =	ssyncset.done $0x0  }
0x15: {  	s30 =	simm.s32 $0x10000;
	s28 =	rddreg [dreg:$0x13];
	[sflag:s1] =	ssyncadd.s32 $0xFFFF8000  }
0x16: {  	[tilespmem:s30], [sflag:$0x1] =	stream.indirect.gather [hbm4b:s28+s29], $0x80, s5, s29, $0xb8;
	[tilespmem:$0x1E800] =	vst v63  }
0x17: {  	s31 =	simm.s32 $0x48;
	s3 =	simm.s32 $0x14000;
	s4 =	simm.s32 $0x0  }
0x18: {  	[tilespmem:s3], [sflag:$0x1] =	stream.indirect.gather [hbm4b:s28+s31], $0x80, s29, s31, $0xb8;
	[tilespmem:$0x1E800] =	vst v63  }
.LBB2_2:
0x19: {  	s0 =	sshllo.u32 s4, $0x1;
	s1 =	rddreg [dreg:$0x13]  }
0x1a: {  	s10 =	simm.s32 $0x80;
	s2 =	simm.s32 $0x16400;
	s12 =	simm.s32 $0x48  }
0x1b: {  	s13 =	simm.s32 $0x1A400;
	[dreg:$0x1a] =	wrdreg s0;
	s3 =	sshll.u32 s0, $0x8  }
0x1c: {  	[tilespmem:s2], [sflag:$0x2] =	stream.indirect.gather [hbm4b:s1+s10], $0x80, s3, s10, $0xb8;
	[tilespmem:$0x1E800] =	vst v63  }
0x1d: {  	s14 =	simm.s32 $0x1;
	[dreg:$0x1b] =	wrdreg s3;
	s11 =	sor.u32 $0x80, s3  }
0x1e: {  	[tilespmem:s13], [sflag:$0x2] =	stream.indirect.gather [hbm4b:s1+s12], $0x80, s11, s12, $0xb8;
	[tilespmem:$0x1E800] =	vst v63  }
0x1f: {  	_ =	swait.ge [sflag:s14], $0x4000  }
0x20: {  	s15 =	sshll.u32 s4, $0x9;
	[dreg:$0x19] =	wrdreg s4;
	[sflag:s14] =	ssyncset.done $0x0  }
0x21: {  	s0 =	sand.u32 $0x3FFFFE00, s15;
	[dreg:$0x1c] =	wrdreg s15;
	[sflag:s14] =	ssyncadd.s32 $0xFFFFC000  }
0x22: {  	_ =	swait.ge [sflag:s14], $0x2400;
	[dreg:$0x1d] =	wrdreg s0;
	s0 =	sadd.s32 $0x8000, s0  }
0x23: {  	s16 =	simm.s32 $0x0;
	[dreg:$0x2] =	wrdreg s0  }
0x24: {  	s17 =	sand.u32 $0x80, s16;
	s0 =	rddreg [dreg:$0x2]  }
0x25: {  	s1 =	sand.u32 $0x70, s16;
	[sflag:s14] =	ssyncset.done $0x0;
	s0 =	sadd.s32 s17, s0  }
0x26: {  	[sflag:s14] =	ssyncadd.s32 $0xFFFFDC00;
	s0 =	sadd.s32 s1, s0  }
0x27: {  	v17 =	vld [tilespmem:s0+$0x0];
	_ =	sdelay $0x4  }
0x28: {  	(v2sf) =	vpush v17, $0xF  }
0x29: {  	(v2sf) =	vpush v17, $0xE;
	_ =	sdelay $0x2  }
0x2a: {  	(v2sf) =	vpush v17, $0xD;
	_ =	sdelay $0x2  }
0x2b: {  	s24 =	simm.s32 $0x10400;
	s7 =	simm.s32 $0x107D0;
	s9 =	simm.s32 $0x10740  }
0x2c: {  	s23 =	simm.s32 $0x10690;
	s25 =	simm.s32 $0x10600;
	s26 =	simm.s32 $0x106D0;
	(v2sf) =	vpush v17, $0xC  }
0x2d: {  	s22 =	simm.s32 $0x10610;
	s21 =	simm.s32 $0x10650;
	s5 =	simm.s32 $0x105D0  }
0x2e: {  	s8 =	simm.s32 $0x10510;
	s28 =	simm.s32 $0x10440;
	s29 =	simm.s32 $0x10450  }
0x2f: {  	s30 =	simm.s32 $0x103C0;
	s31 =	simm.s32 $0x103D0;
	s2 =	simm.s32 $0x10700  }
0x30: {  	s10 =	simm.s32 $0x10710;
	s3 =	simm.s32 $0x10640;
	s11 =	simm.s32 $0x10750  }
0x31: {  	s13 =	simm.s32 $0x10680;
	s12 =	simm.s32 $0x105C0;
	s16 =	simm.s32 $0x10500;
	(v2sf) =	vpush v17, $0xB  }
0x32: {  	s4 =	simm.s32 $0x10790;
	s15 =	simm.s32 $0x10590;
	s14 =	simm.s32 $0x106C0  }
0x33: {  	s17 =	simm.s32 $0x10580;
	s1 =	simm.s32 $0x107C0;
	s6 =	spop (v2sf)  }
0x34: {  	s0 =	simm.s32 $0x10780;
	p0 =	seq.s32 s6, $0x0;
	s18 =	spop (v2sf)  }
0x35: {  	s6 =	simm.s32 $0x10540;
	s1 =	smov.u32 @p0 s0;
	s0 =	simm.s32 @!p0 $0x0  }
0x36: {  	p1 =	seq.s32 s18, $0x0;
	s7 =	smov.u32 @p0 s4;
	s0 =	simm.s32 @p0 $0x1  }
0x37: {  	s19 =	spop (v2sf);
	[smem:$0x7FB] =	sst s0;
	s0 =	simm.s32 @!p1 $0x0  }
0x38: {  	s18 =	simm.s32 $0x10490;
	s4 =	simm.s32 $0x10;
	s0 =	simm.s32 @p1 $0x1  }
0x39: {  	s9 =	smov.u32 @p1 s2;
	p0 =	seq.s32 s19, $0x0;
	[smem:$0x7FC] =	sst s0  }
0x3a: {  	(v2sf) =	vpush v17, $0xA;
	s2 =	simm.s32 $0x10480;
	s11 =	smov.u32 @p1 s10;
	v0 =	vld [tilespmem:s1+$0x0];
	s1 =	simm.s32 @!p0 $0x0  }
0x3b: {  	(v2sf) =	vpush v17, $0x9;
	s19 =	simm.s32 $0x10550;
	s20 =	spop (v2sf);
	s1 =	simm.s32 @p0 $0x1  }
0x3c: {  	(v2sf) =	vpush v17, $0x8;
	s10 =	simm.s32 $0x10350;
	s14 =	smov.u32 @p0 s13;
	v1 =	vld [tilespmem:s7+$0x0];
	[smem:$0x7FD] =	sst s1  }
0x3d: {  	(v2sf) =	vpush v17, $0x7;
	s26 =	smov.u32 @p0 s23;
	s23 =	simm.s32 $0x10410;
	s13 =	simm.s32 $0x10300;
	v2 =	vld [tilespmem:s9+$0x0]  }
0x3e: {  	(v2sf) =	vpush v17, $0x6;
	p1 =	seq.s32 s20, $0x0;
	s20 =	simm.s32 $0x10380;
	s0 =	simm.s32 $0x104C0;
	v3 =	vld [tilespmem:s11+$0x0]  }
0x3f: {  	v8 =	vimm.f32 $0.0e+00;
	v9 =	vimm.f32 $0.0e+00;
	(v2sf) =	vpush v17, $0x5;
	s3 =	smov.u32 @p1 s25;
	s25 =	simm.s32 $0x10390;
	s7 =	simm.s32 $0x104D0;
	v4 =	vld [tilespmem:s14+$0x0]  }
0x40: {  	v7 =	vimm.f32 $0.0e+00;
	v6 =	vimm.f32 $0.0e+00;
	(v2sf) =	vpush v17, $0x4;
	s1 =	spop (v2sf);
	s11 =	simm.s32 $0x10340;
	s14 =	simm.s32 $0x10310;
	v5 =	vld [tilespmem:s26+$0x0]  }
.LBB2_3:
0x41: {  	_ =	sdelay $0x1  }
0x42: {  	s9 =	simm.s32 @!p1 $0x0;
	p0 =	sne.s32 s4, $0xB0  }
0x43: {  	[dreg:$0x5] =	wrdreg s4;
	s9 =	simm.s32 @p1 $0x1;
	s4 =	simm.s32 @!p0 $0x0  }
0x44: {  	[smem:$0x7F9] =	sst s9;
	s4 =	simm.s32 @p0 $0x1;
	p0 =	seq.s32 s1, $0x0  }
0x45: {  	s21 =	smov.u32 @p1 s22;
	[smem:$0x7FA] =	sst s4;
	s1 =	simm.s32 @!p0 $0x0  }
0x46: {  	s5 =	smov.u32 @p0 s15;
	s15 =	sld [smem:$0x7FB];
	s1 =	simm.s32 @p0 $0x1  }
0x47: {  	s22 =	sadd.s32 $0xFFFFFE80, s24;
	s12 =	smov.u32 @p0 s17;
	[smem:$0x7F8] =	sst s1  }
0x48: {  	s1 =	sadd.s32 $0xFFFFFE90, s24;
	v10 =	vld [tilespmem:s3+$0x0];
	s3 =	sadd.s32 $0xFFFFFEC0, s24;
	s9 =	spop (v2sf)  }
0x49: {  	v12 =	vld [tilespmem:s12+$0x0];
	s12 =	sadd.s32 $0xFFFFFED0, s24;
	p2 =	seq.s32 s9, $0x0;
	s9 =	sadd.s32 $0xFFFFFD00, s24  }
0x4a: {  	(v2sf) =	vpush v17, $0x3;
	s4 =	simm.s32 @!p2 $0x0;
	s6 =	smov.u32 @p2 s16;
	s16 =	spop (v2sf)  }
0x4b: {  	s19 =	smov.u32 @p2 s8;
	s8 =	sadd.s32 $0xFFFFFDC0, s24;
	s4 =	simm.s32 @p2 $0x1  }
0x4c: {  	v11 =	vld [tilespmem:s21+$0x0];
	(v2sf) =	vpush v17, $0x2;
	p0 =	seq.s32 s16, $0x0;
	s17 =	spop (v2sf);
	[smem:$0x7F7] =	sst s4  }
0x4d: {  	s4 =	simm.s32 @!p0 $0x0;
	s0 =	smov.u32 @p0 s2;
	p2 =	seq.s32 s17, $0x0  }
0x4e: {  	(v2sf) =	vpush v17, $0x1;
	s7 =	smov.u32 @p0 s18;
	v13 =	vld [tilespmem:s5+$0x0];
	s5 =	sadd.s32 $0xFFFFFE00, s24;
	s4 =	simm.s32 @p0 $0x1  }
0x4f: {  	v14 =	vld [tilespmem:s6+$0x0];
	s6 =	sadd.s32 $0xFFFFFE40, s24;
	s2 =	simm.s32 @!p2 $0x0;
	[smem:$0x7F6] =	sst s4  }
0x50: {  	(v2sf) =	vpush v17, $0x0;
	s28 =	smov.u32 @p2 s24;
	s29 =	smov.u32 @p2 s23;
	s2 =	simm.s32 @p2 $0x1;
	v15 =	vld [tilespmem:s19+$0x0]  }
0x51: {  	v16 =	vld [tilespmem:s0+$0x0];
	s0 =	sadd.s32 $0xFFFFFE10, s24;
	[smem:$0x7F5] =	sst s2;
	s19 =	spop (v2sf)  }
0x52: {  	s2 =	sadd.s32 $0xFFFFFD80, s24;
	v17 =	vld [tilespmem:s7+$0x0];
	s7 =	sadd.s32 $0xFFFFFE50, s24;
	p0 =	seq.s32 s19, $0x0  }
0x53: {  	s4 =	simm.s32 @!p0 $0x0;
	s30 =	smov.u32 @p0 s20;
	s20 =	spop (v2sf)  }
0x54: {  	s31 =	smov.u32 @p0 s25;
	s4 =	simm.s32 @p0 $0x1;
	p6 =	seq.s32 s20, $0x0  }
0x55: {  	v18 =	vld [tilespmem:s28+$0x0];
	s21 =	spop (v2sf);
	[smem:$0x7F4] =	sst s4;
	s4 =	sadd.s32 $0xFFFFFD90, s24  }
0x56: {  	s11 =	smov.u32 @p6 s13;
	s13 =	sadd.s32 $0xFFFFFDD0, s24;
	p5 =	seq.s32 s21, $0x0  }
0x57: {  	v22 =	vld [tilespmem:s11+$0x0];
	s3 =	smov.u32 @p5 s22;
	s22 =	spop (v2sf);
	s11 =	sadd.s32 $0xFFFFFD40, s24  }
0x58: {  	v19 =	vld [tilespmem:s29+$0x0];
	s12 =	smov.u32 @p5 s1;
	s1 =	sadd.s32 $0xFFFFFD10, s24;
	p4 =	seq.s32 s22, $0x0  }
0x59: {  	v24 =	vld [tilespmem:s3+$0x0];
	s23 =	spop (v2sf);
	s3 =	sadd.s32 $0xFFFFFCC0, s24;
	s6 =	smov.u32 @p4 s5  }
0x5a: {  	v20 =	vld [tilespmem:s30+$0x0];
	s5 =	sadd.s32 $0xFFFFFD50, s24;
	p3 =	seq.s32 s23, $0x0;
	s7 =	smov.u32 @p4 s0  }
0x5b: {  	s0 =	sadd.s32 $0xFFFFFC80, s24;
	v26 =	vld [tilespmem:s6+$0x0];
	s8 =	smov.u32 @p3 s2;
	s25 =	spop (v2sf)  }
0x5c: {  	v27 =	vld [tilespmem:s7+$0x0];
	s13 =	smov.u32 @p3 s4;
	s2 =	sadd.s32 $0xFFFFFC90, s24;
	s4 =	sadd.s32 $0xFFFFFCD0, s24  }
0x5d: {  	s7 =	sld [smem:$0x7F4];
	p2 =	seq.s32 s25, $0x0;
	v28 =	vld [tilespmem:s8+$0x0];
	s26 =	spop (v2sf)  }
0x5e: {  	v29 =	vld [tilespmem:s13+$0x0];
	s11 =	smov.u32 @p2 s9;
	s5 =	smov.u32 @p2 s1;
	p1 =	seq.s32 s26, $0x0  }
0x5f: {  	s1 =	sadd.s32 $0xFFFFFC00, s24;
	v30 =	vld [tilespmem:s11+$0x0];
	s6 =	spop (v2sf);
	s3 =	smov.u32 @p1 s0  }
0x60: {  	v31 =	vld [tilespmem:s5+$0x0];
	p0 =	seq.s32 s6, $0x0;
	s0 =	sadd.s32 $0xFFFFFC40, s24;
	s4 =	smov.u32 @p1 s2  }
0x61: {  	s2 =	sadd.s32 $0xFFFFFC50, s24;
	v32 =	vld [tilespmem:s3+$0x0];
	s0 =	smov.u32 @p0 s1;
	s1 =	sadd.s32 $0xFFFFFC10, s24  }
0x62: {  	v34 =	vld [tilespmem:s0+$0x0];
	s2 =	smov.u32 @p0 s1;
	s0 =	sadd.s32 $0xFFFFFC20, s24;
	s1 =	sadd.s32 $0xFFFFFC60, s24  }
0x63: {  	v35 =	vld [tilespmem:s2+$0x0];
	s1 =	smov.u32 @p0 s0;
	s0 =	sadd.s32 $0xFFFFFC30, s24;
	s2 =	sadd.s32 $0xFFFFFC70, s24  }
0x64: {  	s8 =	sld [smem:$0x7F5];
	v33 =	vld [tilespmem:s4+$0x0];
	s2 =	smov.u32 @p0 s0  }
0x65: {  	v36 =	vld [tilespmem:s1+$0x0];
	s0 =	sadd.s32 $0xFFFFFCA0, s24;
	s1 =	sadd.s32 $0xFFFFFCE0, s24;
	p0 =	seq.s32 s7, $0x1  }
0x66: {  	v37 =	vld [tilespmem:s2+$0x0];
	s1 =	smov.u32 @p1 s0;
	s0 =	sadd.s32 $0xFFFFFCB0, s24;
	s2 =	sadd.s32 $0xFFFFFCF0, s24  }
0x67: {  	v38 =	vld [tilespmem:s1+$0x0];
	s2 =	smov.u32 @p1 s0;
	s0 =	sadd.s32 $0xFFFFFD20, s24;
	s1 =	sadd.s32 $0xFFFFFD60, s24  }
0x68: {  	v39 =	vld [tilespmem:s2+$0x0];
	s1 =	smov.u32 @p2 s0;
	s0 =	sadd.s32 $0xFFFFFD30, s24;
	s2 =	sadd.s32 $0xFFFFFD70, s24  }
0x69: {  	v40 =	vld [tilespmem:s1+$0x0];
	s2 =	smov.u32 @p2 s0;
	s0 =	sadd.s32 $0xFFFFFDA0, s24;
	s1 =	sadd.s32 $0xFFFFFDE0, s24  }
0x6a: {  	v44 =	vld [tilespmem:s2+$0x0];
	s1 =	smov.u32 @p3 s0;
	s0 =	sadd.s32 $0xFFFFFDB0, s24;
	s2 =	sadd.s32 $0xFFFFFDF0, s24  }
0x6b: {  	v45 =	vld [tilespmem:s1+$0x0];
	s2 =	smov.u32 @p3 s0;
	s0 =	sadd.s32 $0xFFFFFE20, s24;
	s1 =	sadd.s32 $0xFFFFFE60, s24  }
0x6c: {  	v46 =	vld [tilespmem:s2+$0x0];
	s1 =	smov.u32 @p4 s0;
	s0 =	sadd.s32 $0xFFFFFE30, s24;
	s2 =	sadd.s32 $0xFFFFFE70, s24  }
0x6d: {  	v47 =	vld [tilespmem:s1+$0x0];
	s2 =	smov.u32 @p4 s0;
	s0 =	sadd.s32 $0xFFFFFEA0, s24;
	s1 =	sadd.s32 $0xFFFFFEE0, s24  }
0x6e: {  	v8 =	vadd.f32 v34, v8;
	v48 =	vld [tilespmem:s2+$0x0];
	s1 =	smov.u32 @p5 s0;
	s0 =	sadd.s32 $0xFFFFFEB0, s24;
	s2 =	sadd.s32 $0xFFFFFEF0, s24  }
0x6f: {  	v49 =	vld [tilespmem:s1+$0x0];
	s2 =	smov.u32 @p5 s0;
	s0 =	sadd.s32 $0xFFFFFF20, s24;
	s1 =	sadd.s32 $0xFFFFFF60, s24  }
0x70: {  	v9 =	vadd.f32 v35, v9;
	v8 =	vadd.f32 v32, v8;
	v50 =	vld [tilespmem:s2+$0x0];
	s1 =	smov.u32 @p6 s0;
	s0 =	sadd.s32 $0xFFFFFF30, s24;
	s2 =	sadd.s32 $0xFFFFFF70, s24  }
0x71: {  	v51 =	vld [tilespmem:s1+$0x0];
	s2 =	smov.u32 @p6 s0;
	s0 =	sadd.s32 $0xFFFFFFA0, s24;
	s1 =	sadd.s32 $0xFFFFFFE0, s24  }
0x72: {  	v9 =	vadd.f32 v33, v9;
	v8 =	vadd.f32 v30, v8;
	v52 =	vld [tilespmem:s2+$0x0];
	s1 =	smov.u32 @p0 s0;
	s0 =	sadd.s32 $0xFFFFFFB0, s24;
	s2 =	sadd.s32 $0xFFFFFFF0, s24  }
0x73: {  	s10 =	smov.u32 @p6 s14;
	v25 =	vld [tilespmem:s12+$0x0];
	s9 =	sld [smem:$0x7F6];
	s2 =	smov.u32 @p0 s0  }
0x74: {  	v9 =	vadd.f32 v31, v9;
	v8 =	vadd.f32 v28, v8;
	v53 =	vld [tilespmem:s1+$0x0];
	s0 =	sadd.s32 $0x20, s24;
	s1 =	sadd.s32 $0x60, s24;
	p0 =	seq.s32 s8, $0x1  }
0x75: {  	v7 =	vadd.f32 v36, v7;
	v54 =	vld [tilespmem:s2+$0x0];
	s1 =	smov.u32 @p0 s0;
	s0 =	sadd.s32 $0x30, s24;
	s2 =	sadd.s32 $0x70, s24  }
0x76: {  	v23 =	vld [tilespmem:s10+$0x0];
	s10 =	sld [smem:$0x7F7];
	v9 =	vadd.f32 v29, v9;
	v8 =	vadd.f32 v26, v8;
	s2 =	smov.u32 @p0 s0  }
0x77: {  	v7 =	vadd.f32 v38, v7;
	v55 =	vld [tilespmem:s1+$0x0];
	s0 =	sadd.s32 $0xA0, s24;
	s1 =	sadd.s32 $0xE0, s24;
	p0 =	seq.s32 s9, $0x1  }
0x78: {  	v9 =	vadd.f32 v27, v9;
	v8 =	vadd.f32 v24, v8;
	v56 =	vld [tilespmem:s2+$0x0];
	s1 =	smov.u32 @p0 s0;
	s0 =	sadd.s32 $0xB0, s24;
	s2 =	sadd.s32 $0xF0, s24  }
0x79: {  	v21 =	vld [tilespmem:s31+$0x0];
	s11 =	sld [smem:$0x7F8];
	v7 =	vadd.f32 v40, v7;
	s2 =	smov.u32 @p0 s0  }
0x7a: {  	v9 =	vadd.f32 v25, v9;
	v8 =	vadd.f32 v22, v8;
	v57 =	vld [tilespmem:s1+$0x0];
	s0 =	sadd.s32 $0x120, s24;
	s1 =	sadd.s32 $0x160, s24;
	p0 =	seq.s32 s10, $0x1  }
0x7b: {  	v7 =	vadd.f32 v45, v7;
	v58 =	vld [tilespmem:s2+$0x0];
	s1 =	smov.u32 @p0 s0;
	s0 =	sadd.s32 $0x130, s24;
	s2 =	sadd.s32 $0x170, s24  }
0x7c: {  	s12 =	sld [smem:$0x7F9];
	v9 =	vadd.f32 v23, v9;
	v8 =	vadd.f32 v20, v8;
	s2 =	smov.u32 @p0 s0  }
0x7d: {  	v7 =	vadd.f32 v47, v7;
	v59 =	vld [tilespmem:s1+$0x0];
	s0 =	sadd.s32 $0x1A0, s24;
	s1 =	sadd.s32 $0x1E0, s24;
	p0 =	seq.s32 s11, $0x1  }
0x7e: {  	v9 =	vadd.f32 v21, v9;
	v8 =	vadd.f32 v18, v8;
	v18 =	vld [tilespmem:s2+$0x0];
	s1 =	smov.u32 @p0 s0;
	s0 =	sadd.s32 $0x1B0, s24;
	s2 =	sadd.s32 $0x1F0, s24  }
0x7f: {  	s13 =	sld [smem:$0x7FD];
	v7 =	vadd.f32 v49, v7;
	s2 =	smov.u32 @p0 s0  }
0x80: {  	v9 =	vadd.f32 v19, v9;
	v19 =	vld [tilespmem:s1+$0x0];
	s0 =	sadd.s32 $0x220, s24;
	s1 =	sadd.s32 $0x260, s24;
	p0 =	seq.s32 s12, $0x1  }
0x81: {  	v7 =	vadd.f32 v51, v7;
	v8 =	vadd.f32 v16, v8;
	v16 =	vld [tilespmem:s2+$0x0];
	s1 =	smov.u32 @p0 s0;
	s0 =	sadd.s32 $0x230, s24;
	s2 =	sadd.s32 $0x270, s24  }
0x82: {  	s14 =	sld [smem:$0x7FC];
	s2 =	smov.u32 @p0 s0  }
0x83: {  	v7 =	vadd.f32 v53, v7;
	v9 =	vadd.f32 v17, v9;
	v17 =	vld [tilespmem:s1+$0x0];
	s0 =	sadd.s32 $0x2A0, s24;
	s1 =	sadd.s32 $0x2E0, s24;
	p0 =	seq.s32 s13, $0x1  }
0x84: {  	v60 =	vld [tilespmem:s2+$0x0];
	s1 =	smov.u32 @p0 s0;
	s0 =	sadd.s32 $0x2B0, s24;
	s2 =	sadd.s32 $0x2F0, s24  }
0x85: {  	s16 =	rddreg [dreg:$0x2];
	v7 =	vadd.f32 v55, v7;
	s2 =	smov.u32 @p0 s0  }
0x86: {  	v8 =	vadd.f32 v14, v8;
	v9 =	vadd.f32 v15, v9;
	v15 =	vld [tilespmem:s1+$0x0];
	s0 =	sadd.s32 $0x320, s24;
	s1 =	sadd.s32 $0x360, s24;
	p0 =	seq.s32 s14, $0x1  }
0x87: {  	v7 =	vadd.f32 v57, v7;
	v61 =	vld [tilespmem:s2+$0x0];
	s1 =	smov.u32 @p0 s0;
	s0 =	sadd.s32 $0x330, s24;
	s2 =	sadd.s32 $0x370, s24  }
0x88: {  	s17 =	rddreg [dreg:$0x5];
	v8 =	vadd.f32 v12, v8;
	s2 =	smov.u32 @p0 s0  }
0x89: {  	v7 =	vadd.f32 v59, v7;
	v62 =	vld [tilespmem:s1+$0x0];
	s0 =	sadd.s32 $0x3A0, s24;
	s1 =	sadd.s32 $0x3E0, s24;
	p0 =	seq.s32 s15, $0x1  }
0x8a: {  	v9 =	vadd.f32 v13, v9;
	v8 =	vadd.f32 v10, v8;
	v10 =	vld [tilespmem:s2+$0x0];
	s1 =	smov.u32 @p0 s0;
	s0 =	sadd.s32 $0x3B0, s24;
	s2 =	sadd.s32 $0x3F0, s24  }
0x8b: {  	s18 =	rddreg [dreg:$0x5];
	s2 =	smov.u32 @p0 s0;
	s0 =	sand.u32 $0x80, s17  }
0x8c: {  	v7 =	vadd.f32 v19, v7;
	v9 =	vadd.f32 v11, v9;
	v11 =	vld [tilespmem:s1+$0x0];
	s1 =	sand.u32 $0x70, s18;
	s0 =	sadd.s32 s0, s16  }
0x8d: {  	s0 =	sadd.s32 s1, s0  }
0x8e: {  	v7 =	vadd.f32 v17, v7;
	v17 =	vld [tilespmem:s0+$0x0];
	_ =	sdelay $0x4  }
0x8f: {  	(v2sf) =	vpush v17, $0xF;
	_ =	sdelay $0x1  }
0x90: {  	(v2sf) =	vpush v17, $0xE  }
0x91: {  	v6 =	vadd.f32 v37, v6;
	_ =	sdelay $0x1  }
0x92: {  	v6 =	vadd.f32 v39, v6  }
0x93: {  	(v2sf) =	vpush v17, $0xD  }
0x94: {  	v6 =	vadd.f32 v44, v6;
	_ =	sdelay $0x1  }
0x95: {  	v6 =	vadd.f32 v46, v6;
	_ =	sdelay $0x1  }
0x96: {  	v6 =	vadd.f32 v48, v6  }
0x97: {  	s24 =	sadd.s32 $0x800, s24;
	(v2sf) =	vpush v17, $0xC  }
0x98: {  	v6 =	vadd.f32 v50, v6;
	s11 =	sadd.s32 $0x380, s24  }
0x99: {  	s13 =	sadd.s32 $0x3C0, s24;
	s19 =	sadd.s32 $0x300, s24;
	s9 =	sadd.s32 $0x390, s24  }
0x9a: {  	v6 =	vadd.f32 v52, v6;
	s23 =	sadd.s32 $0x3D0, s24;
	s4 =	sadd.s32 $0x340, s24;
	s31 =	spop (v2sf)  }
0x9b: {  	v4 =	vadd.f32 v4, v8;
	s20 =	sadd.s32 $0x310, s24;
	s10 =	sadd.s32 $0x350, s24;
	p0 =	seq.s32 s31, $0x0  }
0x9c: {  	v6 =	vadd.f32 v54, v6;
	v5 =	vadd.f32 v5, v9;
	s21 =	sadd.s32 $0x280, s24;
	s13 =	smov.u32 @p0 s11;
	s11 =	spop (v2sf)  }
0x9d: {  	v2 =	vadd.f32 v2, v4;
	[dreg:$0x12] =	wrdreg s19;
	p1 =	seq.s32 s11, $0x0;
	s11 =	simm.s32 @!p0 $0x0  }
0x9e: {  	v6 =	vadd.f32 v56, v6;
	v63 =	vld [tilespmem:s2+$0x0];
	[dreg:$0x10] =	wrdreg s20;
	s2 =	sadd.s32 $0x10, s24;
	v3 =	vadd.f32 v3, v5;
	s11 =	simm.s32 @p0 $0x1  }
0x9f: {  	s1 =	sadd.s32 $0x80, s24;
	v8 =	vadd.f32 v0, v2;
	s23 =	smov.u32 @p0 s9;
	v0 =	vld [tilespmem:s13+$0x0];
	[smem:$0x7FB] =	sst s11  }
0xa0: {  	v6 =	vadd.f32 v58, v6;
	v9 =	vadd.f32 v1, v3;
	v1 =	vld [tilespmem:s23+$0x0];
	s23 =	smov.u32 s2;
	s2 =	smov.u32 s1;
	s1 =	spop (v2sf)  }
0xa1: {  	s9 =	rddreg [dreg:$0x12];
	p0 =	seq.s32 s1, $0x0;
	s1 =	simm.s32 @!p1 $0x0  }
0xa2: {  	v6 =	vadd.f32 v18, v6;
	[dreg:$0xf] =	wrdreg s21;
	s4 =	smov.u32 @p1 s9;
	s1 =	simm.s32 @p1 $0x1  }
0xa3: {  	s25 =	sadd.s32 $0x2C0, s24;
	s22 =	sadd.s32 $0x290, s24;
	v2 =	vld [tilespmem:s4+$0x0];
	[smem:$0x7FC] =	sst s1  }
0xa4: {  	v6 =	vadd.f32 v16, v6;
	s26 =	sadd.s32 $0x200, s24;
	s3 =	sadd.s32 $0x240, s24;
	s1 =	rddreg [dreg:$0x10]  }
0xa5: {  	s17 =	sadd.s32 $0x180, s24;
	v7 =	vadd.f32 v15, v7;
	(v2sf) =	vpush v17, $0xB;
	s10 =	smov.u32 @p1 s1;
	s1 =	rddreg [dreg:$0xf]  }
0xa6: {  	v6 =	vadd.f32 v60, v6;
	s12 =	sadd.s32 $0x1C0, s24;
	s25 =	smov.u32 @p0 s1;
	s1 =	spop (v2sf)  }
0xa7: {  	[dreg:$0xc] =	wrdreg s22;
	v4 =	vadd.f32 v62, v7;
	p1 =	seq.s32 s1, $0x0;
	s1 =	simm.s32 @!p0 $0x0  }
0xa8: {  	s15 =	sadd.s32 $0x190, s24;
	[dreg:$0xb] =	wrdreg s26;
	v6 =	vadd.f32 v61, v6;
	v3 =	vld [tilespmem:s10+$0x0];
	s1 =	simm.s32 @p0 $0x1  }
0xa9: {  	s5 =	sadd.s32 $0x1D0, s24;
	s6 =	sadd.s32 $0x140, s24;
	v7 =	vadd.f32 v11, v4;
	v4 =	vld [tilespmem:s25+$0x0];
	[smem:$0x7FD] =	sst s1  }
0xaa: {  	s14 =	sadd.s32 $0x110, s24;
	s26 =	sadd.s32 $0x2D0, s24;
	v5 =	vadd.f32 v10, v6;
	s1 =	rddreg [dreg:$0xc]  }
0xab: {  	s28 =	sadd.s32 $0x40, s24;
	s18 =	sadd.s32 $0x90, s24;
	s26 =	smov.u32 @p0 s1  }
0xac: {  	s7 =	sadd.s32 $0xD0, s24;
	s29 =	sadd.s32 $0x50, s24;
	v6 =	vadd.f32 v63, v5;
	v5 =	vld [tilespmem:s26+$0x0];
	s26 =	sld [smem:$0x7FA]  }
0xad: {  	s8 =	sadd.s32 $0xFFFFFF80, s24;
	s30 =	sadd.s32 $0xFFFFFFC0, s24;
	s22 =	sadd.s32 $0x210, s24  }
0xae: {  	s21 =	sadd.s32 $0x250, s24;
	s16 =	sadd.s32 $0x100, s24;
	s19 =	sadd.s32 $0x150, s24;
	(v2sf) =	vpush v17, $0xA  }
0xaf: {  	s20 =	sadd.s32 $0xFFFFFF90, s24;
	s0 =	sadd.s32 $0xC0, s24;
	(v2sf) =	vpush v17, $0x9;
	p0 =	seq.s32 s26, $0x1  }
.Ltmp0:
0xb0: {  	(v2sf) =	vpush v17, $0x8;
	s31 =	sadd.s32 $0xFFFFFFD0, s24;
	s13 =	sadd.s32 $0xFFFFFF00, s24;
	(pc) =	sbr.rel @p0 .LBB2_3-.Ltmp0, $4  }
0xb1: {  	(v2sf) =	vpush v17, $0x7;
	s9 =	sadd.s32 $0xFFFFFF10, s24;
	s11 =	sadd.s32 $0xFFFFFF40, s24;
	s4 =	rddreg [dreg:$0x5]  }
0xb2: {  	(v2sf) =	vpush v17, $0x6;
	s4 =	sadd.s32 $0x10, s4;
	s10 =	sadd.s32 $0xFFFFFF50, s24;
	s25 =	smov.u32 s20  }
0xb3: {  	(v2sf) =	vpush v17, $0x5;
	s20 =	smov.u32 s8;
	s8 =	smov.u32 s14;
	s1 =	rddreg [dreg:$0xb]  }
0xb4: {  	(v2sf) =	vpush v17, $0x4;
	s14 =	smov.u32 s9;
	s3 =	smov.u32 @p1 s1;
	s1 =	spop (v2sf)  }
0xb5: {  	_ =	sdelay $0x4  }
0xb6: {  	p0 =	seq.s32 s1, $0x0  }
0xb7: {  	s21 =	smov.u32 @p1 s22;
	s4 =	sadd.s32 $0xFFFFFE90, s24;
	s1 =	simm.s32 @!p0 $0x0  }
0xb8: {  	s12 =	smov.u32 @p0 s17;
	s5 =	smov.u32 @p0 s15;
	s1 =	simm.s32 @p0 $0x1  }
0xb9: {  	s15 =	sadd.s32 $0xFFFFFDD0, s24;
	[smem:$0x7F0] =	sst s1;
	s9 =	spop (v2sf)  }
0xba: {  	s1 =	sadd.s32 $0xFFFFFE80, s24;
	v10 =	vld [tilespmem:s3+$0x0];
	s3 =	sadd.s32 $0xFFFFFEC0, s24;
	p2 =	seq.s32 s9, $0x0  }
0xbb: {  	v12 =	vld [tilespmem:s12+$0x0];
	s12 =	sadd.s32 $0xFFFFFDC0, s24;
	s17 =	spop (v2sf);
	s9 =	simm.s32 @!p2 $0x0  }
0xbc: {  	s6 =	smov.u32 @p2 s16;
	p0 =	seq.s32 s17, $0x0;
	s19 =	smov.u32 @p2 s8  }
0xbd: {  	v11 =	vld [tilespmem:s21+$0x0];
	s21 =	spop (v2sf);
	s16 =	rddreg [dreg:$0x1d];
	s9 =	simm.s32 @p2 $0x1  }
0xbe: {  	s8 =	sadd.s32 $0xFFFFFD90, s24;
	s0 =	smov.u32 @p0 s2;
	[smem:$0x7EF] =	sst s9  }
0xbf: {  	(v2sf) =	vpush v17, $0x3;
	s7 =	smov.u32 @p0 s18;
	s22 =	spop (v2sf);
	v14 =	vld [tilespmem:s6+$0x0];
	s6 =	simm.s32 @!p0 $0x0  }
0xc0: {  	s6 =	simm.s32 @p0 $0x1;
	p0 =	seq.s32 s21, $0x0;
	s21 =	sld [smem:$0x7F0]  }
0xc1: {  	(v2sf) =	vpush v17, $0x2;
	s9 =	sadd.s32 $0xFFFFFED0, s24;
	v13 =	vld [tilespmem:s5+$0x0];
	s5 =	sadd.s32 $0xFFFFFE00, s24;
	[smem:$0x7EE] =	sst s6  }
0xc2: {  	(v2sf) =	vpush v17, $0x1;
	s6 =	sadd.s32 $0xFFFFFE40, s24;
	s28 =	smov.u32 @p0 s24;
	s29 =	smov.u32 @p0 s23;
	v15 =	vld [tilespmem:s19+$0x0]  }
0xc3: {  	s23 =	spop (v2sf);
	v16 =	vld [tilespmem:s0+$0x0];
	s0 =	simm.s32 @!p0 $0x0;
	s19 =	sld [smem:$0x7EE]  }
0xc4: {  	(v2sf) =	vpush v17, $0x0;
	p5 =	seq.s32 s23, $0x0;
	s26 =	spop (v2sf);
	s23 =	sld [smem:$0x7FD]  }
0xc5: {  	s0 =	simm.s32 @p0 $0x1;
	p0 =	seq.s32 s22, $0x0;
	s11 =	smov.u32 @p5 s13  }
0xc6: {  	v26 =	vld [tilespmem:s16+$0x80C0];
	s10 =	smov.u32 @p5 s14;
	[smem:$0x7ED] =	sst s0;
	s2 =	simm.s32 @!p0 $0x0  }
0xc7: {  	p6 =	seq.s32 s26, $0x0;
	s26 =	sld [smem:$0x7FB];
	v17 =	vld [tilespmem:s7+$0x0];
	s2 =	simm.s32 @p0 $0x1  }
0xc8: {  	s0 =	sadd.s32 $0xFFFFFE10, s24;
	s30 =	smov.u32 @p0 s20;
	v18 =	vld [tilespmem:s28+$0x0];
	[smem:$0x7EC] =	sst s2  }
0xc9: {  	s31 =	smov.u32 @p0 s25;
	s3 =	smov.u32 @p6 s1;
	s20 =	sld [smem:$0x7EF];
	v19 =	vld [tilespmem:s29+$0x0]  }
0xca: {  	s9 =	smov.u32 @p6 s4;
	s1 =	sadd.s32 $0xFFFFFD10, s24;
	s25 =	sld [smem:$0x7FC];
	v21 =	vld [tilespmem:s31+$0x0]  }
0xcb: {  	s4 =	sadd.s32 $0xFFFFFD50, s24;
	s7 =	sadd.s32 $0xFFFFFE50, s24;
	s18 =	sld [smem:$0x7ED];
	v23 =	vld [tilespmem:s11+$0x0]  }
0xcc: {  	s2 =	sadd.s32 $0xFFFFFD80, s24;
	s11 =	sadd.s32 $0xFFFFFD00, s24;
	v22 =	vld [tilespmem:s10+$0x0];
	s31 =	spop (v2sf)  }
0xcd: {  	s10 =	sadd.s32 $0xFFFFFD40, s24;
	v24 =	vld [tilespmem:s3+$0x0];
	s3 =	sadd.s32 $0xFFFFFCC0, s24;
	p4 =	seq.s32 s31, $0x0  }
0xce: {  	v25 =	vld [tilespmem:s9+$0x0];
	s17 =	sld [smem:$0x7EC];
	s9 =	spop (v2sf);
	s6 =	smov.u32 @p4 s5  }
0xcf: {  	v20 =	vld [tilespmem:s30+$0x0];
	s7 =	smov.u32 @p4 s0;
	p3 =	seq.s32 s9, $0x0;
	s0 =	sadd.s32 $0xFFFFFC80, s24  }
0xd0: {  	s13 =	spop (v2sf);
	v27 =	vld [tilespmem:s6+$0x0];
	s12 =	smov.u32 @p3 s2;
	s15 =	smov.u32 @p3 s8  }
0xd1: {  	v28 =	vld [tilespmem:s7+$0x0];
	p2 =	seq.s32 s13, $0x0;
	s2 =	sadd.s32 $0xFFFFFC90, s24;
	s14 =	spop (v2sf)  }
0xd2: {  	s6 =	sadd.s32 $0xFFFFFCD0, s24;
	v29 =	vld [tilespmem:s12+$0x0];
	s4 =	smov.u32 @p2 s1;
	s1 =	simm.s32 @!p1 $0x0  }
0xd3: {  	s10 =	smov.u32 @p2 s11;
	v30 =	vld [tilespmem:s15+$0x0];
	s15 =	spop (v2sf);
	s1 =	simm.s32 @p1 $0x1  }
0xd4: {  	v31 =	vld [tilespmem:s10+$0x0];
	p1 =	seq.s32 s14, $0x0;
	p0 =	seq.s32 s15, $0x0;
	[smem:$0x7F9] =	sst s1  }
0xd5: {  	s1 =	sadd.s32 $0xFFFFFC00, s24;
	s3 =	smov.u32 @p1 s0;
	s6 =	smov.u32 @p1 s2  }
0xd6: {  	s0 =	sadd.s32 $0xFFFFFC10, s24;
	s2 =	sadd.s32 $0xFFFFFC60, s24;
	v32 =	vld [tilespmem:s4+$0x0];
	s4 =	sadd.s32 $0xFFFFFC40, s24  }
0xd7: {  	v33 =	vld [tilespmem:s3+$0x0];
	s3 =	sadd.s32 $0xFFFFFF20, s24;
	s4 =	smov.u32 @p0 s1;
	s1 =	sadd.s32 $0xFFFFFC50, s24  }
0xd8: {  	(v2sf) =	vpush v26, $0x0;
	s22 =	sld [smem:$0x7F9];
	v35 =	vld [tilespmem:s4+$0x0];
	s1 =	smov.u32 @p0 s0;
	s0 =	sadd.s32 $0xFFFFFC20, s24  }
0xd9: {  	s4 =	sadd.s32 $0xFFFFFF60, s24;
	v36 =	vld [tilespmem:s1+$0x0];
	s2 =	smov.u32 @p0 s0;
	s0 =	sadd.s32 $0xFFFFFC30, s24  }
0xda: {  	s1 =	sadd.s32 $0xFFFFFC70, s24;
	s4 =	smov.u32 @p5 s3;
	s3 =	sadd.s32 $0xFFFFFFE0, s24;
	v37 =	vld [tilespmem:s2+$0x0]  }
0xdb: {  	s1 =	smov.u32 @p0 s0;
	s0 =	sadd.s32 $0xFFFFFCA0, s24;
	s2 =	sadd.s32 $0xFFFFFCE0, s24;
	v49 =	vld [tilespmem:s4+$0x0]  }
0xdc: {  	v38 =	vld [tilespmem:s1+$0x0];
	s2 =	smov.u32 @p1 s0;
	s0 =	sadd.s32 $0xFFFFFCB0, s24;
	s1 =	sadd.s32 $0xFFFFFCF0, s24  }
0xdd: {  	s1 =	smov.u32 @p1 s0;
	v39 =	vld [tilespmem:s2+$0x0];
	s0 =	sadd.s32 $0xFFFFFD20, s24;
	s2 =	sadd.s32 $0xFFFFFD60, s24  }
0xde: {  	v40 =	vld [tilespmem:s1+$0x0];
	s2 =	smov.u32 @p2 s0;
	s0 =	sadd.s32 $0xFFFFFD30, s24;
	s1 =	sadd.s32 $0xFFFFFD70, s24  }
0xdf: {  	s1 =	smov.u32 @p2 s0;
	v41 =	vld [tilespmem:s2+$0x0];
	s0 =	sadd.s32 $0xFFFFFDA0, s24;
	s2 =	sadd.s32 $0xFFFFFDE0, s24  }
0xe0: {  	v42 =	vld [tilespmem:s1+$0x0];
	s2 =	smov.u32 @p3 s0;
	s0 =	sadd.s32 $0xFFFFFDB0, s24;
	s1 =	sadd.s32 $0xFFFFFDF0, s24  }
0xe1: {  	s1 =	smov.u32 @p3 s0;
	v43 =	vld [tilespmem:s2+$0x0];
	s0 =	sadd.s32 $0xFFFFFE20, s24;
	s2 =	sadd.s32 $0xFFFFFE60, s24  }
0xe2: {  	v44 =	vld [tilespmem:s1+$0x0];
	s2 =	smov.u32 @p4 s0;
	s0 =	sadd.s32 $0xFFFFFE30, s24;
	s1 =	sadd.s32 $0xFFFFFE70, s24  }
0xe3: {  	s1 =	smov.u32 @p4 s0;
	v45 =	vld [tilespmem:s2+$0x0];
	s0 =	sadd.s32 $0xFFFFFEA0, s24;
	s2 =	sadd.s32 $0xFFFFFEE0, s24  }
0xe4: {  	v46 =	vld [tilespmem:s1+$0x0];
	s2 =	smov.u32 @p6 s0;
	s0 =	sadd.s32 $0xFFFFFEB0, s24;
	s1 =	sadd.s32 $0xFFFFFEF0, s24  }
0xe5: {  	p0 =	seq.s32 s17, $0x1;
	s4 =	sadd.s32 $0x60, s24;
	s1 =	smov.u32 @p6 s0;
	v47 =	vld [tilespmem:s2+$0x0]  }
0xe6: {  	s0 =	sadd.s32 $0xFFFFFF30, s24;
	s2 =	sadd.s32 $0xFFFFFFA0, s24;
	v48 =	vld [tilespmem:s1+$0x0];
	s1 =	sadd.s32 $0xFFFFFF70, s24  }
0xe7: {  	v34 =	vld [tilespmem:s6+$0x0];
	s31 =	spop (v2sf);
	s3 =	smov.u32 @p0 s2;
	s1 =	smov.u32 @p5 s0  }
0xe8: {  	s2 =	sadd.s32 $0x20, s24;
	s0 =	sadd.s32 $0xFFFFFFB0, s24;
	v50 =	vld [tilespmem:s1+$0x0];
	s1 =	sadd.s32 $0xFFFFFFF0, s24  }
0xe9: {  	v51 =	vld [tilespmem:s3+$0x0];
	s3 =	sadd.s32 $0xE0, s24;
	s1 =	smov.u32 @p0 s0;
	p0 =	seq.s32 s18, $0x1  }
0xea: {  	s0 =	sadd.s32 $0x30, s24;
	s4 =	smov.u32 @p0 s2;
	v52 =	vld [tilespmem:s1+$0x0];
	s1 =	sadd.s32 $0x70, s24  }
0xeb: {  	v8 =	vadd.f32 v35, v8;
	s2 =	sadd.s32 $0xA0, s24;
	s1 =	smov.u32 @p0 s0;
	v35 =	vld [tilespmem:s4+$0x0];
	p0 =	seq.s32 s19, $0x1  }
0xec: {  	v9 =	vadd.f32 v36, v9;
	s0 =	sadd.s32 $0xB0, s24;
	s4 =	sadd.s32 $0x160, s24;
	v36 =	vld [tilespmem:s1+$0x0];
	s1 =	sadd.s32 $0xF0, s24  }
0xed: {  	(v2sf) =	vpush v26, $0x1;
	s3 =	smov.u32 @p0 s2;
	s2 =	sadd.s32 $0x120, s24;
	s1 =	smov.u32 @p0 s0  }
0xee: {  	(v2sf) =	vpush v26, $0x2;
	v58 =	vld [tilespmem:s3+$0x0];
	p0 =	seq.s32 s20, $0x1;
	s0 =	sadd.s32 $0x130, s24;
	s3 =	sadd.s32 $0x1E0, s24  }
0xef: {  	(v2sf) =	vpush v26, $0x3;
	s4 =	smov.u32 @p0 s2;
	v59 =	vld [tilespmem:s1+$0x0];
	s1 =	sadd.s32 $0x170, s24;
	s2 =	sadd.s32 $0x1A0, s24  }
0xf0: {  	v7 =	vadd.f32 v37, v7;
	v6 =	vadd.f32 v38, v6;
	s1 =	smov.u32 @p0 s0;
	v60 =	vld [tilespmem:s4+$0x0];
	p0 =	seq.s32 s21, $0x1;
	s0 =	sadd.s32 $0x1B0, s24  }
0xf1: {  	v8 =	vadd.f32 v33, v8;
	v9 =	vadd.f32 v34, v9;
	s4 =	sadd.s32 $0x260, s24;
	s3 =	smov.u32 @p0 s2;
	v61 =	vld [tilespmem:s1+$0x0];
	s1 =	sadd.s32 $0x1F0, s24  }
0xf2: {  	v7 =	vadd.f32 v39, v7;
	v6 =	vadd.f32 v40, v6;
	s2 =	sadd.s32 $0x220, s24;
	s1 =	smov.u32 @p0 s0;
	v62 =	vld [tilespmem:s3+$0x0];
	p0 =	seq.s32 s22, $0x1  }
0xf3: {  	v8 =	vadd.f32 v31, v8;
	v9 =	vadd.f32 v32, v9;
	s0 =	sadd.s32 $0x230, s24;
	s3 =	sadd.s32 $0x2E0, s24;
	v63 =	vld [tilespmem:s1+$0x0];
	s1 =	sadd.s32 $0x270, s24  }
0xf4: {  	v7 =	vadd.f32 v41, v7;
	v6 =	vadd.f32 v42, v6;
	s4 =	smov.u32 @p0 s2;
	s2 =	sadd.s32 $0x2A0, s24;
	s1 =	smov.u32 @p0 s0  }
0xf5: {  	v8 =	vadd.f32 v29, v8;
	v9 =	vadd.f32 v30, v9;
	v42 =	vld [tilespmem:s4+$0x0];
	p0 =	seq.s32 s23, $0x1;
	s0 =	sadd.s32 $0x2B0, s24;
	s4 =	sadd.s32 $0x360, s24  }
0xf6: {  	v7 =	vadd.f32 v43, v7;
	v6 =	vadd.f32 v44, v6;
	s3 =	smov.u32 @p0 s2;
	v43 =	vld [tilespmem:s1+$0x0];
	s1 =	sadd.s32 $0x2F0, s24;
	s2 =	sadd.s32 $0x320, s24  }
0xf7: {  	v8 =	vadd.f32 v27, v8;
	v9 =	vadd.f32 v28, v9;
	v44 =	vld [tilespmem:s3+$0x0];
	s1 =	smov.u32 @p0 s0;
	p0 =	seq.s32 s25, $0x1;
	s0 =	sadd.s32 $0x330, s24  }
0xf8: {  	v7 =	vadd.f32 v45, v7;
	v6 =	vadd.f32 v46, v6;
	s3 =	sadd.s32 $0x3E0, s24;
	s4 =	smov.u32 @p0 s2;
	v45 =	vld [tilespmem:s1+$0x0];
	s1 =	sadd.s32 $0x370, s24  }
0xf9: {  	v8 =	vadd.f32 v24, v8;
	v9 =	vadd.f32 v25, v9;
	s2 =	sadd.s32 $0x3A0, s24;
	v46 =	vld [tilespmem:s4+$0x0];
	s1 =	smov.u32 @p0 s0;
	p0 =	seq.s32 s26, $0x1  }
0xfa: {  	v7 =	vadd.f32 v47, v7;
	v6 =	vadd.f32 v48, v6;
	s0 =	sadd.s32 $0x3B0, s24;
	s3 =	smov.u32 @p0 s2;
	v48 =	vld [tilespmem:s1+$0x0];
	s1 =	sadd.s32 $0x3F0, s24  }
0xfb: {  	(v2sf) =	vpush v26, $0x4;
	v8 =	vadd.f32 v23, v8;
	v53 =	vld [tilespmem:s3+$0x0];
	s1 =	smov.u32 @p0 s0;
	p0 =	seq.s32 s31, $0x0;
	s0 =	simm.s32 $0x16000  }
0xfc: {  	v9 =	vadd.f32 v22, v9;
	v7 =	vadd.f32 v49, v7;
	v54 =	vld [tilespmem:s1+$0x0];
	s0 =	simm.s32 @!p0 $0x16040;
	s1 =	simm.s32 $0x16010  }
0xfd: {  	v8 =	vadd.f32 v20, v8;
	v6 =	vadd.f32 v50, v6;
	v55 =	vld [tilespmem:s0+$0x0];
	s1 =	simm.s32 @!p0 $0x16050;
	s0 =	simm.s32 $0x16020  }
0xfe: {  	v9 =	vadd.f32 v21, v9;
	v7 =	vadd.f32 v51, v7;
	s4 =	spop (v2sf);
	v56 =	vld [tilespmem:s1+$0x0];
	s0 =	simm.s32 @!p0 $0x16060;
	s1 =	simm.s32 $0x16030  }
0xff: {  	v8 =	vadd.f32 v18, v8;
	(v2sf) =	vpush v26, $0x5;
	v57 =	vld [tilespmem:s0+$0x0];
	s1 =	simm.s32 @!p0 $0x16070;
	p0 =	seq.s32 s4, $0x0;
	s0 =	simm.s32 $0x16080  }
0x100: {  	v6 =	vadd.f32 v52, v6;
	v9 =	vadd.f32 v19, v9;
	v18 =	vld [tilespmem:s1+$0x0];
	s0 =	simm.s32 @!p0 $0x160C0;
	s1 =	simm.s32 $0x16090  }
0x101: {  	v7 =	vadd.f32 v35, v7;
	v8 =	vadd.f32 v16, v8;
	v19 =	vld [tilespmem:s0+$0x0];
	s1 =	simm.s32 @!p0 $0x160D0;
	s0 =	simm.s32 $0x160A0  }
0x102: {  	v6 =	vadd.f32 v36, v6;
	v9 =	vadd.f32 v17, v9;
	s5 =	spop (v2sf);
	v16 =	vld [tilespmem:s1+$0x0];
	s0 =	simm.s32 @!p0 $0x160E0;
	s1 =	simm.s32 $0x160B0  }
0x103: {  	v7 =	vadd.f32 v58, v7;
	(v2sf) =	vpush v26, $0x6;
	v17 =	vld [tilespmem:s0+$0x0];
	s1 =	simm.s32 @!p0 $0x160F0;
	p0 =	seq.s32 s5, $0x0;
	s0 =	simm.s32 $0x16100  }
0x104: {  	v8 =	vadd.f32 v14, v8;
	v6 =	vadd.f32 v59, v6;
	v58 =	vld [tilespmem:s1+$0x0];
	s0 =	simm.s32 @!p0 $0x16140;
	s1 =	simm.s32 $0x16110  }
0x105: {  	v9 =	vadd.f32 v15, v9;
	v7 =	vadd.f32 v60, v7;
	v15 =	vld [tilespmem:s0+$0x0];
	s1 =	simm.s32 @!p0 $0x16150;
	s0 =	simm.s32 $0x16120  }
0x106: {  	v8 =	vadd.f32 v12, v8;
	v6 =	vadd.f32 v61, v6;
	s6 =	spop (v2sf);
	v59 =	vld [tilespmem:s1+$0x0];
	s0 =	simm.s32 @!p0 $0x16160;
	s1 =	simm.s32 $0x16130  }
0x107: {  	v9 =	vadd.f32 v13, v9;
	(v2sf) =	vpush v26, $0x7;
	v60 =	vld [tilespmem:s0+$0x0];
	s1 =	simm.s32 @!p0 $0x16170;
	p0 =	seq.s32 s6, $0x0;
	s0 =	simm.s32 $0x16180  }
0x108: {  	v7 =	vadd.f32 v62, v7;
	v8 =	vadd.f32 v10, v8;
	v10 =	vld [tilespmem:s1+$0x0];
	s0 =	simm.s32 @!p0 $0x161C0;
	s1 =	simm.s32 $0x16190  }
0x109: {  	v6 =	vadd.f32 v63, v6;
	v9 =	vadd.f32 v11, v9;
	v11 =	vld [tilespmem:s0+$0x0];
	s1 =	simm.s32 @!p0 $0x161D0;
	s0 =	simm.s32 $0x161A0  }
0x10a: {  	v7 =	vadd.f32 v42, v7;
	v4 =	vadd.f32 v4, v8;
	s7 =	spop (v2sf);
	v8 =	vld [tilespmem:s1+$0x0];
	s0 =	simm.s32 @!p0 $0x161E0;
	s1 =	simm.s32 $0x161B0  }
0x10b: {  	v6 =	vadd.f32 v43, v6;
	v5 =	vadd.f32 v5, v9;
	v9 =	vld [tilespmem:s0+$0x0];
	s1 =	simm.s32 @!p0 $0x161F0;
	p0 =	seq.s32 s7, $0x0;
	s0 =	simm.s32 $0x16200  }
0x10c: {  	v7 =	vadd.f32 v44, v7;
	v2 =	vadd.f32 v2, v4;
	v4 =	vld [tilespmem:s1+$0x0];
	s0 =	simm.s32 @!p0 $0x16240;
	s1 =	simm.s32 $0x16210  }
0x10d: {  	v6 =	vadd.f32 v45, v6;
	v3 =	vadd.f32 v3, v5;
	v5 =	vld [tilespmem:s0+$0x0];
	s1 =	simm.s32 @!p0 $0x16250;
	s0 =	simm.s32 $0x16220  }
0x10e: {  	v7 =	vadd.f32 v46, v7;
	v0 =	vadd.f32 v0, v2;
	s8 =	spop (v2sf);
	v2 =	vld [tilespmem:s1+$0x0];
	s0 =	simm.s32 @!p0 $0x16260;
	s1 =	simm.s32 $0x16230  }
0x10f: {  	v6 =	vadd.f32 v48, v6;
	v1 =	vadd.f32 v1, v3;
	v3 =	vld [tilespmem:s0+$0x0];
	s1 =	simm.s32 @!p0 $0x16270;
	p0 =	seq.s32 s8, $0x0;
	s0 =	simm.s32 $0x16280  }
0x110: {  	v7 =	vadd.f32 v53, v7;
	v0 =	vadd.f32 v55, v0;
	v61 =	vld [tilespmem:s1+$0x0];
	s0 =	simm.s32 @!p0 $0x162C0;
	s1 =	simm.s32 $0x16290  }
0x111: {  	v6 =	vadd.f32 v54, v6;
	v1 =	vadd.f32 v56, v1;
	v62 =	vld [tilespmem:s0+$0x0];
	s1 =	simm.s32 @!p0 $0x162D0;
	s0 =	simm.s32 $0x162A0  }
0x112: {  	v7 =	vadd.f32 v57, v7;
	v0 =	vadd.f32 v19, v0;
	s9 =	spop (v2sf);
	v19 =	vld [tilespmem:s1+$0x0];
	s0 =	simm.s32 @!p0 $0x162E0;
	s1 =	simm.s32 $0x162B0  }
0x113: {  	v6 =	vadd.f32 v18, v6;
	v1 =	vadd.f32 v16, v1;
	v16 =	vld [tilespmem:s0+$0x0];
	s1 =	simm.s32 @!p0 $0x162F0;
	p0 =	seq.s32 s9, $0x0;
	s0 =	simm.s32 $0x16300  }
0x114: {  	v7 =	vadd.f32 v17, v7;
	v0 =	vadd.f32 v15, v0;
	v15 =	vld [tilespmem:s1+$0x0];
	s0 =	simm.s32 @!p0 $0x16340;
	s1 =	simm.s32 $0x16310  }
0x115: {  	v6 =	vadd.f32 v58, v6;
	v1 =	vadd.f32 v59, v1;
	v63 =	vld [tilespmem:s0+$0x0];
	s1 =	simm.s32 @!p0 $0x16350;
	s0 =	simm.s32 $0x16320  }
0x116: {  	s10 =	spop (v2sf);
	v7 =	vadd.f32 v60, v7;
	v0 =	vadd.f32 v11, v0;
	v11 =	vld [tilespmem:s1+$0x0];
	s0 =	simm.s32 @!p0 $0x16360;
	s1 =	simm.s32 $0x16330  }
0x117: {  	v6 =	vadd.f32 v10, v6;
	v1 =	vadd.f32 v8, v1;
	v8 =	vld [tilespmem:s0+$0x0];
	s1 =	simm.s32 @!p0 $0x16370;
	p0 =	seq.s32 s10, $0x0;
	s0 =	simm.s32 $0x16380  }
0x118: {  	v7 =	vadd.f32 v9, v7;
	v0 =	vadd.f32 v5, v0;
	v5 =	vld [tilespmem:s1+$0x0];
	s0 =	simm.s32 @!p0 $0x163C0;
	s1 =	simm.s32 $0x16390  }
0x119: {  	v4 =	vadd.f32 v4, v6;
	v1 =	vadd.f32 v2, v1;
	v2 =	vld [tilespmem:s0+$0x0];
	s1 =	simm.s32 @!p0 $0x163D0;
	s0 =	simm.s32 $0x163A0  }
0x11a: {  	v3 =	vadd.f32 v3, v7;
	v0 =	vadd.f32 v62, v0;
	v6 =	vld [tilespmem:s1+$0x0];
	s0 =	simm.s32 @!p0 $0x163E0;
	s1 =	simm.s32 $0x163B0  }
0x11b: {  	v4 =	vadd.f32 v61, v4;
	v1 =	vadd.f32 v19, v1;
	v7 =	vld [tilespmem:s0+$0x0];
	s1 =	simm.s32 @!p0 $0x163F0  }
0x11c: {  	v3 =	vadd.f32 v16, v3;
	v0 =	vadd.f32 v63, v0;
	v9 =	vld [tilespmem:s1+$0x0]  }
0x11d: {  	v4 =	vadd.f32 v15, v4;
	v1 =	vadd.f32 v11, v1  }
0x11e: {  	v3 =	vadd.f32 v8, v3;
	v0 =	vadd.f32 v2, v0  }
0x11f: {  	v2 =	vadd.f32 v5, v4;
	v1 =	vadd.f32 v6, v1  }
0x120: {  	s4 =	rddreg [dreg:$0x1c];
	v3 =	vadd.f32 v7, v3;
	v0 =	vmul.f32 $4.999999890e-03, v0  }
0x121: {  	s11 =	sshrl.u32 s4, $0x2;
	v2 =	vadd.f32 v9, v2;
	v1 =	vmul.f32 $4.999999890e-03, v1  }
0x122: {  	[tilespmem:s11+$0x1C800] =	vst v0;
	v0 =	vmul.f32 $4.999999890e-03, v3  }
0x123: {  	s12 =	rddreg [dreg:$0x19];
	[tilespmem:s11+$0x1C810] =	vst v1;
	v1 =	vmul.f32 $4.999999890e-03, v2  }
0x124: {  	s13 =	simm.s32 $0x2;
	s3 =	rddreg [dreg:$0x13];
	p0 =	seq.s32 s12, $0x3F;
	[tilespmem:s11+$0x1C820] =	vst v0  }
0x125: {  	s0 =	sadd.s32 @!p0 $0x200, s4;
	s1 =	simm.s32 @!p0 $0x80;
	s2 =	simm.s32 @!p0 $0x10000;
	[tilespmem:s11+$0x1C830] =	vst v1  }
0x126: {  	[tilespmem:s2], [sflag:$0x1] =	stream.indirect.gather @!p0 [hbm4b:s3+s1], $0x80, s0, s1, $0xb8;
	[tilespmem:$0x1E800] =	vst v63  }
0x127: {  	s0 =	sadd.s32 @!p0 $0x280, s4;
	s1 =	simm.s32 @!p0 $0x48;
	s2 =	simm.s32 @!p0 $0x14000  }
0x128: {  	[tilespmem:s2], [sflag:$0x1] =	stream.indirect.gather @!p0 [hbm4b:s3+s1], $0x80, s0, s1, $0xb8;
	[tilespmem:$0x1E800] =	vst v63  }
0x129: {  	_ =	swait.ge [sflag:s13], $0x4000  }
0x12a: {  	[sflag:s13] =	ssyncset.done $0x0  }
0x12b: {  	[sflag:s13] =	ssyncadd.s32 $0xFFFFC000  }
0x12c: {  	_ =	swait.ge [sflag:s13], $0x2400  }
0x12d: {  	s14 =	rddreg [dreg:$0x1b]  }
0x12e: {  	s0 =	sadd.s32 $0x8000, s14  }
0x12f: {  	s18 =	simm.s32 $0x0;
	[dreg:$0x3] =	wrdreg s0  }
0x130: {  	s15 =	sand.u32 $0x80, s18;
	s0 =	rddreg [dreg:$0x3]  }
0x131: {  	s16 =	sand.u32 $0x70, s18;
	[sflag:s13] =	ssyncset.done $0x0;
	s0 =	sadd.s32 s15, s0  }
0x132: {  	[sflag:s13] =	ssyncadd.s32 $0xFFFFDC00;
	s0 =	sadd.s32 s16, s0  }
0x133: {  	v17 =	vld [tilespmem:s0+$0x0];
	_ =	sdelay $0x4  }
0x134: {  	(v2sf) =	vpush v17, $0xF  }
0x135: {  	(v2sf) =	vpush v17, $0xE;
	_ =	sdelay $0x1  }
0x136: {  	(v2sf) =	vpush v17, $0xD;
	_ =	sdelay $0x2  }
0x137: {  	s28 =	simm.s32 $0x16850;
	s29 =	simm.s32 $0x16950;
	(v2sf) =	vpush v17, $0xC  }
0x138: {  	s30 =	simm.s32 $0x167C0;
	s17 =	simm.s32 $0x16900;
	s19 =	simm.s32 $0x16AC0  }
0x139: {  	s20 =	simm.s32 $0x16A90;
	s21 =	simm.s32 $0x16A50;
	s22 =	simm.s32 $0x16A10  }
0x13a: {  	s23 =	simm.s32 $0x0;
	s25 =	simm.s32 $0x16980;
	s24 =	simm.s32 $0x16AD0  }
0x13b: {  	s31 =	simm.s32 $0x16A00;
	s6 =	simm.s32 $0x16B90;
	s7 =	simm.s32 $0x16910  }
0x13c: {  	s8 =	simm.s32 $0x169C0;
	s9 =	simm.s32 $0x16B00;
	s10 =	simm.s32 $0x16B40  }
0x13d: {  	s12 =	simm.s32 $0x16BD0;
	s4 =	simm.s32 $0x16940;
	s1 =	simm.s32 $0x16BC0  }
0x13e: {  	s2 =	simm.s32 $0x16B50;
	s3 =	simm.s32 $0x16A40;
	[dreg:$0x9] =	wrdreg s17;
	(v2sf) =	vpush v17, $0xB  }
0x13f: {  	s17 =	simm.s32 $0x16990;
	s13 =	simm.s32 $0x16A80;
	s14 =	simm.s32 $0x169D0  }
0x140: {  	s15 =	simm.s32 $0x16B10;
	s0 =	simm.s32 $0x16B80;
	s26 =	spop (v2sf)  }
0x141: {  	p0 =	seq.s32 s26, $0x0;
	s5 =	spop (v2sf);
	s26 =	simm.s32 $0x16840  }
0x142: {  	s1 =	smov.u32 @p0 s0;
	p1 =	seq.s32 s5, $0x0;
	s0 =	simm.s32 @!p0 $0x0  }
0x143: {  	s12 =	smov.u32 @p0 s6;
	s6 =	simm.s32 $0x16880;
	s11 =	spop (v2sf)  }
0x144: {  	s0 =	simm.s32 @p0 $0x1;
	[dreg:$0x8] =	wrdreg s6;
	s10 =	smov.u32 @p1 s9  }
0x145: {  	p0 =	seq.s32 s11, $0x0;
	s11 =	simm.s32 $0x16890;
	s5 =	simm.s32 @!p1 $0x0  }
0x146: {  	s2 =	smov.u32 @p1 s15;
	s9 =	simm.s32 $0x16800;
	s16 =	spop (v2sf)  }
0x147: {  	s6 =	simm.s32 $0x16810;
	[smem:$0x7F1] =	sst s0;
	s5 =	simm.s32 @p1 $0x1  }
0x148: {  	(v2sf) =	vpush v17, $0xA;
	s15 =	simm.s32 $0x16700;
	s0 =	simm.s32 $0x168C0;
	[smem:$0x7F2] =	sst s5  }
0x149: {  	(v2sf) =	vpush v17, $0x9;
	s24 =	smov.u32 @p0 s20;
	s20 =	simm.s32 $0x16780;
	v0 =	vld [tilespmem:s1+$0x0];
	s1 =	simm.s32 @!p0 $0x0  }
0x14a: {  	s19 =	smov.u32 @p0 s13;
	(v2sf) =	vpush v17, $0x8;
	[dreg:$0x7] =	wrdreg s20;
	v1 =	vld [tilespmem:s12+$0x0];
	s1 =	simm.s32 @p0 $0x1  }
0x14b: {  	s13 =	simm.s32 $0x168D0;
	p1 =	seq.s32 s16, $0x0;
	(v2sf) =	vpush v17, $0x7;
	v2 =	vld [tilespmem:s10+$0x0];
	[smem:$0x7F3] =	sst s1  }
0x14c: {  	s3 =	smov.u32 @p1 s31;
	s31 =	simm.s32 $0x16790;
	s5 =	simm.s32 $0x2000;
	(v2sf) =	vpush v17, $0x6;
	v3 =	vld [tilespmem:s2+$0x0]  }
0x14d: {  	v8 =	vimm.f32 $0.0e+00;
	v6 =	vimm.f32 $0.0e+00;
	s20 =	spop (v2sf);
	[dreg:$0x6] =	wrdreg s31;
	s12 =	simm.s32 $0x16710;
	(v2sf) =	vpush v17, $0x5;
	v4 =	vld [tilespmem:s19+$0x0]  }
0x14e: {  	v7 =	vimm.f32 $0.0e+00;
	v9 =	vimm.f32 $0.0e+00;
	s10 =	simm.s32 $0x16750;
	s1 =	simm.s32 $0x167D0;
	(v2sf) =	vpush v17, $0x4;
	s19 =	simm.s32 $0x16740;
	v5 =	vld [tilespmem:s24+$0x0]  }
.LBB2_5:
0x14f: {  	_ =	sdelay $0x2  }
0x150: {  	s2 =	simm.s32 @!p1 $0x0  }
0x151: {  	p0 =	sne.s32 s5, $0x16000;
	s2 =	simm.s32 @p1 $0x1  }
0x152: {  	[smem:$0x7EA] =	sst s2;
	s2 =	simm.s32 @!p0 $0x0  }
0x153: {  	s2 =	simm.s32 @p0 $0x1;
	p0 =	seq.s32 s20, $0x0  }
0x154: {  	[smem:$0x7EB] =	sst s2;
	s2 =	simm.s32 @!p0 $0x0  }
0x155: {  	s2 =	simm.s32 @p0 $0x1;
	s16 =	spop (v2sf)  }
0x156: {  	[smem:$0x7E9] =	sst s2;
	p2 =	seq.s32 s16, $0x0  }
0x157: {  	s21 =	smov.u32 @p1 s22;
	v10 =	vld [tilespmem:s3+$0x0];
	s2 =	simm.s32 @!p2 $0x0  }
0x158: {  	[dreg:$0x4] =	wrdreg s5;
	s8 =	smov.u32 @p0 s25;
	v11 =	vld [tilespmem:s21+$0x0];
	s2 =	simm.s32 @p2 $0x1  }
0x159: {  	v12 =	vld [tilespmem:s8+$0x0];
	[smem:$0x7E8] =	sst s2  }
0x15a: {  	s22 =	spop (v2sf);
	s2 =	rddreg [dreg:$0x9]  }
0x15b: {  	s14 =	smov.u32 @p0 s17;
	p0 =	seq.s32 s22, $0x0;
	s4 =	smov.u32 @p2 s2  }
0x15c: {  	s5 =	sadd.s32 $0x16640, s23;
	s20 =	sadd.s32 $0x16680, s23;
	v14 =	vld [tilespmem:s4+$0x0];
	s4 =	simm.s32 @!p0 $0x0  }
0x15d: {  	s3 =	sadd.s32 $0x166C0, s23;
	s8 =	sadd.s32 $0x16690, s23;
	s4 =	simm.s32 @p0 $0x1  }
0x15e: {  	(v2sf) =	vpush v17, $0x3;
	s29 =	smov.u32 @p2 s7;
	s24 =	spop (v2sf);
	v13 =	vld [tilespmem:s14+$0x0];
	[smem:$0x7E7] =	sst s4  }
0x15f: {  	(v2sf) =	vpush v17, $0x2;
	s7 =	sadd.s32 $0x16650, s23;
	p2 =	seq.s32 s24, $0x0;
	s4 =	rddreg [dreg:$0x8]  }
0x160: {  	s25 =	spop (v2sf);
	s0 =	smov.u32 @p0 s4;
	s4 =	simm.s32 @!p2 $0x0  }
0x161: {  	(v2sf) =	vpush v17, $0x1;
	s13 =	smov.u32 @p0 s11;
	v15 =	vld [tilespmem:s29+$0x0];
	p0 =	seq.s32 s25, $0x0;
	s4 =	simm.s32 @p2 $0x1  }
0x162: {  	s28 =	smov.u32 @p2 s6;
	v16 =	vld [tilespmem:s0+$0x0];
	s6 =	simm.s32 @!p0 $0x0;
	[smem:$0x7E6] =	sst s4  }
0x163: {  	(v2sf) =	vpush v17, $0x0;
	s11 =	sadd.s32 $0x165D0, s23;
	s26 =	smov.u32 @p2 s9;
	s6 =	simm.s32 @p0 $0x1;
	v17 =	vld [tilespmem:s13+$0x0]  }
0x164: {  	s14 =	sadd.s32 $0x166D0, s23;
	s2 =	sadd.s32 $0x16600, s23;
	v18 =	vld [tilespmem:s26+$0x0];
	[smem:$0x7E5] =	sst s6  }
0x165: {  	s9 =	sadd.s32 $0x165C0, s23;
	s0 =	sadd.s32 $0x16610, s23;
	s6 =	rddreg [dreg:$0x7]  }
0x166: {  	s4 =	sadd.s32 $0x16580, s23;
	s26 =	spop (v2sf);
	s30 =	smov.u32 @p0 s6  }
0x167: {  	p6 =	seq.s32 s26, $0x0;
	s6 =	rddreg [dreg:$0x6];
	s31 =	spop (v2sf)  }
0x168: {  	s1 =	smov.u32 @p0 s6;
	s6 =	sadd.s32 $0x16590, s23;
	s19 =	smov.u32 @p6 s15  }
0x169: {  	p5 =	seq.s32 s31, $0x0;
	s10 =	smov.u32 @p6 s12;
	s13 =	spop (v2sf)  }
0x16a: {  	s12 =	sadd.s32 $0x16540, s23;
	v21 =	vld [tilespmem:s1+$0x0];
	s1 =	sadd.s32 $0x16500, s23;
	s3 =	smov.u32 @p5 s20  }
0x16b: {  	v22 =	vld [tilespmem:s19+$0x0];
	p4 =	seq.s32 s13, $0x0;
	s14 =	smov.u32 @p5 s8;
	s8 =	sadd.s32 $0x16550, s23  }
0x16c: {  	s19 =	sld [smem:$0x7E5];
	v24 =	vld [tilespmem:s3+$0x0];
	s3 =	sadd.s32 $0x16510, s23;
	s5 =	smov.u32 @p4 s2  }
0x16d: {  	v25 =	vld [tilespmem:s14+$0x0];
	s14 =	spop (v2sf);
	s7 =	smov.u32 @p4 s0;
	s0 =	sadd.s32 $0x16480, s23  }
0x16e: {  	v20 =	vld [tilespmem:s30+$0x0];
	s2 =	sadd.s32 $0x16490, s23;
	p3 =	seq.s32 s14, $0x0;
	s15 =	spop (v2sf)  }
0x16f: {  	v26 =	vld [tilespmem:s5+$0x0];
	s9 =	smov.u32 @p3 s4;
	s4 =	sadd.s32 $0x164C0, s23;
	p2 =	seq.s32 s15, $0x0  }
0x170: {  	s11 =	smov.u32 @p3 s6;
	s16 =	spop (v2sf);
	v28 =	vld [tilespmem:s9+$0x0];
	s12 =	smov.u32 @p2 s1  }
0x171: {  	v29 =	vld [tilespmem:s11+$0x0];
	p1 =	seq.s32 s16, $0x0;
	s1 =	sadd.s32 $0x164D0, s23;
	s8 =	smov.u32 @p2 s3  }
0x172: {  	s3 =	sadd.s32 $0x16400, s23;
	s17 =	spop (v2sf);
	v30 =	vld [tilespmem:s12+$0x0];
	s4 =	smov.u32 @p1 s0  }
0x173: {  	v31 =	vld [tilespmem:s8+$0x0];
	p0 =	seq.s32 s17, $0x0;
	s0 =	sadd.s32 $0x16440, s23;
	s1 =	smov.u32 @p1 s2  }
0x174: {  	s2 =	sadd.s32 $0x16410, s23;
	s0 =	smov.u32 @p0 s3;
	s3 =	sadd.s32 $0x16450, s23;
	v33 =	vld [tilespmem:s1+$0x0]  }
0x175: {  	s1 =	sadd.s32 $0x16460, s23;
	v34 =	vld [tilespmem:s0+$0x0];
	s3 =	smov.u32 @p0 s2;
	s0 =	sadd.s32 $0x16420, s23  }
0x176: {  	v32 =	vld [tilespmem:s4+$0x0];
	s2 =	sadd.s32 $0x16470, s23;
	s1 =	smov.u32 @p0 s0;
	s0 =	sadd.s32 $0x16430, s23  }
0x177: {  	s20 =	sld [smem:$0x7E6];
	v35 =	vld [tilespmem:s3+$0x0];
	s2 =	smov.u32 @p0 s0  }
0x178: {  	v36 =	vld [tilespmem:s1+$0x0];
	s0 =	sadd.s32 $0x164A0, s23;
	s1 =	sadd.s32 $0x164E0, s23;
	p0 =	seq.s32 s19, $0x1  }
0x179: {  	v37 =	vld [tilespmem:s2+$0x0];
	s1 =	smov.u32 @p1 s0;
	s0 =	sadd.s32 $0x164B0, s23;
	s2 =	sadd.s32 $0x164F0, s23  }
0x17a: {  	v38 =	vld [tilespmem:s1+$0x0];
	s2 =	smov.u32 @p1 s0;
	s0 =	sadd.s32 $0x16520, s23;
	s1 =	sadd.s32 $0x16560, s23  }
0x17b: {  	v39 =	vld [tilespmem:s2+$0x0];
	s1 =	smov.u32 @p2 s0;
	s0 =	sadd.s32 $0x16530, s23;
	s2 =	sadd.s32 $0x16570, s23  }
0x17c: {  	v40 =	vld [tilespmem:s1+$0x0];
	s2 =	smov.u32 @p2 s0;
	s0 =	sadd.s32 $0x165A0, s23;
	s1 =	sadd.s32 $0x165E0, s23  }
0x17d: {  	v44 =	vld [tilespmem:s2+$0x0];
	s1 =	smov.u32 @p3 s0;
	s0 =	sadd.s32 $0x165B0, s23;
	s2 =	sadd.s32 $0x165F0, s23  }
0x17e: {  	v45 =	vld [tilespmem:s1+$0x0];
	s2 =	smov.u32 @p3 s0;
	s0 =	sadd.s32 $0x16620, s23;
	s1 =	sadd.s32 $0x16660, s23  }
0x17f: {  	v46 =	vld [tilespmem:s2+$0x0];
	s1 =	smov.u32 @p4 s0;
	s0 =	sadd.s32 $0x16630, s23;
	s2 =	sadd.s32 $0x16670, s23  }
0x180: {  	v47 =	vld [tilespmem:s1+$0x0];
	s2 =	smov.u32 @p4 s0;
	s0 =	sadd.s32 $0x166A0, s23;
	s1 =	sadd.s32 $0x166E0, s23  }
0x181: {  	v8 =	vadd.f32 v34, v8;
	v48 =	vld [tilespmem:s2+$0x0];
	s1 =	smov.u32 @p5 s0;
	s0 =	sadd.s32 $0x166B0, s23;
	s2 =	sadd.s32 $0x166F0, s23  }
0x182: {  	v49 =	vld [tilespmem:s1+$0x0];
	s2 =	smov.u32 @p5 s0;
	s0 =	sadd.s32 $0x16720, s23;
	s1 =	sadd.s32 $0x16760, s23  }
0x183: {  	v9 =	vadd.f32 v35, v9;
	v8 =	vadd.f32 v32, v8;
	v50 =	vld [tilespmem:s2+$0x0];
	s1 =	smov.u32 @p6 s0;
	s0 =	sadd.s32 $0x16730, s23;
	s2 =	sadd.s32 $0x16770, s23  }
0x184: {  	v51 =	vld [tilespmem:s1+$0x0];
	s2 =	smov.u32 @p6 s0;
	s0 =	sadd.s32 $0x167A0, s23;
	s1 =	sadd.s32 $0x167E0, s23  }
0x185: {  	v9 =	vadd.f32 v33, v9;
	v8 =	vadd.f32 v30, v8;
	v52 =	vld [tilespmem:s2+$0x0];
	s1 =	smov.u32 @p0 s0;
	s0 =	sadd.s32 $0x167B0, s23;
	s2 =	sadd.s32 $0x167F0, s23  }
0x186: {  	s21 =	sld [smem:$0x7E7];
	v27 =	vld [tilespmem:s7+$0x0];
	s2 =	smov.u32 @p0 s0  }
0x187: {  	v9 =	vadd.f32 v31, v9;
	v8 =	vadd.f32 v28, v8;
	v53 =	vld [tilespmem:s1+$0x0];
	s0 =	sadd.s32 $0x16820, s23;
	s1 =	sadd.s32 $0x16860, s23;
	p0 =	seq.s32 s20, $0x1  }
0x188: {  	v7 =	vadd.f32 v36, v7;
	v54 =	vld [tilespmem:s2+$0x0];
	s1 =	smov.u32 @p0 s0;
	s0 =	sadd.s32 $0x16830, s23;
	s2 =	sadd.s32 $0x16870, s23  }
0x189: {  	s22 =	sld [smem:$0x7E8];
	v23 =	vld [tilespmem:s10+$0x0];
	v9 =	vadd.f32 v29, v9;
	v8 =	vadd.f32 v26, v8;
	s2 =	smov.u32 @p0 s0  }
0x18a: {  	v7 =	vadd.f32 v38, v7;
	v55 =	vld [tilespmem:s1+$0x0];
	s0 =	sadd.s32 $0x168A0, s23;
	s1 =	sadd.s32 $0x168E0, s23;
	p0 =	seq.s32 s21, $0x1  }
0x18b: {  	v9 =	vadd.f32 v27, v9;
	v8 =	vadd.f32 v24, v8;
	v56 =	vld [tilespmem:s2+$0x0];
	s1 =	smov.u32 @p0 s0;
	s0 =	sadd.s32 $0x168B0, s23;
	s2 =	sadd.s32 $0x168F0, s23  }
0x18c: {  	s24 =	sld [smem:$0x7E9];
	v19 =	vld [tilespmem:s28+$0x0];
	v7 =	vadd.f32 v40, v7;
	s2 =	smov.u32 @p0 s0  }
0x18d: {  	v9 =	vadd.f32 v25, v9;
	v8 =	vadd.f32 v22, v8;
	v57 =	vld [tilespmem:s1+$0x0];
	s0 =	sadd.s32 $0x16920, s23;
	s1 =	sadd.s32 $0x16960, s23;
	p0 =	seq.s32 s22, $0x1  }
0x18e: {  	v7 =	vadd.f32 v45, v7;
	v58 =	vld [tilespmem:s2+$0x0];
	s1 =	smov.u32 @p0 s0;
	s0 =	sadd.s32 $0x16930, s23;
	s2 =	sadd.s32 $0x16970, s23  }
0x18f: {  	s25 =	sld [smem:$0x7EA];
	v9 =	vadd.f32 v23, v9;
	v8 =	vadd.f32 v20, v8;
	s2 =	smov.u32 @p0 s0  }
0x190: {  	v7 =	vadd.f32 v47, v7;
	v59 =	vld [tilespmem:s1+$0x0];
	s0 =	sadd.s32 $0x169A0, s23;
	s1 =	sadd.s32 $0x169E0, s23;
	p0 =	seq.s32 s24, $0x1  }
0x191: {  	v9 =	vadd.f32 v21, v9;
	v8 =	vadd.f32 v18, v8;
	v18 =	vld [tilespmem:s2+$0x0];
	s1 =	smov.u32 @p0 s0;
	s0 =	sadd.s32 $0x169B0, s23;
	s2 =	sadd.s32 $0x169F0, s23  }
0x192: {  	s26 =	sld [smem:$0x7F3];
	v7 =	vadd.f32 v49, v7;
	s2 =	smov.u32 @p0 s0  }
0x193: {  	v9 =	vadd.f32 v19, v9;
	v19 =	vld [tilespmem:s1+$0x0];
	s0 =	sadd.s32 $0x16A20, s23;
	s1 =	sadd.s32 $0x16A60, s23;
	p0 =	seq.s32 s25, $0x1  }
0x194: {  	v7 =	vadd.f32 v51, v7;
	v8 =	vadd.f32 v16, v8;
	v16 =	vld [tilespmem:s2+$0x0];
	s1 =	smov.u32 @p0 s0;
	s0 =	sadd.s32 $0x16A30, s23;
	s2 =	sadd.s32 $0x16A70, s23  }
0x195: {  	s31 =	sld [smem:$0x7F2];
	s2 =	smov.u32 @p0 s0  }
0x196: {  	v7 =	vadd.f32 v53, v7;
	v9 =	vadd.f32 v17, v9;
	v17 =	vld [tilespmem:s1+$0x0];
	s0 =	sadd.s32 $0x16AA0, s23;
	s1 =	sadd.s32 $0x16AE0, s23;
	p0 =	seq.s32 s26, $0x1  }
0x197: {  	v60 =	vld [tilespmem:s2+$0x0];
	s1 =	smov.u32 @p0 s0;
	s0 =	sadd.s32 $0x16AB0, s23;
	s2 =	sadd.s32 $0x16AF0, s23  }
0x198: {  	s10 =	sadd.s32 $0x10, s18;
	s3 =	sld [smem:$0x7F1];
	v7 =	vadd.f32 v55, v7;
	s2 =	smov.u32 @p0 s0  }
0x199: {  	v8 =	vadd.f32 v14, v8;
	v9 =	vadd.f32 v15, v9;
	v15 =	vld [tilespmem:s1+$0x0];
	s0 =	sadd.s32 $0x16B20, s23;
	s1 =	sadd.s32 $0x16B60, s23;
	p0 =	seq.s32 s31, $0x1  }
0x19a: {  	v7 =	vadd.f32 v57, v7;
	v61 =	vld [tilespmem:s2+$0x0];
	s1 =	smov.u32 @p0 s0;
	s0 =	sadd.s32 $0x16B30, s23;
	s2 =	sadd.s32 $0x16B70, s23  }
0x19b: {  	s5 =	sand.u32 $0x80, s10;
	s4 =	rddreg [dreg:$0x3];
	v8 =	vadd.f32 v12, v8;
	s2 =	smov.u32 @p0 s0  }
0x19c: {  	v7 =	vadd.f32 v59, v7;
	v62 =	vld [tilespmem:s1+$0x0];
	s0 =	sadd.s32 $0x16BA0, s23;
	s1 =	sadd.s32 $0x16BE0, s23;
	p0 =	seq.s32 s3, $0x1  }
0x19d: {  	v8 =	vadd.f32 v10, v8;
	v10 =	vld [tilespmem:s2+$0x0];
	s1 =	smov.u32 @p0 s0;
	s0 =	sadd.s32 $0x16BB0, s23;
	s2 =	sadd.s32 $0x16BF0, s23  }
0x19e: {  	s6 =	sand.u32 $0x70, s10;
	v7 =	vadd.f32 v19, v7;
	s2 =	smov.u32 @p0 s0;
	s0 =	sadd.s32 s5, s4  }
0x19f: {  	s0 =	sadd.s32 s6, s0  }
0x1a0: {  	v7 =	vadd.f32 v17, v7;
	v17 =	vld [tilespmem:s0+$0x0];
	_ =	sdelay $0x4  }
0x1a1: {  	(v2sf) =	vpush v17, $0xF;
	_ =	sdelay $0x3  }
0x1a2: {  	(v2sf) =	vpush v17, $0xE;
	_ =	sdelay $0x1  }
0x1a3: {  	s7 =	rddreg [dreg:$0x4];
	v6 =	vadd.f32 v37, v6;
	v9 =	vadd.f32 v13, v9  }
0x1a4: {  	s23 =	sshra.s32 s7, $0x2  }
0x1a5: {  	v6 =	vadd.f32 v39, v6;
	v9 =	vadd.f32 v11, v9;
	v11 =	vld [tilespmem:s1+$0x0];
	s1 =	sadd.s32 $0x16B80, s23  }
0x1a6: {  	s15 =	sadd.s32 $0x16BC0, s23;
	s19 =	sadd.s32 $0x16B90, s23;
	s5 =	sadd.s32 $0x16B00, s23;
	(v2sf) =	vpush v17, $0xD  }
0x1a7: {  	v6 =	vadd.f32 v44, v6;
	s12 =	sadd.s32 $0x16B40, s23;
	s9 =	sadd.s32 $0x16BD0, s23;
	s8 =	sadd.s32 $0x16B10, s23  }
0x1a8: {  	s31 =	sadd.s32 $0x16B50, s23;
	s24 =	sadd.s32 $0x16AC0, s23;
	s11 =	sadd.s32 $0x16A90, s23  }
0x1a9: {  	v6 =	vadd.f32 v46, v6;
	s20 =	sadd.s32 $0x16AD0, s23;
	s13 =	sadd.s32 $0x16A00, s23;
	s3 =	sadd.s32 $0x16A40, s23  }
0x1aa: {  	s22 =	sadd.s32 $0x16A10, s23;
	s25 =	sadd.s32 $0x16980, s23;
	s21 =	sadd.s32 $0x16A50, s23  }
0x1ab: {  	v6 =	vadd.f32 v48, v6;
	v4 =	vadd.f32 v4, v8;
	s14 =	sadd.s32 $0x16900, s23;
	s17 =	sadd.s32 $0x16990, s23;
	[dreg:$0x11] =	wrdreg s8  }
0x1ac: {  	s4 =	sadd.s32 $0x16940, s23;
	[dreg:$0xa] =	wrdreg s11;
	s18 =	spop (v2sf)  }
0x1ad: {  	v6 =	vadd.f32 v50, v6;
	s16 =	sadd.s32 $0x16880, s23;
	v2 =	vadd.f32 v2, v4;
	[dreg:$0xd] =	wrdreg s13;
	p0 =	seq.s32 s18, $0x0  }
0x1ae: {  	v5 =	vadd.f32 v5, v9;
	s29 =	sadd.s32 $0x16950, s23;
	[dreg:$0x8] =	wrdreg s16;
	s15 =	smov.u32 @p0 s1  }
0x1af: {  	v6 =	vadd.f32 v52, v6;
	s16 =	sadd.s32 $0x16780, s23;
	s0 =	sadd.s32 $0x16A80, s23;
	v8 =	vadd.f32 v0, v2;
	v0 =	vld [tilespmem:s15+$0x0];
	s15 =	simm.s32 @!p0 $0x0  }
0x1b0: {  	v3 =	vadd.f32 v3, v5;
	[dreg:$0x7] =	wrdreg s16;
	(v2sf) =	vpush v17, $0xC;
	s16 =	spop (v2sf);
	s15 =	simm.s32 @p0 $0x1  }
0x1b1: {  	v6 =	vadd.f32 v54, v6;
	v63 =	vld [tilespmem:s2+$0x0];
	p1 =	seq.s32 s16, $0x0;
	s9 =	smov.u32 @p0 s19;
	[smem:$0x7F1] =	sst s15  }
0x1b2: {  	[dreg:$0xe] =	wrdreg s0;
	v9 =	vadd.f32 v1, v3;
	(v2sf) =	vpush v17, $0xB;
	s18 =	sadd.s32 $0x16790, s23;
	v1 =	vld [tilespmem:s9+$0x0];
	s9 =	simm.s32 @!p1 $0x0  }
0x1b3: {  	v6 =	vadd.f32 v56, v6;
	[dreg:$0x6] =	wrdreg s18;
	s12 =	smov.u32 @p1 s5;
	s9 =	simm.s32 @p1 $0x1  }
0x1b4: {  	s7 =	sadd.s32 $0x16800, s23;
	s26 =	sadd.s32 $0x16840, s23;
	v2 =	vld [tilespmem:s12+$0x0];
	[smem:$0x7F2] =	sst s9  }
0x1b5: {  	v6 =	vadd.f32 v58, v6;
	s18 =	smov.u32 s10;
	s10 =	spop (v2sf);
	s9 =	rddreg [dreg:$0x11]  }
0x1b6: {  	v7 =	vadd.f32 v15, v7;
	p0 =	seq.s32 s10, $0x0;
	s31 =	smov.u32 @p1 s9;
	s9 =	rddreg [dreg:$0xe]  }
0x1b7: {  	v6 =	vadd.f32 v18, v6;
	[dreg:$0x9] =	wrdreg s14;
	s2 =	sadd.s32 $0x16910, s23;
	s24 =	smov.u32 @p0 s9  }
0x1b8: {  	v4 =	vadd.f32 v62, v7;
	s9 =	smov.u32 s7;
	s7 =	smov.u32 s2;
	s2 =	simm.s32 @!p0 $0x0  }
0x1b9: {  	v6 =	vadd.f32 v16, v6;
	s28 =	sadd.s32 $0x16850, s23;
	v3 =	vld [tilespmem:s31+$0x0];
	s31 =	sld [smem:$0x7EB];
	s2 =	simm.s32 @p0 $0x1  }
0x1ba: {  	s30 =	sadd.s32 $0x167C0, s23;
	s8 =	sadd.s32 $0x169C0, s23;
	v7 =	vadd.f32 v11, v4;
	v4 =	vld [tilespmem:s24+$0x0];
	[smem:$0x7F3] =	sst s2  }
0x1bb: {  	v6 =	vadd.f32 v60, v6;
	s14 =	sadd.s32 $0x169D0, s23;
	s11 =	sadd.s32 $0x16890, s23;
	(v2sf) =	vpush v17, $0xA;
	s2 =	rddreg [dreg:$0xa]  }
0x1bc: {  	s13 =	sadd.s32 $0x168D0, s23;
	(v2sf) =	vpush v17, $0x9;
	s20 =	smov.u32 @p0 s2;
	p0 =	seq.s32 s31, $0x1  }
.Ltmp1:
0x1bd: {  	s6 =	sadd.s32 $0x16810, s23;
	v6 =	vadd.f32 v61, v6;
	s0 =	sadd.s32 $0x168C0, s23;
	(v2sf) =	vpush v17, $0x8;
	(pc) =	sbr.rel @p0 .LBB2_5-.Ltmp1, $4  }
0x1be: {  	(v2sf) =	vpush v17, $0x7;
	s1 =	sadd.s32 $0x167D0, s23;
	s19 =	sadd.s32 $0x16740, s23;
	s5 =	rddreg [dreg:$0x4]  }
0x1bf: {  	v5 =	vadd.f32 v10, v6;
	(v2sf) =	vpush v17, $0x6;
	s16 =	spop (v2sf);
	s10 =	sadd.s32 $0x16750, s23;
	s5 =	sadd.s32 $0x2000, s5  }
0x1c0: {  	(v2sf) =	vpush v17, $0x5;
	s15 =	sadd.s32 $0x16700, s23;
	p1 =	seq.s32 s16, $0x0;
	s2 =	rddreg [dreg:$0xd]  }
0x1c1: {  	v6 =	vadd.f32 v63, v5;
	(v2sf) =	vpush v17, $0x4;
	s12 =	sadd.s32 $0x16710, s23;
	s3 =	smov.u32 @p1 s2;
	v5 =	vld [tilespmem:s20+$0x0];
	s20 =	spop (v2sf)  }
0x1c2: {  	_ =	sdelay $0x5  }
0x1c3: {  	p0 =	seq.s32 s20, $0x0  }
0x1c4: {  	s16 =	sld [smem:$0x7F3];
	s2 =	simm.s32 @!p0 $0x0  }
0x1c5: {  	s18 =	sld [smem:$0x7F1];
	s2 =	simm.s32 @p0 $0x1;
	s20 =	spop (v2sf)  }
0x1c6: {  	s21 =	smov.u32 @p1 s22;
	[smem:$0x7E4] =	sst s2;
	p2 =	seq.s32 s20, $0x0  }
0x1c7: {  	s8 =	smov.u32 @p0 s25;
	s14 =	smov.u32 @p0 s17;
	v10 =	vld [tilespmem:s3+$0x0];
	s2 =	simm.s32 @!p2 $0x0  }
0x1c8: {  	s17 =	sld [smem:$0x7F2];
	v11 =	vld [tilespmem:s21+$0x0];
	s22 =	spop (v2sf);
	s2 =	simm.s32 @p2 $0x1  }
0x1c9: {  	s5 =	sadd.s32 $0x166D0, s23;
	v13 =	vld [tilespmem:s8+$0x0];
	p0 =	seq.s32 s22, $0x0;
	[smem:$0x7E3] =	sst s2  }
0x1ca: {  	s29 =	smov.u32 @p2 s7;
	s7 =	simm.s32 @!p0 $0x0;
	s2 =	rddreg [dreg:$0x9]  }
0x1cb: {  	(v2sf) =	vpush v17, $0x3;
	s3 =	sadd.s32 $0x16680, s23;
	s7 =	simm.s32 @p0 $0x1;
	s4 =	smov.u32 @p2 s2;
	v12 =	vld [tilespmem:s14+$0x0]  }
0x1cc: {  	s24 =	spop (v2sf);
	s13 =	smov.u32 @p0 s11;
	v14 =	vld [tilespmem:s4+$0x0];
	[smem:$0x7E2] =	sst s7  }
0x1cd: {  	(v2sf) =	vpush v17, $0x2;
	s25 =	spop (v2sf);
	s11 =	sadd.s32 $0x16650, s23;
	s7 =	rddreg [dreg:$0x8]  }
0x1ce: {  	s2 =	sadd.s32 $0x166C0, s23;
	s0 =	smov.u32 @p0 s7;
	p0 =	seq.s32 s24, $0x0  }
0x1cf: {  	s14 =	sld [smem:$0x7E4];
	s8 =	simm.s32 @!p0 $0x0;
	s26 =	smov.u32 @p0 s9  }
0x1d0: {  	(v2sf) =	vpush v17, $0x1;
	v15 =	vld [tilespmem:s29+$0x0];
	s28 =	smov.u32 @p0 s6;
	s8 =	simm.s32 @p0 $0x1;
	p0 =	seq.s32 s25, $0x0  }
0x1d1: {  	s4 =	sadd.s32 $0x16690, s23;
	v16 =	vld [tilespmem:s0+$0x0];
	[smem:$0x7E1] =	sst s8;
	s6 =	simm.s32 @!p0 $0x0  }
0x1d2: {  	(v2sf) =	vpush v17, $0x0;
	s7 =	sadd.s32 $0x16600, s23;
	v17 =	vld [tilespmem:s13+$0x0];
	s6 =	simm.s32 @p0 $0x1;
	s13 =	rddreg [dreg:$0x6]  }
0x1d3: {  	s0 =	sadd.s32 $0x16640, s23;
	s9 =	sadd.s32 $0x16590, s23;
	v18 =	vld [tilespmem:s26+$0x0];
	[smem:$0x7E0] =	sst s6  }
0x1d4: {  	s8 =	sadd.s32 $0x16610, s23;
	s26 =	spop (v2sf);
	s6 =	rddreg [dreg:$0x7]  }
0x1d5: {  	s1 =	smov.u32 @p0 s13;
	s13 =	sadd.s32 $0x165C0, s23;
	p5 =	seq.s32 s26, $0x0  }
0x1d6: {  	s30 =	smov.u32 @p0 s6;
	s6 =	sadd.s32 $0x16580, s23;
	s19 =	smov.u32 @p5 s15  }
0x1d7: {  	v19 =	vld [tilespmem:s28+$0x0];
	s28 =	spop (v2sf);
	s10 =	smov.u32 @p5 s12;
	s12 =	sadd.s32 $0x165D0, s23  }
0x1d8: {  	v21 =	vld [tilespmem:s1+$0x0];
	s1 =	sadd.s32 $0x16500, s23;
	p6 =	seq.s32 s28, $0x0;
	s29 =	spop (v2sf)  }
0x1d9: {  	v23 =	vld [tilespmem:s10+$0x0];
	s10 =	sld [smem:$0x7E0];
	s2 =	smov.u32 @p6 s3;
	s5 =	smov.u32 @p6 s4  }
0x1da: {  	v20 =	vld [tilespmem:s30+$0x0];
	p4 =	seq.s32 s29, $0x0;
	s3 =	sadd.s32 $0x16510, s23;
	s30 =	spop (v2sf)  }
0x1db: {  	s4 =	sadd.s32 $0x16480, s23;
	v24 =	vld [tilespmem:s2+$0x0];
	s2 =	sadd.s32 $0x16540, s23;
	s0 =	smov.u32 @p4 s7  }
0x1dc: {  	s11 =	smov.u32 @p4 s8;
	p3 =	seq.s32 s30, $0x0;
	s31 =	spop (v2sf)  }
0x1dd: {  	v27 =	vld [tilespmem:s0+$0x0];
	s0 =	sadd.s32 $0x16550, s23;
	s13 =	smov.u32 @p3 s6;
	s12 =	smov.u32 @p3 s9  }
0x1de: {  	v22 =	vld [tilespmem:s19+$0x0];
	s6 =	sadd.s32 $0x164C0, s23;
	p2 =	seq.s32 s31, $0x0;
	s9 =	rddreg [dreg:$0x1b]  }
0x1df: {  	v28 =	vld [tilespmem:s11+$0x0];
	s7 =	spop (v2sf);
	s11 =	sld [smem:$0x7E1];
	s2 =	smov.u32 @p2 s1  }
0x1e0: {  	s1 =	sadd.s32 $0x16490, s23;
	v30 =	vld [tilespmem:s12+$0x0];
	s0 =	smov.u32 @p2 s3;
	s12 =	sld [smem:$0x7E2]  }
0x1e1: {  	v29 =	vld [tilespmem:s13+$0x0];
	s3 =	simm.s32 @!p1 $0x0;
	s8 =	spop (v2sf);
	s13 =	sld [smem:$0x7E3]  }
0x1e2: {  	v31 =	vld [tilespmem:s2+$0x0];
	s2 =	sadd.s32 $0x164D0, s23;
	s3 =	simm.s32 @p1 $0x1;
	p1 =	seq.s32 s7, $0x0  }
0x1e3: {  	v25 =	vld [tilespmem:s5+$0x0];
	p0 =	seq.s32 s8, $0x0;
	[smem:$0x7EA] =	sst s3;
	s6 =	smov.u32 @p1 s4  }
0x1e4: {  	v26 =	vld [tilespmem:s9+$0x80C0];
	s3 =	sadd.s32 $0x16400, s23;
	s2 =	smov.u32 @p1 s1;
	s1 =	sadd.s32 $0x16440, s23  }
0x1e5: {  	s4 =	sadd.s32 $0x16760, s23;
	v32 =	vld [tilespmem:s0+$0x0];
	s1 =	smov.u32 @p0 s3;
	s0 =	sadd.s32 $0x16410, s23  }
0x1e6: {  	s3 =	sadd.s32 $0x16450, s23;
	v34 =	vld [tilespmem:s2+$0x0];
	s2 =	sadd.s32 $0x16470, s23;
	s15 =	sld [smem:$0x7EA]  }
0x1e7: {  	v35 =	vld [tilespmem:s1+$0x0];
	s3 =	smov.u32 @p0 s0;
	s0 =	sadd.s32 $0x16420, s23;
	s1 =	sadd.s32 $0x16460, s23  }
0x1e8: {  	v36 =	vld [tilespmem:s3+$0x0];
	s1 =	smov.u32 @p0 s0;
	s0 =	sadd.s32 $0x16430, s23;
	s3 =	sadd.s32 $0x16720, s23  }
0x1e9: {  	s2 =	smov.u32 @p0 s0;
	v37 =	vld [tilespmem:s1+$0x0];
	s0 =	sadd.s32 $0x164A0, s23;
	s1 =	sadd.s32 $0x164E0, s23  }
0x1ea: {  	(v2sf) =	vpush v26, $0x0;
	s4 =	smov.u32 @p5 s3;
	s3 =	sadd.s32 $0x167E0, s23;
	p0 =	seq.s32 s10, $0x1;
	v38 =	vld [tilespmem:s2+$0x0]  }
0x1eb: {  	s1 =	smov.u32 @p1 s0;
	s0 =	sadd.s32 $0x164B0, s23;
	s2 =	sadd.s32 $0x164F0, s23;
	v49 =	vld [tilespmem:s4+$0x0]  }
0x1ec: {  	(v2sf) =	vpush v26, $0x1;
	s2 =	smov.u32 @p1 s0;
	v39 =	vld [tilespmem:s1+$0x0];
	s0 =	sadd.s32 $0x16520, s23;
	s1 =	sadd.s32 $0x16560, s23  }
0x1ed: {  	v40 =	vld [tilespmem:s2+$0x0];
	s1 =	smov.u32 @p2 s0;
	s0 =	sadd.s32 $0x16530, s23;
	s2 =	sadd.s32 $0x16570, s23  }
0x1ee: {  	s2 =	smov.u32 @p2 s0;
	v41 =	vld [tilespmem:s1+$0x0];
	s0 =	sadd.s32 $0x165A0, s23;
	s1 =	sadd.s32 $0x165E0, s23  }
0x1ef: {  	v42 =	vld [tilespmem:s2+$0x0];
	s1 =	smov.u32 @p3 s0;
	s0 =	sadd.s32 $0x165B0, s23;
	s2 =	sadd.s32 $0x165F0, s23  }
0x1f0: {  	s2 =	smov.u32 @p3 s0;
	v43 =	vld [tilespmem:s1+$0x0];
	s0 =	sadd.s32 $0x16620, s23;
	s1 =	sadd.s32 $0x16660, s23  }
0x1f1: {  	v44 =	vld [tilespmem:s2+$0x0];
	s1 =	smov.u32 @p4 s0;
	s0 =	sadd.s32 $0x16630, s23;
	s2 =	sadd.s32 $0x16670, s23  }
0x1f2: {  	s2 =	smov.u32 @p4 s0;
	v45 =	vld [tilespmem:s1+$0x0];
	s0 =	sadd.s32 $0x166A0, s23;
	s1 =	sadd.s32 $0x166E0, s23  }
0x1f3: {  	v46 =	vld [tilespmem:s2+$0x0];
	s1 =	smov.u32 @p6 s0;
	s0 =	sadd.s32 $0x166B0, s23;
	s2 =	sadd.s32 $0x166F0, s23  }
0x1f4: {  	s2 =	smov.u32 @p6 s0;
	v47 =	vld [tilespmem:s1+$0x0];
	s0 =	sadd.s32 $0x16730, s23;
	s1 =	sadd.s32 $0x16770, s23  }
0x1f5: {  	s4 =	sadd.s32 $0x16860, s23;
	v48 =	vld [tilespmem:s2+$0x0];
	s2 =	sadd.s32 $0x167A0, s23;
	s1 =	smov.u32 @p5 s0  }
0x1f6: {  	s0 =	sadd.s32 $0x167B0, s23;
	s3 =	smov.u32 @p0 s2;
	v50 =	vld [tilespmem:s1+$0x0];
	s1 =	sadd.s32 $0x167F0, s23  }
0x1f7: {  	v33 =	vld [tilespmem:s6+$0x0];
	s2 =	sadd.s32 $0x16820, s23;
	s1 =	smov.u32 @p0 s0;
	p0 =	seq.s32 s11, $0x1  }
0x1f8: {  	v51 =	vld [tilespmem:s3+$0x0];
	s0 =	sadd.s32 $0x16830, s23;
	s3 =	sadd.s32 $0x168E0, s23;
	s4 =	smov.u32 @p0 s2  }
0x1f9: {  	v52 =	vld [tilespmem:s1+$0x0];
	s1 =	sadd.s32 $0x16870, s23;
	s2 =	sadd.s32 $0x168A0, s23;
	s19 =	spop (v2sf)  }
0x1fa: {  	s1 =	smov.u32 @p0 s0;
	v61 =	vld [tilespmem:s4+$0x0];
	p0 =	seq.s32 s12, $0x1;
	s0 =	sadd.s32 $0x168B0, s23  }
0x1fb: {  	s4 =	sadd.s32 $0x16960, s23;
	s20 =	spop (v2sf);
	v62 =	vld [tilespmem:s1+$0x0];
	s1 =	sadd.s32 $0x168F0, s23  }
0x1fc: {  	v8 =	vadd.f32 v35, v8;
	s3 =	smov.u32 @p0 s2;
	s2 =	sadd.s32 $0x16920, s23;
	s1 =	smov.u32 @p0 s0  }
0x1fd: {  	(v2sf) =	vpush v26, $0x2;
	v9 =	vadd.f32 v36, v9;
	v63 =	vld [tilespmem:s3+$0x0];
	p0 =	seq.s32 s13, $0x1;
	s0 =	sadd.s32 $0x16930, s23;
	s3 =	sadd.s32 $0x169E0, s23  }
0x1fe: {  	v7 =	vadd.f32 v37, v7;
	v8 =	vadd.f32 v33, v8;
	s4 =	smov.u32 @p0 s2;
	v33 =	vld [tilespmem:s1+$0x0];
	s1 =	sadd.s32 $0x16970, s23;
	s2 =	sadd.s32 $0x169A0, s23  }
0x1ff: {  	v6 =	vadd.f32 v38, v6;
	v9 =	vadd.f32 v34, v9;
	s1 =	smov.u32 @p0 s0;
	v34 =	vld [tilespmem:s4+$0x0];
	p0 =	seq.s32 s14, $0x1;
	s0 =	sadd.s32 $0x169B0, s23  }
0x200: {  	v7 =	vadd.f32 v39, v7;
	v8 =	vadd.f32 v31, v8;
	s4 =	sadd.s32 $0x16A60, s23;
	s3 =	smov.u32 @p0 s2;
	v31 =	vld [tilespmem:s1+$0x0];
	s1 =	sadd.s32 $0x169F0, s23  }
0x201: {  	v6 =	vadd.f32 v40, v6;
	v9 =	vadd.f32 v32, v9;
	s2 =	sadd.s32 $0x16A20, s23;
	s1 =	smov.u32 @p0 s0;
	v32 =	vld [tilespmem:s3+$0x0];
	p0 =	seq.s32 s15, $0x1  }
0x202: {  	v8 =	vadd.f32 v29, v8;
	s0 =	sadd.s32 $0x16A30, s23;
	s3 =	sadd.s32 $0x16AE0, s23;
	v29 =	vld [tilespmem:s1+$0x0];
	s1 =	sadd.s32 $0x16A70, s23  }
0x203: {  	v7 =	vadd.f32 v41, v7;
	v6 =	vadd.f32 v42, v6;
	s4 =	smov.u32 @p0 s2;
	s2 =	sadd.s32 $0x16AA0, s23;
	s1 =	smov.u32 @p0 s0  }
0x204: {  	(v2sf) =	vpush v26, $0x3;
	v9 =	vadd.f32 v30, v9;
	v42 =	vld [tilespmem:s4+$0x0];
	p0 =	seq.s32 s16, $0x1;
	s0 =	sadd.s32 $0x16AB0, s23;
	s4 =	sadd.s32 $0x16B60, s23  }
0x205: {  	v7 =	vadd.f32 v43, v7;
	v6 =	vadd.f32 v44, v6;
	s3 =	smov.u32 @p0 s2;
	v43 =	vld [tilespmem:s1+$0x0];
	s1 =	sadd.s32 $0x16AF0, s23;
	s2 =	sadd.s32 $0x16B20, s23  }
0x206: {  	v8 =	vadd.f32 v27, v8;
	v9 =	vadd.f32 v28, v9;
	s1 =	smov.u32 @p0 s0;
	v44 =	vld [tilespmem:s3+$0x0];
	p0 =	seq.s32 s17, $0x1;
	s0 =	sadd.s32 $0x16B30, s23  }
0x207: {  	v7 =	vadd.f32 v45, v7;
	v6 =	vadd.f32 v46, v6;
	s3 =	sadd.s32 $0x16BE0, s23;
	s4 =	smov.u32 @p0 s2;
	v46 =	vld [tilespmem:s1+$0x0];
	s1 =	sadd.s32 $0x16B70, s23  }
0x208: {  	v8 =	vadd.f32 v24, v8;
	v9 =	vadd.f32 v25, v9;
	s2 =	sadd.s32 $0x16BA0, s23;
	v53 =	vld [tilespmem:s4+$0x0];
	s1 =	smov.u32 @p0 s0;
	p0 =	seq.s32 s18, $0x1  }
0x209: {  	(v2sf) =	vpush v26, $0x4;
	v7 =	vadd.f32 v47, v7;
	s0 =	sadd.s32 $0x16BB0, s23;
	s3 =	smov.u32 @p0 s2;
	v54 =	vld [tilespmem:s1+$0x0];
	s1 =	sadd.s32 $0x16BF0, s23  }
0x20a: {  	v8 =	vadd.f32 v22, v8;
	(v2sf) =	vpush v26, $0x5;
	v55 =	vld [tilespmem:s3+$0x0];
	s1 =	smov.u32 @p0 s0;
	p0 =	seq.s32 s19, $0x0;
	s0 =	simm.s32 $0x1C400  }
0x20b: {  	v6 =	vadd.f32 v48, v6;
	v9 =	vadd.f32 v23, v9;
	v56 =	vld [tilespmem:s1+$0x0];
	s0 =	simm.s32 @!p0 $0x1C440;
	s1 =	simm.s32 $0x1C410  }
0x20c: {  	s21 =	spop (v2sf);
	(v2sf) =	vpush v26, $0x6;
	v7 =	vadd.f32 v49, v7;
	v57 =	vld [tilespmem:s0+$0x0];
	s1 =	simm.s32 @!p0 $0x1C450;
	s0 =	simm.s32 $0x1C420  }
0x20d: {  	v8 =	vadd.f32 v20, v8;
	v6 =	vadd.f32 v50, v6;
	v58 =	vld [tilespmem:s1+$0x0];
	s0 =	simm.s32 @!p0 $0x1C460;
	s1 =	simm.s32 $0x1C430  }
0x20e: {  	v9 =	vadd.f32 v21, v9;
	v7 =	vadd.f32 v51, v7;
	v59 =	vld [tilespmem:s0+$0x0];
	s1 =	simm.s32 @!p0 $0x1C470;
	p0 =	seq.s32 s20, $0x0;
	s0 =	simm.s32 $0x1C480  }
0x20f: {  	v8 =	vadd.f32 v18, v8;
	v6 =	vadd.f32 v52, v6;
	v60 =	vld [tilespmem:s1+$0x0];
	s0 =	simm.s32 @!p0 $0x1C4C0;
	s1 =	simm.s32 $0x1C490  }
0x210: {  	v9 =	vadd.f32 v19, v9;
	v7 =	vadd.f32 v61, v7;
	v61 =	vld [tilespmem:s0+$0x0];
	s1 =	simm.s32 @!p0 $0x1C4D0;
	s0 =	simm.s32 $0x1C4A0  }
0x211: {  	v8 =	vadd.f32 v16, v8;
	v6 =	vadd.f32 v62, v6;
	v62 =	vld [tilespmem:s1+$0x0];
	s0 =	simm.s32 @!p0 $0x1C4E0;
	s1 =	simm.s32 $0x1C4B0  }
0x212: {  	v9 =	vadd.f32 v17, v9;
	v7 =	vadd.f32 v63, v7;
	v63 =	vld [tilespmem:s0+$0x0];
	s1 =	simm.s32 @!p0 $0x1C4F0;
	p0 =	seq.s32 s21, $0x0;
	s0 =	simm.s32 $0x1C500  }
0x213: {  	v8 =	vadd.f32 v14, v8;
	v6 =	vadd.f32 v33, v6;
	v33 =	vld [tilespmem:s1+$0x0];
	s0 =	simm.s32 @!p0 $0x1C540;
	s1 =	simm.s32 $0x1C510  }
0x214: {  	s22 =	spop (v2sf);
	(v2sf) =	vpush v26, $0x7;
	v9 =	vadd.f32 v15, v9;
	v35 =	vld [tilespmem:s0+$0x0];
	s1 =	simm.s32 @!p0 $0x1C550;
	s0 =	simm.s32 $0x1C520  }
0x215: {  	v7 =	vadd.f32 v34, v7;
	v8 =	vadd.f32 v13, v8;
	v36 =	vld [tilespmem:s1+$0x0];
	s0 =	simm.s32 @!p0 $0x1C560;
	s1 =	simm.s32 $0x1C530  }
0x216: {  	v6 =	vadd.f32 v31, v6;
	v9 =	vadd.f32 v12, v9;
	v37 =	vld [tilespmem:s0+$0x0];
	s1 =	simm.s32 @!p0 $0x1C570;
	p0 =	seq.s32 s22, $0x0;
	s0 =	simm.s32 $0x1C580  }
0x217: {  	v7 =	vadd.f32 v32, v7;
	v8 =	vadd.f32 v10, v8;
	v40 =	vld [tilespmem:s1+$0x0];
	s0 =	simm.s32 @!p0 $0x1C5C0;
	s1 =	simm.s32 $0x1C590  }
0x218: {  	v6 =	vadd.f32 v29, v6;
	v9 =	vadd.f32 v11, v9;
	v41 =	vld [tilespmem:s0+$0x0];
	s1 =	simm.s32 @!p0 $0x1C5D0;
	s0 =	simm.s32 $0x1C5A0  }
0x219: {  	v7 =	vadd.f32 v42, v7;
	v4 =	vadd.f32 v4, v8;
	s23 =	spop (v2sf);
	v42 =	vld [tilespmem:s1+$0x0];
	s0 =	simm.s32 @!p0 $0x1C5E0;
	s1 =	simm.s32 $0x1C5B0  }
0x21a: {  	v6 =	vadd.f32 v43, v6;
	v5 =	vadd.f32 v5, v9;
	v43 =	vld [tilespmem:s0+$0x0];
	s1 =	simm.s32 @!p0 $0x1C5F0;
	p0 =	seq.s32 s23, $0x0;
	s0 =	simm.s32 $0x1C600  }
0x21b: {  	v7 =	vadd.f32 v44, v7;
	v2 =	vadd.f32 v2, v4;
	v44 =	vld [tilespmem:s1+$0x0];
	s0 =	simm.s32 @!p0 $0x1C640;
	s1 =	simm.s32 $0x1C610  }
0x21c: {  	v6 =	vadd.f32 v46, v6;
	v3 =	vadd.f32 v3, v5;
	v45 =	vld [tilespmem:s0+$0x0];
	s1 =	simm.s32 @!p0 $0x1C650;
	s0 =	simm.s32 $0x1C620  }
0x21d: {  	s24 =	spop (v2sf);
	v7 =	vadd.f32 v53, v7;
	v0 =	vadd.f32 v0, v2;
	v46 =	vld [tilespmem:s1+$0x0];
	s0 =	simm.s32 @!p0 $0x1C660;
	s1 =	simm.s32 $0x1C630  }
0x21e: {  	v6 =	vadd.f32 v54, v6;
	v1 =	vadd.f32 v1, v3;
	v47 =	vld [tilespmem:s0+$0x0];
	s1 =	simm.s32 @!p0 $0x1C670;
	p0 =	seq.s32 s24, $0x0;
	s0 =	simm.s32 $0x1C680  }
0x21f: {  	v7 =	vadd.f32 v55, v7;
	v0 =	vadd.f32 v57, v0;
	v48 =	vld [tilespmem:s1+$0x0];
	s0 =	simm.s32 @!p0 $0x1C6C0;
	s1 =	simm.s32 $0x1C690  }
0x220: {  	v6 =	vadd.f32 v56, v6;
	v1 =	vadd.f32 v58, v1;
	v49 =	vld [tilespmem:s0+$0x0];
	s1 =	simm.s32 @!p0 $0x1C6D0;
	s0 =	simm.s32 $0x1C6A0  }
0x221: {  	s25 =	spop (v2sf);
	v7 =	vadd.f32 v59, v7;
	v0 =	vadd.f32 v61, v0;
	v50 =	vld [tilespmem:s1+$0x0];
	s0 =	simm.s32 @!p0 $0x1C6E0;
	s1 =	simm.s32 $0x1C6B0  }
0x222: {  	v6 =	vadd.f32 v60, v6;
	v1 =	vadd.f32 v62, v1;
	v51 =	vld [tilespmem:s0+$0x0];
	s1 =	simm.s32 @!p0 $0x1C6F0;
	p0 =	seq.s32 s25, $0x0;
	s0 =	simm.s32 $0x1C700  }
0x223: {  	v7 =	vadd.f32 v63, v7;
	v0 =	vadd.f32 v35, v0;
	v52 =	vld [tilespmem:s1+$0x0];
	s0 =	simm.s32 @!p0 $0x1C740;
	s1 =	simm.s32 $0x1C710  }
0x224: {  	v6 =	vadd.f32 v33, v6;
	v1 =	vadd.f32 v36, v1;
	v53 =	vld [tilespmem:s0+$0x0];
	s1 =	simm.s32 @!p0 $0x1C750;
	s0 =	simm.s32 $0x1C720  }
0x225: {  	s26 =	spop (v2sf);
	v7 =	vadd.f32 v37, v7;
	v0 =	vadd.f32 v41, v0;
	v54 =	vld [tilespmem:s1+$0x0];
	s0 =	simm.s32 @!p0 $0x1C760;
	s1 =	simm.s32 $0x1C730  }
0x226: {  	v6 =	vadd.f32 v40, v6;
	v1 =	vadd.f32 v42, v1;
	v55 =	vld [tilespmem:s0+$0x0];
	s1 =	simm.s32 @!p0 $0x1C770;
	p0 =	seq.s32 s26, $0x0;
	s0 =	simm.s32 $0x1C780  }
0x227: {  	v7 =	vadd.f32 v43, v7;
	v0 =	vadd.f32 v45, v0;
	v56 =	vld [tilespmem:s1+$0x0];
	s0 =	simm.s32 @!p0 $0x1C7C0;
	s1 =	simm.s32 $0x1C790  }
0x228: {  	v4 =	vadd.f32 v44, v6;
	v1 =	vadd.f32 v46, v1;
	v57 =	vld [tilespmem:s0+$0x0];
	s1 =	simm.s32 @!p0 $0x1C7D0;
	s0 =	simm.s32 $0x1C7A0  }
0x229: {  	v3 =	vadd.f32 v47, v7;
	v0 =	vadd.f32 v49, v0;
	v58 =	vld [tilespmem:s1+$0x0];
	s0 =	simm.s32 @!p0 $0x1C7E0;
	s1 =	simm.s32 $0x1C7B0  }
0x22a: {  	v4 =	vadd.f32 v48, v4;
	v1 =	vadd.f32 v50, v1;
	v59 =	vld [tilespmem:s0+$0x0];
	s1 =	simm.s32 @!p0 $0x1C7F0  }
0x22b: {  	v3 =	vadd.f32 v51, v3;
	v0 =	vadd.f32 v53, v0;
	v60 =	vld [tilespmem:s1+$0x0]  }
0x22c: {  	v4 =	vadd.f32 v52, v4;
	v1 =	vadd.f32 v54, v1  }
0x22d: {  	s31 =	rddreg [dreg:$0x19];
	v3 =	vadd.f32 v55, v3;
	v0 =	vadd.f32 v57, v0  }
0x22e: {  	s4 =	sadd.s32 $0x1, s31;
	v61 =	vadd.f32 v56, v4;
	v1 =	vadd.f32 v58, v1  }
0x22f: {  	s28 =	rddreg [dreg:$0x1a];
	p0 =	sne.s32 s4, $0x40;
	v3 =	vadd.f32 v59, v3;
	v0 =	vmul.f32 $4.999999890e-03, v0  }
.Ltmp2:
0x230: {  	s0 =	sshll.u32 s28, $0x6;
	v2 =	vadd.f32 v60, v61;
	v1 =	vmul.f32 $4.999999890e-03, v1;
	(pc) =	sbr.rel @p0 .LBB2_2-.Ltmp2, $4  }
0x231: {  	s29 =	sor.u32 $0x50, s0;
	[tilespmem:s0+$0x1C800] =	vst v0;
	v62 =	vmul.f32 $4.999999890e-03, v3  }
0x232: {  	s30 =	sor.u32 $0x60, s0;
	[tilespmem:s29+$0x1C800] =	vst v1;
	v63 =	vmul.f32 $4.999999890e-03, v2  }
0x233: {  	s0 =	sor.u32 $0x70, s0;
	[tilespmem:s30+$0x1C800] =	vst v62  }
0x234: {  	[tilespmem:s0+$0x1C800] =	vst v63  }
0x235: {  	s5 =	simm.s32 $0x0;
	s0 =	rddreg [dreg:$0x16];
	s1 =	simm.s32 $0x1C800  }
0x236: {  	[hbm4b:s0+s5] =	stream.linear.scatter [tilespmem:s1], [sflag:$0x3], $0x2000, $0x38;
	[tilespmem:$0x1E800] =	vst v63  }
0x237: {  	s1 =	simm.s32 $0x3  }
0x238: {  	_ =	swait.ge [sflag:s1], $0x2000  }
0x239: {  	s2 =	rddreg [dreg:$0x18]  }
0x23a: {  	s31 =	rddreg [dreg:$0x17];
	s2 =	sadd.s32 $0x1, s2  }
0x23b: {  	p0 =	sne.s32 s2, s31  }
.Ltmp3:
0x23c: {  	_ = 	snop;
	(pc) =	sbr.rel @p0 .LBB2_1-.Ltmp3, $3  }
0x23d: {  	_ =	sdelay $0x1  }
0x23e: {  	[sflag:s1] =	ssyncset.done $0x0  }
0x23f: {  	[sflag:s1] =	ssyncadd.s32 $0xFFFFE000  }
0x240: {  	_ =	sfence.sel $0x180000  }
0x241: {  	[bflag:$0x0] =	sbarrier.arrive $0xFFFF  }
0x242: {  	_ =	strace $0x90000047  }
0x243: {  	s0 =	stileid.u32;
	[bflag:$0x2] =	sbarrier.arrive $0xFFFF  }
0x244: {  	p0 =	sne.s32 s0, $0x0;
	s0 =	rddreg [dreg:$0x1]  }
0x245: {  	s0 =	sadd.s32 @!p0 $0x100000, s0  }
0x246: {  	[sflag:s0] =	ssyncadd.tile.s32 @!p0 $0x1;
	_ =	shalt  }
.Lfunc_end2:
_tile_overlayer_lowered:
.L_overlay_start_2:
0x247: {  	(tag) =	ssettag $0x2  }
0x248: {  	s0 =	rddreg [dreg:$0x0];
	s2 =	stileid.u32  }
0x249: {  	s1 =	rddreg [dreg:$0x1];
	p0 =	sne.s32 s2, $0x0  }
0x24a: {  	s3 =	rddreg [dreg:$0x2];
	[bflag:$0x3] =	sbarrier.arrive $0xFFFF;
	s2 =	simm.s32 @!p0 $0x1C03  }
0x24b: {  	[timem:s3], [sflag:s2] =	dma.local @!p0 [hbm:s0], s1  }
0x24c: {  	s0 =	simm.s32 @!p0 $0x3  }
0x24d: {  	_ =	swait.ge @!p0 [sflag:s0], s1  }
0x24e: {  	s1 =	ssub.s32 @!p0 $0x0, s1;
	[sflag:s0] =	ssyncset.done @!p0 $0x0  }
0x24f: {  	[sflag:s0] =	ssyncadd.s32 @!p0 s1  }
0x250: {  	[bflag:$0x3] =	sbarrier.arrive $0xFFFF  }
0x251: {  	_ =	shalt  }

</sc_bundles>
